<compile_context>
chip_gen: v7x
topology: tpu7x:2x2x1
jax: 0.10.2.dev20260603
libtpu: 0.0.44.dev20260713+nightly
codegen_flags: <defaults>
</compile_context>

<pallas_src>
import functools

import jax
import jax.numpy as jnp
from jax import lax
from jax.experimental import pallas as pl
from jax.experimental.pallas import tpu as pltpu
from jax.experimental.pallas import tpu_sc as plsc

N = 10000
E = 160000
D_IN = 256
D_HID = 256
D_OUT2 = 64
N_GRAPHS = 128

NPAD = 10240
K = 128
E_PAD = 163840
NC, NS = 2, 16
ROWS_PER_TILE = NPAD // NS
C1 = E_PAD // (NS * K)
C2 = E_PAD // (NC * NS * K)
RB = 400
GRID = N // RB


@functools.cache
def _mesh():
    return plsc.VectorSubcoreMesh(
        core_axis_name="c", subcore_axis_name="s",
        num_cores=NC, num_subcores=NS)



ZROWS = 32


def _zero_spmem_slice(zbuf, agg_sh, r0):
    zeros16 = jnp.zeros((16,), jnp.float32)

    @pl.loop(0, ZROWS)
    def _zrow(i):
        for kk in range(8):
            zbuf[i, pl.ds(kk * 16, 16)] = zeros16

    @pl.loop(0, ROWS_PER_TILE // ZROWS)
    def _zcopy(t):
        pltpu.sync_copy(zbuf, agg_sh.at[pl.ds(r0 + t * ZROWS, ZROWS)])


def _deg_kernel(col4, ones_hbm, out, idx_v, ones_v, zbuf, deg_sh, sem):
    c = lax.axis_index("c")
    s = lax.axis_index("s")
    r0 = s * ROWS_PER_TILE
    _zero_spmem_slice(zbuf, deg_sh, r0)
    pltpu.sync_copy(ones_hbm, ones_v)
    pltpu.sync_copy(col4.at[c, s], idx_v)
    plsc.subcore_barrier()

    @pl.loop(0, C2)
    def _scatter(j):
        pltpu.sync_copy(ones_v, deg_sh.at[idx_v.at[j]], add=True)

    plsc.subcore_barrier()
    pltpu.sync_copy(deg_sh.at[pl.ds(r0, ROWS_PER_TILE)],
                    out.at[c, pl.ds(r0, ROWS_PER_TILE)])


def _make_deg():
    return pl.kernel(
        _deg_kernel,
        out_type=jax.ShapeDtypeStruct((NC, NPAD, 128), jnp.float32),
        mesh=_mesh(),
        scratch_types=[
            pltpu.VMEM((C2, K), jnp.int32),
            pltpu.VMEM((K, 128), jnp.float32),
            pltpu.VMEM((ZROWS, 128), jnp.float32),
            pltpu.VMEM_SHARED((NPAD, 128), jnp.float32),
            pltpu.SemaphoreType.DMA,
        ],
    )


def _pipelined_edges(tbl, rows_hbm, ring, col_v, bufs, agg_sh,
                     gsem, ssem, isem, chunks):
    assert chunks % 8 == 0

    for q in range(4):
        pltpu.async_copy(rows_hbm.at[q], ring.at[q], isem[q])

    @pl.loop(0, chunks // 8)
    def _outer(g):
        for jj in range(8):
            j = g * 8 + jj
            b, q, bp = jj % 2, jj % 4, (jj - 1) % 2

            def _free_and_refill(j=j, b=b, q=q):
                pltpu.make_async_copy(
                    bufs[b], agg_sh.at[col_v.at[j]], ssem[b]).wait()

                @pl.when(j < chunks - 2)
                def _():
                    pltpu.async_copy(rows_hbm.at[j + 2],
                                     ring.at[(q + 2) % 4], isem[(q + 2) % 4])

            if jj < 2:
                @pl.when(g > 0)
                def _(f=_free_and_refill):
                    f()
            else:
                _free_and_refill()

            pltpu.make_async_copy(rows_hbm.at[j], ring.at[q], isem[q]).wait()
            pltpu.async_copy(tbl.at[ring.at[q]], bufs[b], gsem[b])

            def _scatter_prev(j=j, bp=bp):
                pltpu.make_async_copy(
                    tbl.at[ring.at[0]], bufs[bp], gsem[bp]).wait()
                pltpu.async_copy(bufs[bp], agg_sh.at[col_v.at[j - 1]],
                                 ssem[bp], add=True)

            if jj == 0:
                @pl.when(g > 0)
                def _(f=_scatter_prev):
                    f()
            else:
                _scatter_prev()

    last = chunks - 1
    pltpu.make_async_copy(tbl.at[ring.at[0]], bufs[last % 2],
                          gsem[last % 2]).wait()
    pltpu.async_copy(bufs[last % 2], agg_sh.at[col_v.at[last]],
                     ssem[last % 2], add=True)
    for b in range(2):
        pltpu.make_async_copy(bufs[b], agg_sh.at[col_v.at[0]],
                              ssem[b]).wait()


def _make_agg(W):

    def body(tbl, rows2, col3, out, col_v, ring, b0, b1, zbuf,
             agg_sh, g0, g1, s0, s1, i0, i1, i2, i3):
        c = lax.axis_index("c")
        s = lax.axis_index("s")
        r0 = s * ROWS_PER_TILE
        _zero_spmem_slice(zbuf, agg_sh, r0)
        pltpu.sync_copy(col3.at[s], col_v)
        plsc.subcore_barrier()
        _pipelined_edges(tbl, rows2.at[c, s], ring, col_v, [b0, b1], agg_sh,
                         [g0, g1], [s0, s1], [i0, i1, i2, i3], C1)
        plsc.subcore_barrier()
        pltpu.sync_copy(agg_sh.at[pl.ds(r0, ROWS_PER_TILE)],
                        out.at[c, pl.ds(r0, ROWS_PER_TILE)])

    return pl.kernel(
        body,
        out_type=jax.ShapeDtypeStruct((NC, NPAD, W), jnp.float32),
        mesh=_mesh(),
        scratch_types=[
            pltpu.VMEM((C1, K), jnp.int32),
            pltpu.VMEM((4, K), jnp.int32),
            pltpu.VMEM((K, W), jnp.float32),
            pltpu.VMEM((K, W), jnp.float32),
            pltpu.VMEM((ZROWS, 128), jnp.float32),
            pltpu.VMEM_SHARED((NPAD, W), jnp.float32),
            pltpu.SemaphoreType.DMA,
            pltpu.SemaphoreType.DMA,
            pltpu.SemaphoreType.DMA,
            pltpu.SemaphoreType.DMA,
            pltpu.SemaphoreType.DMA,
            pltpu.SemaphoreType.DMA,
            pltpu.SemaphoreType.DMA,
            pltpu.SemaphoreType.DMA,
        ],
    )


def _make_agg2():

    def body(tbl, row4, col4, out, col_v, ring, b0, b1, zbuf,
             agg_sh, g0, g1, s0, s1, i0, i1, i2, i3):
        c = lax.axis_index("c")
        s = lax.axis_index("s")
        r0 = s * ROWS_PER_TILE
        _zero_spmem_slice(zbuf, agg_sh, r0)
        pltpu.sync_copy(col4.at[c, s], col_v)
        plsc.subcore_barrier()
        _pipelined_edges(tbl, row4.at[c, s], ring, col_v, [b0, b1], agg_sh,
                         [g0, g1], [s0, s1], [i0, i1, i2, i3], C2)
        plsc.subcore_barrier()
        pltpu.sync_copy(agg_sh.at[pl.ds(r0, ROWS_PER_TILE)],
                        out.at[c, pl.ds(r0, ROWS_PER_TILE)])

    return pl.kernel(
        body,
        out_type=jax.ShapeDtypeStruct((NC, NPAD, 128), jnp.float32),
        mesh=_mesh(),
        scratch_types=[
            pltpu.VMEM((C2, K), jnp.int32),
            pltpu.VMEM((4, K), jnp.int32),
            pltpu.VMEM((K, 128), jnp.float32),
            pltpu.VMEM((K, 128), jnp.float32),
            pltpu.VMEM((ZROWS, 128), jnp.float32),
            pltpu.VMEM_SHARED((NPAD, 128), jnp.float32),
            pltpu.SemaphoreType.DMA,
            pltpu.SemaphoreType.DMA,
            pltpu.SemaphoreType.DMA,
            pltpu.SemaphoreType.DMA,
            pltpu.SemaphoreType.DMA,
            pltpu.SemaphoreType.DMA,
            pltpu.SemaphoreType.DMA,
            pltpu.SemaphoreType.DMA,
        ],
    )



def _tc0_body(x_ref, w1_ref, v1_ref, b1_ref, h_ref, xv_ref):
    h_ref[...] = jnp.dot(x_ref[...], w1_ref[...],
                         preferred_element_type=jnp.float32)
    xv_ref[...] = (jnp.dot(x_ref[...], v1_ref[...],
                           preferred_element_type=jnp.float32)
                   + b1_ref[...])


def _tc1_body(h_ref, deg_ref, hs_ref, dis_ref):
    deg = deg_ref[0, :, 0] + deg_ref[1, :, 0]
    dis = jnp.where(deg > 0, lax.rsqrt(deg), 0.0)
    dis_ref[0, 0] = dis
    hs = h_ref[...] * dis[:, None]
    hs_ref[0] = hs[:, :128]
    hs_ref[1] = hs[:, 128:]


def _tc2_body(agg_ref, dis_ref, xv_ref, w2_ref, v2_ref, b2_ref,
              hs2_ref, xv2_ref):
    dis = dis_ref[0, 0]
    agg = jnp.concatenate([agg_ref[0], agg_ref[1]], axis=1)
    out1 = jnp.maximum(agg * dis[:, None] + xv_ref[...], 0.0)
    h2 = jnp.dot(out1, w2_ref[...], preferred_element_type=jnp.float32)
    hs2 = h2 * dis[:, None]
    hs2_ref[...] = jnp.concatenate(
        [hs2, jnp.zeros((RB, 128 - D_OUT2), jnp.float32)], axis=1)
    xv2_ref[...] = (jnp.dot(out1, v2_ref[...],
                            preferred_element_type=jnp.float32)
                    + b2_ref[...])


def _tc3_body(agg_ref, dis_ref, xv2_ref, batch_ref, fcw_ref, fcb_ref,
              out_ref, acc_sum, acc_cnt):
    i = pl.program_id(0)

    @pl.when(i == 0)
    def _():
        acc_sum[...] = jnp.zeros_like(acc_sum)
        acc_cnt[...] = jnp.zeros_like(acc_cnt)

    dis = dis_ref[0, 0]
    agg = agg_ref[0, :, :D_OUT2] + agg_ref[1, :, :D_OUT2]
    out2 = jnp.maximum(agg * dis[:, None] + xv2_ref[...], 0.0)
    b = batch_ref[0, 0]
    onehot = (b[:, None] == lax.broadcasted_iota(jnp.int32, (RB, N_GRAPHS), 1)
              ).astype(jnp.float32)
    acc_sum[...] += lax.dot_general(onehot, out2, (((0,), (0,)), ((), ())),
                                    preferred_element_type=jnp.float32)
    acc_cnt[...] += jnp.sum(onehot, axis=0, keepdims=True)

    @pl.when(i == GRID - 1)
    def _():
        pooled = acc_sum[...] / jnp.maximum(acc_cnt[...], 1.0).T
        out_ref[...] = (jnp.dot(pooled, fcw_ref[...],
                                preferred_element_type=jnp.float32)
                        + fcb_ref[...])


def _tc0(x, W1, V1, b1):
    return pl.pallas_call(
        _tc0_body,
        grid=(GRID,),
        in_specs=[
            pl.BlockSpec((RB, D_IN), lambda i: (i, 0)),
            pl.BlockSpec((D_IN, D_HID), lambda i: (0, 0)),
            pl.BlockSpec((D_IN, D_HID), lambda i: (0, 0)),
            pl.BlockSpec((1, D_HID), lambda i: (0, 0)),
        ],
        out_specs=[
            pl.BlockSpec((RB, D_HID), lambda i: (i, 0)),
            pl.BlockSpec((RB, D_HID), lambda i: (i, 0)),
        ],
        out_shape=[
            jax.ShapeDtypeStruct((N, D_HID), jnp.float32),
            jax.ShapeDtypeStruct((N, D_HID), jnp.float32),
        ],
    )(x, W1, V1, b1)


def _tc1(h1, degS):
    return pl.pallas_call(
        _tc1_body,
        grid=(GRID,),
        in_specs=[
            pl.BlockSpec((RB, D_HID), lambda i: (i, 0)),
            pl.BlockSpec((NC, RB, 128), lambda i: (0, i, 0)),
        ],
        out_specs=[
            pl.BlockSpec((NC, RB, 128), lambda i: (0, i, 0)),
            pl.BlockSpec((1, 1, RB), lambda i: (i, 0, 0)),
        ],
        out_shape=[
            jax.ShapeDtypeStruct((NC, N, 128), jnp.float32),
            jax.ShapeDtypeStruct((GRID, 1, RB), jnp.float32),
        ],
    )(h1, degS)


def _tc2(agg1, dis3, xv1, W2, V2, b2):
    return pl.pallas_call(
        _tc2_body,
        grid=(GRID,),
        in_specs=[
            pl.BlockSpec((NC, RB, 128), lambda i: (0, i, 0)),
            pl.BlockSpec((1, 1, RB), lambda i: (i, 0, 0)),
            pl.BlockSpec((RB, D_HID), lambda i: (i, 0)),
            pl.BlockSpec((D_HID, D_OUT2), lambda i: (0, 0)),
            pl.BlockSpec((D_HID, D_OUT2), lambda i: (0, 0)),
            pl.BlockSpec((1, D_OUT2), lambda i: (0, 0)),
        ],
        out_specs=[
            pl.BlockSpec((RB, 128), lambda i: (i, 0)),
            pl.BlockSpec((RB, D_OUT2), lambda i: (i, 0)),
        ],
        out_shape=[
            jax.ShapeDtypeStruct((N, 128), jnp.float32),
            jax.ShapeDtypeStruct((N, D_OUT2), jnp.float32),
        ],
    )(agg1, dis3, xv1, W2, V2, b2)


def _tc3(agg2, dis3, xv2, batch2, fc_w, fc_b):
    return pl.pallas_call(
        _tc3_body,
        grid=(GRID,),
        in_specs=[
            pl.BlockSpec((NC, RB, 128), lambda i: (0, i, 0)),
            pl.BlockSpec((1, 1, RB), lambda i: (i, 0, 0)),
            pl.BlockSpec((RB, D_OUT2), lambda i: (i, 0)),
            pl.BlockSpec((1, 1, RB), lambda i: (i, 0, 0)),
            pl.BlockSpec((D_OUT2, 10), lambda i: (0, 0)),
            pl.BlockSpec((1, 10), lambda i: (0, 0)),
        ],
        out_specs=pl.BlockSpec((N_GRAPHS, 10), lambda i: (0, 0)),
        out_shape=jax.ShapeDtypeStruct((N_GRAPHS, 10), jnp.float32),
        scratch_shapes=[
            pltpu.VMEM((N_GRAPHS, D_OUT2), jnp.float32),
            pltpu.VMEM((1, N_GRAPHS), jnp.float32),
        ],
    )(agg2, dis3, xv2, batch2, fc_w, fc_b)



def kernel(x, edge_index, batch, W1, V1, b1, W2, V2, b2, fc_w, fc_b):
    ei = edge_index.astype(jnp.int32)
    row, col = ei[0], ei[1]

    pad = E_PAD - E
    spread = jnp.arange(pad, dtype=jnp.int32) % 64
    rowp = jnp.concatenate([row, spread])
    colp = jnp.concatenate([col, 10016 + spread])
    rows2 = jnp.stack([rowp, rowp + N]).reshape(NC, NS, C1, K)
    col3 = colp.reshape(NS, C1, K)
    col4 = colp.reshape(NC, NS, C2, K)
    row4 = rowp.reshape(NC, NS, C2, K)
    batch2 = batch.astype(jnp.int32).reshape(GRID, 1, RB)

    ones128 = jnp.ones((K, 128), jnp.float32)

    degS = _make_deg()(col4, ones128)
    h1, xv1 = _tc0(x, W1, V1, b1.reshape(1, D_HID))
    hs1, dis3 = _tc1(h1, degS)
    agg1 = _make_agg(128)(hs1.reshape(NC * N, 128), rows2, col3)

    hs2, xv2 = _tc2(agg1, dis3, xv1, W2, V2, b2.reshape(1, D_OUT2))
    agg2 = _make_agg2()(hs2, row4, col4)

    return _tc3(agg2, dis3, xv2, batch2, fc_w, fc_b.reshape(1, 10))

# --- scband reference (transcript-rebuilt; emitter-appended) ---
"""Pipeline reference for scband-armanet-8564164788981 (READ-ONLY COPY).

The authoritative reference and input builder live on the scoring server;
editing this copy changes nothing except your own understanding.
"""

import jax, jax.numpy as jnp
import numpy as np

N_NODES = 10000
N_EDGES = 160000
D_IN = 256
D_HID = 256
D_OUT2 = 64
N_CLASSES = 10
N_GRAPHS = 128


def setup_inputs(seed: int = 0) -> dict:
    key = jax.random.key(seed)
    ks = jax.random.split(key, 12)
    x = jax.random.normal(ks[0], (N_NODES, D_IN), dtype=jnp.float32)
    edge_index = jax.random.randint(ks[1], (2, N_EDGES), 0, N_NODES, dtype=jnp.int64)
    batch = jnp.sort(jax.random.randint(ks[2], (N_NODES,), 0, N_GRAPHS, dtype=jnp.int64))
    # ARMAConv1 (num_stacks=1, num_layers=1): init_weight W1, root_weight V1, bias b1
    W1 = jax.random.normal(ks[3], (D_IN, D_HID), dtype=jnp.float32) * (1.0 / np.sqrt(D_IN))
    V1 = jax.random.normal(ks[4], (D_IN, D_HID), dtype=jnp.float32) * (1.0 / np.sqrt(D_IN))
    b1 = jnp.zeros((D_HID,), dtype=jnp.float32)
    # ARMAConv2
    W2 = jax.random.normal(ks[5], (D_HID, D_OUT2), dtype=jnp.float32) * (1.0 / np.sqrt(D_HID))
    V2 = jax.random.normal(ks[6], (D_HID, D_OUT2), dtype=jnp.float32) * (1.0 / np.sqrt(D_HID))
    b2 = jnp.zeros((D_OUT2,), dtype=jnp.float32)
    # fc1
    fc_w = jax.random.normal(ks[7], (D_OUT2, N_CLASSES), dtype=jnp.float32) * (1.0 / np.sqrt(D_OUT2))
    fc_b = jnp.zeros((N_CLASSES,), dtype=jnp.float32)
    return {"x": x, "edge_index": edge_index, "batch": batch,
            "W1": W1, "V1": V1, "b1": b1,
            "W2": W2, "V2": V2, "b2": b2,
            "fc_w": fc_w, "fc_b": fc_b}


def _gcn_norm(edge_index, num_nodes):
    # ARMAConv uses gcn_norm with add_self_loops=False
    row, col = edge_index[0], edge_index[1]
    ew = jnp.ones((row.shape[0],), dtype=jnp.float32)
    deg = jnp.zeros((num_nodes,), dtype=jnp.float32).at[col].add(ew)
    dis = jnp.where(deg > 0, 1.0 / jnp.sqrt(deg), 0.0)
    return dis[row] * ew * dis[col]


def _arma_conv(x, edge_index, norm, W, V, b):
    # single stack (K=1), single layer (T=1):
    # out = ReLU( propagate(L_hat, x @ W) + x @ V + b )
    h = x @ W
    row, col = edge_index[0], edge_index[1]
    msg = h[row] * norm[:, None]          # gather + scale
    agg = jnp.zeros_like(h).at[col].add(msg)  # scatter-add to targets
    return jax.nn.relu(agg + x @ V + b)


def reference(x, edge_index, batch, W1, V1, b1, W2, V2, b2, fc_w, fc_b):
    norm = _gcn_norm(edge_index, N_NODES)
    h = jax.nn.relu(_arma_conv(x, edge_index, norm, W1, V1, b1))
    h = jax.nn.relu(_arma_conv(h, edge_index, norm, W2, V2, b2))
    # global_mean_pool over batch ids
    s = jax.ops.segment_sum(h, batch, num_segments=N_GRAPHS)
    cnt = jax.ops.segment_sum(jnp.ones((h.shape[0],), dtype=jnp.float32), batch, num_segments=N_GRAPHS)
    pooled = s / jnp.maximum(cnt, 1.0)[:, None]
    # F.dropout with training=False is identity (eval mode)
    return pooled @ fc_w + fc_b

if __name__ == "__main__":
    import jax
    _d = setup_inputs()
    print(jax.jit(kernel)(*tuple(_d.values())))

</pallas_src>

<mosaic_0001>
#map = affine_map<(d0, d1) -> (0, 0, 0, 0)>
#map1 = affine_map<(d0, d1) -> (0, 0)>
#map2 = affine_map<(d0, d1) -> (0, 0, 0)>
module attributes {stable_mosaic.version = 14 : i64} {
  func.func @_deg_kernel(%arg0: i32, %arg1: i32, %arg2: memref<2x16x40x128xi32, #tpu.memory_space<hbm>>, %arg3: memref<128x128xf32, #tpu.memory_space<hbm>>, %arg4: memref<2x10240x128xf32, #tpu.memory_space<hbm>>, %arg5: memref<40x128xi32, #tpu.memory_space<vmem>>, %arg6: memref<128x128xf32, #tpu.memory_space<vmem>>, %arg7: memref<32x128xf32, #tpu.memory_space<vmem>>, %arg8: memref<10240x128xf32, #tpu.memory_space<vmem_shared>>, %arg9: memref<!tpu.dma_semaphore, #tpu.memory_space<semaphore_mem>>) attributes {dimension_semantics = [#tpu.dimension_semantics<core_parallel>, #tpu.dimension_semantics<subcore_parallel>], iteration_bounds = array<i64: 2, 16>, scalar_prefetch = 0 : i64, scratch_operands = 5 : i64, tpu.core_type = #tpu.core_type<sc_vector_subcore>, window_params = [{transform_indices = #map}, {transform_indices = #map1}, {transform_indices = #map2}]} {
    %mul3A = arith.constant 640 : i32
    %mul3A_0 = arith.muli %arg1, %mul3A : i32
    %broadcast_in_dim3A = arith.constant 0.000000e+00 : f32
    %broadcast_in_dim3A_1 = vector.broadcast %broadcast_in_dim3A : f32 to vector<16xf32>
    %scan3A = arith.constant 0 : i32
    %scan3A_2 = arith.constant 32 : i32
    %scan3A_3 = arith.addi %scan3A, %scan3A_2 : i32
    %scan3A_4 = arith.constant 1 : i32
    scf.for %scan3A_17 = %scan3A to %scan3A_3 step %scan3A_4  : i32 {
      %mul3A_18 = arith.constant 1 : i32
      %mul3A_19 = arith.muli %scan3A_17, %mul3A_18 : i32
      %add3A = arith.constant 0 : i32
      %add3A_20 = arith.addi %add3A, %mul3A_19 : i32
      %swap3A = arith.index_cast %add3A_20 : i32 to index
      %swap3A_21 = arith.constant 0 : index
      %swap3A_22 = tpu.vector_load %arg7[%swap3A, %swap3A_21] {strides = array<i32>} : memref<32x128xf32, #tpu.memory_space<vmem>>, vector<1x16xf32>,
      %swap3A_23 = vector.shape_cast %swap3A_22 : vector<1x16xf32> to vector<16xf32>
      %swap3A_24 = vector.shape_cast %broadcast_in_dim3A_1 : vector<16xf32> to vector<1x16xf32>
      tpu.vector_store %arg7[%swap3A, %swap3A_21], %swap3A_24 {strides = array<i32>} : memref<32x128xf32, #tpu.memory_space<vmem>>, vector<1x16xf32>,
      %swap3A_25 = arith.index_cast %add3A_20 : i32 to index
      %swap3A_26 = arith.constant 16 : index
      %swap3A_27 = tpu.vector_load %arg7[%swap3A_25, %swap3A_26] {strides = array<i32>} : memref<32x128xf32, #tpu.memory_space<vmem>>, vector<1x16xf32>,
      %swap3A_28 = vector.shape_cast %swap3A_27 : vector<1x16xf32> to vector<16xf32>
      %swap3A_29 = vector.shape_cast %broadcast_in_dim3A_1 : vector<16xf32> to vector<1x16xf32>
      tpu.vector_store %arg7[%swap3A_25, %swap3A_26], %swap3A_29 {strides = array<i32>} : memref<32x128xf32, #tpu.memory_space<vmem>>, vector<1x16xf32>,
      %swap3A_30 = arith.index_cast %add3A_20 : i32 to index
      %swap3A_31 = arith.constant 32 : index
      %swap3A_32 = tpu.vector_load %arg7[%swap3A_30, %swap3A_31] {strides = array<i32>} : memref<32x128xf32, #tpu.memory_space<vmem>>, vector<1x16xf32>,
      %swap3A_33 = vector.shape_cast %swap3A_32 : vector<1x16xf32> to vector<16xf32>
      %swap3A_34 = vector.shape_cast %broadcast_in_dim3A_1 : vector<16xf32> to vector<1x16xf32>
      tpu.vector_store %arg7[%swap3A_30, %swap3A_31], %swap3A_34 {strides = array<i32>} : memref<32x128xf32, #tpu.memory_space<vmem>>, vector<1x16xf32>,
      %swap3A_35 = arith.index_cast %add3A_20 : i32 to index
      %swap3A_36 = arith.constant 48 : index
      %swap3A_37 = tpu.vector_load %arg7[%swap3A_35, %swap3A_36] {strides = array<i32>} : memref<32x128xf32, #tpu.memory_space<vmem>>, vector<1x16xf32>,
      %swap3A_38 = vector.shape_cast %swap3A_37 : vector<1x16xf32> to vector<16xf32>
      %swap3A_39 = vector.shape_cast %broadcast_in_dim3A_1 : vector<16xf32> to vector<1x16xf32>
      tpu.vector_store %arg7[%swap3A_35, %swap3A_36], %swap3A_39 {strides = array<i32>} : memref<32x128xf32, #tpu.memory_space<vmem>>, vector<1x16xf32>,
      %swap3A_40 = arith.index_cast %add3A_20 : i32 to index
      %swap3A_41 = arith.constant 64 : index
      %swap3A_42 = tpu.vector_load %arg7[%swap3A_40, %swap3A_41] {strides = array<i32>} : memref<32x128xf32, #tpu.memory_space<vmem>>, vector<1x16xf32>,
      %swap3A_43 = vector.shape_cast %swap3A_42 : vector<1x16xf32> to vector<16xf32>
      %swap3A_44 = vector.shape_cast %broadcast_in_dim3A_1 : vector<16xf32> to vector<1x16xf32>
      tpu.vector_store %arg7[%swap3A_40, %swap3A_41], %swap3A_44 {strides = array<i32>} : memref<32x128xf32, #tpu.memory_space<vmem>>, vector<1x16xf32>,
      %swap3A_45 = arith.index_cast %add3A_20 : i32 to index
      %swap3A_46 = arith.constant 80 : index
      %swap3A_47 = tpu.vector_load %arg7[%swap3A_45, %swap3A_46] {strides = array<i32>} : memref<32x128xf32, #tpu.memory_space<vmem>>, vector<1x16xf32>,
      %swap3A_48 = vector.shape_cast %swap3A_47 : vector<1x16xf32> to vector<16xf32>
      %swap3A_49 = vector.shape_cast %broadcast_in_dim3A_1 : vector<16xf32> to vector<1x16xf32>
      tpu.vector_store %arg7[%swap3A_45, %swap3A_46], %swap3A_49 {strides = array<i32>} : memref<32x128xf32, #tpu.memory_space<vmem>>, vector<1x16xf32>,
      %swap3A_50 = arith.index_cast %add3A_20 : i32 to index
      %swap3A_51 = arith.constant 96 : index
      %swap3A_52 = tpu.vector_load %arg7[%swap3A_50, %swap3A_51] {strides = array<i32>} : memref<32x128xf32, #tpu.memory_space<vmem>>, vector<1x16xf32>,
      %swap3A_53 = vector.shape_cast %swap3A_52 : vector<1x16xf32> to vector<16xf32>
      %swap3A_54 = vector.shape_cast %broadcast_in_dim3A_1 : vector<16xf32> to vector<1x16xf32>
      tpu.vector_store %arg7[%swap3A_50, %swap3A_51], %swap3A_54 {strides = array<i32>} : memref<32x128xf32, #tpu.memory_space<vmem>>, vector<1x16xf32>,
      %swap3A_55 = arith.index_cast %add3A_20 : i32 to index
      %swap3A_56 = arith.constant 112 : index
      %swap3A_57 = tpu.vector_load %arg7[%swap3A_55, %swap3A_56] {strides = array<i32>} : memref<32x128xf32, #tpu.memory_space<vmem>>, vector<1x16xf32>,
      %swap3A_58 = vector.shape_cast %swap3A_57 : vector<1x16xf32> to vector<16xf32>
      %swap3A_59 = vector.shape_cast %broadcast_in_dim3A_1 : vector<16xf32> to vector<1x16xf32>
      tpu.vector_store %arg7[%swap3A_55, %swap3A_56], %swap3A_59 {strides = array<i32>} : memref<32x128xf32, #tpu.memory_space<vmem>>, vector<1x16xf32>,
    }
    %scan3A_5 = arith.constant 32 : i32
    %scan3A_6 = arith.constant 0 : i32
    %scan3A_7 = arith.constant 20 : i32
    %scan3A_8 = arith.addi %scan3A_6, %scan3A_7 : i32
    %scan3A_9 = arith.constant 1 : i32
    scf.for %scan3A_17 = %scan3A_6 to %scan3A_8 step %scan3A_9  : i32 {
      %mul3A_18 = arith.constant 1 : i32
      %mul3A_19 = arith.muli %scan3A_17, %mul3A_18 : i32
      %add3A = arith.constant 0 : i32
      %add3A_20 = arith.addi %add3A, %mul3A_19 : i32
      %mul3A_21 = arith.constant 32 : i32
      %mul3A_22 = arith.muli %add3A_20, %mul3A_21 : i32
      %add3A_23 = arith.addi %mul3A_0, %mul3A_22 : i32
      "tpu.region"() ({
        %run_scoped3A = tpu.sem_alloc : memref<!tpu.dma_semaphore, #tpu.memory_space<semaphore_mem>>
        %dma_start3A = arith.constant 0 : i32
        %dma_start3A_24 = tpu.memref_slice %arg8[%add3A_23, %dma_start3A] : memref<10240x128xf32, #tpu.memory_space<vmem_shared>> -> memref<32x128xf32, #tpu.memory_space<vmem_shared>>
        %dma_start3A_25 = arith.constant 0 : i32
        %dma_start3A_26 = tpu.memref_slice %arg8[%add3A_23, %dma_start3A_25] : memref<10240x128xf32, #tpu.memory_space<vmem_shared>> -> memref<32x128xf32, #tpu.memory_space<vmem_shared>>
        tpu.enqueue_dma source(%arg7 : memref<32x128xf32, #tpu.memory_space<vmem>>) target(%dma_start3A_26 : memref<32x128xf32, #tpu.memory_space<vmem_shared>>) target_semaphore(%run_scoped3A : memref<!tpu.dma_semaphore, #tpu.memory_space<semaphore_mem>>)
        %dma_wait3A = arith.constant 0 : i32
        %dma_wait3A_27 = tpu.memref_slice %arg8[%add3A_23, %dma_wait3A] : memref<10240x128xf32, #tpu.memory_space<vmem_shared>> -> memref<32x128xf32, #tpu.memory_space<vmem_shared>>
        %dma_wait3A_28 = arith.constant 0 : i32
        %dma_wait3A_29 = tpu.memref_slice %arg8[%add3A_23, %dma_wait3A_28] : memref<10240x128xf32, #tpu.memory_space<vmem_shared>> -> memref<32x128xf32, #tpu.memory_space<vmem_shared>>
        tpu.wait_dma2 semaphore(%run_scoped3A : memref<!tpu.dma_semaphore, #tpu.memory_space<semaphore_mem>>) src(%arg7 : memref<32x128xf32, #tpu.memory_space<vmem>>) dst(%dma_wait3A_29 : memref<32x128xf32, #tpu.memory_space<vmem_shared>>)
        tpu.yield
      }) : () -> ()
    }
    %scan3A_10 = arith.constant 20 : i32
    "tpu.region"() ({
      %run_scoped3A = tpu.sem_alloc : memref<!tpu.dma_semaphore, #tpu.memory_space<semaphore_mem>>
      tpu.enqueue_dma source(%arg3 : memref<128x128xf32, #tpu.memory_space<hbm>>) target(%arg6 : memref<128x128xf32, #tpu.memory_space<vmem>>) target_semaphore(%run_scoped3A : memref<!tpu.dma_semaphore, #tpu.memory_space<semaphore_mem>>)
      tpu.wait_dma2 semaphore(%run_scoped3A : memref<!tpu.dma_semaphore, #tpu.memory_space<semaphore_mem>>) src(%arg3 : memref<128x128xf32, #tpu.memory_space<hbm>>) dst(%arg6 : memref<128x128xf32, #tpu.memory_space<vmem>>)
      tpu.yield
    }) : () -> ()
    "tpu.region"() ({
      %run_scoped3A = tpu.sem_alloc : memref<!tpu.dma_semaphore, #tpu.memory_space<semaphore_mem>>
      %dma_start3A = arith.constant 0 : i32
      %dma_start3A_17 = arith.constant 0 : i32
      %dma_start3A_18 = tpu.memref_slice %arg2[%arg0, %arg1, %dma_start3A, %dma_start3A_17] : memref<2x16x40x128xi32, #tpu.memory_space<hbm>> -> memref<1x1x40x128xi32, #tpu.memory_space<hbm>>
      %dma_start3A_19 = tpu.memref_squeeze %dma_start3A_18 : memref<1x1x40x128xi32, #tpu.memory_space<hbm>> -> memref<40x128xi32, #tpu.memory_space<hbm>>
      %dma_start3A_20 = arith.constant 0 : i32
      %dma_start3A_21 = arith.constant 0 : i32
      %dma_start3A_22 = tpu.memref_slice %arg2[%arg0, %arg1, %dma_start3A_20, %dma_start3A_21] : memref<2x16x40x128xi32, #tpu.memory_space<hbm>> -> memref<1x1x40x128xi32, #tpu.memory_space<hbm>>
      %dma_start3A_23 = tpu.memref_squeeze %dma_start3A_22 : memref<1x1x40x128xi32, #tpu.memory_space<hbm>> -> memref<40x128xi32, #tpu.memory_space<hbm>>
      tpu.enqueue_dma source(%dma_start3A_23 : memref<40x128xi32, #tpu.memory_space<hbm>>) target(%arg5 : memref<40x128xi32, #tpu.memory_space<vmem>>) target_semaphore(%run_scoped3A : memref<!tpu.dma_semaphore, #tpu.memory_space<semaphore_mem>>)
      %dma_wait3A = arith.constant 0 : i32
      %dma_wait3A_24 = arith.constant 0 : i32
      %dma_wait3A_25 = tpu.memref_slice %arg2[%arg0, %arg1, %dma_wait3A, %dma_wait3A_24] : memref<2x16x40x128xi32, #tpu.memory_space<hbm>> -> memref<1x1x40x128xi32, #tpu.memory_space<hbm>>
      %dma_wait3A_26 = tpu.memref_squeeze %dma_wait3A_25 : memref<1x1x40x128xi32, #tpu.memory_space<hbm>> -> memref<40x128xi32, #tpu.memory_space<hbm>>
      %dma_wait3A_27 = arith.constant 0 : i32
      %dma_wait3A_28 = arith.constant 0 : i32
      %dma_wait3A_29 = tpu.memref_slice %arg2[%arg0, %arg1, %dma_wait3A_27, %dma_wait3A_28] : memref<2x16x40x128xi32, #tpu.memory_space<hbm>> -> memref<1x1x40x128xi32, #tpu.memory_space<hbm>>
      %dma_wait3A_30 = tpu.memref_squeeze %dma_wait3A_29 : memref<1x1x40x128xi32, #tpu.memory_space<hbm>> -> memref<40x128xi32, #tpu.memory_space<hbm>>
      tpu.wait_dma2 semaphore(%run_scoped3A : memref<!tpu.dma_semaphore, #tpu.memory_space<semaphore_mem>>) src(%dma_wait3A_30 : memref<40x128xi32, #tpu.memory_space<hbm>>) dst(%arg5 : memref<40x128xi32, #tpu.memory_space<vmem>>)
      tpu.yield
    }) : () -> ()
    %barrier3A = arith.constant 0 : index
    tpu.barrier barrier_id(%barrier3A)
    %scan3A_11 = arith.constant 0 : i32
    %scan3A_12 = arith.constant 40 : i32
    %scan3A_13 = arith.addi %scan3A_11, %scan3A_12 : i32
    %scan3A_14 = arith.constant 1 : i32
    scf.for %scan3A_17 = %scan3A_11 to %scan3A_13 step %scan3A_14  : i32 {
      %mul3A_18 = arith.constant 1 : i32
      %mul3A_19 = arith.muli %scan3A_17, %mul3A_18 : i32
      %add3A = arith.constant 0 : i32
      %add3A_20 = arith.addi %add3A, %mul3A_19 : i32
      "tpu.region"() ({
        %run_scoped3A = tpu.sem_alloc : memref<!tpu.dma_semaphore, #tpu.memory_space<semaphore_mem>>
        %dma_start3A = arith.constant 0 : i32
        %dma_start3A_21 = tpu.memref_slice %arg5[%add3A_20, %dma_start3A] : memref<40x128xi32, #tpu.memory_space<vmem>> -> memref<1x128xi32, #tpu.memory_space<vmem>>
        %dma_start3A_22 = tpu.memref_squeeze %dma_start3A_21 : memref<1x128xi32, #tpu.memory_space<vmem>> -> memref<128xi32, #tpu.memory_space<vmem>>
        %dma_start3A_23 = arith.constant 0 : i32
        %dma_start3A_24 = arith.constant 0 : i32
        %dma_start3A_25 = tpu.memref_slice %arg8[%dma_start3A_23, %dma_start3A_24] : memref<10240x128xf32, #tpu.memory_space<vmem_shared>> -> memref<10240x128xf32, #tpu.memory_space<vmem_shared>>
        tpu.enqueue_indirect_dma source(%arg6 : memref<128x128xf32, #tpu.memory_space<vmem>>) target(%dma_start3A_25 : memref<10240x128xf32, #tpu.memory_space<vmem_shared>>) offsets(%dma_start3A_22 : memref<128xi32, #tpu.memory_space<vmem>>) semaphore(%run_scoped3A : memref<!tpu.dma_semaphore, #tpu.memory_space<semaphore_mem>>) {add = true}
        %dma_wait3A = arith.constant 0 : i32
        %dma_wait3A_26 = tpu.memref_slice %arg5[%add3A_20, %dma_wait3A] : memref<40x128xi32, #tpu.memory_space<vmem>> -> memref<1x128xi32, #tpu.memory_space<vmem>>
        %dma_wait3A_27 = tpu.memref_squeeze %dma_wait3A_26 : memref<1x128xi32, #tpu.memory_space<vmem>> -> memref<128xi32, #tpu.memory_space<vmem>>
        %dma_wait3A_28 = arith.constant 0 : i32
        %dma_wait3A_29 = arith.constant 0 : i32
        %dma_wait3A_30 = tpu.memref_slice %arg8[%dma_wait3A_28, %dma_wait3A_29] : memref<10240x128xf32, #tpu.memory_space<vmem_shared>> -> memref<10240x128xf32, #tpu.memory_space<vmem_shared>>
        tpu.wait_indirect_dma semaphore(%run_scoped3A : memref<!tpu.dma_semaphore, #tpu.memory_space<semaphore_mem>>) src(%arg6 : memref<128x128xf32, #tpu.memory_space<vmem>>) dst(%dma_wait3A_30 : memref<10240x128xf32, #tpu.memory_space<vmem_shared>>)
        tpu.yield
      }) : () -> ()
    }
    %scan3A_15 = arith.constant 40 : i32
    %barrier3A_16 = arith.constant 0 : index
    tpu.barrier barrier_id(%barrier3A_16)
    "tpu.region"() ({
      %run_scoped3A = tpu.sem_alloc : memref<!tpu.dma_semaphore, #tpu.memory_space<semaphore_mem>>
      %dma_start3A = arith.constant 0 : i32
      %dma_start3A_17 = tpu.memref_slice %arg4[%arg0, %mul3A_0, %dma_start3A] : memref<2x10240x128xf32, #tpu.memory_space<hbm>> -> memref<1x640x128xf32, #tpu.memory_space<hbm>>
      %dma_start3A_18 = tpu.memref_squeeze %dma_start3A_17 : memref<1x640x128xf32, #tpu.memory_space<hbm>> -> memref<640x128xf32, #tpu.memory_space<hbm>>
      %dma_start3A_19 = arith.constant 0 : i32
      %dma_start3A_20 = tpu.memref_slice %arg8[%mul3A_0, %dma_start3A_19] : memref<10240x128xf32, #tpu.memory_space<vmem_shared>> -> memref<640x128xf32, #tpu.memory_space<vmem_shared>>
      tpu.enqueue_dma source(%dma_start3A_20 : memref<640x128xf32, #tpu.memory_space<vmem_shared>>) target(%dma_start3A_18 : memref<640x128xf32, #tpu.memory_space<hbm>>) target_semaphore(%run_scoped3A : memref<!tpu.dma_semaphore, #tpu.memory_space<semaphore_mem>>)
      %dma_wait3A = arith.constant 0 : i32
      %dma_wait3A_21 = tpu.memref_slice %arg4[%arg0, %mul3A_0, %dma_wait3A] : memref<2x10240x128xf32, #tpu.memory_space<hbm>> -> memref<1x640x128xf32, #tpu.memory_space<hbm>>
      %dma_wait3A_22 = tpu.memref_squeeze %dma_wait3A_21 : memref<1x640x128xf32, #tpu.memory_space<hbm>> -> memref<640x128xf32, #tpu.memory_space<hbm>>
      %dma_wait3A_23 = arith.constant 0 : i32
      %dma_wait3A_24 = tpu.memref_slice %arg8[%mul3A_0, %dma_wait3A_23] : memref<10240x128xf32, #tpu.memory_space<vmem_shared>> -> memref<640x128xf32, #tpu.memory_space<vmem_shared>>
      tpu.wait_dma2 semaphore(%run_scoped3A : memref<!tpu.dma_semaphore, #tpu.memory_space<semaphore_mem>>) src(%dma_wait3A_24 : memref<640x128xf32, #tpu.memory_space<vmem_shared>>) dst(%dma_wait3A_22 : memref<640x128xf32, #tpu.memory_space<hbm>>)
      tpu.yield
    }) : () -> ()
    return
  }
}

#map = affine_map<(d0, d1) -> (0, 0)>
#map1 = affine_map<(d0, d1) -> (0, 0, 0, 0)>
#map2 = affine_map<(d0, d1) -> (0, 0, 0)>
module attributes {stable_mosaic.version = 14 : i64} {
  func.func @body(%arg0: i32, %arg1: i32, %arg2: memref<10000x128xf32, #tpu.memory_space<hbm>>, %arg3: memref<2x16x40x128xi32, #tpu.memory_space<hbm>>, %arg4: memref<2x16x40x128xi32, #tpu.memory_space<hbm>>, %arg5: memref<2x10240x128xf32, #tpu.memory_space<hbm>>, %arg6: memref<40x128xi32, #tpu.memory_space<vmem>>, %arg7: memref<4x128xi32, #tpu.memory_space<vmem>>, %arg8: memref<128x128xf32, #tpu.memory_space<vmem>>, %arg9: memref<128x128xf32, #tpu.memory_space<vmem>>, %arg10: memref<32x128xf32, #tpu.memory_space<vmem>>, %arg11: memref<10240x128xf32, #tpu.memory_space<vmem_shared>>, %arg12: memref<!tpu.dma_semaphore, #tpu.memory_space<semaphore_mem>>, %arg13: memref<!tpu.dma_semaphore, #tpu.memory_space<semaphore_mem>>, %arg14: memref<!tpu.dma_semaphore, #tpu.memory_space<semaphore_mem>>, %arg15: memref<!tpu.dma_semaphore, #tpu.memory_space<semaphore_mem>>, %arg16: memref<!tpu.dma_semaphore, #tpu.memory_space<semaphore_mem>>, %arg17: memref<!tpu.dma_semaphore, #tpu.memory_space<semaphore_mem>>, %arg18: memref<!tpu.dma_semaphore, #tpu.memory_space<semaphore_mem>>, %arg19: memref<!tpu.dma_semaphore, #tpu.memory_space<semaphore_mem>>) attributes {dimension_semantics = [#tpu.dimension_semantics<core_parallel>, #tpu.dimension_semantics<subcore_parallel>], iteration_bounds = array<i64: 2, 16>, scalar_prefetch = 0 : i64, scratch_operands = 14 : i64, tpu.core_type = #tpu.core_type<sc_vector_subcore>, window_params = [{transform_indices = #map}, {transform_indices = #map1}, {transform_indices = #map1}, {transform_indices = #map2}]} {
    %mul3A = arith.constant 640 : i32
    %mul3A_0 = arith.muli %arg1, %mul3A : i32
    %broadcast_in_dim3A = arith.constant 0.000000e+00 : f32
    %broadcast_in_dim3A_1 = vector.broadcast %broadcast_in_dim3A : f32 to vector<16xf32>
    %scan3A = arith.constant 0 : i32
    %scan3A_2 = arith.constant 32 : i32
    %scan3A_3 = arith.addi %scan3A, %scan3A_2 : i32
    %scan3A_4 = arith.constant 1 : i32
    scf.for %scan3A_131 = %scan3A to %scan3A_3 step %scan3A_4  : i32 {
      %mul3A_132 = arith.constant 1 : i32
      %mul3A_133 = arith.muli %scan3A_131, %mul3A_132 : i32
      %add3A = arith.constant 0 : i32
      %add3A_134 = arith.addi %add3A, %mul3A_133 : i32
      %swap3A = arith.index_cast %add3A_134 : i32 to index
      %swap3A_135 = arith.constant 0 : index
      %swap3A_136 = tpu.vector_load %arg10[%swap3A, %swap3A_135] {strides = array<i32>} : memref<32x128xf32, #tpu.memory_space<vmem>>, vector<1x16xf32>,
      %swap3A_137 = vector.shape_cast %swap3A_136 : vector<1x16xf32> to vector<16xf32>
      %swap3A_138 = vector.shape_cast %broadcast_in_dim3A_1 : vector<16xf32> to vector<1x16xf32>
      tpu.vector_store %arg10[%swap3A, %swap3A_135], %swap3A_138 {strides = array<i32>} : memref<32x128xf32, #tpu.memory_space<vmem>>, vector<1x16xf32>,
      %swap3A_139 = arith.index_cast %add3A_134 : i32 to index
      %swap3A_140 = arith.constant 16 : index
      %swap3A_141 = tpu.vector_load %arg10[%swap3A_139, %swap3A_140] {strides = array<i32>} : memref<32x128xf32, #tpu.memory_space<vmem>>, vector<1x16xf32>,
      %swap3A_142 = vector.shape_cast %swap3A_141 : vector<1x16xf32> to vector<16xf32>
      %swap3A_143 = vector.shape_cast %broadcast_in_dim3A_1 : vector<16xf32> to vector<1x16xf32>
      tpu.vector_store %arg10[%swap3A_139, %swap3A_140], %swap3A_143 {strides = array<i32>} : memref<32x128xf32, #tpu.memory_space<vmem>>, vector<1x16xf32>,
      %swap3A_144 = arith.index_cast %add3A_134 : i32 to index
      %swap3A_145 = arith.constant 32 : index
      %swap3A_146 = tpu.vector_load %arg10[%swap3A_144, %swap3A_145] {strides = array<i32>} : memref<32x128xf32, #tpu.memory_space<vmem>>, vector<1x16xf32>,
      %swap3A_147 = vector.shape_cast %swap3A_146 : vector<1x16xf32> to vector<16xf32>
      %swap3A_148 = vector.shape_cast %broadcast_in_dim3A_1 : vector<16xf32> to vector<1x16xf32>
      tpu.vector_store %arg10[%swap3A_144, %swap3A_145], %swap3A_148 {strides = array<i32>} : memref<32x128xf32, #tpu.memory_space<vmem>>, vector<1x16xf32>,
      %swap3A_149 = arith.index_cast %add3A_134 : i32 to index
      %swap3A_150 = arith.constant 48 : index
      %swap3A_151 = tpu.vector_load %arg10[%swap3A_149, %swap3A_150] {strides = array<i32>} : memref<32x128xf32, #tpu.memory_space<vmem>>, vector<1x16xf32>,
      %swap3A_152 = vector.shape_cast %swap3A_151 : vector<1x16xf32> to vector<16xf32>
      %swap3A_153 = vector.shape_cast %broadcast_in_dim3A_1 : vector<16xf32> to vector<1x16xf32>
      tpu.vector_store %arg10[%swap3A_149, %swap3A_150], %swap3A_153 {strides = array<i32>} : memref<32x128xf32, #tpu.memory_space<vmem>>, vector<1x16xf32>,
      %swap3A_154 = arith.index_cast %add3A_134 : i32 to index
      %swap3A_155 = arith.constant 64 : index
      %swap3A_156 = tpu.vector_load %arg10[%swap3A_154, %swap3A_155] {strides = array<i32>} : memref<32x128xf32, #tpu.memory_space<vmem>>, vector<1x16xf32>,
      %swap3A_157 = vector.shape_cast %swap3A_156 : vector<1x16xf32> to vector<16xf32>
      %swap3A_158 = vector.shape_cast %broadcast_in_dim3A_1 : vector<16xf32> to vector<1x16xf32>
      tpu.vector_store %arg10[%swap3A_154, %swap3A_155], %swap3A_158 {strides = array<i32>} : memref<32x128xf32, #tpu.memory_space<vmem>>, vector<1x16xf32>,
      %swap3A_159 = arith.index_cast %add3A_134 : i32 to index
      %swap3A_160 = arith.constant 80 : index
      %swap3A_161 = tpu.vector_load %arg10[%swap3A_159, %swap3A_160] {strides = array<i32>} : memref<32x128xf32, #tpu.memory_space<vmem>>, vector<1x16xf32>,
      %swap3A_162 = vector.shape_cast %swap3A_161 : vector<1x16xf32> to vector<16xf32>
      %swap3A_163 = vector.shape_cast %broadcast_in_dim3A_1 : vector<16xf32> to vector<1x16xf32>
      tpu.vector_store %arg10[%swap3A_159, %swap3A_160], %swap3A_163 {strides = array<i32>} : memref<32x128xf32, #tpu.memory_space<vmem>>, vector<1x16xf32>,
      %swap3A_164 = arith.index_cast %add3A_134 : i32 to index
      %swap3A_165 = arith.constant 96 : index
      %swap3A_166 = tpu.vector_load %arg10[%swap3A_164, %swap3A_165] {strides = array<i32>} : memref<32x128xf32, #tpu.memory_space<vmem>>, vector<1x16xf32>,
      %swap3A_167 = vector.shape_cast %swap3A_166 : vector<1x16xf32> to vector<16xf32>
      %swap3A_168 = vector.shape_cast %broadcast_in_dim3A_1 : vector<16xf32> to vector<1x16xf32>
      tpu.vector_store %arg10[%swap3A_164, %swap3A_165], %swap3A_168 {strides = array<i32>} : memref<32x128xf32, #tpu.memory_space<vmem>>, vector<1x16xf32>,
      %swap3A_169 = arith.index_cast %add3A_134 : i32 to index
      %swap3A_170 = arith.constant 112 : index
      %swap3A_171 = tpu.vector_load %arg10[%swap3A_169, %swap3A_170] {strides = array<i32>} : memref<32x128xf32, #tpu.memory_space<vmem>>, vector<1x16xf32>,
      %swap3A_172 = vector.shape_cast %swap3A_171 : vector<1x16xf32> to vector<16xf32>
      %swap3A_173 = vector.shape_cast %broadcast_in_dim3A_1 : vector<16xf32> to vector<1x16xf32>
      tpu.vector_store %arg10[%swap3A_169, %swap3A_170], %swap3A_173 {strides = array<i32>} : memref<32x128xf32, #tpu.memory_space<vmem>>, vector<1x16xf32>,
    }
    %scan3A_5 = arith.constant 32 : i32
    %scan3A_6 = arith.constant 0 : i32
    %scan3A_7 = arith.constant 20 : i32
    %scan3A_8 = arith.addi %scan3A_6, %scan3A_7 : i32
    %scan3A_9 = arith.constant 1 : i32
    scf.for %scan3A_131 = %scan3A_6 to %scan3A_8 step %scan3A_9  : i32 {
      %mul3A_132 = arith.constant 1 : i32
      %mul3A_133 = arith.muli %scan3A_131, %mul3A_132 : i32
      %add3A = arith.constant 0 : i32
      %add3A_134 = arith.addi %add3A, %mul3A_133 : i32
      %mul3A_135 = arith.constant 32 : i32
      %mul3A_136 = arith.muli %add3A_134, %mul3A_135 : i32
      %add3A_137 = arith.addi %mul3A_0, %mul3A_136 : i32
      "tpu.region"() ({
        %run_scoped3A = tpu.sem_alloc : memref<!tpu.dma_semaphore, #tpu.memory_space<semaphore_mem>>
        %dma_start3A_138 = arith.constant 0 : i32
        %dma_start3A_139 = tpu.memref_slice %arg11[%add3A_137, %dma_start3A_138] : memref<10240x128xf32, #tpu.memory_space<vmem_shared>> -> memref<32x128xf32, #tpu.memory_space<vmem_shared>>
        %dma_start3A_140 = arith.constant 0 : i32
        %dma_start3A_141 = tpu.memref_slice %arg11[%add3A_137, %dma_start3A_140] : memref<10240x128xf32, #tpu.memory_space<vmem_shared>> -> memref<32x128xf32, #tpu.memory_space<vmem_shared>>
        tpu.enqueue_dma source(%arg10 : memref<32x128xf32, #tpu.memory_space<vmem>>) target(%dma_start3A_141 : memref<32x128xf32, #tpu.memory_space<vmem_shared>>) target_semaphore(%run_scoped3A : memref<!tpu.dma_semaphore, #tpu.memory_space<semaphore_mem>>)
        %dma_wait3A_142 = arith.constant 0 : i32
        %dma_wait3A_143 = tpu.memref_slice %arg11[%add3A_137, %dma_wait3A_142] : memref<10240x128xf32, #tpu.memory_space<vmem_shared>> -> memref<32x128xf32, #tpu.memory_space<vmem_shared>>
        %dma_wait3A_144 = arith.constant 0 : i32
        %dma_wait3A_145 = tpu.memref_slice %arg11[%add3A_137, %dma_wait3A_144] : memref<10240x128xf32, #tpu.memory_space<vmem_shared>> -> memref<32x128xf32, #tpu.memory_space<vmem_shared>>
        tpu.wait_dma2 semaphore(%run_scoped3A : memref<!tpu.dma_semaphore, #tpu.memory_space<semaphore_mem>>) src(%arg10 : memref<32x128xf32, #tpu.memory_space<vmem>>) dst(%dma_wait3A_145 : memref<32x128xf32, #tpu.memory_space<vmem_shared>>)
        tpu.yield
      }) : () -> ()
    }
    %scan3A_10 = arith.constant 20 : i32
    "tpu.region"() ({
      %run_scoped3A = tpu.sem_alloc : memref<!tpu.dma_semaphore, #tpu.memory_space<semaphore_mem>>
      %dma_start3A_131 = arith.constant 0 : i32
      %dma_start3A_132 = arith.constant 0 : i32
      %dma_start3A_133 = tpu.memref_slice %arg4[%arg0, %arg1, %dma_start3A_131, %dma_start3A_132] : memref<2x16x40x128xi32, #tpu.memory_space<hbm>> -> memref<1x1x40x128xi32, #tpu.memory_space<hbm>>
      %dma_start3A_134 = tpu.memref_squeeze %dma_start3A_133 : memref<1x1x40x128xi32, #tpu.memory_space<hbm>> -> memref<40x128xi32, #tpu.memory_space<hbm>>
      %dma_start3A_135 = arith.constant 0 : i32
      %dma_start3A_136 = arith.constant 0 : i32
      %dma_start3A_137 = tpu.memref_slice %arg4[%arg0, %arg1, %dma_start3A_135, %dma_start3A_136] : memref<2x16x40x128xi32, #tpu.memory_space<hbm>> -> memref<1x1x40x128xi32, #tpu.memory_space<hbm>>
      %dma_start3A_138 = tpu.memref_squeeze %dma_start3A_137 : memref<1x1x40x128xi32, #tpu.memory_space<hbm>> -> memref<40x128xi32, #tpu.memory_space<hbm>>
      tpu.enqueue_dma source(%dma_start3A_138 : memref<40x128xi32, #tpu.memory_space<hbm>>) target(%arg6 : memref<40x128xi32, #tpu.memory_space<vmem>>) target_semaphore(%run_scoped3A : memref<!tpu.dma_semaphore, #tpu.memory_space<semaphore_mem>>)
      %dma_wait3A_139 = arith.constant 0 : i32
      %dma_wait3A_140 = arith.constant 0 : i32
      %dma_wait3A_141 = tpu.memref_slice %arg4[%arg0, %arg1, %dma_wait3A_139, %dma_wait3A_140] : memref<2x16x40x128xi32, #tpu.memory_space<hbm>> -> memref<1x1x40x128xi32, #tpu.memory_space<hbm>>
      %dma_wait3A_142 = tpu.memref_squeeze %dma_wait3A_141 : memref<1x1x40x128xi32, #tpu.memory_space<hbm>> -> memref<40x128xi32, #tpu.memory_space<hbm>>
      %dma_wait3A_143 = arith.constant 0 : i32
      %dma_wait3A_144 = arith.constant 0 : i32
      %dma_wait3A_145 = tpu.memref_slice %arg4[%arg0, %arg1, %dma_wait3A_143, %dma_wait3A_144] : memref<2x16x40x128xi32, #tpu.memory_space<hbm>> -> memref<1x1x40x128xi32, #tpu.memory_space<hbm>>
      %dma_wait3A_146 = tpu.memref_squeeze %dma_wait3A_145 : memref<1x1x40x128xi32, #tpu.memory_space<hbm>> -> memref<40x128xi32, #tpu.memory_space<hbm>>
      tpu.wait_dma2 semaphore(%run_scoped3A : memref<!tpu.dma_semaphore, #tpu.memory_space<semaphore_mem>>) src(%dma_wait3A_146 : memref<40x128xi32, #tpu.memory_space<hbm>>) dst(%arg6 : memref<40x128xi32, #tpu.memory_space<vmem>>)
      tpu.yield
    }) : () -> ()
    %barrier3A = arith.constant 0 : index
    tpu.barrier barrier_id(%barrier3A)
    %dma_start3A = arith.constant 0 : i32
    %dma_start3A_11 = arith.constant 0 : i32
    %dma_start3A_12 = arith.constant 0 : i32
    %dma_start3A_13 = tpu.memref_slice %arg7[%dma_start3A_11, %dma_start3A_12] : memref<4x128xi32, #tpu.memory_space<vmem>> -> memref<1x128xi32, #tpu.memory_space<vmem>>
    %dma_start3A_14 = tpu.memref_squeeze %dma_start3A_13 : memref<1x128xi32, #tpu.memory_space<vmem>> -> memref<128xi32, #tpu.memory_space<vmem>>
    %dma_start3A_15 = arith.constant 0 : i32
    %dma_start3A_16 = arith.constant 0 : i32
    %dma_start3A_17 = tpu.memref_slice %arg3[%arg0, %arg1, %dma_start3A_15, %dma_start3A_16] : memref<2x16x40x128xi32, #tpu.memory_space<hbm>> -> memref<1x1x40x128xi32, #tpu.memory_space<hbm>>
    %dma_start3A_18 = tpu.memref_squeeze %dma_start3A_17 : memref<1x1x40x128xi32, #tpu.memory_space<hbm>> -> memref<40x128xi32, #tpu.memory_space<hbm>>
    %dma_start3A_19 = arith.constant 0 : i32
    %dma_start3A_20 = tpu.memref_slice %dma_start3A_18[%dma_start3A, %dma_start3A_19] : memref<40x128xi32, #tpu.memory_space<hbm>> -> memref<1x128xi32, #tpu.memory_space<hbm>>
    %dma_start3A_21 = tpu.memref_squeeze %dma_start3A_20 : memref<1x128xi32, #tpu.memory_space<hbm>> -> memref<128xi32, #tpu.memory_space<hbm>>
    %dma_start3A_22 = arith.constant 0 : i32
    %dma_start3A_23 = tpu.memref_slice %arg7[%dma_start3A_11, %dma_start3A_22] : memref<4x128xi32, #tpu.memory_space<vmem>> -> memref<1x128xi32, #tpu.memory_space<vmem>>
    %dma_start3A_24 = tpu.memref_squeeze %dma_start3A_23 : memref<1x128xi32, #tpu.memory_space<vmem>> -> memref<128xi32, #tpu.memory_space<vmem>>
    %dma_start3A_25 = arith.constant 0 : i32
    %dma_start3A_26 = arith.constant 0 : i32
    %dma_start3A_27 = tpu.memref_slice %arg3[%arg0, %arg1, %dma_start3A_25, %dma_start3A_26] : memref<2x16x40x128xi32, #tpu.memory_space<hbm>> -> memref<1x1x40x128xi32, #tpu.memory_space<hbm>>
    %dma_start3A_28 = tpu.memref_squeeze %dma_start3A_27 : memref<1x1x40x128xi32, #tpu.memory_space<hbm>> -> memref<40x128xi32, #tpu.memory_space<hbm>>
    %dma_start3A_29 = arith.constant 0 : i32
    %dma_start3A_30 = tpu.memref_slice %dma_start3A_28[%dma_start3A, %dma_start3A_29] : memref<40x128xi32, #tpu.memory_space<hbm>> -> memref<1x128xi32, #tpu.memory_space<hbm>>
    %dma_start3A_31 = tpu.memref_squeeze %dma_start3A_30 : memref<1x128xi32, #tpu.memory_space<hbm>> -> memref<128xi32, #tpu.memory_space<hbm>>
    tpu.enqueue_dma source(%dma_start3A_31 : memref<128xi32, #tpu.memory_space<hbm>>) target(%dma_start3A_24 : memref<128xi32, #tpu.memory_space<vmem>>) target_semaphore(%arg16 : memref<!tpu.dma_semaphore, #tpu.memory_space<semaphore_mem>>)
    %dma_start3A_32 = arith.constant 1 : i32
    %dma_start3A_33 = arith.constant 1 : i32
    %dma_start3A_34 = arith.constant 0 : i32
    %dma_start3A_35 = tpu.memref_slice %arg7[%dma_start3A_33, %dma_start3A_34] : memref<4x128xi32, #tpu.memory_space<vmem>> -> memref<1x128xi32, #tpu.memory_space<vmem>>
    %dma_start3A_36 = tpu.memref_squeeze %dma_start3A_35 : memref<1x128xi32, #tpu.memory_space<vmem>> -> memref<128xi32, #tpu.memory_space<vmem>>
    %dma_start3A_37 = arith.constant 0 : i32
    %dma_start3A_38 = arith.constant 0 : i32
    %dma_start3A_39 = tpu.memref_slice %arg3[%arg0, %arg1, %dma_start3A_37, %dma_start3A_38] : memref<2x16x40x128xi32, #tpu.memory_space<hbm>> -> memref<1x1x40x128xi32, #tpu.memory_space<hbm>>
    %dma_start3A_40 = tpu.memref_squeeze %dma_start3A_39 : memref<1x1x40x128xi32, #tpu.memory_space<hbm>> -> memref<40x128xi32, #tpu.memory_space<hbm>>
    %dma_start3A_41 = arith.constant 0 : i32
    %dma_start3A_42 = tpu.memref_slice %dma_start3A_40[%dma_start3A_32, %dma_start3A_41] : memref<40x128xi32, #tpu.memory_space<hbm>> -> memref<1x128xi32, #tpu.memory_space<hbm>>
    %dma_start3A_43 = tpu.memref_squeeze %dma_start3A_42 : memref<1x128xi32, #tpu.memory_space<hbm>> -> memref<128xi32, #tpu.memory_space<hbm>>
    %dma_start3A_44 = arith.constant 0 : i32
    %dma_start3A_45 = tpu.memref_slice %arg7[%dma_start3A_33, %dma_start3A_44] : memref<4x128xi32, #tpu.memory_space<vmem>> -> memref<1x128xi32, #tpu.memory_space<vmem>>
    %dma_start3A_46 = tpu.memref_squeeze %dma_start3A_45 : memref<1x128xi32, #tpu.memory_space<vmem>> -> memref<128xi32, #tpu.memory_space<vmem>>
    %dma_start3A_47 = arith.constant 0 : i32
    %dma_start3A_48 = arith.constant 0 : i32
    %dma_start3A_49 = tpu.memref_slice %arg3[%arg0, %arg1, %dma_start3A_47, %dma_start3A_48] : memref<2x16x40x128xi32, #tpu.memory_space<hbm>> -> memref<1x1x40x128xi32, #tpu.memory_space<hbm>>
    %dma_start3A_50 = tpu.memref_squeeze %dma_start3A_49 : memref<1x1x40x128xi32, #tpu.memory_space<hbm>> -> memref<40x128xi32, #tpu.memory_space<hbm>>
    %dma_start3A_51 = arith.constant 0 : i32
    %dma_start3A_52 = tpu.memref_slice %dma_start3A_50[%dma_start3A_32, %dma_start3A_51] : memref<40x128xi32, #tpu.memory_space<hbm>> -> memref<1x128xi32, #tpu.memory_space<hbm>>
    %dma_start3A_53 = tpu.memref_squeeze %dma_start3A_52 : memref<1x128xi32, #tpu.memory_space<hbm>> -> memref<128xi32, #tpu.memory_space<hbm>>
    tpu.enqueue_dma source(%dma_start3A_53 : memref<128xi32, #tpu.memory_space<hbm>>) target(%dma_start3A_46 : memref<128xi32, #tpu.memory_space<vmem>>) target_semaphore(%arg17 : memref<!tpu.dma_semaphore, #tpu.memory_space<semaphore_mem>>)
    %dma_start3A_54 = arith.constant 2 : i32
    %dma_start3A_55 = arith.constant 2 : i32
    %dma_start3A_56 = arith.constant 0 : i32
    %dma_start3A_57 = tpu.memref_slice %arg7[%dma_start3A_55, %dma_start3A_56] : memref<4x128xi32, #tpu.memory_space<vmem>> -> memref<1x128xi32, #tpu.memory_space<vmem>>
    %dma_start3A_58 = tpu.memref_squeeze %dma_start3A_57 : memref<1x128xi32, #tpu.memory_space<vmem>> -> memref<128xi32, #tpu.memory_space<vmem>>
    %dma_start3A_59 = arith.constant 0 : i32
    %dma_start3A_60 = arith.constant 0 : i32
    %dma_start3A_61 = tpu.memref_slice %arg3[%arg0, %arg1, %dma_start3A_59, %dma_start3A_60] : memref<2x16x40x128xi32, #tpu.memory_space<hbm>> -> memref<1x1x40x128xi32, #tpu.memory_space<hbm>>
    %dma_start3A_62 = tpu.memref_squeeze %dma_start3A_61 : memref<1x1x40x128xi32, #tpu.memory_space<hbm>> -> memref<40x128xi32, #tpu.memory_space<hbm>>
    %dma_start3A_63 = arith.constant 0 : i32
    %dma_start3A_64 = tpu.memref_slice %dma_start3A_62[%dma_start3A_54, %dma_start3A_63] : memref<40x128xi32, #tpu.memory_space<hbm>> -> memref<1x128xi32, #tpu.memory_space<hbm>>
    %dma_start3A_65 = tpu.memref_squeeze %dma_start3A_64 : memref<1x128xi32, #tpu.memory_space<hbm>> -> memref<128xi32, #tpu.memory_space<hbm>>
    %dma_start3A_66 = arith.constant 0 : i32
    %dma_start3A_67 = tpu.memref_slice %arg7[%dma_start3A_55, %dma_start3A_66] : memref<4x128xi32, #tpu.memory_space<vmem>> -> memref<1x128xi32, #tpu.memory_space<vmem>>
    %dma_start3A_68 = tpu.memref_squeeze %dma_start3A_67 : memref<1x128xi32, #tpu.memory_space<vmem>> -> memref<128xi32, #tpu.memory_space<vmem>>
    %dma_start3A_69 = arith.constant 0 : i32
    %dma_start3A_70 = arith.constant 0 : i32
    %dma_start3A_71 = tpu.memref_slice %arg3[%arg0, %arg1, %dma_start3A_69, %dma_start3A_70] : memref<2x16x40x128xi32, #tpu.memory_space<hbm>> -> memref<1x1x40x128xi32, #tpu.memory_space<hbm>>
    %dma_start3A_72 = tpu.memref_squeeze %dma_start3A_71 : memref<1x1x40x128xi32, #tpu.memory_space<hbm>> -> memref<40x128xi32, #tpu.memory_space<hbm>>
    %dma_start3A_73 = arith.constant 0 : i32
    %dma_start3A_74 = tpu.memref_slice %dma_start3A_72[%dma_start3A_54, %dma_start3A_73] : memref<40x128xi32, #tpu.memory_space<hbm>> -> memref<1x128xi32, #tpu.memory_space<hbm>>
    %dma_start3A_75 = tpu.memref_squeeze %dma_start3A_74 : memref<1x128xi32, #tpu.memory_space<hbm>> -> memref<128xi32, #tpu.memory_space<hbm>>
    tpu.enqueue_dma source(%dma_start3A_75 : memref<128xi32, #tpu.memory_space<hbm>>) target(%dma_start3A_68 : memref<128xi32, #tpu.memory_space<vmem>>) target_semaphore(%arg18 : memref<!tpu.dma_semaphore, #tpu.memory_space<semaphore_mem>>)
    %dma_start3A_76 = arith.constant 3 : i32
    %dma_start3A_77 = arith.constant 3 : i32
    %dma_start3A_78 = arith.constant 0 : i32
    %dma_start3A_79 = tpu.memref_slice %arg7[%dma_start3A_77, %dma_start3A_78] : memref<4x128xi32, #tpu.memory_space<vmem>> -> memref<1x128xi32, #tpu.memory_space<vmem>>
    %dma_start3A_80 = tpu.memref_squeeze %dma_start3A_79 : memref<1x128xi32, #tpu.memory_space<vmem>> -> memref<128xi32, #tpu.memory_space<vmem>>
    %dma_start3A_81 = arith.constant 0 : i32
    %dma_start3A_82 = arith.constant 0 : i32
    %dma_start3A_83 = tpu.memref_slice %arg3[%arg0, %arg1, %dma_start3A_81, %dma_start3A_82] : memref<2x16x40x128xi32, #tpu.memory_space<hbm>> -> memref<1x1x40x128xi32, #tpu.memory_space<hbm>>
    %dma_start3A_84 = tpu.memref_squeeze %dma_start3A_83 : memref<1x1x40x128xi32, #tpu.memory_space<hbm>> -> memref<40x128xi32, #tpu.memory_space<hbm>>
    %dma_start3A_85 = arith.constant 0 : i32
    %dma_start3A_86 = tpu.memref_slice %dma_start3A_84[%dma_start3A_76, %dma_start3A_85] : memref<40x128xi32, #tpu.memory_space<hbm>> -> memref<1x128xi32, #tpu.memory_space<hbm>>
    %dma_start3A_87 = tpu.memref_squeeze %dma_start3A_86 : memref<1x128xi32, #tpu.memory_space<hbm>> -> memref<128xi32, #tpu.memory_space<hbm>>
    %dma_start3A_88 = arith.constant 0 : i32
    %dma_start3A_89 = tpu.memref_slice %arg7[%dma_start3A_77, %dma_start3A_88] : memref<4x128xi32, #tpu.memory_space<vmem>> -> memref<1x128xi32, #tpu.memory_space<vmem>>
    %dma_start3A_90 = tpu.memref_squeeze %dma_start3A_89 : memref<1x128xi32, #tpu.memory_space<vmem>> -> memref<128xi32, #tpu.memory_space<vmem>>
    %dma_start3A_91 = arith.constant 0 : i32
    %dma_start3A_92 = arith.constant 0 : i32
    %dma_start3A_93 = tpu.memref_slice %arg3[%arg0, %arg1, %dma_start3A_91, %dma_start3A_92] : memref<2x16x40x128xi32, #tpu.memory_space<hbm>> -> memref<1x1x40x128xi32, #tpu.memory_space<hbm>>
    %dma_start3A_94 = tpu.memref_squeeze %dma_start3A_93 : memref<1x1x40x128xi32, #tpu.memory_space<hbm>> -> memref<40x128xi32, #tpu.memory_space<hbm>>
    %dma_start3A_95 = arith.constant 0 : i32
    %dma_start3A_96 = tpu.memref_slice %dma_start3A_94[%dma_start3A_76, %dma_start3A_95] : memref<40x128xi32, #tpu.memory_space<hbm>> -> memref<1x128xi32, #tpu.memory_space<hbm>>
    %dma_start3A_97 = tpu.memref_squeeze %dma_start3A_96 : memref<1x128xi32, #tpu.memory_space<hbm>> -> memref<128xi32, #tpu.memory_space<hbm>>
    tpu.enqueue_dma source(%dma_start3A_97 : memref<128xi32, #tpu.memory_space<hbm>>) target(%dma_start3A_90 : memref<128xi32, #tpu.memory_space<vmem>>) target_semaphore(%arg19 : memref<!tpu.dma_semaphore, #tpu.memory_space<semaphore_mem>>)
    %scan3A_98 = arith.constant 0 : i32
    %scan3A_99 = arith.constant 5 : i32
    %scan3A_100 = arith.addi %scan3A_98, %scan3A_99 : i32
    %scan3A_101 = arith.constant 1 : i32
    scf.for %scan3A_131 = %scan3A_98 to %scan3A_100 step %scan3A_101  : i32 {
      %mul3A_132 = arith.constant 1 : i32
      %mul3A_133 = arith.muli %scan3A_131, %mul3A_132 : i32
      %add3A = arith.constant 0 : i32
      %add3A_134 = arith.addi %add3A, %mul3A_133 : i32
      %mul3A_135 = arith.constant 8 : i32
      %mul3A_136 = arith.muli %add3A_134, %mul3A_135 : i32
      %add3A_137 = arith.constant 0 : i32
      %add3A_138 = arith.addi %mul3A_136, %add3A_137 : i32
      %gt3A = arith.constant 0 : i32
      %gt3A_139 = arith.cmpi sgt, %add3A_134, %gt3A : i32
      %convert_element_type3A = arith.extui %gt3A_139 : i1 to i32
      %cond3A = arith.constant 0 : i32
      %cond3A_140 = arith.cmpi ne, %convert_element_type3A, %cond3A : i32
      scf.if %cond3A_140 {
        %dma_wait3A_572 = arith.constant 0 : i32
        %dma_wait3A_573 = tpu.memref_slice %arg6[%add3A_138, %dma_wait3A_572] : memref<40x128xi32, #tpu.memory_space<vmem>> -> memref<1x128xi32, #tpu.memory_space<vmem>>
        %dma_wait3A_574 = tpu.memref_squeeze %dma_wait3A_573 : memref<1x128xi32, #tpu.memory_space<vmem>> -> memref<128xi32, #tpu.memory_space<vmem>>
        %dma_wait3A_575 = arith.constant 0 : i32
        %dma_wait3A_576 = arith.constant 0 : i32
        %dma_wait3A_577 = tpu.memref_slice %arg11[%dma_wait3A_575, %dma_wait3A_576] : memref<10240x128xf32, #tpu.memory_space<vmem_shared>> -> memref<10240x128xf32, #tpu.memory_space<vmem_shared>>
        tpu.wait_indirect_dma semaphore(%arg14 : memref<!tpu.dma_semaphore, #tpu.memory_space<semaphore_mem>>) src(%arg8 : memref<128x128xf32, #tpu.memory_space<vmem>>) dst(%dma_wait3A_577 : memref<10240x128xf32, #tpu.memory_space<vmem_shared>>)
        %lt3A_578 = arith.constant 38 : i32
        %lt3A_579 = arith.cmpi slt, %add3A_138, %lt3A_578 : i32
        %convert_element_type3A_580 = arith.extui %lt3A_579 : i1 to i32
        %cond3A_581 = arith.constant 0 : i32
        %cond3A_582 = arith.cmpi ne, %convert_element_type3A_580, %cond3A_581 : i32
        scf.if %cond3A_582 {
          %add3A_583 = arith.constant 2 : i32
          %add3A_584 = arith.addi %add3A_138, %add3A_583 : i32
          %dma_start3A_585 = arith.constant 2 : i32
          %dma_start3A_586 = arith.constant 0 : i32
          %dma_start3A_587 = tpu.memref_slice %arg7[%dma_start3A_585, %dma_start3A_586] : memref<4x128xi32, #tpu.memory_space<vmem>> -> memref<1x128xi32, #tpu.memory_space<vmem>>
          %dma_start3A_588 = tpu.memref_squeeze %dma_start3A_587 : memref<1x128xi32, #tpu.memory_space<vmem>> -> memref<128xi32, #tpu.memory_space<vmem>>
          %dma_start3A_589 = arith.constant 0 : i32
          %dma_start3A_590 = arith.constant 0 : i32
          %dma_start3A_591 = tpu.memref_slice %arg3[%arg0, %arg1, %dma_start3A_589, %dma_start3A_590] : memref<2x16x40x128xi32, #tpu.memory_space<hbm>> -> memref<1x1x40x128xi32, #tpu.memory_space<hbm>>
          %dma_start3A_592 = tpu.memref_squeeze %dma_start3A_591 : memref<1x1x40x128xi32, #tpu.memory_space<hbm>> -> memref<40x128xi32, #tpu.memory_space<hbm>>
          %dma_start3A_593 = arith.constant 0 : i32
          %dma_start3A_594 = tpu.memref_slice %dma_start3A_592[%add3A_584, %dma_start3A_593] : memref<40x128xi32, #tpu.memory_space<hbm>> -> memref<1x128xi32, #tpu.memory_space<hbm>>
          %dma_start3A_595 = tpu.memref_squeeze %dma_start3A_594 : memref<1x128xi32, #tpu.memory_space<hbm>> -> memref<128xi32, #tpu.memory_space<hbm>>
          %dma_start3A_596 = arith.constant 0 : i32
          %dma_start3A_597 = tpu.memref_slice %arg7[%dma_start3A_585, %dma_start3A_596] : memref<4x128xi32, #tpu.memory_space<vmem>> -> memref<1x128xi32, #tpu.memory_space<vmem>>
          %dma_start3A_598 = tpu.memref_squeeze %dma_start3A_597 : memref<1x128xi32, #tpu.memory_space<vmem>> -> memref<128xi32, #tpu.memory_space<vmem>>
          %dma_start3A_599 = arith.constant 0 : i32
          %dma_start3A_600 = arith.constant 0 : i32
          %dma_start3A_601 = tpu.memref_slice %arg3[%arg0, %arg1, %dma_start3A_599, %dma_start3A_600] : memref<2x16x40x128xi32, #tpu.memory_space<hbm>> -> memref<1x1x40x128xi32, #tpu.memory_space<hbm>>
          %dma_start3A_602 = tpu.memref_squeeze %dma_start3A_601 : memref<1x1x40x128xi32, #tpu.memory_space<hbm>> -> memref<40x128xi32, #tpu.memory_space<hbm>>
          %dma_start3A_603 = arith.constant 0 : i32
          %dma_start3A_604 = tpu.memref_slice %dma_start3A_602[%add3A_584, %dma_start3A_603] : memref<40x128xi32, #tpu.memory_space<hbm>> -> memref<1x128xi32, #tpu.memory_space<hbm>>
          %dma_start3A_605 = tpu.memref_squeeze %dma_start3A_604 : memref<1x128xi32, #tpu.memory_space<hbm>> -> memref<128xi32, #tpu.memory_space<hbm>>
          tpu.enqueue_dma source(%dma_start3A_605 : memref<128xi32, #tpu.memory_space<hbm>>) target(%dma_start3A_598 : memref<128xi32, #tpu.memory_space<vmem>>) target_semaphore(%arg18 : memref<!tpu.dma_semaphore, #tpu.memory_space<semaphore_mem>>)
        } else {
        }
      } else {
      }
      %dma_wait3A_141 = arith.constant 0 : i32
      %dma_wait3A_142 = arith.constant 0 : i32
      %dma_wait3A_143 = tpu.memref_slice %arg7[%dma_wait3A_141, %dma_wait3A_142] : memref<4x128xi32, #tpu.memory_space<vmem>> -> memref<1x128xi32, #tpu.memory_space<vmem>>
      %dma_wait3A_144 = tpu.memref_squeeze %dma_wait3A_143 : memref<1x128xi32, #tpu.memory_space<vmem>> -> memref<128xi32, #tpu.memory_space<vmem>>
      %dma_wait3A_145 = arith.constant 0 : i32
      %dma_wait3A_146 = arith.constant 0 : i32
      %dma_wait3A_147 = tpu.memref_slice %arg3[%arg0, %arg1, %dma_wait3A_145, %dma_wait3A_146] : memref<2x16x40x128xi32, #tpu.memory_space<hbm>> -> memref<1x1x40x128xi32, #tpu.memory_space<hbm>>
      %dma_wait3A_148 = tpu.memref_squeeze %dma_wait3A_147 : memref<1x1x40x128xi32, #tpu.memory_space<hbm>> -> memref<40x128xi32, #tpu.memory_space<hbm>>
      %dma_wait3A_149 = arith.constant 0 : i32
      %dma_wait3A_150 = tpu.memref_slice %dma_wait3A_148[%add3A_138, %dma_wait3A_149] : memref<40x128xi32, #tpu.memory_space<hbm>> -> memref<1x128xi32, #tpu.memory_space<hbm>>
      %dma_wait3A_151 = tpu.memref_squeeze %dma_wait3A_150 : memref<1x128xi32, #tpu.memory_space<hbm>> -> memref<128xi32, #tpu.memory_space<hbm>>
      %dma_wait3A_152 = arith.constant 0 : i32
      %dma_wait3A_153 = tpu.memref_slice %arg7[%dma_wait3A_141, %dma_wait3A_152] : memref<4x128xi32, #tpu.memory_space<vmem>> -> memref<1x128xi32, #tpu.memory_space<vmem>>
      %dma_wait3A_154 = tpu.memref_squeeze %dma_wait3A_153 : memref<1x128xi32, #tpu.memory_space<vmem>> -> memref<128xi32, #tpu.memory_space<vmem>>
      %dma_wait3A_155 = arith.constant 0 : i32
      %dma_wait3A_156 = arith.constant 0 : i32
      %dma_wait3A_157 = tpu.memref_slice %arg3[%arg0, %arg1, %dma_wait3A_155, %dma_wait3A_156] : memref<2x16x40x128xi32, #tpu.memory_space<hbm>> -> memref<1x1x40x128xi32, #tpu.memory_space<hbm>>
      %dma_wait3A_158 = tpu.memref_squeeze %dma_wait3A_157 : memref<1x1x40x128xi32, #tpu.memory_space<hbm>> -> memref<40x128xi32, #tpu.memory_space<hbm>>
      %dma_wait3A_159 = arith.constant 0 : i32
      %dma_wait3A_160 = tpu.memref_slice %dma_wait3A_158[%add3A_138, %dma_wait3A_159] : memref<40x128xi32, #tpu.memory_space<hbm>> -> memref<1x128xi32, #tpu.memory_space<hbm>>
      %dma_wait3A_161 = tpu.memref_squeeze %dma_wait3A_160 : memref<1x128xi32, #tpu.memory_space<hbm>> -> memref<128xi32, #tpu.memory_space<hbm>>
      tpu.wait_dma2 semaphore(%arg16 : memref<!tpu.dma_semaphore, #tpu.memory_space<semaphore_mem>>) src(%dma_wait3A_161 : memref<128xi32, #tpu.memory_space<hbm>>) dst(%dma_wait3A_154 : memref<128xi32, #tpu.memory_space<vmem>>)
      %dma_start3A_162 = arith.constant 0 : i32
      %dma_start3A_163 = arith.constant 0 : i32
      %dma_start3A_164 = tpu.memref_slice %arg7[%dma_start3A_162, %dma_start3A_163] : memref<4x128xi32, #tpu.memory_space<vmem>> -> memref<1x128xi32, #tpu.memory_space<vmem>>
      %dma_start3A_165 = tpu.memref_squeeze %dma_start3A_164 : memref<1x128xi32, #tpu.memory_space<vmem>> -> memref<128xi32, #tpu.memory_space<vmem>>
      %dma_start3A_166 = arith.constant 0 : i32
      %dma_start3A_167 = arith.constant 0 : i32
      %dma_start3A_168 = tpu.memref_slice %arg2[%dma_start3A_166, %dma_start3A_167] : memref<10000x128xf32, #tpu.memory_space<hbm>> -> memref<10000x128xf32, #tpu.memory_space<hbm>>
      tpu.enqueue_indirect_dma source(%dma_start3A_168 : memref<10000x128xf32, #tpu.memory_space<hbm>>) target(%arg8 : memref<128x128xf32, #tpu.memory_space<vmem>>) offsets(%dma_start3A_165 : memref<128xi32, #tpu.memory_space<vmem>>) semaphore(%arg12 : memref<!tpu.dma_semaphore, #tpu.memory_space<semaphore_mem>>)
      %gt3A_169 = arith.constant 0 : i32
      %gt3A_170 = arith.cmpi sgt, %add3A_134, %gt3A_169 : i32
      %convert_element_type3A_171 = arith.extui %gt3A_170 : i1 to i32
      %cond3A_172 = arith.constant 0 : i32
      %cond3A_173 = arith.cmpi ne, %convert_element_type3A_171, %cond3A_172 : i32
      scf.if %cond3A_173 {
        %dma_wait3A_572 = arith.constant 0 : i32
        %dma_wait3A_573 = arith.constant 0 : i32
        %dma_wait3A_574 = tpu.memref_slice %arg7[%dma_wait3A_572, %dma_wait3A_573] : memref<4x128xi32, #tpu.memory_space<vmem>> -> memref<1x128xi32, #tpu.memory_space<vmem>>
        %dma_wait3A_575 = tpu.memref_squeeze %dma_wait3A_574 : memref<1x128xi32, #tpu.memory_space<vmem>> -> memref<128xi32, #tpu.memory_space<vmem>>
        %dma_wait3A_576 = arith.constant 0 : i32
        %dma_wait3A_577 = arith.constant 0 : i32
        %dma_wait3A_578 = tpu.memref_slice %arg2[%dma_wait3A_576, %dma_wait3A_577] : memref<10000x128xf32, #tpu.memory_space<hbm>> -> memref<10000x128xf32, #tpu.memory_space<hbm>>
        tpu.wait_indirect_dma semaphore(%arg13 : memref<!tpu.dma_semaphore, #tpu.memory_space<semaphore_mem>>) src(%dma_wait3A_578 : memref<10000x128xf32, #tpu.memory_space<hbm>>) dst(%arg9 : memref<128x128xf32, #tpu.memory_space<vmem>>)
        %sub3A_579 = arith.constant 1 : i32
        %sub3A_580 = arith.subi %add3A_138, %sub3A_579 : i32
        %dma_start3A_581 = arith.constant 0 : i32
        %dma_start3A_582 = tpu.memref_slice %arg6[%sub3A_580, %dma_start3A_581] : memref<40x128xi32, #tpu.memory_space<vmem>> -> memref<1x128xi32, #tpu.memory_space<vmem>>
        %dma_start3A_583 = tpu.memref_squeeze %dma_start3A_582 : memref<1x128xi32, #tpu.memory_space<vmem>> -> memref<128xi32, #tpu.memory_space<vmem>>
        %dma_start3A_584 = arith.constant 0 : i32
        %dma_start3A_585 = arith.constant 0 : i32
        %dma_start3A_586 = tpu.memref_slice %arg11[%dma_start3A_584, %dma_start3A_585] : memref<10240x128xf32, #tpu.memory_space<vmem_shared>> -> memref<10240x128xf32, #tpu.memory_space<vmem_shared>>
        tpu.enqueue_indirect_dma source(%arg9 : memref<128x128xf32, #tpu.memory_space<vmem>>) target(%dma_start3A_586 : memref<10240x128xf32, #tpu.memory_space<vmem_shared>>) offsets(%dma_start3A_583 : memref<128xi32, #tpu.memory_space<vmem>>) semaphore(%arg15 : memref<!tpu.dma_semaphore, #tpu.memory_space<semaphore_mem>>) {add = true}
      } else {
      }
      %mul3A_174 = arith.constant 8 : i32
      %mul3A_175 = arith.muli %add3A_134, %mul3A_174 : i32
      %add3A_176 = arith.constant 1 : i32
      %add3A_177 = arith.addi %mul3A_175, %add3A_176 : i32
      %gt3A_178 = arith.constant 0 : i32
      %gt3A_179 = arith.cmpi sgt, %add3A_134, %gt3A_178 : i32
      %convert_element_type3A_180 = arith.extui %gt3A_179 : i1 to i32
      %cond3A_181 = arith.constant 0 : i32
      %cond3A_182 = arith.cmpi ne, %convert_element_type3A_180, %cond3A_181 : i32
      scf.if %cond3A_182 {
        %dma_wait3A_572 = arith.constant 0 : i32
        %dma_wait3A_573 = tpu.memref_slice %arg6[%add3A_177, %dma_wait3A_572] : memref<40x128xi32, #tpu.memory_space<vmem>> -> memref<1x128xi32, #tpu.memory_space<vmem>>
        %dma_wait3A_574 = tpu.memref_squeeze %dma_wait3A_573 : memref<1x128xi32, #tpu.memory_space<vmem>> -> memref<128xi32, #tpu.memory_space<vmem>>
        %dma_wait3A_575 = arith.constant 0 : i32
        %dma_wait3A_576 = arith.constant 0 : i32
        %dma_wait3A_577 = tpu.memref_slice %arg11[%dma_wait3A_575, %dma_wait3A_576] : memref<10240x128xf32, #tpu.memory_space<vmem_shared>> -> memref<10240x128xf32, #tpu.memory_space<vmem_shared>>
        tpu.wait_indirect_dma semaphore(%arg15 : memref<!tpu.dma_semaphore, #tpu.memory_space<semaphore_mem>>) src(%arg9 : memref<128x128xf32, #tpu.memory_space<vmem>>) dst(%dma_wait3A_577 : memref<10240x128xf32, #tpu.memory_space<vmem_shared>>)
        %lt3A_578 = arith.constant 38 : i32
        %lt3A_579 = arith.cmpi slt, %add3A_177, %lt3A_578 : i32
        %convert_element_type3A_580 = arith.extui %lt3A_579 : i1 to i32
        %cond3A_581 = arith.constant 0 : i32
        %cond3A_582 = arith.cmpi ne, %convert_element_type3A_580, %cond3A_581 : i32
        scf.if %cond3A_582 {
          %add3A_583 = arith.constant 2 : i32
          %add3A_584 = arith.addi %add3A_177, %add3A_583 : i32
          %dma_start3A_585 = arith.constant 3 : i32
          %dma_start3A_586 = arith.constant 0 : i32
          %dma_start3A_587 = tpu.memref_slice %arg7[%dma_start3A_585, %dma_start3A_586] : memref<4x128xi32, #tpu.memory_space<vmem>> -> memref<1x128xi32, #tpu.memory_space<vmem>>
          %dma_start3A_588 = tpu.memref_squeeze %dma_start3A_587 : memref<1x128xi32, #tpu.memory_space<vmem>> -> memref<128xi32, #tpu.memory_space<vmem>>
          %dma_start3A_589 = arith.constant 0 : i32
          %dma_start3A_590 = arith.constant 0 : i32
          %dma_start3A_591 = tpu.memref_slice %arg3[%arg0, %arg1, %dma_start3A_589, %dma_start3A_590] : memref<2x16x40x128xi32, #tpu.memory_space<hbm>> -> memref<1x1x40x128xi32, #tpu.memory_space<hbm>>
          %dma_start3A_592 = tpu.memref_squeeze %dma_start3A_591 : memref<1x1x40x128xi32, #tpu.memory_space<hbm>> -> memref<40x128xi32, #tpu.memory_space<hbm>>
          %dma_start3A_593 = arith.constant 0 : i32
          %dma_start3A_594 = tpu.memref_slice %dma_start3A_592[%add3A_584, %dma_start3A_593] : memref<40x128xi32, #tpu.memory_space<hbm>> -> memref<1x128xi32, #tpu.memory_space<hbm>>
          %dma_start3A_595 = tpu.memref_squeeze %dma_start3A_594 : memref<1x128xi32, #tpu.memory_space<hbm>> -> memref<128xi32, #tpu.memory_space<hbm>>
          %dma_start3A_596 = arith.constant 0 : i32
          %dma_start3A_597 = tpu.memref_slice %arg7[%dma_start3A_585, %dma_start3A_596] : memref<4x128xi32, #tpu.memory_space<vmem>> -> memref<1x128xi32, #tpu.memory_space<vmem>>
          %dma_start3A_598 = tpu.memref_squeeze %dma_start3A_597 : memref<1x128xi32, #tpu.memory_space<vmem>> -> memref<128xi32, #tpu.memory_space<vmem>>
          %dma_start3A_599 = arith.constant 0 : i32
          %dma_start3A_600 = arith.constant 0 : i32
          %dma_start3A_601 = tpu.memref_slice %arg3[%arg0, %arg1, %dma_start3A_599, %dma_start3A_600] : memref<2x16x40x128xi32, #tpu.memory_space<hbm>> -> memref<1x1x40x128xi32, #tpu.memory_space<hbm>>
          %dma_start3A_602 = tpu.memref_squeeze %dma_start3A_601 : memref<1x1x40x128xi32, #tpu.memory_space<hbm>> -> memref<40x128xi32, #tpu.memory_space<hbm>>
          %dma_start3A_603 = arith.constant 0 : i32
          %dma_start3A_604 = tpu.memref_slice %dma_start3A_602[%add3A_584, %dma_start3A_603] : memref<40x128xi32, #tpu.memory_space<hbm>> -> memref<1x128xi32, #tpu.memory_space<hbm>>
          %dma_start3A_605 = tpu.memref_squeeze %dma_start3A_604 : memref<1x128xi32, #tpu.memory_space<hbm>> -> memref<128xi32, #tpu.memory_space<hbm>>
          tpu.enqueue_dma source(%dma_start3A_605 : memref<128xi32, #tpu.memory_space<hbm>>) target(%dma_start3A_598 : memref<128xi32, #tpu.memory_space<vmem>>) target_semaphore(%arg19 : memref<!tpu.dma_semaphore, #tpu.memory_space<semaphore_mem>>)
        } else {
        }
      } else {
      }
      %dma_wait3A_183 = arith.constant 1 : i32
      %dma_wait3A_184 = arith.constant 0 : i32
      %dma_wait3A_185 = tpu.memref_slice %arg7[%dma_wait3A_183, %dma_wait3A_184] : memref<4x128xi32, #tpu.memory_space<vmem>> -> memref<1x128xi32, #tpu.memory_space<vmem>>
      %dma_wait3A_186 = tpu.memref_squeeze %dma_wait3A_185 : memref<1x128xi32, #tpu.memory_space<vmem>> -> memref<128xi32, #tpu.memory_space<vmem>>
      %dma_wait3A_187 = arith.constant 0 : i32
      %dma_wait3A_188 = arith.constant 0 : i32
      %dma_wait3A_189 = tpu.memref_slice %arg3[%arg0, %arg1, %dma_wait3A_187, %dma_wait3A_188] : memref<2x16x40x128xi32, #tpu.memory_space<hbm>> -> memref<1x1x40x128xi32, #tpu.memory_space<hbm>>
      %dma_wait3A_190 = tpu.memref_squeeze %dma_wait3A_189 : memref<1x1x40x128xi32, #tpu.memory_space<hbm>> -> memref<40x128xi32, #tpu.memory_space<hbm>>
      %dma_wait3A_191 = arith.constant 0 : i32
      %dma_wait3A_192 = tpu.memref_slice %dma_wait3A_190[%add3A_177, %dma_wait3A_191] : memref<40x128xi32, #tpu.memory_space<hbm>> -> memref<1x128xi32, #tpu.memory_space<hbm>>
      %dma_wait3A_193 = tpu.memref_squeeze %dma_wait3A_192 : memref<1x128xi32, #tpu.memory_space<hbm>> -> memref<128xi32, #tpu.memory_space<hbm>>
      %dma_wait3A_194 = arith.constant 0 : i32
      %dma_wait3A_195 = tpu.memref_slice %arg7[%dma_wait3A_183, %dma_wait3A_194] : memref<4x128xi32, #tpu.memory_space<vmem>> -> memref<1x128xi32, #tpu.memory_space<vmem>>
      %dma_wait3A_196 = tpu.memref_squeeze %dma_wait3A_195 : memref<1x128xi32, #tpu.memory_space<vmem>> -> memref<128xi32, #tpu.memory_space<vmem>>
      %dma_wait3A_197 = arith.constant 0 : i32
      %dma_wait3A_198 = arith.constant 0 : i32
      %dma_wait3A_199 = tpu.memref_slice %arg3[%arg0, %arg1, %dma_wait3A_197, %dma_wait3A_198] : memref<2x16x40x128xi32, #tpu.memory_space<hbm>> -> memref<1x1x40x128xi32, #tpu.memory_space<hbm>>
      %dma_wait3A_200 = tpu.memref_squeeze %dma_wait3A_199 : memref<1x1x40x128xi32, #tpu.memory_space<hbm>> -> memref<40x128xi32, #tpu.memory_space<hbm>>
      %dma_wait3A_201 = arith.constant 0 : i32
      %dma_wait3A_202 = tpu.memref_slice %dma_wait3A_200[%add3A_177, %dma_wait3A_201] : memref<40x128xi32, #tpu.memory_space<hbm>> -> memref<1x128xi32, #tpu.memory_space<hbm>>
      %dma_wait3A_203 = tpu.memref_squeeze %dma_wait3A_202 : memref<1x128xi32, #tpu.memory_space<hbm>> -> memref<128xi32, #tpu.memory_space<hbm>>
      tpu.wait_dma2 semaphore(%arg17 : memref<!tpu.dma_semaphore, #tpu.memory_space<semaphore_mem>>) src(%dma_wait3A_203 : memref<128xi32, #tpu.memory_space<hbm>>) dst(%dma_wait3A_196 : memref<128xi32, #tpu.memory_space<vmem>>)
      %dma_start3A_204 = arith.constant 1 : i32
      %dma_start3A_205 = arith.constant 0 : i32
      %dma_start3A_206 = tpu.memref_slice %arg7[%dma_start3A_204, %dma_start3A_205] : memref<4x128xi32, #tpu.memory_space<vmem>> -> memref<1x128xi32, #tpu.memory_space<vmem>>
      %dma_start3A_207 = tpu.memref_squeeze %dma_start3A_206 : memref<1x128xi32, #tpu.memory_space<vmem>> -> memref<128xi32, #tpu.memory_space<vmem>>
      %dma_start3A_208 = arith.constant 0 : i32
      %dma_start3A_209 = arith.constant 0 : i32
      %dma_start3A_210 = tpu.memref_slice %arg2[%dma_start3A_208, %dma_start3A_209] : memref<10000x128xf32, #tpu.memory_space<hbm>> -> memref<10000x128xf32, #tpu.memory_space<hbm>>
      tpu.enqueue_indirect_dma source(%dma_start3A_210 : memref<10000x128xf32, #tpu.memory_space<hbm>>) target(%arg9 : memref<128x128xf32, #tpu.memory_space<vmem>>) offsets(%dma_start3A_207 : memref<128xi32, #tpu.memory_space<vmem>>) semaphore(%arg13 : memref<!tpu.dma_semaphore, #tpu.memory_space<semaphore_mem>>)
      %dma_wait3A_211 = arith.constant 0 : i32
      %dma_wait3A_212 = arith.constant 0 : i32
      %dma_wait3A_213 = tpu.memref_slice %arg7[%dma_wait3A_211, %dma_wait3A_212] : memref<4x128xi32, #tpu.memory_space<vmem>> -> memref<1x128xi32, #tpu.memory_space<vmem>>
      %dma_wait3A_214 = tpu.memref_squeeze %dma_wait3A_213 : memref<1x128xi32, #tpu.memory_space<vmem>> -> memref<128xi32, #tpu.memory_space<vmem>>
      %dma_wait3A_215 = arith.constant 0 : i32
      %dma_wait3A_216 = arith.constant 0 : i32
      %dma_wait3A_217 = tpu.memref_slice %arg2[%dma_wait3A_215, %dma_wait3A_216] : memref<10000x128xf32, #tpu.memory_space<hbm>> -> memref<10000x128xf32, #tpu.memory_space<hbm>>
      tpu.wait_indirect_dma semaphore(%arg12 : memref<!tpu.dma_semaphore, #tpu.memory_space<semaphore_mem>>) src(%dma_wait3A_217 : memref<10000x128xf32, #tpu.memory_space<hbm>>) dst(%arg8 : memref<128x128xf32, #tpu.memory_space<vmem>>)
      %sub3A = arith.constant 1 : i32
      %sub3A_218 = arith.subi %add3A_177, %sub3A : i32
      %dma_start3A_219 = arith.constant 0 : i32
      %dma_start3A_220 = tpu.memref_slice %arg6[%sub3A_218, %dma_start3A_219] : memref<40x128xi32, #tpu.memory_space<vmem>> -> memref<1x128xi32, #tpu.memory_space<vmem>>
      %dma_start3A_221 = tpu.memref_squeeze %dma_start3A_220 : memref<1x128xi32, #tpu.memory_space<vmem>> -> memref<128xi32, #tpu.memory_space<vmem>>
      %dma_start3A_222 = arith.constant 0 : i32
      %dma_start3A_223 = arith.constant 0 : i32
      %dma_start3A_224 = tpu.memref_slice %arg11[%dma_start3A_222, %dma_start3A_223] : memref<10240x128xf32, #tpu.memory_space<vmem_shared>> -> memref<10240x128xf32, #tpu.memory_space<vmem_shared>>
      tpu.enqueue_indirect_dma source(%arg8 : memref<128x128xf32, #tpu.memory_space<vmem>>) target(%dma_start3A_224 : memref<10240x128xf32, #tpu.memory_space<vmem_shared>>) offsets(%dma_start3A_221 : memref<128xi32, #tpu.memory_space<vmem>>) semaphore(%arg14 : memref<!tpu.dma_semaphore, #tpu.memory_space<semaphore_mem>>) {add = true}
      %mul3A_225 = arith.constant 8 : i32
      %mul3A_226 = arith.muli %add3A_134, %mul3A_225 : i32
      %add3A_227 = arith.constant 2 : i32
      %add3A_228 = arith.addi %mul3A_226, %add3A_227 : i32
      %dma_wait3A_229 = arith.constant 0 : i32
      %dma_wait3A_230 = tpu.memref_slice %arg6[%add3A_228, %dma_wait3A_229] : memref<40x128xi32, #tpu.memory_space<vmem>> -> memref<1x128xi32, #tpu.memory_space<vmem>>
      %dma_wait3A_231 = tpu.memref_squeeze %dma_wait3A_230 : memref<1x128xi32, #tpu.memory_space<vmem>> -> memref<128xi32, #tpu.memory_space<vmem>>
      %dma_wait3A_232 = arith.constant 0 : i32
      %dma_wait3A_233 = arith.constant 0 : i32
      %dma_wait3A_234 = tpu.memref_slice %arg11[%dma_wait3A_232, %dma_wait3A_233] : memref<10240x128xf32, #tpu.memory_space<vmem_shared>> -> memref<10240x128xf32, #tpu.memory_space<vmem_shared>>
      tpu.wait_indirect_dma semaphore(%arg14 : memref<!tpu.dma_semaphore, #tpu.memory_space<semaphore_mem>>) src(%arg8 : memref<128x128xf32, #tpu.memory_space<vmem>>) dst(%dma_wait3A_234 : memref<10240x128xf32, #tpu.memory_space<vmem_shared>>)
      %lt3A = arith.constant 38 : i32
      %lt3A_235 = arith.cmpi slt, %add3A_228, %lt3A : i32
      %convert_element_type3A_236 = arith.extui %lt3A_235 : i1 to i32
      %cond3A_237 = arith.constant 0 : i32
      %cond3A_238 = arith.cmpi ne, %convert_element_type3A_236, %cond3A_237 : i32
      scf.if %cond3A_238 {
        %add3A_572 = arith.constant 2 : i32
        %add3A_573 = arith.addi %add3A_228, %add3A_572 : i32
        %dma_start3A_574 = arith.constant 0 : i32
        %dma_start3A_575 = arith.constant 0 : i32
        %dma_start3A_576 = tpu.memref_slice %arg7[%dma_start3A_574, %dma_start3A_575] : memref<4x128xi32, #tpu.memory_space<vmem>> -> memref<1x128xi32, #tpu.memory_space<vmem>>
        %dma_start3A_577 = tpu.memref_squeeze %dma_start3A_576 : memref<1x128xi32, #tpu.memory_space<vmem>> -> memref<128xi32, #tpu.memory_space<vmem>>
        %dma_start3A_578 = arith.constant 0 : i32
        %dma_start3A_579 = arith.constant 0 : i32
        %dma_start3A_580 = tpu.memref_slice %arg3[%arg0, %arg1, %dma_start3A_578, %dma_start3A_579] : memref<2x16x40x128xi32, #tpu.memory_space<hbm>> -> memref<1x1x40x128xi32, #tpu.memory_space<hbm>>
        %dma_start3A_581 = tpu.memref_squeeze %dma_start3A_580 : memref<1x1x40x128xi32, #tpu.memory_space<hbm>> -> memref<40x128xi32, #tpu.memory_space<hbm>>
        %dma_start3A_582 = arith.constant 0 : i32
        %dma_start3A_583 = tpu.memref_slice %dma_start3A_581[%add3A_573, %dma_start3A_582] : memref<40x128xi32, #tpu.memory_space<hbm>> -> memref<1x128xi32, #tpu.memory_space<hbm>>
        %dma_start3A_584 = tpu.memref_squeeze %dma_start3A_583 : memref<1x128xi32, #tpu.memory_space<hbm>> -> memref<128xi32, #tpu.memory_space<hbm>>
        %dma_start3A_585 = arith.constant 0 : i32
        %dma_start3A_586 = tpu.memref_slice %arg7[%dma_start3A_574, %dma_start3A_585] : memref<4x128xi32, #tpu.memory_space<vmem>> -> memref<1x128xi32, #tpu.memory_space<vmem>>
        %dma_start3A_587 = tpu.memref_squeeze %dma_start3A_586 : memref<1x128xi32, #tpu.memory_space<vmem>> -> memref<128xi32, #tpu.memory_space<vmem>>
        %dma_start3A_588 = arith.constant 0 : i32
        %dma_start3A_589 = arith.constant 0 : i32
        %dma_start3A_590 = tpu.memref_slice %arg3[%arg0, %arg1, %dma_start3A_588, %dma_start3A_589] : memref<2x16x40x128xi32, #tpu.memory_space<hbm>> -> memref<1x1x40x128xi32, #tpu.memory_space<hbm>>
        %dma_start3A_591 = tpu.memref_squeeze %dma_start3A_590 : memref<1x1x40x128xi32, #tpu.memory_space<hbm>> -> memref<40x128xi32, #tpu.memory_space<hbm>>
        %dma_start3A_592 = arith.constant 0 : i32
        %dma_start3A_593 = tpu.memref_slice %dma_start3A_591[%add3A_573, %dma_start3A_592] : memref<40x128xi32, #tpu.memory_space<hbm>> -> memref<1x128xi32, #tpu.memory_space<hbm>>
        %dma_start3A_594 = tpu.memref_squeeze %dma_start3A_593 : memref<1x128xi32, #tpu.memory_space<hbm>> -> memref<128xi32, #tpu.memory_space<hbm>>
        tpu.enqueue_dma source(%dma_start3A_594 : memref<128xi32, #tpu.memory_space<hbm>>) target(%dma_start3A_587 : memref<128xi32, #tpu.memory_space<vmem>>) target_semaphore(%arg16 : memref<!tpu.dma_semaphore, #tpu.memory_space<semaphore_mem>>)
      } else {
      }
      %dma_wait3A_239 = arith.constant 2 : i32
      %dma_wait3A_240 = arith.constant 0 : i32
      %dma_wait3A_241 = tpu.memref_slice %arg7[%dma_wait3A_239, %dma_wait3A_240] : memref<4x128xi32, #tpu.memory_space<vmem>> -> memref<1x128xi32, #tpu.memory_space<vmem>>
      %dma_wait3A_242 = tpu.memref_squeeze %dma_wait3A_241 : memref<1x128xi32, #tpu.memory_space<vmem>> -> memref<128xi32, #tpu.memory_space<vmem>>
      %dma_wait3A_243 = arith.constant 0 : i32
      %dma_wait3A_244 = arith.constant 0 : i32
      %dma_wait3A_245 = tpu.memref_slice %arg3[%arg0, %arg1, %dma_wait3A_243, %dma_wait3A_244] : memref<2x16x40x128xi32, #tpu.memory_space<hbm>> -> memref<1x1x40x128xi32, #tpu.memory_space<hbm>>
      %dma_wait3A_246 = tpu.memref_squeeze %dma_wait3A_245 : memref<1x1x40x128xi32, #tpu.memory_space<hbm>> -> memref<40x128xi32, #tpu.memory_space<hbm>>
      %dma_wait3A_247 = arith.constant 0 : i32
      %dma_wait3A_248 = tpu.memref_slice %dma_wait3A_246[%add3A_228, %dma_wait3A_247] : memref<40x128xi32, #tpu.memory_space<hbm>> -> memref<1x128xi32, #tpu.memory_space<hbm>>
      %dma_wait3A_249 = tpu.memref_squeeze %dma_wait3A_248 : memref<1x128xi32, #tpu.memory_space<hbm>> -> memref<128xi32, #tpu.memory_space<hbm>>
      %dma_wait3A_250 = arith.constant 0 : i32
      %dma_wait3A_251 = tpu.memref_slice %arg7[%dma_wait3A_239, %dma_wait3A_250] : memref<4x128xi32, #tpu.memory_space<vmem>> -> memref<1x128xi32, #tpu.memory_space<vmem>>
      %dma_wait3A_252 = tpu.memref_squeeze %dma_wait3A_251 : memref<1x128xi32, #tpu.memory_space<vmem>> -> memref<128xi32, #tpu.memory_space<vmem>>
      %dma_wait3A_253 = arith.constant 0 : i32
      %dma_wait3A_254 = arith.constant 0 : i32
      %dma_wait3A_255 = tpu.memref_slice %arg3[%arg0, %arg1, %dma_wait3A_253, %dma_wait3A_254] : memref<2x16x40x128xi32, #tpu.memory_space<hbm>> -> memref<1x1x40x128xi32, #tpu.memory_space<hbm>>
      %dma_wait3A_256 = tpu.memref_squeeze %dma_wait3A_255 : memref<1x1x40x128xi32, #tpu.memory_space<hbm>> -> memref<40x128xi32, #tpu.memory_space<hbm>>
      %dma_wait3A_257 = arith.constant 0 : i32
      %dma_wait3A_258 = tpu.memref_slice %dma_wait3A_256[%add3A_228, %dma_wait3A_257] : memref<40x128xi32, #tpu.memory_space<hbm>> -> memref<1x128xi32, #tpu.memory_space<hbm>>
      %dma_wait3A_259 = tpu.memref_squeeze %dma_wait3A_258 : memref<1x128xi32, #tpu.memory_space<hbm>> -> memref<128xi32, #tpu.memory_space<hbm>>
      tpu.wait_dma2 semaphore(%arg18 : memref<!tpu.dma_semaphore, #tpu.memory_space<semaphore_mem>>) src(%dma_wait3A_259 : memref<128xi32, #tpu.memory_space<hbm>>) dst(%dma_wait3A_252 : memref<128xi32, #tpu.memory_space<vmem>>)
      %dma_start3A_260 = arith.constant 2 : i32
      %dma_start3A_261 = arith.constant 0 : i32
      %dma_start3A_262 = tpu.memref_slice %arg7[%dma_start3A_260, %dma_start3A_261] : memref<4x128xi32, #tpu.memory_space<vmem>> -> memref<1x128xi32, #tpu.memory_space<vmem>>
      %dma_start3A_263 = tpu.memref_squeeze %dma_start3A_262 : memref<1x128xi32, #tpu.memory_space<vmem>> -> memref<128xi32, #tpu.memory_space<vmem>>
      %dma_start3A_264 = arith.constant 0 : i32
      %dma_start3A_265 = arith.constant 0 : i32
      %dma_start3A_266 = tpu.memref_slice %arg2[%dma_start3A_264, %dma_start3A_265] : memref<10000x128xf32, #tpu.memory_space<hbm>> -> memref<10000x128xf32, #tpu.memory_space<hbm>>
      tpu.enqueue_indirect_dma source(%dma_start3A_266 : memref<10000x128xf32, #tpu.memory_space<hbm>>) target(%arg8 : memref<128x128xf32, #tpu.memory_space<vmem>>) offsets(%dma_start3A_263 : memref<128xi32, #tpu.memory_space<vmem>>) semaphore(%arg12 : memref<!tpu.dma_semaphore, #tpu.memory_space<semaphore_mem>>)
      %dma_wait3A_267 = arith.constant 0 : i32
      %dma_wait3A_268 = arith.constant 0 : i32
      %dma_wait3A_269 = tpu.memref_slice %arg7[%dma_wait3A_267, %dma_wait3A_268] : memref<4x128xi32, #tpu.memory_space<vmem>> -> memref<1x128xi32, #tpu.memory_space<vmem>>
      %dma_wait3A_270 = tpu.memref_squeeze %dma_wait3A_269 : memref<1x128xi32, #tpu.memory_space<vmem>> -> memref<128xi32, #tpu.memory_space<vmem>>
      %dma_wait3A_271 = arith.constant 0 : i32
      %dma_wait3A_272 = arith.constant 0 : i32
      %dma_wait3A_273 = tpu.memref_slice %arg2[%dma_wait3A_271, %dma_wait3A_272] : memref<10000x128xf32, #tpu.memory_space<hbm>> -> memref<10000x128xf32, #tpu.memory_space<hbm>>
      tpu.wait_indirect_dma semaphore(%arg13 : memref<!tpu.dma_semaphore, #tpu.memory_space<semaphore_mem>>) src(%dma_wait3A_273 : memref<10000x128xf32, #tpu.memory_space<hbm>>) dst(%arg9 : memref<128x128xf32, #tpu.memory_space<vmem>>)
      %sub3A_274 = arith.constant 1 : i32
      %sub3A_275 = arith.subi %add3A_228, %sub3A_274 : i32
      %dma_start3A_276 = arith.constant 0 : i32
      %dma_start3A_277 = tpu.memref_slice %arg6[%sub3A_275, %dma_start3A_276] : memref<40x128xi32, #tpu.memory_space<vmem>> -> memref<1x128xi32, #tpu.memory_space<vmem>>
      %dma_start3A_278 = tpu.memref_squeeze %dma_start3A_277 : memref<1x128xi32, #tpu.memory_space<vmem>> -> memref<128xi32, #tpu.memory_space<vmem>>
      %dma_start3A_279 = arith.constant 0 : i32
      %dma_start3A_280 = arith.constant 0 : i32
      %dma_start3A_281 = tpu.memref_slice %arg11[%dma_start3A_279, %dma_start3A_280] : memref<10240x128xf32, #tpu.memory_space<vmem_shared>> -> memref<10240x128xf32, #tpu.memory_space<vmem_shared>>
      tpu.enqueue_indirect_dma source(%arg9 : memref<128x128xf32, #tpu.memory_space<vmem>>) target(%dma_start3A_281 : memref<10240x128xf32, #tpu.memory_space<vmem_shared>>) offsets(%dma_start3A_278 : memref<128xi32, #tpu.memory_space<vmem>>) semaphore(%arg15 : memref<!tpu.dma_semaphore, #tpu.memory_space<semaphore_mem>>) {add = true}
      %mul3A_282 = arith.constant 8 : i32
      %mul3A_283 = arith.muli %add3A_134, %mul3A_282 : i32
      %add3A_284 = arith.constant 3 : i32
      %add3A_285 = arith.addi %mul3A_283, %add3A_284 : i32
      %dma_wait3A_286 = arith.constant 0 : i32
      %dma_wait3A_287 = tpu.memref_slice %arg6[%add3A_285, %dma_wait3A_286] : memref<40x128xi32, #tpu.memory_space<vmem>> -> memref<1x128xi32, #tpu.memory_space<vmem>>
      %dma_wait3A_288 = tpu.memref_squeeze %dma_wait3A_287 : memref<1x128xi32, #tpu.memory_space<vmem>> -> memref<128xi32, #tpu.memory_space<vmem>>
      %dma_wait3A_289 = arith.constant 0 : i32
      %dma_wait3A_290 = arith.constant 0 : i32
      %dma_wait3A_291 = tpu.memref_slice %arg11[%dma_wait3A_289, %dma_wait3A_290] : memref<10240x128xf32, #tpu.memory_space<vmem_shared>> -> memref<10240x128xf32, #tpu.memory_space<vmem_shared>>
      tpu.wait_indirect_dma semaphore(%arg15 : memref<!tpu.dma_semaphore, #tpu.memory_space<semaphore_mem>>) src(%arg9 : memref<128x128xf32, #tpu.memory_space<vmem>>) dst(%dma_wait3A_291 : memref<10240x128xf32, #tpu.memory_space<vmem_shared>>)
      %lt3A_292 = arith.constant 38 : i32
      %lt3A_293 = arith.cmpi slt, %add3A_285, %lt3A_292 : i32
      %convert_element_type3A_294 = arith.extui %lt3A_293 : i1 to i32
      %cond3A_295 = arith.constant 0 : i32
      %cond3A_296 = arith.cmpi ne, %convert_element_type3A_294, %cond3A_295 : i32
      scf.if %cond3A_296 {
        %add3A_572 = arith.constant 2 : i32
        %add3A_573 = arith.addi %add3A_285, %add3A_572 : i32
        %dma_start3A_574 = arith.constant 1 : i32
        %dma_start3A_575 = arith.constant 0 : i32
        %dma_start3A_576 = tpu.memref_slice %arg7[%dma_start3A_574, %dma_start3A_575] : memref<4x128xi32, #tpu.memory_space<vmem>> -> memref<1x128xi32, #tpu.memory_space<vmem>>
        %dma_start3A_577 = tpu.memref_squeeze %dma_start3A_576 : memref<1x128xi32, #tpu.memory_space<vmem>> -> memref<128xi32, #tpu.memory_space<vmem>>
        %dma_start3A_578 = arith.constant 0 : i32
        %dma_start3A_579 = arith.constant 0 : i32
        %dma_start3A_580 = tpu.memref_slice %arg3[%arg0, %arg1, %dma_start3A_578, %dma_start3A_579] : memref<2x16x40x128xi32, #tpu.memory_space<hbm>> -> memref<1x1x40x128xi32, #tpu.memory_space<hbm>>
        %dma_start3A_581 = tpu.memref_squeeze %dma_start3A_580 : memref<1x1x40x128xi32, #tpu.memory_space<hbm>> -> memref<40x128xi32, #tpu.memory_space<hbm>>
        %dma_start3A_582 = arith.constant 0 : i32
        %dma_start3A_583 = tpu.memref_slice %dma_start3A_581[%add3A_573, %dma_start3A_582] : memref<40x128xi32, #tpu.memory_space<hbm>> -> memref<1x128xi32, #tpu.memory_space<hbm>>
        %dma_start3A_584 = tpu.memref_squeeze %dma_start3A_583 : memref<1x128xi32, #tpu.memory_space<hbm>> -> memref<128xi32, #tpu.memory_space<hbm>>
        %dma_start3A_585 = arith.constant 0 : i32
        %dma_start3A_586 = tpu.memref_slice %arg7[%dma_start3A_574, %dma_start3A_585] : memref<4x128xi32, #tpu.memory_space<vmem>> -> memref<1x128xi32, #tpu.memory_space<vmem>>
        %dma_start3A_587 = tpu.memref_squeeze %dma_start3A_586 : memref<1x128xi32, #tpu.memory_space<vmem>> -> memref<128xi32, #tpu.memory_space<vmem>>
        %dma_start3A_588 = arith.constant 0 : i32
        %dma_start3A_589 = arith.constant 0 : i32
        %dma_start3A_590 = tpu.memref_slice %arg3[%arg0, %arg1, %dma_start3A_588, %dma_start3A_589] : memref<2x16x40x128xi32, #tpu.memory_space<hbm>> -> memref<1x1x40x128xi32, #tpu.memory_space<hbm>>
        %dma_start3A_591 = tpu.memref_squeeze %dma_start3A_590 : memref<1x1x40x128xi32, #tpu.memory_space<hbm>> -> memref<40x128xi32, #tpu.memory_space<hbm>>
        %dma_start3A_592 = arith.constant 0 : i32
        %dma_start3A_593 = tpu.memref_slice %dma_start3A_591[%add3A_573, %dma_start3A_592] : memref<40x128xi32, #tpu.memory_space<hbm>> -> memref<1x128xi32, #tpu.memory_space<hbm>>
        %dma_start3A_594 = tpu.memref_squeeze %dma_start3A_593 : memref<1x128xi32, #tpu.memory_space<hbm>> -> memref<128xi32, #tpu.memory_space<hbm>>
        tpu.enqueue_dma source(%dma_start3A_594 : memref<128xi32, #tpu.memory_space<hbm>>) target(%dma_start3A_587 : memref<128xi32, #tpu.memory_space<vmem>>) target_semaphore(%arg17 : memref<!tpu.dma_semaphore, #tpu.memory_space<semaphore_mem>>)
      } else {
      }
      %dma_wait3A_297 = arith.constant 3 : i32
      %dma_wait3A_298 = arith.constant 0 : i32
      %dma_wait3A_299 = tpu.memref_slice %arg7[%dma_wait3A_297, %dma_wait3A_298] : memref<4x128xi32, #tpu.memory_space<vmem>> -> memref<1x128xi32, #tpu.memory_space<vmem>>
      %dma_wait3A_300 = tpu.memref_squeeze %dma_wait3A_299 : memref<1x128xi32, #tpu.memory_space<vmem>> -> memref<128xi32, #tpu.memory_space<vmem>>
      %dma_wait3A_301 = arith.constant 0 : i32
      %dma_wait3A_302 = arith.constant 0 : i32
      %dma_wait3A_303 = tpu.memref_slice %arg3[%arg0, %arg1, %dma_wait3A_301, %dma_wait3A_302] : memref<2x16x40x128xi32, #tpu.memory_space<hbm>> -> memref<1x1x40x128xi32, #tpu.memory_space<hbm>>
      %dma_wait3A_304 = tpu.memref_squeeze %dma_wait3A_303 : memref<1x1x40x128xi32, #tpu.memory_space<hbm>> -> memref<40x128xi32, #tpu.memory_space<hbm>>
      %dma_wait3A_305 = arith.constant 0 : i32
      %dma_wait3A_306 = tpu.memref_slice %dma_wait3A_304[%add3A_285, %dma_wait3A_305] : memref<40x128xi32, #tpu.memory_space<hbm>> -> memref<1x128xi32, #tpu.memory_space<hbm>>
      %dma_wait3A_307 = tpu.memref_squeeze %dma_wait3A_306 : memref<1x128xi32, #tpu.memory_space<hbm>> -> memref<128xi32, #tpu.memory_space<hbm>>
      %dma_wait3A_308 = arith.constant 0 : i32
      %dma_wait3A_309 = tpu.memref_slice %arg7[%dma_wait3A_297, %dma_wait3A_308] : memref<4x128xi32, #tpu.memory_space<vmem>> -> memref<1x128xi32, #tpu.memory_space<vmem>>
      %dma_wait3A_310 = tpu.memref_squeeze %dma_wait3A_309 : memref<1x128xi32, #tpu.memory_space<vmem>> -> memref<128xi32, #tpu.memory_space<vmem>>
      %dma_wait3A_311 = arith.constant 0 : i32
      %dma_wait3A_312 = arith.constant 0 : i32
      %dma_wait3A_313 = tpu.memref_slice %arg3[%arg0, %arg1, %dma_wait3A_311, %dma_wait3A_312] : memref<2x16x40x128xi32, #tpu.memory_space<hbm>> -> memref<1x1x40x128xi32, #tpu.memory_space<hbm>>
      %dma_wait3A_314 = tpu.memref_squeeze %dma_wait3A_313 : memref<1x1x40x128xi32, #tpu.memory_space<hbm>> -> memref<40x128xi32, #tpu.memory_space<hbm>>
      %dma_wait3A_315 = arith.constant 0 : i32
      %dma_wait3A_316 = tpu.memref_slice %dma_wait3A_314[%add3A_285, %dma_wait3A_315] : memref<40x128xi32, #tpu.memory_space<hbm>> -> memref<1x128xi32, #tpu.memory_space<hbm>>
      %dma_wait3A_317 = tpu.memref_squeeze %dma_wait3A_316 : memref<1x128xi32, #tpu.memory_space<hbm>> -> memref<128xi32, #tpu.memory_space<hbm>>
      tpu.wait_dma2 semaphore(%arg19 : memref<!tpu.dma_semaphore, #tpu.memory_space<semaphore_mem>>) src(%dma_wait3A_317 : memref<128xi32, #tpu.memory_space<hbm>>) dst(%dma_wait3A_310 : memref<128xi32, #tpu.memory_space<vmem>>)
      %dma_start3A_318 = arith.constant 3 : i32
      %dma_start3A_319 = arith.constant 0 : i32
      %dma_start3A_320 = tpu.memref_slice %arg7[%dma_start3A_318, %dma_start3A_319] : memref<4x128xi32, #tpu.memory_space<vmem>> -> memref<1x128xi32, #tpu.memory_space<vmem>>
      %dma_start3A_321 = tpu.memref_squeeze %dma_start3A_320 : memref<1x128xi32, #tpu.memory_space<vmem>> -> memref<128xi32, #tpu.memory_space<vmem>>
      %dma_start3A_322 = arith.constant 0 : i32
      %dma_start3A_323 = arith.constant 0 : i32
      %dma_start3A_324 = tpu.memref_slice %arg2[%dma_start3A_322, %dma_start3A_323] : memref<10000x128xf32, #tpu.memory_space<hbm>> -> memref<10000x128xf32, #tpu.memory_space<hbm>>
      tpu.enqueue_indirect_dma source(%dma_start3A_324 : memref<10000x128xf32, #tpu.memory_space<hbm>>) target(%arg9 : memref<128x128xf32, #tpu.memory_space<vmem>>) offsets(%dma_start3A_321 : memref<128xi32, #tpu.memory_space<vmem>>) semaphore(%arg13 : memref<!tpu.dma_semaphore, #tpu.memory_space<semaphore_mem>>)
      %dma_wait3A_325 = arith.constant 0 : i32
      %dma_wait3A_326 = arith.constant 0 : i32
      %dma_wait3A_327 = tpu.memref_slice %arg7[%dma_wait3A_325, %dma_wait3A_326] : memref<4x128xi32, #tpu.memory_space<vmem>> -> memref<1x128xi32, #tpu.memory_space<vmem>>
      %dma_wait3A_328 = tpu.memref_squeeze %dma_wait3A_327 : memref<1x128xi32, #tpu.memory_space<vmem>> -> memref<128xi32, #tpu.memory_space<vmem>>
      %dma_wait3A_329 = arith.constant 0 : i32
      %dma_wait3A_330 = arith.constant 0 : i32
      %dma_wait3A_331 = tpu.memref_slice %arg2[%dma_wait3A_329, %dma_wait3A_330] : memref<10000x128xf32, #tpu.memory_space<hbm>> -> memref<10000x128xf32, #tpu.memory_space<hbm>>
      tpu.wait_indirect_dma semaphore(%arg12 : memref<!tpu.dma_semaphore, #tpu.memory_space<semaphore_mem>>) src(%dma_wait3A_331 : memref<10000x128xf32, #tpu.memory_space<hbm>>) dst(%arg8 : memref<128x128xf32, #tpu.memory_space<vmem>>)
      %sub3A_332 = arith.constant 1 : i32
      %sub3A_333 = arith.subi %add3A_285, %sub3A_332 : i32
      %dma_start3A_334 = arith.constant 0 : i32
      %dma_start3A_335 = tpu.memref_slice %arg6[%sub3A_333, %dma_start3A_334] : memref<40x128xi32, #tpu.memory_space<vmem>> -> memref<1x128xi32, #tpu.memory_space<vmem>>
      %dma_start3A_336 = tpu.memref_squeeze %dma_start3A_335 : memref<1x128xi32, #tpu.memory_space<vmem>> -> memref<128xi32, #tpu.memory_space<vmem>>
      %dma_start3A_337 = arith.constant 0 : i32
      %dma_start3A_338 = arith.constant 0 : i32
      %dma_start3A_339 = tpu.memref_slice %arg11[%dma_start3A_337, %dma_start3A_338] : memref<10240x128xf32, #tpu.memory_space<vmem_shared>> -> memref<10240x128xf32, #tpu.memory_space<vmem_shared>>
      tpu.enqueue_indirect_dma source(%arg8 : memref<128x128xf32, #tpu.memory_space<vmem>>) target(%dma_start3A_339 : memref<10240x128xf32, #tpu.memory_space<vmem_shared>>) offsets(%dma_start3A_336 : memref<128xi32, #tpu.memory_space<vmem>>) semaphore(%arg14 : memref<!tpu.dma_semaphore, #tpu.memory_space<semaphore_mem>>) {add = true}
      %mul3A_340 = arith.constant 8 : i32
      %mul3A_341 = arith.muli %add3A_134, %mul3A_340 : i32
      %add3A_342 = arith.constant 4 : i32
      %add3A_343 = arith.addi %mul3A_341, %add3A_342 : i32
      %dma_wait3A_344 = arith.constant 0 : i32
      %dma_wait3A_345 = tpu.memref_slice %arg6[%add3A_343, %dma_wait3A_344] : memref<40x128xi32, #tpu.memory_space<vmem>> -> memref<1x128xi32, #tpu.memory_space<vmem>>
      %dma_wait3A_346 = tpu.memref_squeeze %dma_wait3A_345 : memref<1x128xi32, #tpu.memory_space<vmem>> -> memref<128xi32, #tpu.memory_space<vmem>>
      %dma_wait3A_347 = arith.constant 0 : i32
      %dma_wait3A_348 = arith.constant 0 : i32
      %dma_wait3A_349 = tpu.memref_slice %arg11[%dma_wait3A_347, %dma_wait3A_348] : memref<10240x128xf32, #tpu.memory_space<vmem_shared>> -> memref<10240x128xf32, #tpu.memory_space<vmem_shared>>
      tpu.wait_indirect_dma semaphore(%arg14 : memref<!tpu.dma_semaphore, #tpu.memory_space<semaphore_mem>>) src(%arg8 : memref<128x128xf32, #tpu.memory_space<vmem>>) dst(%dma_wait3A_349 : memref<10240x128xf32, #tpu.memory_space<vmem_shared>>)
      %lt3A_350 = arith.constant 38 : i32
      %lt3A_351 = arith.cmpi slt, %add3A_343, %lt3A_350 : i32
      %convert_element_type3A_352 = arith.extui %lt3A_351 : i1 to i32
      %cond3A_353 = arith.constant 0 : i32
      %cond3A_354 = arith.cmpi ne, %convert_element_type3A_352, %cond3A_353 : i32
      scf.if %cond3A_354 {
        %add3A_572 = arith.constant 2 : i32
        %add3A_573 = arith.addi %add3A_343, %add3A_572 : i32
        %dma_start3A_574 = arith.constant 2 : i32
        %dma_start3A_575 = arith.constant 0 : i32
        %dma_start3A_576 = tpu.memref_slice %arg7[%dma_start3A_574, %dma_start3A_575] : memref<4x128xi32, #tpu.memory_space<vmem>> -> memref<1x128xi32, #tpu.memory_space<vmem>>
        %dma_start3A_577 = tpu.memref_squeeze %dma_start3A_576 : memref<1x128xi32, #tpu.memory_space<vmem>> -> memref<128xi32, #tpu.memory_space<vmem>>
        %dma_start3A_578 = arith.constant 0 : i32
        %dma_start3A_579 = arith.constant 0 : i32
        %dma_start3A_580 = tpu.memref_slice %arg3[%arg0, %arg1, %dma_start3A_578, %dma_start3A_579] : memref<2x16x40x128xi32, #tpu.memory_space<hbm>> -> memref<1x1x40x128xi32, #tpu.memory_space<hbm>>
        %dma_start3A_581 = tpu.memref_squeeze %dma_start3A_580 : memref<1x1x40x128xi32, #tpu.memory_space<hbm>> -> memref<40x128xi32, #tpu.memory_space<hbm>>
        %dma_start3A_582 = arith.constant 0 : i32
        %dma_start3A_583 = tpu.memref_slice %dma_start3A_581[%add3A_573, %dma_start3A_582] : memref<40x128xi32, #tpu.memory_space<hbm>> -> memref<1x128xi32, #tpu.memory_space<hbm>>
        %dma_start3A_584 = tpu.memref_squeeze %dma_start3A_583 : memref<1x128xi32, #tpu.memory_space<hbm>> -> memref<128xi32, #tpu.memory_space<hbm>>
        %dma_start3A_585 = arith.constant 0 : i32
        %dma_start3A_586 = tpu.memref_slice %arg7[%dma_start3A_574, %dma_start3A_585] : memref<4x128xi32, #tpu.memory_space<vmem>> -> memref<1x128xi32, #tpu.memory_space<vmem>>
        %dma_start3A_587 = tpu.memref_squeeze %dma_start3A_586 : memref<1x128xi32, #tpu.memory_space<vmem>> -> memref<128xi32, #tpu.memory_space<vmem>>
        %dma_start3A_588 = arith.constant 0 : i32
        %dma_start3A_589 = arith.constant 0 : i32
        %dma_start3A_590 = tpu.memref_slice %arg3[%arg0, %arg1, %dma_start3A_588, %dma_start3A_589] : memref<2x16x40x128xi32, #tpu.memory_space<hbm>> -> memref<1x1x40x128xi32, #tpu.memory_space<hbm>>
        %dma_start3A_591 = tpu.memref_squeeze %dma_start3A_590 : memref<1x1x40x128xi32, #tpu.memory_space<hbm>> -> memref<40x128xi32, #tpu.memory_space<hbm>>
        %dma_start3A_592 = arith.constant 0 : i32
        %dma_start3A_593 = tpu.memref_slice %dma_start3A_591[%add3A_573, %dma_start3A_592] : memref<40x128xi32, #tpu.memory_space<hbm>> -> memref<1x128xi32, #tpu.memory_space<hbm>>
        %dma_start3A_594 = tpu.memref_squeeze %dma_start3A_593 : memref<1x128xi32, #tpu.memory_space<hbm>> -> memref<128xi32, #tpu.memory_space<hbm>>
        tpu.enqueue_dma source(%dma_start3A_594 : memref<128xi32, #tpu.memory_space<hbm>>) target(%dma_start3A_587 : memref<128xi32, #tpu.memory_space<vmem>>) target_semaphore(%arg18 : memref<!tpu.dma_semaphore, #tpu.memory_space<semaphore_mem>>)
      } else {
      }
      %dma_wait3A_355 = arith.constant 0 : i32
      %dma_wait3A_356 = arith.constant 0 : i32
      %dma_wait3A_357 = tpu.memref_slice %arg7[%dma_wait3A_355, %dma_wait3A_356] : memref<4x128xi32, #tpu.memory_space<vmem>> -> memref<1x128xi32, #tpu.memory_space<vmem>>
      %dma_wait3A_358 = tpu.memref_squeeze %dma_wait3A_357 : memref<1x128xi32, #tpu.memory_space<vmem>> -> memref<128xi32, #tpu.memory_space<vmem>>
      %dma_wait3A_359 = arith.constant 0 : i32
      %dma_wait3A_360 = arith.constant 0 : i32
      %dma_wait3A_361 = tpu.memref_slice %arg3[%arg0, %arg1, %dma_wait3A_359, %dma_wait3A_360] : memref<2x16x40x128xi32, #tpu.memory_space<hbm>> -> memref<1x1x40x128xi32, #tpu.memory_space<hbm>>
      %dma_wait3A_362 = tpu.memref_squeeze %dma_wait3A_361 : memref<1x1x40x128xi32, #tpu.memory_space<hbm>> -> memref<40x128xi32, #tpu.memory_space<hbm>>
      %dma_wait3A_363 = arith.constant 0 : i32
      %dma_wait3A_364 = tpu.memref_slice %dma_wait3A_362[%add3A_343, %dma_wait3A_363] : memref<40x128xi32, #tpu.memory_space<hbm>> -> memref<1x128xi32, #tpu.memory_space<hbm>>
      %dma_wait3A_365 = tpu.memref_squeeze %dma_wait3A_364 : memref<1x128xi32, #tpu.memory_space<hbm>> -> memref<128xi32, #tpu.memory_space<hbm>>
      %dma_wait3A_366 = arith.constant 0 : i32
      %dma_wait3A_367 = tpu.memref_slice %arg7[%dma_wait3A_355, %dma_wait3A_366] : memref<4x128xi32, #tpu.memory_space<vmem>> -> memref<1x128xi32, #tpu.memory_space<vmem>>
      %dma_wait3A_368 = tpu.memref_squeeze %dma_wait3A_367 : memref<1x128xi32, #tpu.memory_space<vmem>> -> memref<128xi32, #tpu.memory_space<vmem>>
      %dma_wait3A_369 = arith.constant 0 : i32
      %dma_wait3A_370 = arith.constant 0 : i32
      %dma_wait3A_371 = tpu.memref_slice %arg3[%arg0, %arg1, %dma_wait3A_369, %dma_wait3A_370] : memref<2x16x40x128xi32, #tpu.memory_space<hbm>> -> memref<1x1x40x128xi32, #tpu.memory_space<hbm>>
      %dma_wait3A_372 = tpu.memref_squeeze %dma_wait3A_371 : memref<1x1x40x128xi32, #tpu.memory_space<hbm>> -> memref<40x128xi32, #tpu.memory_space<hbm>>
      %dma_wait3A_373 = arith.constant 0 : i32
      %dma_wait3A_374 = tpu.memref_slice %dma_wait3A_372[%add3A_343, %dma_wait3A_373] : memref<40x128xi32, #tpu.memory_space<hbm>> -> memref<1x128xi32, #tpu.memory_space<hbm>>
      %dma_wait3A_375 = tpu.memref_squeeze %dma_wait3A_374 : memref<1x128xi32, #tpu.memory_space<hbm>> -> memref<128xi32, #tpu.memory_space<hbm>>
      tpu.wait_dma2 semaphore(%arg16 : memref<!tpu.dma_semaphore, #tpu.memory_space<semaphore_mem>>) src(%dma_wait3A_375 : memref<128xi32, #tpu.memory_space<hbm>>) dst(%dma_wait3A_368 : memref<128xi32, #tpu.memory_space<vmem>>)
      %dma_start3A_376 = arith.constant 0 : i32
      %dma_start3A_377 = arith.constant 0 : i32
      %dma_start3A_378 = tpu.memref_slice %arg7[%dma_start3A_376, %dma_start3A_377] : memref<4x128xi32, #tpu.memory_space<vmem>> -> memref<1x128xi32, #tpu.memory_space<vmem>>
      %dma_start3A_379 = tpu.memref_squeeze %dma_start3A_378 : memref<1x128xi32, #tpu.memory_space<vmem>> -> memref<128xi32, #tpu.memory_space<vmem>>
      %dma_start3A_380 = arith.constant 0 : i32
      %dma_start3A_381 = arith.constant 0 : i32
      %dma_start3A_382 = tpu.memref_slice %arg2[%dma_start3A_380, %dma_start3A_381] : memref<10000x128xf32, #tpu.memory_space<hbm>> -> memref<10000x128xf32, #tpu.memory_space<hbm>>
      tpu.enqueue_indirect_dma source(%dma_start3A_382 : memref<10000x128xf32, #tpu.memory_space<hbm>>) target(%arg8 : memref<128x128xf32, #tpu.memory_space<vmem>>) offsets(%dma_start3A_379 : memref<128xi32, #tpu.memory_space<vmem>>) semaphore(%arg12 : memref<!tpu.dma_semaphore, #tpu.memory_space<semaphore_mem>>)
      %dma_wait3A_383 = arith.constant 0 : i32
      %dma_wait3A_384 = arith.constant 0 : i32
      %dma_wait3A_385 = tpu.memref_slice %arg7[%dma_wait3A_383, %dma_wait3A_384] : memref<4x128xi32, #tpu.memory_space<vmem>> -> memref<1x128xi32, #tpu.memory_space<vmem>>
      %dma_wait3A_386 = tpu.memref_squeeze %dma_wait3A_385 : memref<1x128xi32, #tpu.memory_space<vmem>> -> memref<128xi32, #tpu.memory_space<vmem>>
      %dma_wait3A_387 = arith.constant 0 : i32
      %dma_wait3A_388 = arith.constant 0 : i32
      %dma_wait3A_389 = tpu.memref_slice %arg2[%dma_wait3A_387, %dma_wait3A_388] : memref<10000x128xf32, #tpu.memory_space<hbm>> -> memref<10000x128xf32, #tpu.memory_space<hbm>>
      tpu.wait_indirect_dma semaphore(%arg13 : memref<!tpu.dma_semaphore, #tpu.memory_space<semaphore_mem>>) src(%dma_wait3A_389 : memref<10000x128xf32, #tpu.memory_space<hbm>>) dst(%arg9 : memref<128x128xf32, #tpu.memory_space<vmem>>)
      %sub3A_390 = arith.constant 1 : i32
      %sub3A_391 = arith.subi %add3A_343, %sub3A_390 : i32
      %dma_start3A_392 = arith.constant 0 : i32
      %dma_start3A_393 = tpu.memref_slice %arg6[%sub3A_391, %dma_start3A_392] : memref<40x128xi32, #tpu.memory_space<vmem>> -> memref<1x128xi32, #tpu.memory_space<vmem>>
      %dma_start3A_394 = tpu.memref_squeeze %dma_start3A_393 : memref<1x128xi32, #tpu.memory_space<vmem>> -> memref<128xi32, #tpu.memory_space<vmem>>
      %dma_start3A_395 = arith.constant 0 : i32
      %dma_start3A_396 = arith.constant 0 : i32
      %dma_start3A_397 = tpu.memref_slice %arg11[%dma_start3A_395, %dma_start3A_396] : memref<10240x128xf32, #tpu.memory_space<vmem_shared>> -> memref<10240x128xf32, #tpu.memory_space<vmem_shared>>
      tpu.enqueue_indirect_dma source(%arg9 : memref<128x128xf32, #tpu.memory_space<vmem>>) target(%dma_start3A_397 : memref<10240x128xf32, #tpu.memory_space<vmem_shared>>) offsets(%dma_start3A_394 : memref<128xi32, #tpu.memory_space<vmem>>) semaphore(%arg15 : memref<!tpu.dma_semaphore, #tpu.memory_space<semaphore_mem>>) {add = true}
      %mul3A_398 = arith.constant 8 : i32
      %mul3A_399 = arith.muli %add3A_134, %mul3A_398 : i32
      %add3A_400 = arith.constant 5 : i32
      %add3A_401 = arith.addi %mul3A_399, %add3A_400 : i32
      %dma_wait3A_402 = arith.constant 0 : i32
      %dma_wait3A_403 = tpu.memref_slice %arg6[%add3A_401, %dma_wait3A_402] : memref<40x128xi32, #tpu.memory_space<vmem>> -> memref<1x128xi32, #tpu.memory_space<vmem>>
      %dma_wait3A_404 = tpu.memref_squeeze %dma_wait3A_403 : memref<1x128xi32, #tpu.memory_space<vmem>> -> memref<128xi32, #tpu.memory_space<vmem>>
      %dma_wait3A_405 = arith.constant 0 : i32
      %dma_wait3A_406 = arith.constant 0 : i32
      %dma_wait3A_407 = tpu.memref_slice %arg11[%dma_wait3A_405, %dma_wait3A_406] : memref<10240x128xf32, #tpu.memory_space<vmem_shared>> -> memref<10240x128xf32, #tpu.memory_space<vmem_shared>>
      tpu.wait_indirect_dma semaphore(%arg15 : memref<!tpu.dma_semaphore, #tpu.memory_space<semaphore_mem>>) src(%arg9 : memref<128x128xf32, #tpu.memory_space<vmem>>) dst(%dma_wait3A_407 : memref<10240x128xf32, #tpu.memory_space<vmem_shared>>)
      %lt3A_408 = arith.constant 38 : i32
      %lt3A_409 = arith.cmpi slt, %add3A_401, %lt3A_408 : i32
      %convert_element_type3A_410 = arith.extui %lt3A_409 : i1 to i32
      %cond3A_411 = arith.constant 0 : i32
      %cond3A_412 = arith.cmpi ne, %convert_element_type3A_410, %cond3A_411 : i32
      scf.if %cond3A_412 {
        %add3A_572 = arith.constant 2 : i32
        %add3A_573 = arith.addi %add3A_401, %add3A_572 : i32
        %dma_start3A_574 = arith.constant 3 : i32
        %dma_start3A_575 = arith.constant 0 : i32
        %dma_start3A_576 = tpu.memref_slice %arg7[%dma_start3A_574, %dma_start3A_575] : memref<4x128xi32, #tpu.memory_space<vmem>> -> memref<1x128xi32, #tpu.memory_space<vmem>>
        %dma_start3A_577 = tpu.memref_squeeze %dma_start3A_576 : memref<1x128xi32, #tpu.memory_space<vmem>> -> memref<128xi32, #tpu.memory_space<vmem>>
        %dma_start3A_578 = arith.constant 0 : i32
        %dma_start3A_579 = arith.constant 0 : i32
        %dma_start3A_580 = tpu.memref_slice %arg3[%arg0, %arg1, %dma_start3A_578, %dma_start3A_579] : memref<2x16x40x128xi32, #tpu.memory_space<hbm>> -> memref<1x1x40x128xi32, #tpu.memory_space<hbm>>
        %dma_start3A_581 = tpu.memref_squeeze %dma_start3A_580 : memref<1x1x40x128xi32, #tpu.memory_space<hbm>> -> memref<40x128xi32, #tpu.memory_space<hbm>>
        %dma_start3A_582 = arith.constant 0 : i32
        %dma_start3A_583 = tpu.memref_slice %dma_start3A_581[%add3A_573, %dma_start3A_582] : memref<40x128xi32, #tpu.memory_space<hbm>> -> memref<1x128xi32, #tpu.memory_space<hbm>>
        %dma_start3A_584 = tpu.memref_squeeze %dma_start3A_583 : memref<1x128xi32, #tpu.memory_space<hbm>> -> memref<128xi32, #tpu.memory_space<hbm>>
        %dma_start3A_585 = arith.constant 0 : i32
        %dma_start3A_586 = tpu.memref_slice %arg7[%dma_start3A_574, %dma_start3A_585] : memref<4x128xi32, #tpu.memory_space<vmem>> -> memref<1x128xi32, #tpu.memory_space<vmem>>
        %dma_start3A_587 = tpu.memref_squeeze %dma_start3A_586 : memref<1x128xi32, #tpu.memory_space<vmem>> -> memref<128xi32, #tpu.memory_space<vmem>>
        %dma_start3A_588 = arith.constant 0 : i32
        %dma_start3A_589 = arith.constant 0 : i32
        %dma_start3A_590 = tpu.memref_slice %arg3[%arg0, %arg1, %dma_start3A_588, %dma_start3A_589] : memref<2x16x40x128xi32, #tpu.memory_space<hbm>> -> memref<1x1x40x128xi32, #tpu.memory_space<hbm>>
        %dma_start3A_591 = tpu.memref_squeeze %dma_start3A_590 : memref<1x1x40x128xi32, #tpu.memory_space<hbm>> -> memref<40x128xi32, #tpu.memory_space<hbm>>
        %dma_start3A_592 = arith.constant 0 : i32
        %dma_start3A_593 = tpu.memref_slice %dma_start3A_591[%add3A_573, %dma_start3A_592] : memref<40x128xi32, #tpu.memory_space<hbm>> -> memref<1x128xi32, #tpu.memory_space<hbm>>
        %dma_start3A_594 = tpu.memref_squeeze %dma_start3A_593 : memref<1x128xi32, #tpu.memory_space<hbm>> -> memref<128xi32, #tpu.memory_space<hbm>>
        tpu.enqueue_dma source(%dma_start3A_594 : memref<128xi32, #tpu.memory_space<hbm>>) target(%dma_start3A_587 : memref<128xi32, #tpu.memory_space<vmem>>) target_semaphore(%arg19 : memref<!tpu.dma_semaphore, #tpu.memory_space<semaphore_mem>>)
      } else {
      }
      %dma_wait3A_413 = arith.constant 1 : i32
      %dma_wait3A_414 = arith.constant 0 : i32
      %dma_wait3A_415 = tpu.memref_slice %arg7[%dma_wait3A_413, %dma_wait3A_414] : memref<4x128xi32, #tpu.memory_space<vmem>> -> memref<1x128xi32, #tpu.memory_space<vmem>>
      %dma_wait3A_416 = tpu.memref_squeeze %dma_wait3A_415 : memref<1x128xi32, #tpu.memory_space<vmem>> -> memref<128xi32, #tpu.memory_space<vmem>>
      %dma_wait3A_417 = arith.constant 0 : i32
      %dma_wait3A_418 = arith.constant 0 : i32
      %dma_wait3A_419 = tpu.memref_slice %arg3[%arg0, %arg1, %dma_wait3A_417, %dma_wait3A_418] : memref<2x16x40x128xi32, #tpu.memory_space<hbm>> -> memref<1x1x40x128xi32, #tpu.memory_space<hbm>>
      %dma_wait3A_420 = tpu.memref_squeeze %dma_wait3A_419 : memref<1x1x40x128xi32, #tpu.memory_space<hbm>> -> memref<40x128xi32, #tpu.memory_space<hbm>>
      %dma_wait3A_421 = arith.constant 0 : i32
      %dma_wait3A_422 = tpu.memref_slice %dma_wait3A_420[%add3A_401, %dma_wait3A_421] : memref<40x128xi32, #tpu.memory_space<hbm>> -> memref<1x128xi32, #tpu.memory_space<hbm>>
      %dma_wait3A_423 = tpu.memref_squeeze %dma_wait3A_422 : memref<1x128xi32, #tpu.memory_space<hbm>> -> memref<128xi32, #tpu.memory_space<hbm>>
      %dma_wait3A_424 = arith.constant 0 : i32
      %dma_wait3A_425 = tpu.memref_slice %arg7[%dma_wait3A_413, %dma_wait3A_424] : memref<4x128xi32, #tpu.memory_space<vmem>> -> memref<1x128xi32, #tpu.memory_space<vmem>>
      %dma_wait3A_426 = tpu.memref_squeeze %dma_wait3A_425 : memref<1x128xi32, #tpu.memory_space<vmem>> -> memref<128xi32, #tpu.memory_space<vmem>>
      %dma_wait3A_427 = arith.constant 0 : i32
      %dma_wait3A_428 = arith.constant 0 : i32
      %dma_wait3A_429 = tpu.memref_slice %arg3[%arg0, %arg1, %dma_wait3A_427, %dma_wait3A_428] : memref<2x16x40x128xi32, #tpu.memory_space<hbm>> -> memref<1x1x40x128xi32, #tpu.memory_space<hbm>>
      %dma_wait3A_430 = tpu.memref_squeeze %dma_wait3A_429 : memref<1x1x40x128xi32, #tpu.memory_space<hbm>> -> memref<40x128xi32, #tpu.memory_space<hbm>>
      %dma_wait3A_431 = arith.constant 0 : i32
      %dma_wait3A_432 = tpu.memref_slice %dma_wait3A_430[%add3A_401, %dma_wait3A_431] : memref<40x128xi32, #tpu.memory_space<hbm>> -> memref<1x128xi32, #tpu.memory_space<hbm>>
      %dma_wait3A_433 = tpu.memref_squeeze %dma_wait3A_432 : memref<1x128xi32, #tpu.memory_space<hbm>> -> memref<128xi32, #tpu.memory_space<hbm>>
      tpu.wait_dma2 semaphore(%arg17 : memref<!tpu.dma_semaphore, #tpu.memory_space<semaphore_mem>>) src(%dma_wait3A_433 : memref<128xi32, #tpu.memory_space<hbm>>) dst(%dma_wait3A_426 : memref<128xi32, #tpu.memory_space<vmem>>)
      %dma_start3A_434 = arith.constant 1 : i32
      %dma_start3A_435 = arith.constant 0 : i32
      %dma_start3A_436 = tpu.memref_slice %arg7[%dma_start3A_434, %dma_start3A_435] : memref<4x128xi32, #tpu.memory_space<vmem>> -> memref<1x128xi32, #tpu.memory_space<vmem>>
      %dma_start3A_437 = tpu.memref_squeeze %dma_start3A_436 : memref<1x128xi32, #tpu.memory_space<vmem>> -> memref<128xi32, #tpu.memory_space<vmem>>
      %dma_start3A_438 = arith.constant 0 : i32
      %dma_start3A_439 = arith.constant 0 : i32
      %dma_start3A_440 = tpu.memref_slice %arg2[%dma_start3A_438, %dma_start3A_439] : memref<10000x128xf32, #tpu.memory_space<hbm>> -> memref<10000x128xf32, #tpu.memory_space<hbm>>
      tpu.enqueue_indirect_dma source(%dma_start3A_440 : memref<10000x128xf32, #tpu.memory_space<hbm>>) target(%arg9 : memref<128x128xf32, #tpu.memory_space<vmem>>) offsets(%dma_start3A_437 : memref<128xi32, #tpu.memory_space<vmem>>) semaphore(%arg13 : memref<!tpu.dma_semaphore, #tpu.memory_space<semaphore_mem>>)
      %dma_wait3A_441 = arith.constant 0 : i32
      %dma_wait3A_442 = arith.constant 0 : i32
      %dma_wait3A_443 = tpu.memref_slice %arg7[%dma_wait3A_441, %dma_wait3A_442] : memref<4x128xi32, #tpu.memory_space<vmem>> -> memref<1x128xi32, #tpu.memory_space<vmem>>
      %dma_wait3A_444 = tpu.memref_squeeze %dma_wait3A_443 : memref<1x128xi32, #tpu.memory_space<vmem>> -> memref<128xi32, #tpu.memory_space<vmem>>
      %dma_wait3A_445 = arith.constant 0 : i32
      %dma_wait3A_446 = arith.constant 0 : i32
      %dma_wait3A_447 = tpu.memref_slice %arg2[%dma_wait3A_445, %dma_wait3A_446] : memref<10000x128xf32, #tpu.memory_space<hbm>> -> memref<10000x128xf32, #tpu.memory_space<hbm>>
      tpu.wait_indirect_dma semaphore(%arg12 : memref<!tpu.dma_semaphore, #tpu.memory_space<semaphore_mem>>) src(%dma_wait3A_447 : memref<10000x128xf32, #tpu.memory_space<hbm>>) dst(%arg8 : memref<128x128xf32, #tpu.memory_space<vmem>>)
      %sub3A_448 = arith.constant 1 : i32
      %sub3A_449 = arith.subi %add3A_401, %sub3A_448 : i32
      %dma_start3A_450 = arith.constant 0 : i32
      %dma_start3A_451 = tpu.memref_slice %arg6[%sub3A_449, %dma_start3A_450] : memref<40x128xi32, #tpu.memory_space<vmem>> -> memref<1x128xi32, #tpu.memory_space<vmem>>
      %dma_start3A_452 = tpu.memref_squeeze %dma_start3A_451 : memref<1x128xi32, #tpu.memory_space<vmem>> -> memref<128xi32, #tpu.memory_space<vmem>>
      %dma_start3A_453 = arith.constant 0 : i32
      %dma_start3A_454 = arith.constant 0 : i32
      %dma_start3A_455 = tpu.memref_slice %arg11[%dma_start3A_453, %dma_start3A_454] : memref<10240x128xf32, #tpu.memory_space<vmem_shared>> -> memref<10240x128xf32, #tpu.memory_space<vmem_shared>>
      tpu.enqueue_indirect_dma source(%arg8 : memref<128x128xf32, #tpu.memory_space<vmem>>) target(%dma_start3A_455 : memref<10240x128xf32, #tpu.memory_space<vmem_shared>>) offsets(%dma_start3A_452 : memref<128xi32, #tpu.memory_space<vmem>>) semaphore(%arg14 : memref<!tpu.dma_semaphore, #tpu.memory_space<semaphore_mem>>) {add = true}
      %mul3A_456 = arith.constant 8 : i32
      %mul3A_457 = arith.muli %add3A_134, %mul3A_456 : i32
      %add3A_458 = arith.constant 6 : i32
      %add3A_459 = arith.addi %mul3A_457, %add3A_458 : i32
      %dma_wait3A_460 = arith.constant 0 : i32
      %dma_wait3A_461 = tpu.memref_slice %arg6[%add3A_459, %dma_wait3A_460] : memref<40x128xi32, #tpu.memory_space<vmem>> -> memref<1x128xi32, #tpu.memory_space<vmem>>
      %dma_wait3A_462 = tpu.memref_squeeze %dma_wait3A_461 : memref<1x128xi32, #tpu.memory_space<vmem>> -> memref<128xi32, #tpu.memory_space<vmem>>
      %dma_wait3A_463 = arith.constant 0 : i32
      %dma_wait3A_464 = arith.constant 0 : i32
      %dma_wait3A_465 = tpu.memref_slice %arg11[%dma_wait3A_463, %dma_wait3A_464] : memref<10240x128xf32, #tpu.memory_space<vmem_shared>> -> memref<10240x128xf32, #tpu.memory_space<vmem_shared>>
      tpu.wait_indirect_dma semaphore(%arg14 : memref<!tpu.dma_semaphore, #tpu.memory_space<semaphore_mem>>) src(%arg8 : memref<128x128xf32, #tpu.memory_space<vmem>>) dst(%dma_wait3A_465 : memref<10240x128xf32, #tpu.memory_space<vmem_shared>>)
      %lt3A_466 = arith.constant 38 : i32
      %lt3A_467 = arith.cmpi slt, %add3A_459, %lt3A_466 : i32
      %convert_element_type3A_468 = arith.extui %lt3A_467 : i1 to i32
      %cond3A_469 = arith.constant 0 : i32
      %cond3A_470 = arith.cmpi ne, %convert_element_type3A_468, %cond3A_469 : i32
      scf.if %cond3A_470 {
        %add3A_572 = arith.constant 2 : i32
        %add3A_573 = arith.addi %add3A_459, %add3A_572 : i32
        %dma_start3A_574 = arith.constant 0 : i32
        %dma_start3A_575 = arith.constant 0 : i32
        %dma_start3A_576 = tpu.memref_slice %arg7[%dma_start3A_574, %dma_start3A_575] : memref<4x128xi32, #tpu.memory_space<vmem>> -> memref<1x128xi32, #tpu.memory_space<vmem>>
        %dma_start3A_577 = tpu.memref_squeeze %dma_start3A_576 : memref<1x128xi32, #tpu.memory_space<vmem>> -> memref<128xi32, #tpu.memory_space<vmem>>
        %dma_start3A_578 = arith.constant 0 : i32
        %dma_start3A_579 = arith.constant 0 : i32
        %dma_start3A_580 = tpu.memref_slice %arg3[%arg0, %arg1, %dma_start3A_578, %dma_start3A_579] : memref<2x16x40x128xi32, #tpu.memory_space<hbm>> -> memref<1x1x40x128xi32, #tpu.memory_space<hbm>>
        %dma_start3A_581 = tpu.memref_squeeze %dma_start3A_580 : memref<1x1x40x128xi32, #tpu.memory_space<hbm>> -> memref<40x128xi32, #tpu.memory_space<hbm>>
        %dma_start3A_582 = arith.constant 0 : i32
        %dma_start3A_583 = tpu.memref_slice %dma_start3A_581[%add3A_573, %dma_start3A_582] : memref<40x128xi32, #tpu.memory_space<hbm>> -> memref<1x128xi32, #tpu.memory_space<hbm>>
        %dma_start3A_584 = tpu.memref_squeeze %dma_start3A_583 : memref<1x128xi32, #tpu.memory_space<hbm>> -> memref<128xi32, #tpu.memory_space<hbm>>
        %dma_start3A_585 = arith.constant 0 : i32
        %dma_start3A_586 = tpu.memref_slice %arg7[%dma_start3A_574, %dma_start3A_585] : memref<4x128xi32, #tpu.memory_space<vmem>> -> memref<1x128xi32, #tpu.memory_space<vmem>>
        %dma_start3A_587 = tpu.memref_squeeze %dma_start3A_586 : memref<1x128xi32, #tpu.memory_space<vmem>> -> memref<128xi32, #tpu.memory_space<vmem>>
        %dma_start3A_588 = arith.constant 0 : i32
        %dma_start3A_589 = arith.constant 0 : i32
        %dma_start3A_590 = tpu.memref_slice %arg3[%arg0, %arg1, %dma_start3A_588, %dma_start3A_589] : memref<2x16x40x128xi32, #tpu.memory_space<hbm>> -> memref<1x1x40x128xi32, #tpu.memory_space<hbm>>
        %dma_start3A_591 = tpu.memref_squeeze %dma_start3A_590 : memref<1x1x40x128xi32, #tpu.memory_space<hbm>> -> memref<40x128xi32, #tpu.memory_space<hbm>>
        %dma_start3A_592 = arith.constant 0 : i32
        %dma_start3A_593 = tpu.memref_slice %dma_start3A_591[%add3A_573, %dma_start3A_592] : memref<40x128xi32, #tpu.memory_space<hbm>> -> memref<1x128xi32, #tpu.memory_space<hbm>>
        %dma_start3A_594 = tpu.memref_squeeze %dma_start3A_593 : memref<1x128xi32, #tpu.memory_space<hbm>> -> memref<128xi32, #tpu.memory_space<hbm>>
        tpu.enqueue_dma source(%dma_start3A_594 : memref<128xi32, #tpu.memory_space<hbm>>) target(%dma_start3A_587 : memref<128xi32, #tpu.memory_space<vmem>>) target_semaphore(%arg16 : memref<!tpu.dma_semaphore, #tpu.memory_space<semaphore_mem>>)
      } else {
      }
      %dma_wait3A_471 = arith.constant 2 : i32
      %dma_wait3A_472 = arith.constant 0 : i32
      %dma_wait3A_473 = tpu.memref_slice %arg7[%dma_wait3A_471, %dma_wait3A_472] : memref<4x128xi32, #tpu.memory_space<vmem>> -> memref<1x128xi32, #tpu.memory_space<vmem>>
      %dma_wait3A_474 = tpu.memref_squeeze %dma_wait3A_473 : memref<1x128xi32, #tpu.memory_space<vmem>> -> memref<128xi32, #tpu.memory_space<vmem>>
      %dma_wait3A_475 = arith.constant 0 : i32
      %dma_wait3A_476 = arith.constant 0 : i32
      %dma_wait3A_477 = tpu.memref_slice %arg3[%arg0, %arg1, %dma_wait3A_475, %dma_wait3A_476] : memref<2x16x40x128xi32, #tpu.memory_space<hbm>> -> memref<1x1x40x128xi32, #tpu.memory_space<hbm>>
      %dma_wait3A_478 = tpu.memref_squeeze %dma_wait3A_477 : memref<1x1x40x128xi32, #tpu.memory_space<hbm>> -> memref<40x128xi32, #tpu.memory_space<hbm>>
      %dma_wait3A_479 = arith.constant 0 : i32
      %dma_wait3A_480 = tpu.memref_slice %dma_wait3A_478[%add3A_459, %dma_wait3A_479] : memref<40x128xi32, #tpu.memory_space<hbm>> -> memref<1x128xi32, #tpu.memory_space<hbm>>
      %dma_wait3A_481 = tpu.memref_squeeze %dma_wait3A_480 : memref<1x128xi32, #tpu.memory_space<hbm>> -> memref<128xi32, #tpu.memory_space<hbm>>
      %dma_wait3A_482 = arith.constant 0 : i32
      %dma_wait3A_483 = tpu.memref_slice %arg7[%dma_wait3A_471, %dma_wait3A_482] : memref<4x128xi32, #tpu.memory_space<vmem>> -> memref<1x128xi32, #tpu.memory_space<vmem>>
      %dma_wait3A_484 = tpu.memref_squeeze %dma_wait3A_483 : memref<1x128xi32, #tpu.memory_space<vmem>> -> memref<128xi32, #tpu.memory_space<vmem>>
      %dma_wait3A_485 = arith.constant 0 : i32
      %dma_wait3A_486 = arith.constant 0 : i32
      %dma_wait3A_487 = tpu.memref_slice %arg3[%arg0, %arg1, %dma_wait3A_485, %dma_wait3A_486] : memref<2x16x40x128xi32, #tpu.memory_space<hbm>> -> memref<1x1x40x128xi32, #tpu.memory_space<hbm>>
      %dma_wait3A_488 = tpu.memref_squeeze %dma_wait3A_487 : memref<1x1x40x128xi32, #tpu.memory_space<hbm>> -> memref<40x128xi32, #tpu.memory_space<hbm>>
      %dma_wait3A_489 = arith.constant 0 : i32
      %dma_wait3A_490 = tpu.memref_slice %dma_wait3A_488[%add3A_459, %dma_wait3A_489] : memref<40x128xi32, #tpu.memory_space<hbm>> -> memref<1x128xi32, #tpu.memory_space<hbm>>
      %dma_wait3A_491 = tpu.memref_squeeze %dma_wait3A_490 : memref<1x128xi32, #tpu.memory_space<hbm>> -> memref<128xi32, #tpu.memory_space<hbm>>
      tpu.wait_dma2 semaphore(%arg18 : memref<!tpu.dma_semaphore, #tpu.memory_space<semaphore_mem>>) src(%dma_wait3A_491 : memref<128xi32, #tpu.memory_space<hbm>>) dst(%dma_wait3A_484 : memref<128xi32, #tpu.memory_space<vmem>>)
      %dma_start3A_492 = arith.constant 2 : i32
      %dma_start3A_493 = arith.constant 0 : i32
      %dma_start3A_494 = tpu.memref_slice %arg7[%dma_start3A_492, %dma_start3A_493] : memref<4x128xi32, #tpu.memory_space<vmem>> -> memref<1x128xi32, #tpu.memory_space<vmem>>
      %dma_start3A_495 = tpu.memref_squeeze %dma_start3A_494 : memref<1x128xi32, #tpu.memory_space<vmem>> -> memref<128xi32, #tpu.memory_space<vmem>>
      %dma_start3A_496 = arith.constant 0 : i32
      %dma_start3A_497 = arith.constant 0 : i32
      %dma_start3A_498 = tpu.memref_slice %arg2[%dma_start3A_496, %dma_start3A_497] : memref<10000x128xf32, #tpu.memory_space<hbm>> -> memref<10000x128xf32, #tpu.memory_space<hbm>>
      tpu.enqueue_indirect_dma source(%dma_start3A_498 : memref<10000x128xf32, #tpu.memory_space<hbm>>) target(%arg8 : memref<128x128xf32, #tpu.memory_space<vmem>>) offsets(%dma_start3A_495 : memref<128xi32, #tpu.memory_space<vmem>>) semaphore(%arg12 : memref<!tpu.dma_semaphore, #tpu.memory_space<semaphore_mem>>)
      %dma_wait3A_499 = arith.constant 0 : i32
      %dma_wait3A_500 = arith.constant 0 : i32
      %dma_wait3A_501 = tpu.memref_slice %arg7[%dma_wait3A_499, %dma_wait3A_500] : memref<4x128xi32, #tpu.memory_space<vmem>> -> memref<1x128xi32, #tpu.memory_space<vmem>>
      %dma_wait3A_502 = tpu.memref_squeeze %dma_wait3A_501 : memref<1x128xi32, #tpu.memory_space<vmem>> -> memref<128xi32, #tpu.memory_space<vmem>>
      %dma_wait3A_503 = arith.constant 0 : i32
      %dma_wait3A_504 = arith.constant 0 : i32
      %dma_wait3A_505 = tpu.memref_slice %arg2[%dma_wait3A_503, %dma_wait3A_504] : memref<10000x128xf32, #tpu.memory_space<hbm>> -> memref<10000x128xf32, #tpu.memory_space<hbm>>
      tpu.wait_indirect_dma semaphore(%arg13 : memref<!tpu.dma_semaphore, #tpu.memory_space<semaphore_mem>>) src(%dma_wait3A_505 : memref<10000x128xf32, #tpu.memory_space<hbm>>) dst(%arg9 : memref<128x128xf32, #tpu.memory_space<vmem>>)
      %sub3A_506 = arith.constant 1 : i32
      %sub3A_507 = arith.subi %add3A_459, %sub3A_506 : i32
      %dma_start3A_508 = arith.constant 0 : i32
      %dma_start3A_509 = tpu.memref_slice %arg6[%sub3A_507, %dma_start3A_508] : memref<40x128xi32, #tpu.memory_space<vmem>> -> memref<1x128xi32, #tpu.memory_space<vmem>>
      %dma_start3A_510 = tpu.memref_squeeze %dma_start3A_509 : memref<1x128xi32, #tpu.memory_space<vmem>> -> memref<128xi32, #tpu.memory_space<vmem>>
      %dma_start3A_511 = arith.constant 0 : i32
      %dma_start3A_512 = arith.constant 0 : i32
      %dma_start3A_513 = tpu.memref_slice %arg11[%dma_start3A_511, %dma_start3A_512] : memref<10240x128xf32, #tpu.memory_space<vmem_shared>> -> memref<10240x128xf32, #tpu.memory_space<vmem_shared>>
      tpu.enqueue_indirect_dma source(%arg9 : memref<128x128xf32, #tpu.memory_space<vmem>>) target(%dma_start3A_513 : memref<10240x128xf32, #tpu.memory_space<vmem_shared>>) offsets(%dma_start3A_510 : memref<128xi32, #tpu.memory_space<vmem>>) semaphore(%arg15 : memref<!tpu.dma_semaphore, #tpu.memory_space<semaphore_mem>>) {add = true}
      %mul3A_514 = arith.constant 8 : i32
      %mul3A_515 = arith.muli %add3A_134, %mul3A_514 : i32
      %add3A_516 = arith.constant 7 : i32
      %add3A_517 = arith.addi %mul3A_515, %add3A_516 : i32
      %dma_wait3A_518 = arith.constant 0 : i32
      %dma_wait3A_519 = tpu.memref_slice %arg6[%add3A_517, %dma_wait3A_518] : memref<40x128xi32, #tpu.memory_space<vmem>> -> memref<1x128xi32, #tpu.memory_space<vmem>>
      %dma_wait3A_520 = tpu.memref_squeeze %dma_wait3A_519 : memref<1x128xi32, #tpu.memory_space<vmem>> -> memref<128xi32, #tpu.memory_space<vmem>>
      %dma_wait3A_521 = arith.constant 0 : i32
      %dma_wait3A_522 = arith.constant 0 : i32
      %dma_wait3A_523 = tpu.memref_slice %arg11[%dma_wait3A_521, %dma_wait3A_522] : memref<10240x128xf32, #tpu.memory_space<vmem_shared>> -> memref<10240x128xf32, #tpu.memory_space<vmem_shared>>
      tpu.wait_indirect_dma semaphore(%arg15 : memref<!tpu.dma_semaphore, #tpu.memory_space<semaphore_mem>>) src(%arg9 : memref<128x128xf32, #tpu.memory_space<vmem>>) dst(%dma_wait3A_523 : memref<10240x128xf32, #tpu.memory_space<vmem_shared>>)
      %lt3A_524 = arith.constant 38 : i32
      %lt3A_525 = arith.cmpi slt, %add3A_517, %lt3A_524 : i32
      %convert_element_type3A_526 = arith.extui %lt3A_525 : i1 to i32
      %cond3A_527 = arith.constant 0 : i32
      %cond3A_528 = arith.cmpi ne, %convert_element_type3A_526, %cond3A_527 : i32
      scf.if %cond3A_528 {
        %add3A_572 = arith.constant 2 : i32
        %add3A_573 = arith.addi %add3A_517, %add3A_572 : i32
        %dma_start3A_574 = arith.constant 1 : i32
        %dma_start3A_575 = arith.constant 0 : i32
        %dma_start3A_576 = tpu.memref_slice %arg7[%dma_start3A_574, %dma_start3A_575] : memref<4x128xi32, #tpu.memory_space<vmem>> -> memref<1x128xi32, #tpu.memory_space<vmem>>
        %dma_start3A_577 = tpu.memref_squeeze %dma_start3A_576 : memref<1x128xi32, #tpu.memory_space<vmem>> -> memref<128xi32, #tpu.memory_space<vmem>>
        %dma_start3A_578 = arith.constant 0 : i32
        %dma_start3A_579 = arith.constant 0 : i32
        %dma_start3A_580 = tpu.memref_slice %arg3[%arg0, %arg1, %dma_start3A_578, %dma_start3A_579] : memref<2x16x40x128xi32, #tpu.memory_space<hbm>> -> memref<1x1x40x128xi32, #tpu.memory_space<hbm>>
        %dma_start3A_581 = tpu.memref_squeeze %dma_start3A_580 : memref<1x1x40x128xi32, #tpu.memory_space<hbm>> -> memref<40x128xi32, #tpu.memory_space<hbm>>
        %dma_start3A_582 = arith.constant 0 : i32
        %dma_start3A_583 = tpu.memref_slice %dma_start3A_581[%add3A_573, %dma_start3A_582] : memref<40x128xi32, #tpu.memory_space<hbm>> -> memref<1x128xi32, #tpu.memory_space<hbm>>
        %dma_start3A_584 = tpu.memref_squeeze %dma_start3A_583 : memref<1x128xi32, #tpu.memory_space<hbm>> -> memref<128xi32, #tpu.memory_space<hbm>>
        %dma_start3A_585 = arith.constant 0 : i32
        %dma_start3A_586 = tpu.memref_slice %arg7[%dma_start3A_574, %dma_start3A_585] : memref<4x128xi32, #tpu.memory_space<vmem>> -> memref<1x128xi32, #tpu.memory_space<vmem>>
        %dma_start3A_587 = tpu.memref_squeeze %dma_start3A_586 : memref<1x128xi32, #tpu.memory_space<vmem>> -> memref<128xi32, #tpu.memory_space<vmem>>
        %dma_start3A_588 = arith.constant 0 : i32
        %dma_start3A_589 = arith.constant 0 : i32
        %dma_start3A_590 = tpu.memref_slice %arg3[%arg0, %arg1, %dma_start3A_588, %dma_start3A_589] : memref<2x16x40x128xi32, #tpu.memory_space<hbm>> -> memref<1x1x40x128xi32, #tpu.memory_space<hbm>>
        %dma_start3A_591 = tpu.memref_squeeze %dma_start3A_590 : memref<1x1x40x128xi32, #tpu.memory_space<hbm>> -> memref<40x128xi32, #tpu.memory_space<hbm>>
        %dma_start3A_592 = arith.constant 0 : i32
        %dma_start3A_593 = tpu.memref_slice %dma_start3A_591[%add3A_573, %dma_start3A_592] : memref<40x128xi32, #tpu.memory_space<hbm>> -> memref<1x128xi32, #tpu.memory_space<hbm>>
        %dma_start3A_594 = tpu.memref_squeeze %dma_start3A_593 : memref<1x128xi32, #tpu.memory_space<hbm>> -> memref<128xi32, #tpu.memory_space<hbm>>
        tpu.enqueue_dma source(%dma_start3A_594 : memref<128xi32, #tpu.memory_space<hbm>>) target(%dma_start3A_587 : memref<128xi32, #tpu.memory_space<vmem>>) target_semaphore(%arg17 : memref<!tpu.dma_semaphore, #tpu.memory_space<semaphore_mem>>)
      } else {
      }
      %dma_wait3A_529 = arith.constant 3 : i32
      %dma_wait3A_530 = arith.constant 0 : i32
      %dma_wait3A_531 = tpu.memref_slice %arg7[%dma_wait3A_529, %dma_wait3A_530] : memref<4x128xi32, #tpu.memory_space<vmem>> -> memref<1x128xi32, #tpu.memory_space<vmem>>
      %dma_wait3A_532 = tpu.memref_squeeze %dma_wait3A_531 : memref<1x128xi32, #tpu.memory_space<vmem>> -> memref<128xi32, #tpu.memory_space<vmem>>
      %dma_wait3A_533 = arith.constant 0 : i32
      %dma_wait3A_534 = arith.constant 0 : i32
      %dma_wait3A_535 = tpu.memref_slice %arg3[%arg0, %arg1, %dma_wait3A_533, %dma_wait3A_534] : memref<2x16x40x128xi32, #tpu.memory_space<hbm>> -> memref<1x1x40x128xi32, #tpu.memory_space<hbm>>
      %dma_wait3A_536 = tpu.memref_squeeze %dma_wait3A_535 : memref<1x1x40x128xi32, #tpu.memory_space<hbm>> -> memref<40x128xi32, #tpu.memory_space<hbm>>
      %dma_wait3A_537 = arith.constant 0 : i32
      %dma_wait3A_538 = tpu.memref_slice %dma_wait3A_536[%add3A_517, %dma_wait3A_537] : memref<40x128xi32, #tpu.memory_space<hbm>> -> memref<1x128xi32, #tpu.memory_space<hbm>>
      %dma_wait3A_539 = tpu.memref_squeeze %dma_wait3A_538 : memref<1x128xi32, #tpu.memory_space<hbm>> -> memref<128xi32, #tpu.memory_space<hbm>>
      %dma_wait3A_540 = arith.constant 0 : i32
      %dma_wait3A_541 = tpu.memref_slice %arg7[%dma_wait3A_529, %dma_wait3A_540] : memref<4x128xi32, #tpu.memory_space<vmem>> -> memref<1x128xi32, #tpu.memory_space<vmem>>
      %dma_wait3A_542 = tpu.memref_squeeze %dma_wait3A_541 : memref<1x128xi32, #tpu.memory_space<vmem>> -> memref<128xi32, #tpu.memory_space<vmem>>
      %dma_wait3A_543 = arith.constant 0 : i32
      %dma_wait3A_544 = arith.constant 0 : i32
      %dma_wait3A_545 = tpu.memref_slice %arg3[%arg0, %arg1, %dma_wait3A_543, %dma_wait3A_544] : memref<2x16x40x128xi32, #tpu.memory_space<hbm>> -> memref<1x1x40x128xi32, #tpu.memory_space<hbm>>
      %dma_wait3A_546 = tpu.memref_squeeze %dma_wait3A_545 : memref<1x1x40x128xi32, #tpu.memory_space<hbm>> -> memref<40x128xi32, #tpu.memory_space<hbm>>
      %dma_wait3A_547 = arith.constant 0 : i32
      %dma_wait3A_548 = tpu.memref_slice %dma_wait3A_546[%add3A_517, %dma_wait3A_547] : memref<40x128xi32, #tpu.memory_space<hbm>> -> memref<1x128xi32, #tpu.memory_space<hbm>>
      %dma_wait3A_549 = tpu.memref_squeeze %dma_wait3A_548 : memref<1x128xi32, #tpu.memory_space<hbm>> -> memref<128xi32, #tpu.memory_space<hbm>>
      tpu.wait_dma2 semaphore(%arg19 : memref<!tpu.dma_semaphore, #tpu.memory_space<semaphore_mem>>) src(%dma_wait3A_549 : memref<128xi32, #tpu.memory_space<hbm>>) dst(%dma_wait3A_542 : memref<128xi32, #tpu.memory_space<vmem>>)
      %dma_start3A_550 = arith.constant 3 : i32
      %dma_start3A_551 = arith.constant 0 : i32
      %dma_start3A_552 = tpu.memref_slice %arg7[%dma_start3A_550, %dma_start3A_551] : memref<4x128xi32, #tpu.memory_space<vmem>> -> memref<1x128xi32, #tpu.memory_space<vmem>>
      %dma_start3A_553 = tpu.memref_squeeze %dma_start3A_552 : memref<1x128xi32, #tpu.memory_space<vmem>> -> memref<128xi32, #tpu.memory_space<vmem>>
      %dma_start3A_554 = arith.constant 0 : i32
      %dma_start3A_555 = arith.constant 0 : i32
      %dma_start3A_556 = tpu.memref_slice %arg2[%dma_start3A_554, %dma_start3A_555] : memref<10000x128xf32, #tpu.memory_space<hbm>> -> memref<10000x128xf32, #tpu.memory_space<hbm>>
      tpu.enqueue_indirect_dma source(%dma_start3A_556 : memref<10000x128xf32, #tpu.memory_space<hbm>>) target(%arg9 : memref<128x128xf32, #tpu.memory_space<vmem>>) offsets(%dma_start3A_553 : memref<128xi32, #tpu.memory_space<vmem>>) semaphore(%arg13 : memref<!tpu.dma_semaphore, #tpu.memory_space<semaphore_mem>>)
      %dma_wait3A_557 = arith.constant 0 : i32
      %dma_wait3A_558 = arith.constant 0 : i32
      %dma_wait3A_559 = tpu.memref_slice %arg7[%dma_wait3A_557, %dma_wait3A_558] : memref<4x128xi32, #tpu.memory_space<vmem>> -> memref<1x128xi32, #tpu.memory_space<vmem>>
      %dma_wait3A_560 = tpu.memref_squeeze %dma_wait3A_559 : memref<1x128xi32, #tpu.memory_space<vmem>> -> memref<128xi32, #tpu.memory_space<vmem>>
      %dma_wait3A_561 = arith.constant 0 : i32
      %dma_wait3A_562 = arith.constant 0 : i32
      %dma_wait3A_563 = tpu.memref_slice %arg2[%dma_wait3A_561, %dma_wait3A_562] : memref<10000x128xf32, #tpu.memory_space<hbm>> -> memref<10000x128xf32, #tpu.memory_space<hbm>>
      tpu.wait_indirect_dma semaphore(%arg12 : memref<!tpu.dma_semaphore, #tpu.memory_space<semaphore_mem>>) src(%dma_wait3A_563 : memref<10000x128xf32, #tpu.memory_space<hbm>>) dst(%arg8 : memref<128x128xf32, #tpu.memory_space<vmem>>)
      %sub3A_564 = arith.constant 1 : i32
      %sub3A_565 = arith.subi %add3A_517, %sub3A_564 : i32
      %dma_start3A_566 = arith.constant 0 : i32
      %dma_start3A_567 = tpu.memref_slice %arg6[%sub3A_565, %dma_start3A_566] : memref<40x128xi32, #tpu.memory_space<vmem>> -> memref<1x128xi32, #tpu.memory_space<vmem>>
      %dma_start3A_568 = tpu.memref_squeeze %dma_start3A_567 : memref<1x128xi32, #tpu.memory_space<vmem>> -> memref<128xi32, #tpu.memory_space<vmem>>
      %dma_start3A_569 = arith.constant 0 : i32
      %dma_start3A_570 = arith.constant 0 : i32
      %dma_start3A_571 = tpu.memref_slice %arg11[%dma_start3A_569, %dma_start3A_570] : memref<10240x128xf32, #tpu.memory_space<vmem_shared>> -> memref<10240x128xf32, #tpu.memory_space<vmem_shared>>
      tpu.enqueue_indirect_dma source(%arg8 : memref<128x128xf32, #tpu.memory_space<vmem>>) target(%dma_start3A_571 : memref<10240x128xf32, #tpu.memory_space<vmem_shared>>) offsets(%dma_start3A_568 : memref<128xi32, #tpu.memory_space<vmem>>) semaphore(%arg14 : memref<!tpu.dma_semaphore, #tpu.memory_space<semaphore_mem>>) {add = true}
    }
    %scan3A_102 = arith.constant 5 : i32
    %dma_wait3A = arith.constant 0 : i32
    %dma_wait3A_103 = arith.constant 0 : i32
    %dma_wait3A_104 = tpu.memref_slice %arg7[%dma_wait3A, %dma_wait3A_103] : memref<4x128xi32, #tpu.memory_space<vmem>> -> memref<1x128xi32, #tpu.memory_space<vmem>>
    %dma_wait3A_105 = tpu.memref_squeeze %dma_wait3A_104 : memref<1x128xi32, #tpu.memory_space<vmem>> -> memref<128xi32, #tpu.memory_space<vmem>>
    %dma_wait3A_106 = arith.constant 0 : i32
    %dma_wait3A_107 = arith.constant 0 : i32
    %dma_wait3A_108 = tpu.memref_slice %arg2[%dma_wait3A_106, %dma_wait3A_107] : memref<10000x128xf32, #tpu.memory_space<hbm>> -> memref<10000x128xf32, #tpu.memory_space<hbm>>
    tpu.wait_indirect_dma semaphore(%arg13 : memref<!tpu.dma_semaphore, #tpu.memory_space<semaphore_mem>>) src(%dma_wait3A_108 : memref<10000x128xf32, #tpu.memory_space<hbm>>) dst(%arg9 : memref<128x128xf32, #tpu.memory_space<vmem>>)
    %dma_start3A_109 = arith.constant 39 : i32
    %dma_start3A_110 = arith.constant 0 : i32
    %dma_start3A_111 = tpu.memref_slice %arg6[%dma_start3A_109, %dma_start3A_110] : memref<40x128xi32, #tpu.memory_space<vmem>> -> memref<1x128xi32, #tpu.memory_space<vmem>>
    %dma_start3A_112 = tpu.memref_squeeze %dma_start3A_111 : memref<1x128xi32, #tpu.memory_space<vmem>> -> memref<128xi32, #tpu.memory_space<vmem>>
    %dma_start3A_113 = arith.constant 0 : i32
    %dma_start3A_114 = arith.constant 0 : i32
    %dma_start3A_115 = tpu.memref_slice %arg11[%dma_start3A_113, %dma_start3A_114] : memref<10240x128xf32, #tpu.memory_space<vmem_shared>> -> memref<10240x128xf32, #tpu.memory_space<vmem_shared>>
    tpu.enqueue_indirect_dma source(%arg9 : memref<128x128xf32, #tpu.memory_space<vmem>>) target(%dma_start3A_115 : memref<10240x128xf32, #tpu.memory_space<vmem_shared>>) offsets(%dma_start3A_112 : memref<128xi32, #tpu.memory_space<vmem>>) semaphore(%arg15 : memref<!tpu.dma_semaphore, #tpu.memory_space<semaphore_mem>>) {add = true}
    %dma_wait3A_116 = arith.constant 0 : i32
    %dma_wait3A_117 = arith.constant 0 : i32
    %dma_wait3A_118 = tpu.memref_slice %arg6[%dma_wait3A_116, %dma_wait3A_117] : memref<40x128xi32, #tpu.memory_space<vmem>> -> memref<1x128xi32, #tpu.memory_space<vmem>>
    %dma_wait3A_119 = tpu.memref_squeeze %dma_wait3A_118 : memref<1x128xi32, #tpu.memory_space<vmem>> -> memref<128xi32, #tpu.memory_space<vmem>>
    %dma_wait3A_120 = arith.constant 0 : i32
    %dma_wait3A_121 = arith.constant 0 : i32
    %dma_wait3A_122 = tpu.memref_slice %arg11[%dma_wait3A_120, %dma_wait3A_121] : memref<10240x128xf32, #tpu.memory_space<vmem_shared>> -> memref<10240x128xf32, #tpu.memory_space<vmem_shared>>
    tpu.wait_indirect_dma semaphore(%arg14 : memref<!tpu.dma_semaphore, #tpu.memory_space<semaphore_mem>>) src(%arg8 : memref<128x128xf32, #tpu.memory_space<vmem>>) dst(%dma_wait3A_122 : memref<10240x128xf32, #tpu.memory_space<vmem_shared>>)
    %dma_wait3A_123 = arith.constant 0 : i32
    %dma_wait3A_124 = arith.constant 0 : i32
    %dma_wait3A_125 = tpu.memref_slice %arg6[%dma_wait3A_123, %dma_wait3A_124] : memref<40x128xi32, #tpu.memory_space<vmem>> -> memref<1x128xi32, #tpu.memory_space<vmem>>
    %dma_wait3A_126 = tpu.memref_squeeze %dma_wait3A_125 : memref<1x128xi32, #tpu.memory_space<vmem>> -> memref<128xi32, #tpu.memory_space<vmem>>
    %dma_wait3A_127 = arith.constant 0 : i32
    %dma_wait3A_128 = arith.constant 0 : i32
    %dma_wait3A_129 = tpu.memref_slice %arg11[%dma_wait3A_127, %dma_wait3A_128] : memref<10240x128xf32, #tpu.memory_space<vmem_shared>> -> memref<10240x128xf32, #tpu.memory_space<vmem_shared>>
    tpu.wait_indirect_dma semaphore(%arg15 : memref<!tpu.dma_semaphore, #tpu.memory_space<semaphore_mem>>) src(%arg9 : memref<128x128xf32, #tpu.memory_space<vmem>>) dst(%dma_wait3A_129 : memref<10240x128xf32, #tpu.memory_space<vmem_shared>>)
    %barrier3A_130 = arith.constant 0 : index
    tpu.barrier barrier_id(%barrier3A_130)
    "tpu.region"() ({
      %run_scoped3A = tpu.sem_alloc : memref<!tpu.dma_semaphore, #tpu.memory_space<semaphore_mem>>
      %dma_start3A_131 = arith.constant 0 : i32
      %dma_start3A_132 = tpu.memref_slice %arg5[%arg0, %mul3A_0, %dma_start3A_131] : memref<2x10240x128xf32, #tpu.memory_space<hbm>> -> memref<1x640x128xf32, #tpu.memory_space<hbm>>
      %dma_start3A_133 = tpu.memref_squeeze %dma_start3A_132 : memref<1x640x128xf32, #tpu.memory_space<hbm>> -> memref<640x128xf32, #tpu.memory_space<hbm>>
      %dma_start3A_134 = arith.constant 0 : i32
      %dma_start3A_135 = tpu.memref_slice %arg11[%mul3A_0, %dma_start3A_134] : memref<10240x128xf32, #tpu.memory_space<vmem_shared>> -> memref<640x128xf32, #tpu.memory_space<vmem_shared>>
      tpu.enqueue_dma source(%dma_start3A_135 : memref<640x128xf32, #tpu.memory_space<vmem_shared>>) target(%dma_start3A_133 : memref<640x128xf32, #tpu.memory_space<hbm>>) target_semaphore(%run_scoped3A : memref<!tpu.dma_semaphore, #tpu.memory_space<semaphore_mem>>)
      %dma_wait3A_136 = arith.constant 0 : i32
      %dma_wait3A_137 = tpu.memref_slice %arg5[%arg0, %mul3A_0, %dma_wait3A_136] : memref<2x10240x128xf32, #tpu.memory_space<hbm>> -> memref<1x640x128xf32, #tpu.memory_space<hbm>>
      %dma_wait3A_138 = tpu.memref_squeeze %dma_wait3A_137 : memref<1x640x128xf32, #tpu.memory_space<hbm>> -> memref<640x128xf32, #tpu.memory_space<hbm>>
      %dma_wait3A_139 = arith.constant 0 : i32
      %dma_wait3A_140 = tpu.memref_slice %arg11[%mul3A_0, %dma_wait3A_139] : memref<10240x128xf32, #tpu.memory_space<vmem_shared>> -> memref<640x128xf32, #tpu.memory_space<vmem_shared>>
      tpu.wait_dma2 semaphore(%run_scoped3A : memref<!tpu.dma_semaphore, #tpu.memory_space<semaphore_mem>>) src(%dma_wait3A_140 : memref<640x128xf32, #tpu.memory_space<vmem_shared>>) dst(%dma_wait3A_138 : memref<640x128xf32, #tpu.memory_space<hbm>>)
      tpu.yield
    }) : () -> ()
    return
  }
}

#map = affine_map<(d0, d1) -> (0, 0)>
#map1 = affine_map<(d0, d1) -> (0, 0, 0, 0)>
#map2 = affine_map<(d0, d1) -> (0, 0, 0)>
module attributes {stable_mosaic.version = 14 : i64} {
  func.func @body(%arg0: i32, %arg1: i32, %arg2: memref<20000x128xf32, #tpu.memory_space<hbm>>, %arg3: memref<2x16x80x128xi32, #tpu.memory_space<hbm>>, %arg4: memref<16x80x128xi32, #tpu.memory_space<hbm>>, %arg5: memref<2x10240x128xf32, #tpu.memory_space<hbm>>, %arg6: memref<80x128xi32, #tpu.memory_space<vmem>>, %arg7: memref<4x128xi32, #tpu.memory_space<vmem>>, %arg8: memref<128x128xf32, #tpu.memory_space<vmem>>, %arg9: memref<128x128xf32, #tpu.memory_space<vmem>>, %arg10: memref<32x128xf32, #tpu.memory_space<vmem>>, %arg11: memref<10240x128xf32, #tpu.memory_space<vmem_shared>>, %arg12: memref<!tpu.dma_semaphore, #tpu.memory_space<semaphore_mem>>, %arg13: memref<!tpu.dma_semaphore, #tpu.memory_space<semaphore_mem>>, %arg14: memref<!tpu.dma_semaphore, #tpu.memory_space<semaphore_mem>>, %arg15: memref<!tpu.dma_semaphore, #tpu.memory_space<semaphore_mem>>, %arg16: memref<!tpu.dma_semaphore, #tpu.memory_space<semaphore_mem>>, %arg17: memref<!tpu.dma_semaphore, #tpu.memory_space<semaphore_mem>>, %arg18: memref<!tpu.dma_semaphore, #tpu.memory_space<semaphore_mem>>, %arg19: memref<!tpu.dma_semaphore, #tpu.memory_space<semaphore_mem>>) attributes {dimension_semantics = [#tpu.dimension_semantics<core_parallel>, #tpu.dimension_semantics<subcore_parallel>], iteration_bounds = array<i64: 2, 16>, scalar_prefetch = 0 : i64, scratch_operands = 14 : i64, tpu.core_type = #tpu.core_type<sc_vector_subcore>, window_params = [{transform_indices = #map}, {transform_indices = #map1}, {transform_indices = #map2}, {transform_indices = #map2}]} {
    %mul3A = arith.constant 640 : i32
    %mul3A_0 = arith.muli %arg1, %mul3A : i32
    %broadcast_in_dim3A = arith.constant 0.000000e+00 : f32
    %broadcast_in_dim3A_1 = vector.broadcast %broadcast_in_dim3A : f32 to vector<16xf32>
    %scan3A = arith.constant 0 : i32
    %scan3A_2 = arith.constant 32 : i32
    %scan3A_3 = arith.addi %scan3A, %scan3A_2 : i32
    %scan3A_4 = arith.constant 1 : i32
    scf.for %scan3A_131 = %scan3A to %scan3A_3 step %scan3A_4  : i32 {
      %mul3A_132 = arith.constant 1 : i32
      %mul3A_133 = arith.muli %scan3A_131, %mul3A_132 : i32
      %add3A = arith.constant 0 : i32
      %add3A_134 = arith.addi %add3A, %mul3A_133 : i32
      %swap3A = arith.index_cast %add3A_134 : i32 to index
      %swap3A_135 = arith.constant 0 : index
      %swap3A_136 = tpu.vector_load %arg10[%swap3A, %swap3A_135] {strides = array<i32>} : memref<32x128xf32, #tpu.memory_space<vmem>>, vector<1x16xf32>,
      %swap3A_137 = vector.shape_cast %swap3A_136 : vector<1x16xf32> to vector<16xf32>
      %swap3A_138 = vector.shape_cast %broadcast_in_dim3A_1 : vector<16xf32> to vector<1x16xf32>
      tpu.vector_store %arg10[%swap3A, %swap3A_135], %swap3A_138 {strides = array<i32>} : memref<32x128xf32, #tpu.memory_space<vmem>>, vector<1x16xf32>,
      %swap3A_139 = arith.index_cast %add3A_134 : i32 to index
      %swap3A_140 = arith.constant 16 : index
      %swap3A_141 = tpu.vector_load %arg10[%swap3A_139, %swap3A_140] {strides = array<i32>} : memref<32x128xf32, #tpu.memory_space<vmem>>, vector<1x16xf32>,
      %swap3A_142 = vector.shape_cast %swap3A_141 : vector<1x16xf32> to vector<16xf32>
      %swap3A_143 = vector.shape_cast %broadcast_in_dim3A_1 : vector<16xf32> to vector<1x16xf32>
      tpu.vector_store %arg10[%swap3A_139, %swap3A_140], %swap3A_143 {strides = array<i32>} : memref<32x128xf32, #tpu.memory_space<vmem>>, vector<1x16xf32>,
      %swap3A_144 = arith.index_cast %add3A_134 : i32 to index
      %swap3A_145 = arith.constant 32 : index
      %swap3A_146 = tpu.vector_load %arg10[%swap3A_144, %swap3A_145] {strides = array<i32>} : memref<32x128xf32, #tpu.memory_space<vmem>>, vector<1x16xf32>,
      %swap3A_147 = vector.shape_cast %swap3A_146 : vector<1x16xf32> to vector<16xf32>
      %swap3A_148 = vector.shape_cast %broadcast_in_dim3A_1 : vector<16xf32> to vector<1x16xf32>
      tpu.vector_store %arg10[%swap3A_144, %swap3A_145], %swap3A_148 {strides = array<i32>} : memref<32x128xf32, #tpu.memory_space<vmem>>, vector<1x16xf32>,
      %swap3A_149 = arith.index_cast %add3A_134 : i32 to index
      %swap3A_150 = arith.constant 48 : index
      %swap3A_151 = tpu.vector_load %arg10[%swap3A_149, %swap3A_150] {strides = array<i32>} : memref<32x128xf32, #tpu.memory_space<vmem>>, vector<1x16xf32>,
      %swap3A_152 = vector.shape_cast %swap3A_151 : vector<1x16xf32> to vector<16xf32>
      %swap3A_153 = vector.shape_cast %broadcast_in_dim3A_1 : vector<16xf32> to vector<1x16xf32>
      tpu.vector_store %arg10[%swap3A_149, %swap3A_150], %swap3A_153 {strides = array<i32>} : memref<32x128xf32, #tpu.memory_space<vmem>>, vector<1x16xf32>,
      %swap3A_154 = arith.index_cast %add3A_134 : i32 to index
      %swap3A_155 = arith.constant 64 : index
      %swap3A_156 = tpu.vector_load %arg10[%swap3A_154, %swap3A_155] {strides = array<i32>} : memref<32x128xf32, #tpu.memory_space<vmem>>, vector<1x16xf32>,
      %swap3A_157 = vector.shape_cast %swap3A_156 : vector<1x16xf32> to vector<16xf32>
      %swap3A_158 = vector.shape_cast %broadcast_in_dim3A_1 : vector<16xf32> to vector<1x16xf32>
      tpu.vector_store %arg10[%swap3A_154, %swap3A_155], %swap3A_158 {strides = array<i32>} : memref<32x128xf32, #tpu.memory_space<vmem>>, vector<1x16xf32>,
      %swap3A_159 = arith.index_cast %add3A_134 : i32 to index
      %swap3A_160 = arith.constant 80 : index
      %swap3A_161 = tpu.vector_load %arg10[%swap3A_159, %swap3A_160] {strides = array<i32>} : memref<32x128xf32, #tpu.memory_space<vmem>>, vector<1x16xf32>,
      %swap3A_162 = vector.shape_cast %swap3A_161 : vector<1x16xf32> to vector<16xf32>
      %swap3A_163 = vector.shape_cast %broadcast_in_dim3A_1 : vector<16xf32> to vector<1x16xf32>
      tpu.vector_store %arg10[%swap3A_159, %swap3A_160], %swap3A_163 {strides = array<i32>} : memref<32x128xf32, #tpu.memory_space<vmem>>, vector<1x16xf32>,
      %swap3A_164 = arith.index_cast %add3A_134 : i32 to index
      %swap3A_165 = arith.constant 96 : index
      %swap3A_166 = tpu.vector_load %arg10[%swap3A_164, %swap3A_165] {strides = array<i32>} : memref<32x128xf32, #tpu.memory_space<vmem>>, vector<1x16xf32>,
      %swap3A_167 = vector.shape_cast %swap3A_166 : vector<1x16xf32> to vector<16xf32>
      %swap3A_168 = vector.shape_cast %broadcast_in_dim3A_1 : vector<16xf32> to vector<1x16xf32>
      tpu.vector_store %arg10[%swap3A_164, %swap3A_165], %swap3A_168 {strides = array<i32>} : memref<32x128xf32, #tpu.memory_space<vmem>>, vector<1x16xf32>,
      %swap3A_169 = arith.index_cast %add3A_134 : i32 to index
      %swap3A_170 = arith.constant 112 : index
      %swap3A_171 = tpu.vector_load %arg10[%swap3A_169, %swap3A_170] {strides = array<i32>} : memref<32x128xf32, #tpu.memory_space<vmem>>, vector<1x16xf32>,
      %swap3A_172 = vector.shape_cast %swap3A_171 : vector<1x16xf32> to vector<16xf32>
      %swap3A_173 = vector.shape_cast %broadcast_in_dim3A_1 : vector<16xf32> to vector<1x16xf32>
      tpu.vector_store %arg10[%swap3A_169, %swap3A_170], %swap3A_173 {strides = array<i32>} : memref<32x128xf32, #tpu.memory_space<vmem>>, vector<1x16xf32>,
    }
    %scan3A_5 = arith.constant 32 : i32
    %scan3A_6 = arith.constant 0 : i32
    %scan3A_7 = arith.constant 20 : i32
    %scan3A_8 = arith.addi %scan3A_6, %scan3A_7 : i32
    %scan3A_9 = arith.constant 1 : i32
    scf.for %scan3A_131 = %scan3A_6 to %scan3A_8 step %scan3A_9  : i32 {
      %mul3A_132 = arith.constant 1 : i32
      %mul3A_133 = arith.muli %scan3A_131, %mul3A_132 : i32
      %add3A = arith.constant 0 : i32
      %add3A_134 = arith.addi %add3A, %mul3A_133 : i32
      %mul3A_135 = arith.constant 32 : i32
      %mul3A_136 = arith.muli %add3A_134, %mul3A_135 : i32
      %add3A_137 = arith.addi %mul3A_0, %mul3A_136 : i32
      "tpu.region"() ({
        %run_scoped3A = tpu.sem_alloc : memref<!tpu.dma_semaphore, #tpu.memory_space<semaphore_mem>>
        %dma_start3A_138 = arith.constant 0 : i32
        %dma_start3A_139 = tpu.memref_slice %arg11[%add3A_137, %dma_start3A_138] : memref<10240x128xf32, #tpu.memory_space<vmem_shared>> -> memref<32x128xf32, #tpu.memory_space<vmem_shared>>
        %dma_start3A_140 = arith.constant 0 : i32
        %dma_start3A_141 = tpu.memref_slice %arg11[%add3A_137, %dma_start3A_140] : memref<10240x128xf32, #tpu.memory_space<vmem_shared>> -> memref<32x128xf32, #tpu.memory_space<vmem_shared>>
        tpu.enqueue_dma source(%arg10 : memref<32x128xf32, #tpu.memory_space<vmem>>) target(%dma_start3A_141 : memref<32x128xf32, #tpu.memory_space<vmem_shared>>) target_semaphore(%run_scoped3A : memref<!tpu.dma_semaphore, #tpu.memory_space<semaphore_mem>>)
        %dma_wait3A_142 = arith.constant 0 : i32
        %dma_wait3A_143 = tpu.memref_slice %arg11[%add3A_137, %dma_wait3A_142] : memref<10240x128xf32, #tpu.memory_space<vmem_shared>> -> memref<32x128xf32, #tpu.memory_space<vmem_shared>>
        %dma_wait3A_144 = arith.constant 0 : i32
        %dma_wait3A_145 = tpu.memref_slice %arg11[%add3A_137, %dma_wait3A_144] : memref<10240x128xf32, #tpu.memory_space<vmem_shared>> -> memref<32x128xf32, #tpu.memory_space<vmem_shared>>
        tpu.wait_dma2 semaphore(%run_scoped3A : memref<!tpu.dma_semaphore, #tpu.memory_space<semaphore_mem>>) src(%arg10 : memref<32x128xf32, #tpu.memory_space<vmem>>) dst(%dma_wait3A_145 : memref<32x128xf32, #tpu.memory_space<vmem_shared>>)
        tpu.yield
      }) : () -> ()
    }
    %scan3A_10 = arith.constant 20 : i32
    "tpu.region"() ({
      %run_scoped3A = tpu.sem_alloc : memref<!tpu.dma_semaphore, #tpu.memory_space<semaphore_mem>>
      %dma_start3A_131 = arith.constant 0 : i32
      %dma_start3A_132 = arith.constant 0 : i32
      %dma_start3A_133 = tpu.memref_slice %arg4[%arg1, %dma_start3A_131, %dma_start3A_132] : memref<16x80x128xi32, #tpu.memory_space<hbm>> -> memref<1x80x128xi32, #tpu.memory_space<hbm>>
      %dma_start3A_134 = tpu.memref_squeeze %dma_start3A_133 : memref<1x80x128xi32, #tpu.memory_space<hbm>> -> memref<80x128xi32, #tpu.memory_space<hbm>>
      %dma_start3A_135 = arith.constant 0 : i32
      %dma_start3A_136 = arith.constant 0 : i32
      %dma_start3A_137 = tpu.memref_slice %arg4[%arg1, %dma_start3A_135, %dma_start3A_136] : memref<16x80x128xi32, #tpu.memory_space<hbm>> -> memref<1x80x128xi32, #tpu.memory_space<hbm>>
      %dma_start3A_138 = tpu.memref_squeeze %dma_start3A_137 : memref<1x80x128xi32, #tpu.memory_space<hbm>> -> memref<80x128xi32, #tpu.memory_space<hbm>>
      tpu.enqueue_dma source(%dma_start3A_138 : memref<80x128xi32, #tpu.memory_space<hbm>>) target(%arg6 : memref<80x128xi32, #tpu.memory_space<vmem>>) target_semaphore(%run_scoped3A : memref<!tpu.dma_semaphore, #tpu.memory_space<semaphore_mem>>)
      %dma_wait3A_139 = arith.constant 0 : i32
      %dma_wait3A_140 = arith.constant 0 : i32
      %dma_wait3A_141 = tpu.memref_slice %arg4[%arg1, %dma_wait3A_139, %dma_wait3A_140] : memref<16x80x128xi32, #tpu.memory_space<hbm>> -> memref<1x80x128xi32, #tpu.memory_space<hbm>>
      %dma_wait3A_142 = tpu.memref_squeeze %dma_wait3A_141 : memref<1x80x128xi32, #tpu.memory_space<hbm>> -> memref<80x128xi32, #tpu.memory_space<hbm>>
      %dma_wait3A_143 = arith.constant 0 : i32
      %dma_wait3A_144 = arith.constant 0 : i32
      %dma_wait3A_145 = tpu.memref_slice %arg4[%arg1, %dma_wait3A_143, %dma_wait3A_144] : memref<16x80x128xi32, #tpu.memory_space<hbm>> -> memref<1x80x128xi32, #tpu.memory_space<hbm>>
      %dma_wait3A_146 = tpu.memref_squeeze %dma_wait3A_145 : memref<1x80x128xi32, #tpu.memory_space<hbm>> -> memref<80x128xi32, #tpu.memory_space<hbm>>
      tpu.wait_dma2 semaphore(%run_scoped3A : memref<!tpu.dma_semaphore, #tpu.memory_space<semaphore_mem>>) src(%dma_wait3A_146 : memref<80x128xi32, #tpu.memory_space<hbm>>) dst(%arg6 : memref<80x128xi32, #tpu.memory_space<vmem>>)
      tpu.yield
    }) : () -> ()
    %barrier3A = arith.constant 0 : index
    tpu.barrier barrier_id(%barrier3A)
    %dma_start3A = arith.constant 0 : i32
    %dma_start3A_11 = arith.constant 0 : i32
    %dma_start3A_12 = arith.constant 0 : i32
    %dma_start3A_13 = tpu.memref_slice %arg7[%dma_start3A_11, %dma_start3A_12] : memref<4x128xi32, #tpu.memory_space<vmem>> -> memref<1x128xi32, #tpu.memory_space<vmem>>
    %dma_start3A_14 = tpu.memref_squeeze %dma_start3A_13 : memref<1x128xi32, #tpu.memory_space<vmem>> -> memref<128xi32, #tpu.memory_space<vmem>>
    %dma_start3A_15 = arith.constant 0 : i32
    %dma_start3A_16 = arith.constant 0 : i32
    %dma_start3A_17 = tpu.memref_slice %arg3[%arg0, %arg1, %dma_start3A_15, %dma_start3A_16] : memref<2x16x80x128xi32, #tpu.memory_space<hbm>> -> memref<1x1x80x128xi32, #tpu.memory_space<hbm>>
    %dma_start3A_18 = tpu.memref_squeeze %dma_start3A_17 : memref<1x1x80x128xi32, #tpu.memory_space<hbm>> -> memref<80x128xi32, #tpu.memory_space<hbm>>
    %dma_start3A_19 = arith.constant 0 : i32
    %dma_start3A_20 = tpu.memref_slice %dma_start3A_18[%dma_start3A, %dma_start3A_19] : memref<80x128xi32, #tpu.memory_space<hbm>> -> memref<1x128xi32, #tpu.memory_space<hbm>>
    %dma_start3A_21 = tpu.memref_squeeze %dma_start3A_20 : memref<1x128xi32, #tpu.memory_space<hbm>> -> memref<128xi32, #tpu.memory_space<hbm>>
    %dma_start3A_22 = arith.constant 0 : i32
    %dma_start3A_23 = tpu.memref_slice %arg7[%dma_start3A_11, %dma_start3A_22] : memref<4x128xi32, #tpu.memory_space<vmem>> -> memref<1x128xi32, #tpu.memory_space<vmem>>
    %dma_start3A_24 = tpu.memref_squeeze %dma_start3A_23 : memref<1x128xi32, #tpu.memory_space<vmem>> -> memref<128xi32, #tpu.memory_space<vmem>>
    %dma_start3A_25 = arith.constant 0 : i32
    %dma_start3A_26 = arith.constant 0 : i32
    %dma_start3A_27 = tpu.memref_slice %arg3[%arg0, %arg1, %dma_start3A_25, %dma_start3A_26] : memref<2x16x80x128xi32, #tpu.memory_space<hbm>> -> memref<1x1x80x128xi32, #tpu.memory_space<hbm>>
    %dma_start3A_28 = tpu.memref_squeeze %dma_start3A_27 : memref<1x1x80x128xi32, #tpu.memory_space<hbm>> -> memref<80x128xi32, #tpu.memory_space<hbm>>
    %dma_start3A_29 = arith.constant 0 : i32
    %dma_start3A_30 = tpu.memref_slice %dma_start3A_28[%dma_start3A, %dma_start3A_29] : memref<80x128xi32, #tpu.memory_space<hbm>> -> memref<1x128xi32, #tpu.memory_space<hbm>>
    %dma_start3A_31 = tpu.memref_squeeze %dma_start3A_30 : memref<1x128xi32, #tpu.memory_space<hbm>> -> memref<128xi32, #tpu.memory_space<hbm>>
    tpu.enqueue_dma source(%dma_start3A_31 : memref<128xi32, #tpu.memory_space<hbm>>) target(%dma_start3A_24 : memref<128xi32, #tpu.memory_space<vmem>>) target_semaphore(%arg16 : memref<!tpu.dma_semaphore, #tpu.memory_space<semaphore_mem>>)
    %dma_start3A_32 = arith.constant 1 : i32
    %dma_start3A_33 = arith.constant 1 : i32
    %dma_start3A_34 = arith.constant 0 : i32
    %dma_start3A_35 = tpu.memref_slice %arg7[%dma_start3A_33, %dma_start3A_34] : memref<4x128xi32, #tpu.memory_space<vmem>> -> memref<1x128xi32, #tpu.memory_space<vmem>>
    %dma_start3A_36 = tpu.memref_squeeze %dma_start3A_35 : memref<1x128xi32, #tpu.memory_space<vmem>> -> memref<128xi32, #tpu.memory_space<vmem>>
    %dma_start3A_37 = arith.constant 0 : i32
    %dma_start3A_38 = arith.constant 0 : i32
    %dma_start3A_39 = tpu.memref_slice %arg3[%arg0, %arg1, %dma_start3A_37, %dma_start3A_38] : memref<2x16x80x128xi32, #tpu.memory_space<hbm>> -> memref<1x1x80x128xi32, #tpu.memory_space<hbm>>
    %dma_start3A_40 = tpu.memref_squeeze %dma_start3A_39 : memref<1x1x80x128xi32, #tpu.memory_space<hbm>> -> memref<80x128xi32, #tpu.memory_space<hbm>>
    %dma_start3A_41 = arith.constant 0 : i32
    %dma_start3A_42 = tpu.memref_slice %dma_start3A_40[%dma_start3A_32, %dma_start3A_41] : memref<80x128xi32, #tpu.memory_space<hbm>> -> memref<1x128xi32, #tpu.memory_space<hbm>>
    %dma_start3A_43 = tpu.memref_squeeze %dma_start3A_42 : memref<1x128xi32, #tpu.memory_space<hbm>> -> memref<128xi32, #tpu.memory_space<hbm>>
    %dma_start3A_44 = arith.constant 0 : i32
    %dma_start3A_45 = tpu.memref_slice %arg7[%dma_start3A_33, %dma_start3A_44] : memref<4x128xi32, #tpu.memory_space<vmem>> -> memref<1x128xi32, #tpu.memory_space<vmem>>
    %dma_start3A_46 = tpu.memref_squeeze %dma_start3A_45 : memref<1x128xi32, #tpu.memory_space<vmem>> -> memref<128xi32, #tpu.memory_space<vmem>>
    %dma_start3A_47 = arith.constant 0 : i32
    %dma_start3A_48 = arith.constant 0 : i32
    %dma_start3A_49 = tpu.memref_slice %arg3[%arg0, %arg1, %dma_start3A_47, %dma_start3A_48] : memref<2x16x80x128xi32, #tpu.memory_space<hbm>> -> memref<1x1x80x128xi32, #tpu.memory_space<hbm>>
    %dma_start3A_50 = tpu.memref_squeeze %dma_start3A_49 : memref<1x1x80x128xi32, #tpu.memory_space<hbm>> -> memref<80x128xi32, #tpu.memory_space<hbm>>
    %dma_start3A_51 = arith.constant 0 : i32
    %dma_start3A_52 = tpu.memref_slice %dma_start3A_50[%dma_start3A_32, %dma_start3A_51] : memref<80x128xi32, #tpu.memory_space<hbm>> -> memref<1x128xi32, #tpu.memory_space<hbm>>
    %dma_start3A_53 = tpu.memref_squeeze %dma_start3A_52 : memref<1x128xi32, #tpu.memory_space<hbm>> -> memref<128xi32, #tpu.memory_space<hbm>>
    tpu.enqueue_dma source(%dma_start3A_53 : memref<128xi32, #tpu.memory_space<hbm>>) target(%dma_start3A_46 : memref<128xi32, #tpu.memory_space<vmem>>) target_semaphore(%arg17 : memref<!tpu.dma_semaphore, #tpu.memory_space<semaphore_mem>>)
    %dma_start3A_54 = arith.constant 2 : i32
    %dma_start3A_55 = arith.constant 2 : i32
    %dma_start3A_56 = arith.constant 0 : i32
    %dma_start3A_57 = tpu.memref_slice %arg7[%dma_start3A_55, %dma_start3A_56] : memref<4x128xi32, #tpu.memory_space<vmem>> -> memref<1x128xi32, #tpu.memory_space<vmem>>
    %dma_start3A_58 = tpu.memref_squeeze %dma_start3A_57 : memref<1x128xi32, #tpu.memory_space<vmem>> -> memref<128xi32, #tpu.memory_space<vmem>>
    %dma_start3A_59 = arith.constant 0 : i32
    %dma_start3A_60 = arith.constant 0 : i32
    %dma_start3A_61 = tpu.memref_slice %arg3[%arg0, %arg1, %dma_start3A_59, %dma_start3A_60] : memref<2x16x80x128xi32, #tpu.memory_space<hbm>> -> memref<1x1x80x128xi32, #tpu.memory_space<hbm>>
    %dma_start3A_62 = tpu.memref_squeeze %dma_start3A_61 : memref<1x1x80x128xi32, #tpu.memory_space<hbm>> -> memref<80x128xi32, #tpu.memory_space<hbm>>
    %dma_start3A_63 = arith.constant 0 : i32
    %dma_start3A_64 = tpu.memref_slice %dma_start3A_62[%dma_start3A_54, %dma_start3A_63] : memref<80x128xi32, #tpu.memory_space<hbm>> -> memref<1x128xi32, #tpu.memory_space<hbm>>
    %dma_start3A_65 = tpu.memref_squeeze %dma_start3A_64 : memref<1x128xi32, #tpu.memory_space<hbm>> -> memref<128xi32, #tpu.memory_space<hbm>>
    %dma_start3A_66 = arith.constant 0 : i32
    %dma_start3A_67 = tpu.memref_slice %arg7[%dma_start3A_55, %dma_start3A_66] : memref<4x128xi32, #tpu.memory_space<vmem>> -> memref<1x128xi32, #tpu.memory_space<vmem>>
    %dma_start3A_68 = tpu.memref_squeeze %dma_start3A_67 : memref<1x128xi32, #tpu.memory_space<vmem>> -> memref<128xi32, #tpu.memory_space<vmem>>
    %dma_start3A_69 = arith.constant 0 : i32
    %dma_start3A_70 = arith.constant 0 : i32
    %dma_start3A_71 = tpu.memref_slice %arg3[%arg0, %arg1, %dma_start3A_69, %dma_start3A_70] : memref<2x16x80x128xi32, #tpu.memory_space<hbm>> -> memref<1x1x80x128xi32, #tpu.memory_space<hbm>>
    %dma_start3A_72 = tpu.memref_squeeze %dma_start3A_71 : memref<1x1x80x128xi32, #tpu.memory_space<hbm>> -> memref<80x128xi32, #tpu.memory_space<hbm>>
    %dma_start3A_73 = arith.constant 0 : i32
    %dma_start3A_74 = tpu.memref_slice %dma_start3A_72[%dma_start3A_54, %dma_start3A_73] : memref<80x128xi32, #tpu.memory_space<hbm>> -> memref<1x128xi32, #tpu.memory_space<hbm>>
    %dma_start3A_75 = tpu.memref_squeeze %dma_start3A_74 : memref<1x128xi32, #tpu.memory_space<hbm>> -> memref<128xi32, #tpu.memory_space<hbm>>
    tpu.enqueue_dma source(%dma_start3A_75 : memref<128xi32, #tpu.memory_space<hbm>>) target(%dma_start3A_68 : memref<128xi32, #tpu.memory_space<vmem>>) target_semaphore(%arg18 : memref<!tpu.dma_semaphore, #tpu.memory_space<semaphore_mem>>)
    %dma_start3A_76 = arith.constant 3 : i32
    %dma_start3A_77 = arith.constant 3 : i32
    %dma_start3A_78 = arith.constant 0 : i32
    %dma_start3A_79 = tpu.memref_slice %arg7[%dma_start3A_77, %dma_start3A_78] : memref<4x128xi32, #tpu.memory_space<vmem>> -> memref<1x128xi32, #tpu.memory_space<vmem>>
    %dma_start3A_80 = tpu.memref_squeeze %dma_start3A_79 : memref<1x128xi32, #tpu.memory_space<vmem>> -> memref<128xi32, #tpu.memory_space<vmem>>
    %dma_start3A_81 = arith.constant 0 : i32
    %dma_start3A_82 = arith.constant 0 : i32
    %dma_start3A_83 = tpu.memref_slice %arg3[%arg0, %arg1, %dma_start3A_81, %dma_start3A_82] : memref<2x16x80x128xi32, #tpu.memory_space<hbm>> -> memref<1x1x80x128xi32, #tpu.memory_space<hbm>>
    %dma_start3A_84 = tpu.memref_squeeze %dma_start3A_83 : memref<1x1x80x128xi32, #tpu.memory_space<hbm>> -> memref<80x128xi32, #tpu.memory_space<hbm>>
    %dma_start3A_85 = arith.constant 0 : i32
    %dma_start3A_86 = tpu.memref_slice %dma_start3A_84[%dma_start3A_76, %dma_start3A_85] : memref<80x128xi32, #tpu.memory_space<hbm>> -> memref<1x128xi32, #tpu.memory_space<hbm>>
    %dma_start3A_87 = tpu.memref_squeeze %dma_start3A_86 : memref<1x128xi32, #tpu.memory_space<hbm>> -> memref<128xi32, #tpu.memory_space<hbm>>
    %dma_start3A_88 = arith.constant 0 : i32
    %dma_start3A_89 = tpu.memref_slice %arg7[%dma_start3A_77, %dma_start3A_88] : memref<4x128xi32, #tpu.memory_space<vmem>> -> memref<1x128xi32, #tpu.memory_space<vmem>>
    %dma_start3A_90 = tpu.memref_squeeze %dma_start3A_89 : memref<1x128xi32, #tpu.memory_space<vmem>> -> memref<128xi32, #tpu.memory_space<vmem>>
    %dma_start3A_91 = arith.constant 0 : i32
    %dma_start3A_92 = arith.constant 0 : i32
    %dma_start3A_93 = tpu.memref_slice %arg3[%arg0, %arg1, %dma_start3A_91, %dma_start3A_92] : memref<2x16x80x128xi32, #tpu.memory_space<hbm>> -> memref<1x1x80x128xi32, #tpu.memory_space<hbm>>
    %dma_start3A_94 = tpu.memref_squeeze %dma_start3A_93 : memref<1x1x80x128xi32, #tpu.memory_space<hbm>> -> memref<80x128xi32, #tpu.memory_space<hbm>>
    %dma_start3A_95 = arith.constant 0 : i32
    %dma_start3A_96 = tpu.memref_slice %dma_start3A_94[%dma_start3A_76, %dma_start3A_95] : memref<80x128xi32, #tpu.memory_space<hbm>> -> memref<1x128xi32, #tpu.memory_space<hbm>>
    %dma_start3A_97 = tpu.memref_squeeze %dma_start3A_96 : memref<1x128xi32, #tpu.memory_space<hbm>> -> memref<128xi32, #tpu.memory_space<hbm>>
    tpu.enqueue_dma source(%dma_start3A_97 : memref<128xi32, #tpu.memory_space<hbm>>) target(%dma_start3A_90 : memref<128xi32, #tpu.memory_space<vmem>>) target_semaphore(%arg19 : memref<!tpu.dma_semaphore, #tpu.memory_space<semaphore_mem>>)
    %scan3A_98 = arith.constant 0 : i32
    %scan3A_99 = arith.constant 10 : i32
    %scan3A_100 = arith.addi %scan3A_98, %scan3A_99 : i32
    %scan3A_101 = arith.constant 1 : i32
    scf.for %scan3A_131 = %scan3A_98 to %scan3A_100 step %scan3A_101  : i32 {
      %mul3A_132 = arith.constant 1 : i32
      %mul3A_133 = arith.muli %scan3A_131, %mul3A_132 : i32
      %add3A = arith.constant 0 : i32
      %add3A_134 = arith.addi %add3A, %mul3A_133 : i32
      %mul3A_135 = arith.constant 8 : i32
      %mul3A_136 = arith.muli %add3A_134, %mul3A_135 : i32
      %add3A_137 = arith.constant 0 : i32
      %add3A_138 = arith.addi %mul3A_136, %add3A_137 : i32
      %gt3A = arith.constant 0 : i32
      %gt3A_139 = arith.cmpi sgt, %add3A_134, %gt3A : i32
      %convert_element_type3A = arith.extui %gt3A_139 : i1 to i32
      %cond3A = arith.constant 0 : i32
      %cond3A_140 = arith.cmpi ne, %convert_element_type3A, %cond3A : i32
      scf.if %cond3A_140 {
        %dma_wait3A_572 = arith.constant 0 : i32
        %dma_wait3A_573 = tpu.memref_slice %arg6[%add3A_138, %dma_wait3A_572] : memref<80x128xi32, #tpu.memory_space<vmem>> -> memref<1x128xi32, #tpu.memory_space<vmem>>
        %dma_wait3A_574 = tpu.memref_squeeze %dma_wait3A_573 : memref<1x128xi32, #tpu.memory_space<vmem>> -> memref<128xi32, #tpu.memory_space<vmem>>
        %dma_wait3A_575 = arith.constant 0 : i32
        %dma_wait3A_576 = arith.constant 0 : i32
        %dma_wait3A_577 = tpu.memref_slice %arg11[%dma_wait3A_575, %dma_wait3A_576] : memref<10240x128xf32, #tpu.memory_space<vmem_shared>> -> memref<10240x128xf32, #tpu.memory_space<vmem_shared>>
        tpu.wait_indirect_dma semaphore(%arg14 : memref<!tpu.dma_semaphore, #tpu.memory_space<semaphore_mem>>) src(%arg8 : memref<128x128xf32, #tpu.memory_space<vmem>>) dst(%dma_wait3A_577 : memref<10240x128xf32, #tpu.memory_space<vmem_shared>>)
        %lt3A_578 = arith.constant 78 : i32
        %lt3A_579 = arith.cmpi slt, %add3A_138, %lt3A_578 : i32
        %convert_element_type3A_580 = arith.extui %lt3A_579 : i1 to i32
        %cond3A_581 = arith.constant 0 : i32
        %cond3A_582 = arith.cmpi ne, %convert_element_type3A_580, %cond3A_581 : i32
        scf.if %cond3A_582 {
          %add3A_583 = arith.constant 2 : i32
          %add3A_584 = arith.addi %add3A_138, %add3A_583 : i32
          %dma_start3A_585 = arith.constant 2 : i32
          %dma_start3A_586 = arith.constant 0 : i32
          %dma_start3A_587 = tpu.memref_slice %arg7[%dma_start3A_585, %dma_start3A_586] : memref<4x128xi32, #tpu.memory_space<vmem>> -> memref<1x128xi32, #tpu.memory_space<vmem>>
          %dma_start3A_588 = tpu.memref_squeeze %dma_start3A_587 : memref<1x128xi32, #tpu.memory_space<vmem>> -> memref<128xi32, #tpu.memory_space<vmem>>
          %dma_start3A_589 = arith.constant 0 : i32
          %dma_start3A_590 = arith.constant 0 : i32
          %dma_start3A_591 = tpu.memref_slice %arg3[%arg0, %arg1, %dma_start3A_589, %dma_start3A_590] : memref<2x16x80x128xi32, #tpu.memory_space<hbm>> -> memref<1x1x80x128xi32, #tpu.memory_space<hbm>>
          %dma_start3A_592 = tpu.memref_squeeze %dma_start3A_591 : memref<1x1x80x128xi32, #tpu.memory_space<hbm>> -> memref<80x128xi32, #tpu.memory_space<hbm>>
          %dma_start3A_593 = arith.constant 0 : i32
          %dma_start3A_594 = tpu.memref_slice %dma_start3A_592[%add3A_584, %dma_start3A_593] : memref<80x128xi32, #tpu.memory_space<hbm>> -> memref<1x128xi32, #tpu.memory_space<hbm>>
          %dma_start3A_595 = tpu.memref_squeeze %dma_start3A_594 : memref<1x128xi32, #tpu.memory_space<hbm>> -> memref<128xi32, #tpu.memory_space<hbm>>
          %dma_start3A_596 = arith.constant 0 : i32
          %dma_start3A_597 = tpu.memref_slice %arg7[%dma_start3A_585, %dma_start3A_596] : memref<4x128xi32, #tpu.memory_space<vmem>> -> memref<1x128xi32, #tpu.memory_space<vmem>>
          %dma_start3A_598 = tpu.memref_squeeze %dma_start3A_597 : memref<1x128xi32, #tpu.memory_space<vmem>> -> memref<128xi32, #tpu.memory_space<vmem>>
          %dma_start3A_599 = arith.constant 0 : i32
          %dma_start3A_600 = arith.constant 0 : i32
          %dma_start3A_601 = tpu.memref_slice %arg3[%arg0, %arg1, %dma_start3A_599, %dma_start3A_600] : memref<2x16x80x128xi32, #tpu.memory_space<hbm>> -> memref<1x1x80x128xi32, #tpu.memory_space<hbm>>
          %dma_start3A_602 = tpu.memref_squeeze %dma_start3A_601 : memref<1x1x80x128xi32, #tpu.memory_space<hbm>> -> memref<80x128xi32, #tpu.memory_space<hbm>>
          %dma_start3A_603 = arith.constant 0 : i32
          %dma_start3A_604 = tpu.memref_slice %dma_start3A_602[%add3A_584, %dma_start3A_603] : memref<80x128xi32, #tpu.memory_space<hbm>> -> memref<1x128xi32, #tpu.memory_space<hbm>>
          %dma_start3A_605 = tpu.memref_squeeze %dma_start3A_604 : memref<1x128xi32, #tpu.memory_space<hbm>> -> memref<128xi32, #tpu.memory_space<hbm>>
          tpu.enqueue_dma source(%dma_start3A_605 : memref<128xi32, #tpu.memory_space<hbm>>) target(%dma_start3A_598 : memref<128xi32, #tpu.memory_space<vmem>>) target_semaphore(%arg18 : memref<!tpu.dma_semaphore, #tpu.memory_space<semaphore_mem>>)
        } else {
        }
      } else {
      }
      %dma_wait3A_141 = arith.constant 0 : i32
      %dma_wait3A_142 = arith.constant 0 : i32
      %dma_wait3A_143 = tpu.memref_slice %arg7[%dma_wait3A_141, %dma_wait3A_142] : memref<4x128xi32, #tpu.memory_space<vmem>> -> memref<1x128xi32, #tpu.memory_space<vmem>>
      %dma_wait3A_144 = tpu.memref_squeeze %dma_wait3A_143 : memref<1x128xi32, #tpu.memory_space<vmem>> -> memref<128xi32, #tpu.memory_space<vmem>>
      %dma_wait3A_145 = arith.constant 0 : i32
      %dma_wait3A_146 = arith.constant 0 : i32
      %dma_wait3A_147 = tpu.memref_slice %arg3[%arg0, %arg1, %dma_wait3A_145, %dma_wait3A_146] : memref<2x16x80x128xi32, #tpu.memory_space<hbm>> -> memref<1x1x80x128xi32, #tpu.memory_space<hbm>>
      %dma_wait3A_148 = tpu.memref_squeeze %dma_wait3A_147 : memref<1x1x80x128xi32, #tpu.memory_space<hbm>> -> memref<80x128xi32, #tpu.memory_space<hbm>>
      %dma_wait3A_149 = arith.constant 0 : i32
      %dma_wait3A_150 = tpu.memref_slice %dma_wait3A_148[%add3A_138, %dma_wait3A_149] : memref<80x128xi32, #tpu.memory_space<hbm>> -> memref<1x128xi32, #tpu.memory_space<hbm>>
      %dma_wait3A_151 = tpu.memref_squeeze %dma_wait3A_150 : memref<1x128xi32, #tpu.memory_space<hbm>> -> memref<128xi32, #tpu.memory_space<hbm>>
      %dma_wait3A_152 = arith.constant 0 : i32
      %dma_wait3A_153 = tpu.memref_slice %arg7[%dma_wait3A_141, %dma_wait3A_152] : memref<4x128xi32, #tpu.memory_space<vmem>> -> memref<1x128xi32, #tpu.memory_space<vmem>>
      %dma_wait3A_154 = tpu.memref_squeeze %dma_wait3A_153 : memref<1x128xi32, #tpu.memory_space<vmem>> -> memref<128xi32, #tpu.memory_space<vmem>>
      %dma_wait3A_155 = arith.constant 0 : i32
      %dma_wait3A_156 = arith.constant 0 : i32
      %dma_wait3A_157 = tpu.memref_slice %arg3[%arg0, %arg1, %dma_wait3A_155, %dma_wait3A_156] : memref<2x16x80x128xi32, #tpu.memory_space<hbm>> -> memref<1x1x80x128xi32, #tpu.memory_space<hbm>>
      %dma_wait3A_158 = tpu.memref_squeeze %dma_wait3A_157 : memref<1x1x80x128xi32, #tpu.memory_space<hbm>> -> memref<80x128xi32, #tpu.memory_space<hbm>>
      %dma_wait3A_159 = arith.constant 0 : i32
      %dma_wait3A_160 = tpu.memref_slice %dma_wait3A_158[%add3A_138, %dma_wait3A_159] : memref<80x128xi32, #tpu.memory_space<hbm>> -> memref<1x128xi32, #tpu.memory_space<hbm>>
      %dma_wait3A_161 = tpu.memref_squeeze %dma_wait3A_160 : memref<1x128xi32, #tpu.memory_space<hbm>> -> memref<128xi32, #tpu.memory_space<hbm>>
      tpu.wait_dma2 semaphore(%arg16 : memref<!tpu.dma_semaphore, #tpu.memory_space<semaphore_mem>>) src(%dma_wait3A_161 : memref<128xi32, #tpu.memory_space<hbm>>) dst(%dma_wait3A_154 : memref<128xi32, #tpu.memory_space<vmem>>)
      %dma_start3A_162 = arith.constant 0 : i32
      %dma_start3A_163 = arith.constant 0 : i32
      %dma_start3A_164 = tpu.memref_slice %arg7[%dma_start3A_162, %dma_start3A_163] : memref<4x128xi32, #tpu.memory_space<vmem>> -> memref<1x128xi32, #tpu.memory_space<vmem>>
      %dma_start3A_165 = tpu.memref_squeeze %dma_start3A_164 : memref<1x128xi32, #tpu.memory_space<vmem>> -> memref<128xi32, #tpu.memory_space<vmem>>
      %dma_start3A_166 = arith.constant 0 : i32
      %dma_start3A_167 = arith.constant 0 : i32
      %dma_start3A_168 = tpu.memref_slice %arg2[%dma_start3A_166, %dma_start3A_167] : memref<20000x128xf32, #tpu.memory_space<hbm>> -> memref<20000x128xf32, #tpu.memory_space<hbm>>
      tpu.enqueue_indirect_dma source(%dma_start3A_168 : memref<20000x128xf32, #tpu.memory_space<hbm>>) target(%arg8 : memref<128x128xf32, #tpu.memory_space<vmem>>) offsets(%dma_start3A_165 : memref<128xi32, #tpu.memory_space<vmem>>) semaphore(%arg12 : memref<!tpu.dma_semaphore, #tpu.memory_space<semaphore_mem>>)
      %gt3A_169 = arith.constant 0 : i32
      %gt3A_170 = arith.cmpi sgt, %add3A_134, %gt3A_169 : i32
      %convert_element_type3A_171 = arith.extui %gt3A_170 : i1 to i32
      %cond3A_172 = arith.constant 0 : i32
      %cond3A_173 = arith.cmpi ne, %convert_element_type3A_171, %cond3A_172 : i32
      scf.if %cond3A_173 {
        %dma_wait3A_572 = arith.constant 0 : i32
        %dma_wait3A_573 = arith.constant 0 : i32
        %dma_wait3A_574 = tpu.memref_slice %arg7[%dma_wait3A_572, %dma_wait3A_573] : memref<4x128xi32, #tpu.memory_space<vmem>> -> memref<1x128xi32, #tpu.memory_space<vmem>>
        %dma_wait3A_575 = tpu.memref_squeeze %dma_wait3A_574 : memref<1x128xi32, #tpu.memory_space<vmem>> -> memref<128xi32, #tpu.memory_space<vmem>>
        %dma_wait3A_576 = arith.constant 0 : i32
        %dma_wait3A_577 = arith.constant 0 : i32
        %dma_wait3A_578 = tpu.memref_slice %arg2[%dma_wait3A_576, %dma_wait3A_577] : memref<20000x128xf32, #tpu.memory_space<hbm>> -> memref<20000x128xf32, #tpu.memory_space<hbm>>
        tpu.wait_indirect_dma semaphore(%arg13 : memref<!tpu.dma_semaphore, #tpu.memory_space<semaphore_mem>>) src(%dma_wait3A_578 : memref<20000x128xf32, #tpu.memory_space<hbm>>) dst(%arg9 : memref<128x128xf32, #tpu.memory_space<vmem>>)
        %sub3A_579 = arith.constant 1 : i32
        %sub3A_580 = arith.subi %add3A_138, %sub3A_579 : i32
        %dma_start3A_581 = arith.constant 0 : i32
        %dma_start3A_582 = tpu.memref_slice %arg6[%sub3A_580, %dma_start3A_581] : memref<80x128xi32, #tpu.memory_space<vmem>> -> memref<1x128xi32, #tpu.memory_space<vmem>>
        %dma_start3A_583 = tpu.memref_squeeze %dma_start3A_582 : memref<1x128xi32, #tpu.memory_space<vmem>> -> memref<128xi32, #tpu.memory_space<vmem>>
        %dma_start3A_584 = arith.constant 0 : i32
        %dma_start3A_585 = arith.constant 0 : i32
        %dma_start3A_586 = tpu.memref_slice %arg11[%dma_start3A_584, %dma_start3A_585] : memref<10240x128xf32, #tpu.memory_space<vmem_shared>> -> memref<10240x128xf32, #tpu.memory_space<vmem_shared>>
        tpu.enqueue_indirect_dma source(%arg9 : memref<128x128xf32, #tpu.memory_space<vmem>>) target(%dma_start3A_586 : memref<10240x128xf32, #tpu.memory_space<vmem_shared>>) offsets(%dma_start3A_583 : memref<128xi32, #tpu.memory_space<vmem>>) semaphore(%arg15 : memref<!tpu.dma_semaphore, #tpu.memory_space<semaphore_mem>>) {add = true}
      } else {
      }
      %mul3A_174 = arith.constant 8 : i32
      %mul3A_175 = arith.muli %add3A_134, %mul3A_174 : i32
      %add3A_176 = arith.constant 1 : i32
      %add3A_177 = arith.addi %mul3A_175, %add3A_176 : i32
      %gt3A_178 = arith.constant 0 : i32
      %gt3A_179 = arith.cmpi sgt, %add3A_134, %gt3A_178 : i32
      %convert_element_type3A_180 = arith.extui %gt3A_179 : i1 to i32
      %cond3A_181 = arith.constant 0 : i32
      %cond3A_182 = arith.cmpi ne, %convert_element_type3A_180, %cond3A_181 : i32
      scf.if %cond3A_182 {
        %dma_wait3A_572 = arith.constant 0 : i32
        %dma_wait3A_573 = tpu.memref_slice %arg6[%add3A_177, %dma_wait3A_572] : memref<80x128xi32, #tpu.memory_space<vmem>> -> memref<1x128xi32, #tpu.memory_space<vmem>>
        %dma_wait3A_574 = tpu.memref_squeeze %dma_wait3A_573 : memref<1x128xi32, #tpu.memory_space<vmem>> -> memref<128xi32, #tpu.memory_space<vmem>>
        %dma_wait3A_575 = arith.constant 0 : i32
        %dma_wait3A_576 = arith.constant 0 : i32
        %dma_wait3A_577 = tpu.memref_slice %arg11[%dma_wait3A_575, %dma_wait3A_576] : memref<10240x128xf32, #tpu.memory_space<vmem_shared>> -> memref<10240x128xf32, #tpu.memory_space<vmem_shared>>
        tpu.wait_indirect_dma semaphore(%arg15 : memref<!tpu.dma_semaphore, #tpu.memory_space<semaphore_mem>>) src(%arg9 : memref<128x128xf32, #tpu.memory_space<vmem>>) dst(%dma_wait3A_577 : memref<10240x128xf32, #tpu.memory_space<vmem_shared>>)
        %lt3A_578 = arith.constant 78 : i32
        %lt3A_579 = arith.cmpi slt, %add3A_177, %lt3A_578 : i32
        %convert_element_type3A_580 = arith.extui %lt3A_579 : i1 to i32
        %cond3A_581 = arith.constant 0 : i32
        %cond3A_582 = arith.cmpi ne, %convert_element_type3A_580, %cond3A_581 : i32
        scf.if %cond3A_582 {
          %add3A_583 = arith.constant 2 : i32
          %add3A_584 = arith.addi %add3A_177, %add3A_583 : i32
          %dma_start3A_585 = arith.constant 3 : i32
          %dma_start3A_586 = arith.constant 0 : i32
          %dma_start3A_587 = tpu.memref_slice %arg7[%dma_start3A_585, %dma_start3A_586] : memref<4x128xi32, #tpu.memory_space<vmem>> -> memref<1x128xi32, #tpu.memory_space<vmem>>
          %dma_start3A_588 = tpu.memref_squeeze %dma_start3A_587 : memref<1x128xi32, #tpu.memory_space<vmem>> -> memref<128xi32, #tpu.memory_space<vmem>>
          %dma_start3A_589 = arith.constant 0 : i32
          %dma_start3A_590 = arith.constant 0 : i32
          %dma_start3A_591 = tpu.memref_slice %arg3[%arg0, %arg1, %dma_start3A_589, %dma_start3A_590] : memref<2x16x80x128xi32, #tpu.memory_space<hbm>> -> memref<1x1x80x128xi32, #tpu.memory_space<hbm>>
          %dma_start3A_592 = tpu.memref_squeeze %dma_start3A_591 : memref<1x1x80x128xi32, #tpu.memory_space<hbm>> -> memref<80x128xi32, #tpu.memory_space<hbm>>
          %dma_start3A_593 = arith.constant 0 : i32
          %dma_start3A_594 = tpu.memref_slice %dma_start3A_592[%add3A_584, %dma_start3A_593] : memref<80x128xi32, #tpu.memory_space<hbm>> -> memref<1x128xi32, #tpu.memory_space<hbm>>
          %dma_start3A_595 = tpu.memref_squeeze %dma_start3A_594 : memref<1x128xi32, #tpu.memory_space<hbm>> -> memref<128xi32, #tpu.memory_space<hbm>>
          %dma_start3A_596 = arith.constant 0 : i32
          %dma_start3A_597 = tpu.memref_slice %arg7[%dma_start3A_585, %dma_start3A_596] : memref<4x128xi32, #tpu.memory_space<vmem>> -> memref<1x128xi32, #tpu.memory_space<vmem>>
          %dma_start3A_598 = tpu.memref_squeeze %dma_start3A_597 : memref<1x128xi32, #tpu.memory_space<vmem>> -> memref<128xi32, #tpu.memory_space<vmem>>
          %dma_start3A_599 = arith.constant 0 : i32
          %dma_start3A_600 = arith.constant 0 : i32
          %dma_start3A_601 = tpu.memref_slice %arg3[%arg0, %arg1, %dma_start3A_599, %dma_start3A_600] : memref<2x16x80x128xi32, #tpu.memory_space<hbm>> -> memref<1x1x80x128xi32, #tpu.memory_space<hbm>>
          %dma_start3A_602 = tpu.memref_squeeze %dma_start3A_601 : memref<1x1x80x128xi32, #tpu.memory_space<hbm>> -> memref<80x128xi32, #tpu.memory_space<hbm>>
          %dma_start3A_603 = arith.constant 0 : i32
          %dma_start3A_604 = tpu.memref_slice %dma_start3A_602[%add3A_584, %dma_start3A_603] : memref<80x128xi32, #tpu.memory_space<hbm>> -> memref<1x128xi32, #tpu.memory_space<hbm>>
          %dma_start3A_605 = tpu.memref_squeeze %dma_start3A_604 : memref<1x128xi32, #tpu.memory_space<hbm>> -> memref<128xi32, #tpu.memory_space<hbm>>
          tpu.enqueue_dma source(%dma_start3A_605 : memref<128xi32, #tpu.memory_space<hbm>>) target(%dma_start3A_598 : memref<128xi32, #tpu.memory_space<vmem>>) target_semaphore(%arg19 : memref<!tpu.dma_semaphore, #tpu.memory_space<semaphore_mem>>)
        } else {
        }
      } else {
      }
      %dma_wait3A_183 = arith.constant 1 : i32
      %dma_wait3A_184 = arith.constant 0 : i32
      %dma_wait3A_185 = tpu.memref_slice %arg7[%dma_wait3A_183, %dma_wait3A_184] : memref<4x128xi32, #tpu.memory_space<vmem>> -> memref<1x128xi32, #tpu.memory_space<vmem>>
      %dma_wait3A_186 = tpu.memref_squeeze %dma_wait3A_185 : memref<1x128xi32, #tpu.memory_space<vmem>> -> memref<128xi32, #tpu.memory_space<vmem>>
      %dma_wait3A_187 = arith.constant 0 : i32
      %dma_wait3A_188 = arith.constant 0 : i32
      %dma_wait3A_189 = tpu.memref_slice %arg3[%arg0, %arg1, %dma_wait3A_187, %dma_wait3A_188] : memref<2x16x80x128xi32, #tpu.memory_space<hbm>> -> memref<1x1x80x128xi32, #tpu.memory_space<hbm>>
      %dma_wait3A_190 = tpu.memref_squeeze %dma_wait3A_189 : memref<1x1x80x128xi32, #tpu.memory_space<hbm>> -> memref<80x128xi32, #tpu.memory_space<hbm>>
      %dma_wait3A_191 = arith.constant 0 : i32
      %dma_wait3A_192 = tpu.memref_slice %dma_wait3A_190[%add3A_177, %dma_wait3A_191] : memref<80x128xi32, #tpu.memory_space<hbm>> -> memref<1x128xi32, #tpu.memory_space<hbm>>
      %dma_wait3A_193 = tpu.memref_squeeze %dma_wait3A_192 : memref<1x128xi32, #tpu.memory_space<hbm>> -> memref<128xi32, #tpu.memory_space<hbm>>
      %dma_wait3A_194 = arith.constant 0 : i32
      %dma_wait3A_195 = tpu.memref_slice %arg7[%dma_wait3A_183, %dma_wait3A_194] : memref<4x128xi32, #tpu.memory_space<vmem>> -> memref<1x128xi32, #tpu.memory_space<vmem>>
      %dma_wait3A_196 = tpu.memref_squeeze %dma_wait3A_195 : memref<1x128xi32, #tpu.memory_space<vmem>> -> memref<128xi32, #tpu.memory_space<vmem>>
      %dma_wait3A_197 = arith.constant 0 : i32
      %dma_wait3A_198 = arith.constant 0 : i32
      %dma_wait3A_199 = tpu.memref_slice %arg3[%arg0, %arg1, %dma_wait3A_197, %dma_wait3A_198] : memref<2x16x80x128xi32, #tpu.memory_space<hbm>> -> memref<1x1x80x128xi32, #tpu.memory_space<hbm>>
      %dma_wait3A_200 = tpu.memref_squeeze %dma_wait3A_199 : memref<1x1x80x128xi32, #tpu.memory_space<hbm>> -> memref<80x128xi32, #tpu.memory_space<hbm>>
      %dma_wait3A_201 = arith.constant 0 : i32
      %dma_wait3A_202 = tpu.memref_slice %dma_wait3A_200[%add3A_177, %dma_wait3A_201] : memref<80x128xi32, #tpu.memory_space<hbm>> -> memref<1x128xi32, #tpu.memory_space<hbm>>
      %dma_wait3A_203 = tpu.memref_squeeze %dma_wait3A_202 : memref<1x128xi32, #tpu.memory_space<hbm>> -> memref<128xi32, #tpu.memory_space<hbm>>
      tpu.wait_dma2 semaphore(%arg17 : memref<!tpu.dma_semaphore, #tpu.memory_space<semaphore_mem>>) src(%dma_wait3A_203 : memref<128xi32, #tpu.memory_space<hbm>>) dst(%dma_wait3A_196 : memref<128xi32, #tpu.memory_space<vmem>>)
      %dma_start3A_204 = arith.constant 1 : i32
      %dma_start3A_205 = arith.constant 0 : i32
      %dma_start3A_206 = tpu.memref_slice %arg7[%dma_start3A_204, %dma_start3A_205] : memref<4x128xi32, #tpu.memory_space<vmem>> -> memref<1x128xi32, #tpu.memory_space<vmem>>
      %dma_start3A_207 = tpu.memref_squeeze %dma_start3A_206 : memref<1x128xi32, #tpu.memory_space<vmem>> -> memref<128xi32, #tpu.memory_space<vmem>>
      %dma_start3A_208 = arith.constant 0 : i32
      %dma_start3A_209 = arith.constant 0 : i32
      %dma_start3A_210 = tpu.memref_slice %arg2[%dma_start3A_208, %dma_start3A_209] : memref<20000x128xf32, #tpu.memory_space<hbm>> -> memref<20000x128xf32, #tpu.memory_space<hbm>>
      tpu.enqueue_indirect_dma source(%dma_start3A_210 : memref<20000x128xf32, #tpu.memory_space<hbm>>) target(%arg9 : memref<128x128xf32, #tpu.memory_space<vmem>>) offsets(%dma_start3A_207 : memref<128xi32, #tpu.memory_space<vmem>>) semaphore(%arg13 : memref<!tpu.dma_semaphore, #tpu.memory_space<semaphore_mem>>)
      %dma_wait3A_211 = arith.constant 0 : i32
      %dma_wait3A_212 = arith.constant 0 : i32
      %dma_wait3A_213 = tpu.memref_slice %arg7[%dma_wait3A_211, %dma_wait3A_212] : memref<4x128xi32, #tpu.memory_space<vmem>> -> memref<1x128xi32, #tpu.memory_space<vmem>>
      %dma_wait3A_214 = tpu.memref_squeeze %dma_wait3A_213 : memref<1x128xi32, #tpu.memory_space<vmem>> -> memref<128xi32, #tpu.memory_space<vmem>>
      %dma_wait3A_215 = arith.constant 0 : i32
      %dma_wait3A_216 = arith.constant 0 : i32
      %dma_wait3A_217 = tpu.memref_slice %arg2[%dma_wait3A_215, %dma_wait3A_216] : memref<20000x128xf32, #tpu.memory_space<hbm>> -> memref<20000x128xf32, #tpu.memory_space<hbm>>
      tpu.wait_indirect_dma semaphore(%arg12 : memref<!tpu.dma_semaphore, #tpu.memory_space<semaphore_mem>>) src(%dma_wait3A_217 : memref<20000x128xf32, #tpu.memory_space<hbm>>) dst(%arg8 : memref<128x128xf32, #tpu.memory_space<vmem>>)
      %sub3A = arith.constant 1 : i32
      %sub3A_218 = arith.subi %add3A_177, %sub3A : i32
      %dma_start3A_219 = arith.constant 0 : i32
      %dma_start3A_220 = tpu.memref_slice %arg6[%sub3A_218, %dma_start3A_219] : memref<80x128xi32, #tpu.memory_space<vmem>> -> memref<1x128xi32, #tpu.memory_space<vmem>>
      %dma_start3A_221 = tpu.memref_squeeze %dma_start3A_220 : memref<1x128xi32, #tpu.memory_space<vmem>> -> memref<128xi32, #tpu.memory_space<vmem>>
      %dma_start3A_222 = arith.constant 0 : i32
      %dma_start3A_223 = arith.constant 0 : i32
      %dma_start3A_224 = tpu.memref_slice %arg11[%dma_start3A_222, %dma_start3A_223] : memref<10240x128xf32, #tpu.memory_space<vmem_shared>> -> memref<10240x128xf32, #tpu.memory_space<vmem_shared>>
      tpu.enqueue_indirect_dma source(%arg8 : memref<128x128xf32, #tpu.memory_space<vmem>>) target(%dma_start3A_224 : memref<10240x128xf32, #tpu.memory_space<vmem_shared>>) offsets(%dma_start3A_221 : memref<128xi32, #tpu.memory_space<vmem>>) semaphore(%arg14 : memref<!tpu.dma_semaphore, #tpu.memory_space<semaphore_mem>>) {add = true}
      %mul3A_225 = arith.constant 8 : i32
      %mul3A_226 = arith.muli %add3A_134, %mul3A_225 : i32
      %add3A_227 = arith.constant 2 : i32
      %add3A_228 = arith.addi %mul3A_226, %add3A_227 : i32
      %dma_wait3A_229 = arith.constant 0 : i32
      %dma_wait3A_230 = tpu.memref_slice %arg6[%add3A_228, %dma_wait3A_229] : memref<80x128xi32, #tpu.memory_space<vmem>> -> memref<1x128xi32, #tpu.memory_space<vmem>>
      %dma_wait3A_231 = tpu.memref_squeeze %dma_wait3A_230 : memref<1x128xi32, #tpu.memory_space<vmem>> -> memref<128xi32, #tpu.memory_space<vmem>>
      %dma_wait3A_232 = arith.constant 0 : i32
      %dma_wait3A_233 = arith.constant 0 : i32
      %dma_wait3A_234 = tpu.memref_slice %arg11[%dma_wait3A_232, %dma_wait3A_233] : memref<10240x128xf32, #tpu.memory_space<vmem_shared>> -> memref<10240x128xf32, #tpu.memory_space<vmem_shared>>
      tpu.wait_indirect_dma semaphore(%arg14 : memref<!tpu.dma_semaphore, #tpu.memory_space<semaphore_mem>>) src(%arg8 : memref<128x128xf32, #tpu.memory_space<vmem>>) dst(%dma_wait3A_234 : memref<10240x128xf32, #tpu.memory_space<vmem_shared>>)
      %lt3A = arith.constant 78 : i32
      %lt3A_235 = arith.cmpi slt, %add3A_228, %lt3A : i32
      %convert_element_type3A_236 = arith.extui %lt3A_235 : i1 to i32
      %cond3A_237 = arith.constant 0 : i32
      %cond3A_238 = arith.cmpi ne, %convert_element_type3A_236, %cond3A_237 : i32
      scf.if %cond3A_238 {
        %add3A_572 = arith.constant 2 : i32
        %add3A_573 = arith.addi %add3A_228, %add3A_572 : i32
        %dma_start3A_574 = arith.constant 0 : i32
        %dma_start3A_575 = arith.constant 0 : i32
        %dma_start3A_576 = tpu.memref_slice %arg7[%dma_start3A_574, %dma_start3A_575] : memref<4x128xi32, #tpu.memory_space<vmem>> -> memref<1x128xi32, #tpu.memory_space<vmem>>
        %dma_start3A_577 = tpu.memref_squeeze %dma_start3A_576 : memref<1x128xi32, #tpu.memory_space<vmem>> -> memref<128xi32, #tpu.memory_space<vmem>>
        %dma_start3A_578 = arith.constant 0 : i32
        %dma_start3A_579 = arith.constant 0 : i32
        %dma_start3A_580 = tpu.memref_slice %arg3[%arg0, %arg1, %dma_start3A_578, %dma_start3A_579] : memref<2x16x80x128xi32, #tpu.memory_space<hbm>> -> memref<1x1x80x128xi32, #tpu.memory_space<hbm>>
        %dma_start3A_581 = tpu.memref_squeeze %dma_start3A_580 : memref<1x1x80x128xi32, #tpu.memory_space<hbm>> -> memref<80x128xi32, #tpu.memory_space<hbm>>
        %dma_start3A_582 = arith.constant 0 : i32
        %dma_start3A_583 = tpu.memref_slice %dma_start3A_581[%add3A_573, %dma_start3A_582] : memref<80x128xi32, #tpu.memory_space<hbm>> -> memref<1x128xi32, #tpu.memory_space<hbm>>
        %dma_start3A_584 = tpu.memref_squeeze %dma_start3A_583 : memref<1x128xi32, #tpu.memory_space<hbm>> -> memref<128xi32, #tpu.memory_space<hbm>>
        %dma_start3A_585 = arith.constant 0 : i32
        %dma_start3A_586 = tpu.memref_slice %arg7[%dma_start3A_574, %dma_start3A_585] : memref<4x128xi32, #tpu.memory_space<vmem>> -> memref<1x128xi32, #tpu.memory_space<vmem>>
        %dma_start3A_587 = tpu.memref_squeeze %dma_start3A_586 : memref<1x128xi32, #tpu.memory_space<vmem>> -> memref<128xi32, #tpu.memory_space<vmem>>
        %dma_start3A_588 = arith.constant 0 : i32
        %dma_start3A_589 = arith.constant 0 : i32
        %dma_start3A_590 = tpu.memref_slice %arg3[%arg0, %arg1, %dma_start3A_588, %dma_start3A_589] : memref<2x16x80x128xi32, #tpu.memory_space<hbm>> -> memref<1x1x80x128xi32, #tpu.memory_space<hbm>>
        %dma_start3A_591 = tpu.memref_squeeze %dma_start3A_590 : memref<1x1x80x128xi32, #tpu.memory_space<hbm>> -> memref<80x128xi32, #tpu.memory_space<hbm>>
        %dma_start3A_592 = arith.constant 0 : i32
        %dma_start3A_593 = tpu.memref_slice %dma_start3A_591[%add3A_573, %dma_start3A_592] : memref<80x128xi32, #tpu.memory_space<hbm>> -> memref<1x128xi32, #tpu.memory_space<hbm>>
        %dma_start3A_594 = tpu.memref_squeeze %dma_start3A_593 : memref<1x128xi32, #tpu.memory_space<hbm>> -> memref<128xi32, #tpu.memory_space<hbm>>
        tpu.enqueue_dma source(%dma_start3A_594 : memref<128xi32, #tpu.memory_space<hbm>>) target(%dma_start3A_587 : memref<128xi32, #tpu.memory_space<vmem>>) target_semaphore(%arg16 : memref<!tpu.dma_semaphore, #tpu.memory_space<semaphore_mem>>)
      } else {
      }
      %dma_wait3A_239 = arith.constant 2 : i32
      %dma_wait3A_240 = arith.constant 0 : i32
      %dma_wait3A_241 = tpu.memref_slice %arg7[%dma_wait3A_239, %dma_wait3A_240] : memref<4x128xi32, #tpu.memory_space<vmem>> -> memref<1x128xi32, #tpu.memory_space<vmem>>
      %dma_wait3A_242 = tpu.memref_squeeze %dma_wait3A_241 : memref<1x128xi32, #tpu.memory_space<vmem>> -> memref<128xi32, #tpu.memory_space<vmem>>
      %dma_wait3A_243 = arith.constant 0 : i32
      %dma_wait3A_244 = arith.constant 0 : i32
      %dma_wait3A_245 = tpu.memref_slice %arg3[%arg0, %arg1, %dma_wait3A_243, %dma_wait3A_244] : memref<2x16x80x128xi32, #tpu.memory_space<hbm>> -> memref<1x1x80x128xi32, #tpu.memory_space<hbm>>
      %dma_wait3A_246 = tpu.memref_squeeze %dma_wait3A_245 : memref<1x1x80x128xi32, #tpu.memory_space<hbm>> -> memref<80x128xi32, #tpu.memory_space<hbm>>
      %dma_wait3A_247 = arith.constant 0 : i32
      %dma_wait3A_248 = tpu.memref_slice %dma_wait3A_246[%add3A_228, %dma_wait3A_247] : memref<80x128xi32, #tpu.memory_space<hbm>> -> memref<1x128xi32, #tpu.memory_space<hbm>>
      %dma_wait3A_249 = tpu.memref_squeeze %dma_wait3A_248 : memref<1x128xi32, #tpu.memory_space<hbm>> -> memref<128xi32, #tpu.memory_space<hbm>>
      %dma_wait3A_250 = arith.constant 0 : i32
      %dma_wait3A_251 = tpu.memref_slice %arg7[%dma_wait3A_239, %dma_wait3A_250] : memref<4x128xi32, #tpu.memory_space<vmem>> -> memref<1x128xi32, #tpu.memory_space<vmem>>
      %dma_wait3A_252 = tpu.memref_squeeze %dma_wait3A_251 : memref<1x128xi32, #tpu.memory_space<vmem>> -> memref<128xi32, #tpu.memory_space<vmem>>
      %dma_wait3A_253 = arith.constant 0 : i32
      %dma_wait3A_254 = arith.constant 0 : i32
      %dma_wait3A_255 = tpu.memref_slice %arg3[%arg0, %arg1, %dma_wait3A_253, %dma_wait3A_254] : memref<2x16x80x128xi32, #tpu.memory_space<hbm>> -> memref<1x1x80x128xi32, #tpu.memory_space<hbm>>
      %dma_wait3A_256 = tpu.memref_squeeze %dma_wait3A_255 : memref<1x1x80x128xi32, #tpu.memory_space<hbm>> -> memref<80x128xi32, #tpu.memory_space<hbm>>
      %dma_wait3A_257 = arith.constant 0 : i32
      %dma_wait3A_258 = tpu.memref_slice %dma_wait3A_256[%add3A_228, %dma_wait3A_257] : memref<80x128xi32, #tpu.memory_space<hbm>> -> memref<1x128xi32, #tpu.memory_space<hbm>>
      %dma_wait3A_259 = tpu.memref_squeeze %dma_wait3A_258 : memref<1x128xi32, #tpu.memory_space<hbm>> -> memref<128xi32, #tpu.memory_space<hbm>>
      tpu.wait_dma2 semaphore(%arg18 : memref<!tpu.dma_semaphore, #tpu.memory_space<semaphore_mem>>) src(%dma_wait3A_259 : memref<128xi32, #tpu.memory_space<hbm>>) dst(%dma_wait3A_252 : memref<128xi32, #tpu.memory_space<vmem>>)
      %dma_start3A_260 = arith.constant 2 : i32
      %dma_start3A_261 = arith.constant 0 : i32
      %dma_start3A_262 = tpu.memref_slice %arg7[%dma_start3A_260, %dma_start3A_261] : memref<4x128xi32, #tpu.memory_space<vmem>> -> memref<1x128xi32, #tpu.memory_space<vmem>>
      %dma_start3A_263 = tpu.memref_squeeze %dma_start3A_262 : memref<1x128xi32, #tpu.memory_space<vmem>> -> memref<128xi32, #tpu.memory_space<vmem>>
      %dma_start3A_264 = arith.constant 0 : i32
      %dma_start3A_265 = arith.constant 0 : i32
      %dma_start3A_266 = tpu.memref_slice %arg2[%dma_start3A_264, %dma_start3A_265] : memref<20000x128xf32, #tpu.memory_space<hbm>> -> memref<20000x128xf32, #tpu.memory_space<hbm>>
      tpu.enqueue_indirect_dma source(%dma_start3A_266 : memref<20000x128xf32, #tpu.memory_space<hbm>>) target(%arg8 : memref<128x128xf32, #tpu.memory_space<vmem>>) offsets(%dma_start3A_263 : memref<128xi32, #tpu.memory_space<vmem>>) semaphore(%arg12 : memref<!tpu.dma_semaphore, #tpu.memory_space<semaphore_mem>>)
      %dma_wait3A_267 = arith.constant 0 : i32
      %dma_wait3A_268 = arith.constant 0 : i32
      %dma_wait3A_269 = tpu.memref_slice %arg7[%dma_wait3A_267, %dma_wait3A_268] : memref<4x128xi32, #tpu.memory_space<vmem>> -> memref<1x128xi32, #tpu.memory_space<vmem>>
      %dma_wait3A_270 = tpu.memref_squeeze %dma_wait3A_269 : memref<1x128xi32, #tpu.memory_space<vmem>> -> memref<128xi32, #tpu.memory_space<vmem>>
      %dma_wait3A_271 = arith.constant 0 : i32
      %dma_wait3A_272 = arith.constant 0 : i32
      %dma_wait3A_273 = tpu.memref_slice %arg2[%dma_wait3A_271, %dma_wait3A_272] : memref<20000x128xf32, #tpu.memory_space<hbm>> -> memref<20000x128xf32, #tpu.memory_space<hbm>>
      tpu.wait_indirect_dma semaphore(%arg13 : memref<!tpu.dma_semaphore, #tpu.memory_space<semaphore_mem>>) src(%dma_wait3A_273 : memref<20000x128xf32, #tpu.memory_space<hbm>>) dst(%arg9 : memref<128x128xf32, #tpu.memory_space<vmem>>)
      %sub3A_274 = arith.constant 1 : i32
      %sub3A_275 = arith.subi %add3A_228, %sub3A_274 : i32
      %dma_start3A_276 = arith.constant 0 : i32
      %dma_start3A_277 = tpu.memref_slice %arg6[%sub3A_275, %dma_start3A_276] : memref<80x128xi32, #tpu.memory_space<vmem>> -> memref<1x128xi32, #tpu.memory_space<vmem>>
      %dma_start3A_278 = tpu.memref_squeeze %dma_start3A_277 : memref<1x128xi32, #tpu.memory_space<vmem>> -> memref<128xi32, #tpu.memory_space<vmem>>
      %dma_start3A_279 = arith.constant 0 : i32
      %dma_start3A_280 = arith.constant 0 : i32
      %dma_start3A_281 = tpu.memref_slice %arg11[%dma_start3A_279, %dma_start3A_280] : memref<10240x128xf32, #tpu.memory_space<vmem_shared>> -> memref<10240x128xf32, #tpu.memory_space<vmem_shared>>
      tpu.enqueue_indirect_dma source(%arg9 : memref<128x128xf32, #tpu.memory_space<vmem>>) target(%dma_start3A_281 : memref<10240x128xf32, #tpu.memory_space<vmem_shared>>) offsets(%dma_start3A_278 : memref<128xi32, #tpu.memory_space<vmem>>) semaphore(%arg15 : memref<!tpu.dma_semaphore, #tpu.memory_space<semaphore_mem>>) {add = true}
      %mul3A_282 = arith.constant 8 : i32
      %mul3A_283 = arith.muli %add3A_134, %mul3A_282 : i32
      %add3A_284 = arith.constant 3 : i32
      %add3A_285 = arith.addi %mul3A_283, %add3A_284 : i32
      %dma_wait3A_286 = arith.constant 0 : i32
      %dma_wait3A_287 = tpu.memref_slice %arg6[%add3A_285, %dma_wait3A_286] : memref<80x128xi32, #tpu.memory_space<vmem>> -> memref<1x128xi32, #tpu.memory_space<vmem>>
      %dma_wait3A_288 = tpu.memref_squeeze %dma_wait3A_287 : memref<1x128xi32, #tpu.memory_space<vmem>> -> memref<128xi32, #tpu.memory_space<vmem>>
      %dma_wait3A_289 = arith.constant 0 : i32
      %dma_wait3A_290 = arith.constant 0 : i32
      %dma_wait3A_291 = tpu.memref_slice %arg11[%dma_wait3A_289, %dma_wait3A_290] : memref<10240x128xf32, #tpu.memory_space<vmem_shared>> -> memref<10240x128xf32, #tpu.memory_space<vmem_shared>>
      tpu.wait_indirect_dma semaphore(%arg15 : memref<!tpu.dma_semaphore, #tpu.memory_space<semaphore_mem>>) src(%arg9 : memref<128x128xf32, #tpu.memory_space<vmem>>) dst(%dma_wait3A_291 : memref<10240x128xf32, #tpu.memory_space<vmem_shared>>)
      %lt3A_292 = arith.constant 78 : i32
      %lt3A_293 = arith.cmpi slt, %add3A_285, %lt3A_292 : i32
      %convert_element_type3A_294 = arith.extui %lt3A_293 : i1 to i32
      %cond3A_295 = arith.constant 0 : i32
      %cond3A_296 = arith.cmpi ne, %convert_element_type3A_294, %cond3A_295 : i32
      scf.if %cond3A_296 {
        %add3A_572 = arith.constant 2 : i32
        %add3A_573 = arith.addi %add3A_285, %add3A_572 : i32
        %dma_start3A_574 = arith.constant 1 : i32
        %dma_start3A_575 = arith.constant 0 : i32
        %dma_start3A_576 = tpu.memref_slice %arg7[%dma_start3A_574, %dma_start3A_575] : memref<4x128xi32, #tpu.memory_space<vmem>> -> memref<1x128xi32, #tpu.memory_space<vmem>>
        %dma_start3A_577 = tpu.memref_squeeze %dma_start3A_576 : memref<1x128xi32, #tpu.memory_space<vmem>> -> memref<128xi32, #tpu.memory_space<vmem>>
        %dma_start3A_578 = arith.constant 0 : i32
        %dma_start3A_579 = arith.constant 0 : i32
        %dma_start3A_580 = tpu.memref_slice %arg3[%arg0, %arg1, %dma_start3A_578, %dma_start3A_579] : memref<2x16x80x128xi32, #tpu.memory_space<hbm>> -> memref<1x1x80x128xi32, #tpu.memory_space<hbm>>
        %dma_start3A_581 = tpu.memref_squeeze %dma_start3A_580 : memref<1x1x80x128xi32, #tpu.memory_space<hbm>> -> memref<80x128xi32, #tpu.memory_space<hbm>>
        %dma_start3A_582 = arith.constant 0 : i32
        %dma_start3A_583 = tpu.memref_slice %dma_start3A_581[%add3A_573, %dma_start3A_582] : memref<80x128xi32, #tpu.memory_space<hbm>> -> memref<1x128xi32, #tpu.memory_space<hbm>>
        %dma_start3A_584 = tpu.memref_squeeze %dma_start3A_583 : memref<1x128xi32, #tpu.memory_space<hbm>> -> memref<128xi32, #tpu.memory_space<hbm>>
        %dma_start3A_585 = arith.constant 0 : i32
        %dma_start3A_586 = tpu.memref_slice %arg7[%dma_start3A_574, %dma_start3A_585] : memref<4x128xi32, #tpu.memory_space<vmem>> -> memref<1x128xi32, #tpu.memory_space<vmem>>
        %dma_start3A_587 = tpu.memref_squeeze %dma_start3A_586 : memref<1x128xi32, #tpu.memory_space<vmem>> -> memref<128xi32, #tpu.memory_space<vmem>>
        %dma_start3A_588 = arith.constant 0 : i32
        %dma_start3A_589 = arith.constant 0 : i32
        %dma_start3A_590 = tpu.memref_slice %arg3[%arg0, %arg1, %dma_start3A_588, %dma_start3A_589] : memref<2x16x80x128xi32, #tpu.memory_space<hbm>> -> memref<1x1x80x128xi32, #tpu.memory_space<hbm>>
        %dma_start3A_591 = tpu.memref_squeeze %dma_start3A_590 : memref<1x1x80x128xi32, #tpu.memory_space<hbm>> -> memref<80x128xi32, #tpu.memory_space<hbm>>
        %dma_start3A_592 = arith.constant 0 : i32
        %dma_start3A_593 = tpu.memref_slice %dma_start3A_591[%add3A_573, %dma_start3A_592] : memref<80x128xi32, #tpu.memory_space<hbm>> -> memref<1x128xi32, #tpu.memory_space<hbm>>
        %dma_start3A_594 = tpu.memref_squeeze %dma_start3A_593 : memref<1x128xi32, #tpu.memory_space<hbm>> -> memref<128xi32, #tpu.memory_space<hbm>>
        tpu.enqueue_dma source(%dma_start3A_594 : memref<128xi32, #tpu.memory_space<hbm>>) target(%dma_start3A_587 : memref<128xi32, #tpu.memory_space<vmem>>) target_semaphore(%arg17 : memref<!tpu.dma_semaphore, #tpu.memory_space<semaphore_mem>>)
      } else {
      }
      %dma_wait3A_297 = arith.constant 3 : i32
      %dma_wait3A_298 = arith.constant 0 : i32
      %dma_wait3A_299 = tpu.memref_slice %arg7[%dma_wait3A_297, %dma_wait3A_298] : memref<4x128xi32, #tpu.memory_space<vmem>> -> memref<1x128xi32, #tpu.memory_space<vmem>>
      %dma_wait3A_300 = tpu.memref_squeeze %dma_wait3A_299 : memref<1x128xi32, #tpu.memory_space<vmem>> -> memref<128xi32, #tpu.memory_space<vmem>>
      %dma_wait3A_301 = arith.constant 0 : i32
      %dma_wait3A_302 = arith.constant 0 : i32
      %dma_wait3A_303 = tpu.memref_slice %arg3[%arg0, %arg1, %dma_wait3A_301, %dma_wait3A_302] : memref<2x16x80x128xi32, #tpu.memory_space<hbm>> -> memref<1x1x80x128xi32, #tpu.memory_space<hbm>>
      %dma_wait3A_304 = tpu.memref_squeeze %dma_wait3A_303 : memref<1x1x80x128xi32, #tpu.memory_space<hbm>> -> memref<80x128xi32, #tpu.memory_space<hbm>>
      %dma_wait3A_305 = arith.constant 0 : i32
      %dma_wait3A_306 = tpu.memref_slice %dma_wait3A_304[%add3A_285, %dma_wait3A_305] : memref<80x128xi32, #tpu.memory_space<hbm>> -> memref<1x128xi32, #tpu.memory_space<hbm>>
      %dma_wait3A_307 = tpu.memref_squeeze %dma_wait3A_306 : memref<1x128xi32, #tpu.memory_space<hbm>> -> memref<128xi32, #tpu.memory_space<hbm>>
      %dma_wait3A_308 = arith.constant 0 : i32
      %dma_wait3A_309 = tpu.memref_slice %arg7[%dma_wait3A_297, %dma_wait3A_308] : memref<4x128xi32, #tpu.memory_space<vmem>> -> memref<1x128xi32, #tpu.memory_space<vmem>>
      %dma_wait3A_310 = tpu.memref_squeeze %dma_wait3A_309 : memref<1x128xi32, #tpu.memory_space<vmem>> -> memref<128xi32, #tpu.memory_space<vmem>>
      %dma_wait3A_311 = arith.constant 0 : i32
      %dma_wait3A_312 = arith.constant 0 : i32
      %dma_wait3A_313 = tpu.memref_slice %arg3[%arg0, %arg1, %dma_wait3A_311, %dma_wait3A_312] : memref<2x16x80x128xi32, #tpu.memory_space<hbm>> -> memref<1x1x80x128xi32, #tpu.memory_space<hbm>>
      %dma_wait3A_314 = tpu.memref_squeeze %dma_wait3A_313 : memref<1x1x80x128xi32, #tpu.memory_space<hbm>> -> memref<80x128xi32, #tpu.memory_space<hbm>>
      %dma_wait3A_315 = arith.constant 0 : i32
      %dma_wait3A_316 = tpu.memref_slice %dma_wait3A_314[%add3A_285, %dma_wait3A_315] : memref<80x128xi32, #tpu.memory_space<hbm>> -> memref<1x128xi32, #tpu.memory_space<hbm>>
      %dma_wait3A_317 = tpu.memref_squeeze %dma_wait3A_316 : memref<1x128xi32, #tpu.memory_space<hbm>> -> memref<128xi32, #tpu.memory_space<hbm>>
      tpu.wait_dma2 semaphore(%arg19 : memref<!tpu.dma_semaphore, #tpu.memory_space<semaphore_mem>>) src(%dma_wait3A_317 : memref<128xi32, #tpu.memory_space<hbm>>) dst(%dma_wait3A_310 : memref<128xi32, #tpu.memory_space<vmem>>)
      %dma_start3A_318 = arith.constant 3 : i32
      %dma_start3A_319 = arith.constant 0 : i32
      %dma_start3A_320 = tpu.memref_slice %arg7[%dma_start3A_318, %dma_start3A_319] : memref<4x128xi32, #tpu.memory_space<vmem>> -> memref<1x128xi32, #tpu.memory_space<vmem>>
      %dma_start3A_321 = tpu.memref_squeeze %dma_start3A_320 : memref<1x128xi32, #tpu.memory_space<vmem>> -> memref<128xi32, #tpu.memory_space<vmem>>
      %dma_start3A_322 = arith.constant 0 : i32
      %dma_start3A_323 = arith.constant 0 : i32
      %dma_start3A_324 = tpu.memref_slice %arg2[%dma_start3A_322, %dma_start3A_323] : memref<20000x128xf32, #tpu.memory_space<hbm>> -> memref<20000x128xf32, #tpu.memory_space<hbm>>
      tpu.enqueue_indirect_dma source(%dma_start3A_324 : memref<20000x128xf32, #tpu.memory_space<hbm>>) target(%arg9 : memref<128x128xf32, #tpu.memory_space<vmem>>) offsets(%dma_start3A_321 : memref<128xi32, #tpu.memory_space<vmem>>) semaphore(%arg13 : memref<!tpu.dma_semaphore, #tpu.memory_space<semaphore_mem>>)
      %dma_wait3A_325 = arith.constant 0 : i32
      %dma_wait3A_326 = arith.constant 0 : i32
      %dma_wait3A_327 = tpu.memref_slice %arg7[%dma_wait3A_325, %dma_wait3A_326] : memref<4x128xi32, #tpu.memory_space<vmem>> -> memref<1x128xi32, #tpu.memory_space<vmem>>
      %dma_wait3A_328 = tpu.memref_squeeze %dma_wait3A_327 : memref<1x128xi32, #tpu.memory_space<vmem>> -> memref<128xi32, #tpu.memory_space<vmem>>
      %dma_wait3A_329 = arith.constant 0 : i32
      %dma_wait3A_330 = arith.constant 0 : i32
      %dma_wait3A_331 = tpu.memref_slice %arg2[%dma_wait3A_329, %dma_wait3A_330] : memref<20000x128xf32, #tpu.memory_space<hbm>> -> memref<20000x128xf32, #tpu.memory_space<hbm>>
      tpu.wait_indirect_dma semaphore(%arg12 : memref<!tpu.dma_semaphore, #tpu.memory_space<semaphore_mem>>) src(%dma_wait3A_331 : memref<20000x128xf32, #tpu.memory_space<hbm>>) dst(%arg8 : memref<128x128xf32, #tpu.memory_space<vmem>>)
      %sub3A_332 = arith.constant 1 : i32
      %sub3A_333 = arith.subi %add3A_285, %sub3A_332 : i32
      %dma_start3A_334 = arith.constant 0 : i32
      %dma_start3A_335 = tpu.memref_slice %arg6[%sub3A_333, %dma_start3A_334] : memref<80x128xi32, #tpu.memory_space<vmem>> -> memref<1x128xi32, #tpu.memory_space<vmem>>
      %dma_start3A_336 = tpu.memref_squeeze %dma_start3A_335 : memref<1x128xi32, #tpu.memory_space<vmem>> -> memref<128xi32, #tpu.memory_space<vmem>>
      %dma_start3A_337 = arith.constant 0 : i32
      %dma_start3A_338 = arith.constant 0 : i32
      %dma_start3A_339 = tpu.memref_slice %arg11[%dma_start3A_337, %dma_start3A_338] : memref<10240x128xf32, #tpu.memory_space<vmem_shared>> -> memref<10240x128xf32, #tpu.memory_space<vmem_shared>>
      tpu.enqueue_indirect_dma source(%arg8 : memref<128x128xf32, #tpu.memory_space<vmem>>) target(%dma_start3A_339 : memref<10240x128xf32, #tpu.memory_space<vmem_shared>>) offsets(%dma_start3A_336 : memref<128xi32, #tpu.memory_space<vmem>>) semaphore(%arg14 : memref<!tpu.dma_semaphore, #tpu.memory_space<semaphore_mem>>) {add = true}
      %mul3A_340 = arith.constant 8 : i32
      %mul3A_341 = arith.muli %add3A_134, %mul3A_340 : i32
      %add3A_342 = arith.constant 4 : i32
      %add3A_343 = arith.addi %mul3A_341, %add3A_342 : i32
      %dma_wait3A_344 = arith.constant 0 : i32
      %dma_wait3A_345 = tpu.memref_slice %arg6[%add3A_343, %dma_wait3A_344] : memref<80x128xi32, #tpu.memory_space<vmem>> -> memref<1x128xi32, #tpu.memory_space<vmem>>
      %dma_wait3A_346 = tpu.memref_squeeze %dma_wait3A_345 : memref<1x128xi32, #tpu.memory_space<vmem>> -> memref<128xi32, #tpu.memory_space<vmem>>
      %dma_wait3A_347 = arith.constant 0 : i32
      %dma_wait3A_348 = arith.constant 0 : i32
      %dma_wait3A_349 = tpu.memref_slice %arg11[%dma_wait3A_347, %dma_wait3A_348] : memref<10240x128xf32, #tpu.memory_space<vmem_shared>> -> memref<10240x128xf32, #tpu.memory_space<vmem_shared>>
      tpu.wait_indirect_dma semaphore(%arg14 : memref<!tpu.dma_semaphore, #tpu.memory_space<semaphore_mem>>) src(%arg8 : memref<128x128xf32, #tpu.memory_space<vmem>>) dst(%dma_wait3A_349 : memref<10240x128xf32, #tpu.memory_space<vmem_shared>>)
      %lt3A_350 = arith.constant 78 : i32
      %lt3A_351 = arith.cmpi slt, %add3A_343, %lt3A_350 : i32
      %convert_element_type3A_352 = arith.extui %lt3A_351 : i1 to i32
      %cond3A_353 = arith.constant 0 : i32
      %cond3A_354 = arith.cmpi ne, %convert_element_type3A_352, %cond3A_353 : i32
      scf.if %cond3A_354 {
        %add3A_572 = arith.constant 2 : i32
        %add3A_573 = arith.addi %add3A_343, %add3A_572 : i32
        %dma_start3A_574 = arith.constant 2 : i32
        %dma_start3A_575 = arith.constant 0 : i32
        %dma_start3A_576 = tpu.memref_slice %arg7[%dma_start3A_574, %dma_start3A_575] : memref<4x128xi32, #tpu.memory_space<vmem>> -> memref<1x128xi32, #tpu.memory_space<vmem>>
        %dma_start3A_577 = tpu.memref_squeeze %dma_start3A_576 : memref<1x128xi32, #tpu.memory_space<vmem>> -> memref<128xi32, #tpu.memory_space<vmem>>
        %dma_start3A_578 = arith.constant 0 : i32
        %dma_start3A_579 = arith.constant 0 : i32
        %dma_start3A_580 = tpu.memref_slice %arg3[%arg0, %arg1, %dma_start3A_578, %dma_start3A_579] : memref<2x16x80x128xi32, #tpu.memory_space<hbm>> -> memref<1x1x80x128xi32, #tpu.memory_space<hbm>>
        %dma_start3A_581 = tpu.memref_squeeze %dma_start3A_580 : memref<1x1x80x128xi32, #tpu.memory_space<hbm>> -> memref<80x128xi32, #tpu.memory_space<hbm>>
        %dma_start3A_582 = arith.constant 0 : i32
        %dma_start3A_583 = tpu.memref_slice %dma_start3A_581[%add3A_573, %dma_start3A_582] : memref<80x128xi32, #tpu.memory_space<hbm>> -> memref<1x128xi32, #tpu.memory_space<hbm>>
        %dma_start3A_584 = tpu.memref_squeeze %dma_start3A_583 : memref<1x128xi32, #tpu.memory_space<hbm>> -> memref<128xi32, #tpu.memory_space<hbm>>
        %dma_start3A_585 = arith.constant 0 : i32
        %dma_start3A_586 = tpu.memref_slice %arg7[%dma_start3A_574, %dma_start3A_585] : memref<4x128xi32, #tpu.memory_space<vmem>> -> memref<1x128xi32, #tpu.memory_space<vmem>>
        %dma_start3A_587 = tpu.memref_squeeze %dma_start3A_586 : memref<1x128xi32, #tpu.memory_space<vmem>> -> memref<128xi32, #tpu.memory_space<vmem>>
        %dma_start3A_588 = arith.constant 0 : i32
        %dma_start3A_589 = arith.constant 0 : i32
        %dma_start3A_590 = tpu.memref_slice %arg3[%arg0, %arg1, %dma_start3A_588, %dma_start3A_589] : memref<2x16x80x128xi32, #tpu.memory_space<hbm>> -> memref<1x1x80x128xi32, #tpu.memory_space<hbm>>
        %dma_start3A_591 = tpu.memref_squeeze %dma_start3A_590 : memref<1x1x80x128xi32, #tpu.memory_space<hbm>> -> memref<80x128xi32, #tpu.memory_space<hbm>>
        %dma_start3A_592 = arith.constant 0 : i32
        %dma_start3A_593 = tpu.memref_slice %dma_start3A_591[%add3A_573, %dma_start3A_592] : memref<80x128xi32, #tpu.memory_space<hbm>> -> memref<1x128xi32, #tpu.memory_space<hbm>>
        %dma_start3A_594 = tpu.memref_squeeze %dma_start3A_593 : memref<1x128xi32, #tpu.memory_space<hbm>> -> memref<128xi32, #tpu.memory_space<hbm>>
        tpu.enqueue_dma source(%dma_start3A_594 : memref<128xi32, #tpu.memory_space<hbm>>) target(%dma_start3A_587 : memref<128xi32, #tpu.memory_space<vmem>>) target_semaphore(%arg18 : memref<!tpu.dma_semaphore, #tpu.memory_space<semaphore_mem>>)
      } else {
      }
      %dma_wait3A_355 = arith.constant 0 : i32
      %dma_wait3A_356 = arith.constant 0 : i32
      %dma_wait3A_357 = tpu.memref_slice %arg7[%dma_wait3A_355, %dma_wait3A_356] : memref<4x128xi32, #tpu.memory_space<vmem>> -> memref<1x128xi32, #tpu.memory_space<vmem>>
      %dma_wait3A_358 = tpu.memref_squeeze %dma_wait3A_357 : memref<1x128xi32, #tpu.memory_space<vmem>> -> memref<128xi32, #tpu.memory_space<vmem>>
      %dma_wait3A_359 = arith.constant 0 : i32
      %dma_wait3A_360 = arith.constant 0 : i32
      %dma_wait3A_361 = tpu.memref_slice %arg3[%arg0, %arg1, %dma_wait3A_359, %dma_wait3A_360] : memref<2x16x80x128xi32, #tpu.memory_space<hbm>> -> memref<1x1x80x128xi32, #tpu.memory_space<hbm>>
      %dma_wait3A_362 = tpu.memref_squeeze %dma_wait3A_361 : memref<1x1x80x128xi32, #tpu.memory_space<hbm>> -> memref<80x128xi32, #tpu.memory_space<hbm>>
      %dma_wait3A_363 = arith.constant 0 : i32
      %dma_wait3A_364 = tpu.memref_slice %dma_wait3A_362[%add3A_343, %dma_wait3A_363] : memref<80x128xi32, #tpu.memory_space<hbm>> -> memref<1x128xi32, #tpu.memory_space<hbm>>
      %dma_wait3A_365 = tpu.memref_squeeze %dma_wait3A_364 : memref<1x128xi32, #tpu.memory_space<hbm>> -> memref<128xi32, #tpu.memory_space<hbm>>
      %dma_wait3A_366 = arith.constant 0 : i32
      %dma_wait3A_367 = tpu.memref_slice %arg7[%dma_wait3A_355, %dma_wait3A_366] : memref<4x128xi32, #tpu.memory_space<vmem>> -> memref<1x128xi32, #tpu.memory_space<vmem>>
      %dma_wait3A_368 = tpu.memref_squeeze %dma_wait3A_367 : memref<1x128xi32, #tpu.memory_space<vmem>> -> memref<128xi32, #tpu.memory_space<vmem>>
      %dma_wait3A_369 = arith.constant 0 : i32
      %dma_wait3A_370 = arith.constant 0 : i32
      %dma_wait3A_371 = tpu.memref_slice %arg3[%arg0, %arg1, %dma_wait3A_369, %dma_wait3A_370] : memref<2x16x80x128xi32, #tpu.memory_space<hbm>> -> memref<1x1x80x128xi32, #tpu.memory_space<hbm>>
      %dma_wait3A_372 = tpu.memref_squeeze %dma_wait3A_371 : memref<1x1x80x128xi32, #tpu.memory_space<hbm>> -> memref<80x128xi32, #tpu.memory_space<hbm>>
      %dma_wait3A_373 = arith.constant 0 : i32
      %dma_wait3A_374 = tpu.memref_slice %dma_wait3A_372[%add3A_343, %dma_wait3A_373] : memref<80x128xi32, #tpu.memory_space<hbm>> -> memref<1x128xi32, #tpu.memory_space<hbm>>
      %dma_wait3A_375 = tpu.memref_squeeze %dma_wait3A_374 : memref<1x128xi32, #tpu.memory_space<hbm>> -> memref<128xi32, #tpu.memory_space<hbm>>
      tpu.wait_dma2 semaphore(%arg16 : memref<!tpu.dma_semaphore, #tpu.memory_space<semaphore_mem>>) src(%dma_wait3A_375 : memref<128xi32, #tpu.memory_space<hbm>>) dst(%dma_wait3A_368 : memref<128xi32, #tpu.memory_space<vmem>>)
      %dma_start3A_376 = arith.constant 0 : i32
      %dma_start3A_377 = arith.constant 0 : i32
      %dma_start3A_378 = tpu.memref_slice %arg7[%dma_start3A_376, %dma_start3A_377] : memref<4x128xi32, #tpu.memory_space<vmem>> -> memref<1x128xi32, #tpu.memory_space<vmem>>
      %dma_start3A_379 = tpu.memref_squeeze %dma_start3A_378 : memref<1x128xi32, #tpu.memory_space<vmem>> -> memref<128xi32, #tpu.memory_space<vmem>>
      %dma_start3A_380 = arith.constant 0 : i32
      %dma_start3A_381 = arith.constant 0 : i32
      %dma_start3A_382 = tpu.memref_slice %arg2[%dma_start3A_380, %dma_start3A_381] : memref<20000x128xf32, #tpu.memory_space<hbm>> -> memref<20000x128xf32, #tpu.memory_space<hbm>>
      tpu.enqueue_indirect_dma source(%dma_start3A_382 : memref<20000x128xf32, #tpu.memory_space<hbm>>) target(%arg8 : memref<128x128xf32, #tpu.memory_space<vmem>>) offsets(%dma_start3A_379 : memref<128xi32, #tpu.memory_space<vmem>>) semaphore(%arg12 : memref<!tpu.dma_semaphore, #tpu.memory_space<semaphore_mem>>)
      %dma_wait3A_383 = arith.constant 0 : i32
      %dma_wait3A_384 = arith.constant 0 : i32
      %dma_wait3A_385 = tpu.memref_slice %arg7[%dma_wait3A_383, %dma_wait3A_384] : memref<4x128xi32, #tpu.memory_space<vmem>> -> memref<1x128xi32, #tpu.memory_space<vmem>>
      %dma_wait3A_386 = tpu.memref_squeeze %dma_wait3A_385 : memref<1x128xi32, #tpu.memory_space<vmem>> -> memref<128xi32, #tpu.memory_space<vmem>>
      %dma_wait3A_387 = arith.constant 0 : i32
      %dma_wait3A_388 = arith.constant 0 : i32
      %dma_wait3A_389 = tpu.memref_slice %arg2[%dma_wait3A_387, %dma_wait3A_388] : memref<20000x128xf32, #tpu.memory_space<hbm>> -> memref<20000x128xf32, #tpu.memory_space<hbm>>
      tpu.wait_indirect_dma semaphore(%arg13 : memref<!tpu.dma_semaphore, #tpu.memory_space<semaphore_mem>>) src(%dma_wait3A_389 : memref<20000x128xf32, #tpu.memory_space<hbm>>) dst(%arg9 : memref<128x128xf32, #tpu.memory_space<vmem>>)
      %sub3A_390 = arith.constant 1 : i32
      %sub3A_391 = arith.subi %add3A_343, %sub3A_390 : i32
      %dma_start3A_392 = arith.constant 0 : i32
      %dma_start3A_393 = tpu.memref_slice %arg6[%sub3A_391, %dma_start3A_392] : memref<80x128xi32, #tpu.memory_space<vmem>> -> memref<1x128xi32, #tpu.memory_space<vmem>>
      %dma_start3A_394 = tpu.memref_squeeze %dma_start3A_393 : memref<1x128xi32, #tpu.memory_space<vmem>> -> memref<128xi32, #tpu.memory_space<vmem>>
      %dma_start3A_395 = arith.constant 0 : i32
      %dma_start3A_396 = arith.constant 0 : i32
      %dma_start3A_397 = tpu.memref_slice %arg11[%dma_start3A_395, %dma_start3A_396] : memref<10240x128xf32, #tpu.memory_space<vmem_shared>> -> memref<10240x128xf32, #tpu.memory_space<vmem_shared>>
      tpu.enqueue_indirect_dma source(%arg9 : memref<128x128xf32, #tpu.memory_space<vmem>>) target(%dma_start3A_397 : memref<10240x128xf32, #tpu.memory_space<vmem_shared>>) offsets(%dma_start3A_394 : memref<128xi32, #tpu.memory_space<vmem>>) semaphore(%arg15 : memref<!tpu.dma_semaphore, #tpu.memory_space<semaphore_mem>>) {add = true}
      %mul3A_398 = arith.constant 8 : i32
      %mul3A_399 = arith.muli %add3A_134, %mul3A_398 : i32
      %add3A_400 = arith.constant 5 : i32
      %add3A_401 = arith.addi %mul3A_399, %add3A_400 : i32
      %dma_wait3A_402 = arith.constant 0 : i32
      %dma_wait3A_403 = tpu.memref_slice %arg6[%add3A_401, %dma_wait3A_402] : memref<80x128xi32, #tpu.memory_space<vmem>> -> memref<1x128xi32, #tpu.memory_space<vmem>>
      %dma_wait3A_404 = tpu.memref_squeeze %dma_wait3A_403 : memref<1x128xi32, #tpu.memory_space<vmem>> -> memref<128xi32, #tpu.memory_space<vmem>>
      %dma_wait3A_405 = arith.constant 0 : i32
      %dma_wait3A_406 = arith.constant 0 : i32
      %dma_wait3A_407 = tpu.memref_slice %arg11[%dma_wait3A_405, %dma_wait3A_406] : memref<10240x128xf32, #tpu.memory_space<vmem_shared>> -> memref<10240x128xf32, #tpu.memory_space<vmem_shared>>
      tpu.wait_indirect_dma semaphore(%arg15 : memref<!tpu.dma_semaphore, #tpu.memory_space<semaphore_mem>>) src(%arg9 : memref<128x128xf32, #tpu.memory_space<vmem>>) dst(%dma_wait3A_407 : memref<10240x128xf32, #tpu.memory_space<vmem_shared>>)
      %lt3A_408 = arith.constant 78 : i32
      %lt3A_409 = arith.cmpi slt, %add3A_401, %lt3A_408 : i32
      %convert_element_type3A_410 = arith.extui %lt3A_409 : i1 to i32
      %cond3A_411 = arith.constant 0 : i32
      %cond3A_412 = arith.cmpi ne, %convert_element_type3A_410, %cond3A_411 : i32
      scf.if %cond3A_412 {
        %add3A_572 = arith.constant 2 : i32
        %add3A_573 = arith.addi %add3A_401, %add3A_572 : i32
        %dma_start3A_574 = arith.constant 3 : i32
        %dma_start3A_575 = arith.constant 0 : i32
        %dma_start3A_576 = tpu.memref_slice %arg7[%dma_start3A_574, %dma_start3A_575] : memref<4x128xi32, #tpu.memory_space<vmem>> -> memref<1x128xi32, #tpu.memory_space<vmem>>
        %dma_start3A_577 = tpu.memref_squeeze %dma_start3A_576 : memref<1x128xi32, #tpu.memory_space<vmem>> -> memref<128xi32, #tpu.memory_space<vmem>>
        %dma_start3A_578 = arith.constant 0 : i32
        %dma_start3A_579 = arith.constant 0 : i32
        %dma_start3A_580 = tpu.memref_slice %arg3[%arg0, %arg1, %dma_start3A_578, %dma_start3A_579] : memref<2x16x80x128xi32, #tpu.memory_space<hbm>> -> memref<1x1x80x128xi32, #tpu.memory_space<hbm>>
        %dma_start3A_581 = tpu.memref_squeeze %dma_start3A_580 : memref<1x1x80x128xi32, #tpu.memory_space<hbm>> -> memref<80x128xi32, #tpu.memory_space<hbm>>
        %dma_start3A_582 = arith.constant 0 : i32
        %dma_start3A_583 = tpu.memref_slice %dma_start3A_581[%add3A_573, %dma_start3A_582] : memref<80x128xi32, #tpu.memory_space<hbm>> -> memref<1x128xi32, #tpu.memory_space<hbm>>
        %dma_start3A_584 = tpu.memref_squeeze %dma_start3A_583 : memref<1x128xi32, #tpu.memory_space<hbm>> -> memref<128xi32, #tpu.memory_space<hbm>>
        %dma_start3A_585 = arith.constant 0 : i32
        %dma_start3A_586 = tpu.memref_slice %arg7[%dma_start3A_574, %dma_start3A_585] : memref<4x128xi32, #tpu.memory_space<vmem>> -> memref<1x128xi32, #tpu.memory_space<vmem>>
        %dma_start3A_587 = tpu.memref_squeeze %dma_start3A_586 : memref<1x128xi32, #tpu.memory_space<vmem>> -> memref<128xi32, #tpu.memory_space<vmem>>
        %dma_start3A_588 = arith.constant 0 : i32
        %dma_start3A_589 = arith.constant 0 : i32
        %dma_start3A_590 = tpu.memref_slice %arg3[%arg0, %arg1, %dma_start3A_588, %dma_start3A_589] : memref<2x16x80x128xi32, #tpu.memory_space<hbm>> -> memref<1x1x80x128xi32, #tpu.memory_space<hbm>>
        %dma_start3A_591 = tpu.memref_squeeze %dma_start3A_590 : memref<1x1x80x128xi32, #tpu.memory_space<hbm>> -> memref<80x128xi32, #tpu.memory_space<hbm>>
        %dma_start3A_592 = arith.constant 0 : i32
        %dma_start3A_593 = tpu.memref_slice %dma_start3A_591[%add3A_573, %dma_start3A_592] : memref<80x128xi32, #tpu.memory_space<hbm>> -> memref<1x128xi32, #tpu.memory_space<hbm>>
        %dma_start3A_594 = tpu.memref_squeeze %dma_start3A_593 : memref<1x128xi32, #tpu.memory_space<hbm>> -> memref<128xi32, #tpu.memory_space<hbm>>
        tpu.enqueue_dma source(%dma_start3A_594 : memref<128xi32, #tpu.memory_space<hbm>>) target(%dma_start3A_587 : memref<128xi32, #tpu.memory_space<vmem>>) target_semaphore(%arg19 : memref<!tpu.dma_semaphore, #tpu.memory_space<semaphore_mem>>)
      } else {
      }
      %dma_wait3A_413 = arith.constant 1 : i32
      %dma_wait3A_414 = arith.constant 0 : i32
      %dma_wait3A_415 = tpu.memref_slice %arg7[%dma_wait3A_413, %dma_wait3A_414] : memref<4x128xi32, #tpu.memory_space<vmem>> -> memref<1x128xi32, #tpu.memory_space<vmem>>
      %dma_wait3A_416 = tpu.memref_squeeze %dma_wait3A_415 : memref<1x128xi32, #tpu.memory_space<vmem>> -> memref<128xi32, #tpu.memory_space<vmem>>
      %dma_wait3A_417 = arith.constant 0 : i32
      %dma_wait3A_418 = arith.constant 0 : i32
      %dma_wait3A_419 = tpu.memref_slice %arg3[%arg0, %arg1, %dma_wait3A_417, %dma_wait3A_418] : memref<2x16x80x128xi32, #tpu.memory_space<hbm>> -> memref<1x1x80x128xi32, #tpu.memory_space<hbm>>
      %dma_wait3A_420 = tpu.memref_squeeze %dma_wait3A_419 : memref<1x1x80x128xi32, #tpu.memory_space<hbm>> -> memref<80x128xi32, #tpu.memory_space<hbm>>
      %dma_wait3A_421 = arith.constant 0 : i32
      %dma_wait3A_422 = tpu.memref_slice %dma_wait3A_420[%add3A_401, %dma_wait3A_421] : memref<80x128xi32, #tpu.memory_space<hbm>> -> memref<1x128xi32, #tpu.memory_space<hbm>>
      %dma_wait3A_423 = tpu.memref_squeeze %dma_wait3A_422 : memref<1x128xi32, #tpu.memory_space<hbm>> -> memref<128xi32, #tpu.memory_space<hbm>>
      %dma_wait3A_424 = arith.constant 0 : i32
      %dma_wait3A_425 = tpu.memref_slice %arg7[%dma_wait3A_413, %dma_wait3A_424] : memref<4x128xi32, #tpu.memory_space<vmem>> -> memref<1x128xi32, #tpu.memory_space<vmem>>
      %dma_wait3A_426 = tpu.memref_squeeze %dma_wait3A_425 : memref<1x128xi32, #tpu.memory_space<vmem>> -> memref<128xi32, #tpu.memory_space<vmem>>
      %dma_wait3A_427 = arith.constant 0 : i32
      %dma_wait3A_428 = arith.constant 0 : i32
      %dma_wait3A_429 = tpu.memref_slice %arg3[%arg0, %arg1, %dma_wait3A_427, %dma_wait3A_428] : memref<2x16x80x128xi32, #tpu.memory_space<hbm>> -> memref<1x1x80x128xi32, #tpu.memory_space<hbm>>
      %dma_wait3A_430 = tpu.memref_squeeze %dma_wait3A_429 : memref<1x1x80x128xi32, #tpu.memory_space<hbm>> -> memref<80x128xi32, #tpu.memory_space<hbm>>
      %dma_wait3A_431 = arith.constant 0 : i32
      %dma_wait3A_432 = tpu.memref_slice %dma_wait3A_430[%add3A_401, %dma_wait3A_431] : memref<80x128xi32, #tpu.memory_space<hbm>> -> memref<1x128xi32, #tpu.memory_space<hbm>>
      %dma_wait3A_433 = tpu.memref_squeeze %dma_wait3A_432 : memref<1x128xi32, #tpu.memory_space<hbm>> -> memref<128xi32, #tpu.memory_space<hbm>>
      tpu.wait_dma2 semaphore(%arg17 : memref<!tpu.dma_semaphore, #tpu.memory_space<semaphore_mem>>) src(%dma_wait3A_433 : memref<128xi32, #tpu.memory_space<hbm>>) dst(%dma_wait3A_426 : memref<128xi32, #tpu.memory_space<vmem>>)
      %dma_start3A_434 = arith.constant 1 : i32
      %dma_start3A_435 = arith.constant 0 : i32
      %dma_start3A_436 = tpu.memref_slice %arg7[%dma_start3A_434, %dma_start3A_435] : memref<4x128xi32, #tpu.memory_space<vmem>> -> memref<1x128xi32, #tpu.memory_space<vmem>>
      %dma_start3A_437 = tpu.memref_squeeze %dma_start3A_436 : memref<1x128xi32, #tpu.memory_space<vmem>> -> memref<128xi32, #tpu.memory_space<vmem>>
      %dma_start3A_438 = arith.constant 0 : i32
      %dma_start3A_439 = arith.constant 0 : i32
      %dma_start3A_440 = tpu.memref_slice %arg2[%dma_start3A_438, %dma_start3A_439] : memref<20000x128xf32, #tpu.memory_space<hbm>> -> memref<20000x128xf32, #tpu.memory_space<hbm>>
      tpu.enqueue_indirect_dma source(%dma_start3A_440 : memref<20000x128xf32, #tpu.memory_space<hbm>>) target(%arg9 : memref<128x128xf32, #tpu.memory_space<vmem>>) offsets(%dma_start3A_437 : memref<128xi32, #tpu.memory_space<vmem>>) semaphore(%arg13 : memref<!tpu.dma_semaphore, #tpu.memory_space<semaphore_mem>>)
      %dma_wait3A_441 = arith.constant 0 : i32
      %dma_wait3A_442 = arith.constant 0 : i32
      %dma_wait3A_443 = tpu.memref_slice %arg7[%dma_wait3A_441, %dma_wait3A_442] : memref<4x128xi32, #tpu.memory_space<vmem>> -> memref<1x128xi32, #tpu.memory_space<vmem>>
      %dma_wait3A_444 = tpu.memref_squeeze %dma_wait3A_443 : memref<1x128xi32, #tpu.memory_space<vmem>> -> memref<128xi32, #tpu.memory_space<vmem>>
      %dma_wait3A_445 = arith.constant 0 : i32
      %dma_wait3A_446 = arith.constant 0 : i32
      %dma_wait3A_447 = tpu.memref_slice %arg2[%dma_wait3A_445, %dma_wait3A_446] : memref<20000x128xf32, #tpu.memory_space<hbm>> -> memref<20000x128xf32, #tpu.memory_space<hbm>>
      tpu.wait_indirect_dma semaphore(%arg12 : memref<!tpu.dma_semaphore, #tpu.memory_space<semaphore_mem>>) src(%dma_wait3A_447 : memref<20000x128xf32, #tpu.memory_space<hbm>>) dst(%arg8 : memref<128x128xf32, #tpu.memory_space<vmem>>)
      %sub3A_448 = arith.constant 1 : i32
      %sub3A_449 = arith.subi %add3A_401, %sub3A_448 : i32
      %dma_start3A_450 = arith.constant 0 : i32
      %dma_start3A_451 = tpu.memref_slice %arg6[%sub3A_449, %dma_start3A_450] : memref<80x128xi32, #tpu.memory_space<vmem>> -> memref<1x128xi32, #tpu.memory_space<vmem>>
      %dma_start3A_452 = tpu.memref_squeeze %dma_start3A_451 : memref<1x128xi32, #tpu.memory_space<vmem>> -> memref<128xi32, #tpu.memory_space<vmem>>
      %dma_start3A_453 = arith.constant 0 : i32
      %dma_start3A_454 = arith.constant 0 : i32
      %dma_start3A_455 = tpu.memref_slice %arg11[%dma_start3A_453, %dma_start3A_454] : memref<10240x128xf32, #tpu.memory_space<vmem_shared>> -> memref<10240x128xf32, #tpu.memory_space<vmem_shared>>
      tpu.enqueue_indirect_dma source(%arg8 : memref<128x128xf32, #tpu.memory_space<vmem>>) target(%dma_start3A_455 : memref<10240x128xf32, #tpu.memory_space<vmem_shared>>) offsets(%dma_start3A_452 : memref<128xi32, #tpu.memory_space<vmem>>) semaphore(%arg14 : memref<!tpu.dma_semaphore, #tpu.memory_space<semaphore_mem>>) {add = true}
      %mul3A_456 = arith.constant 8 : i32
      %mul3A_457 = arith.muli %add3A_134, %mul3A_456 : i32
      %add3A_458 = arith.constant 6 : i32
      %add3A_459 = arith.addi %mul3A_457, %add3A_458 : i32
      %dma_wait3A_460 = arith.constant 0 : i32
      %dma_wait3A_461 = tpu.memref_slice %arg6[%add3A_459, %dma_wait3A_460] : memref<80x128xi32, #tpu.memory_space<vmem>> -> memref<1x128xi32, #tpu.memory_space<vmem>>
      %dma_wait3A_462 = tpu.memref_squeeze %dma_wait3A_461 : memref<1x128xi32, #tpu.memory_space<vmem>> -> memref<128xi32, #tpu.memory_space<vmem>>
      %dma_wait3A_463 = arith.constant 0 : i32
      %dma_wait3A_464 = arith.constant 0 : i32
      %dma_wait3A_465 = tpu.memref_slice %arg11[%dma_wait3A_463, %dma_wait3A_464] : memref<10240x128xf32, #tpu.memory_space<vmem_shared>> -> memref<10240x128xf32, #tpu.memory_space<vmem_shared>>
      tpu.wait_indirect_dma semaphore(%arg14 : memref<!tpu.dma_semaphore, #tpu.memory_space<semaphore_mem>>) src(%arg8 : memref<128x128xf32, #tpu.memory_space<vmem>>) dst(%dma_wait3A_465 : memref<10240x128xf32, #tpu.memory_space<vmem_shared>>)
      %lt3A_466 = arith.constant 78 : i32
      %lt3A_467 = arith.cmpi slt, %add3A_459, %lt3A_466 : i32
      %convert_element_type3A_468 = arith.extui %lt3A_467 : i1 to i32
      %cond3A_469 = arith.constant 0 : i32
      %cond3A_470 = arith.cmpi ne, %convert_element_type3A_468, %cond3A_469 : i32
      scf.if %cond3A_470 {
        %add3A_572 = arith.constant 2 : i32
        %add3A_573 = arith.addi %add3A_459, %add3A_572 : i32
        %dma_start3A_574 = arith.constant 0 : i32
        %dma_start3A_575 = arith.constant 0 : i32
        %dma_start3A_576 = tpu.memref_slice %arg7[%dma_start3A_574, %dma_start3A_575] : memref<4x128xi32, #tpu.memory_space<vmem>> -> memref<1x128xi32, #tpu.memory_space<vmem>>
        %dma_start3A_577 = tpu.memref_squeeze %dma_start3A_576 : memref<1x128xi32, #tpu.memory_space<vmem>> -> memref<128xi32, #tpu.memory_space<vmem>>
        %dma_start3A_578 = arith.constant 0 : i32
        %dma_start3A_579 = arith.constant 0 : i32
        %dma_start3A_580 = tpu.memref_slice %arg3[%arg0, %arg1, %dma_start3A_578, %dma_start3A_579] : memref<2x16x80x128xi32, #tpu.memory_space<hbm>> -> memref<1x1x80x128xi32, #tpu.memory_space<hbm>>
        %dma_start3A_581 = tpu.memref_squeeze %dma_start3A_580 : memref<1x1x80x128xi32, #tpu.memory_space<hbm>> -> memref<80x128xi32, #tpu.memory_space<hbm>>
        %dma_start3A_582 = arith.constant 0 : i32
        %dma_start3A_583 = tpu.memref_slice %dma_start3A_581[%add3A_573, %dma_start3A_582] : memref<80x128xi32, #tpu.memory_space<hbm>> -> memref<1x128xi32, #tpu.memory_space<hbm>>
        %dma_start3A_584 = tpu.memref_squeeze %dma_start3A_583 : memref<1x128xi32, #tpu.memory_space<hbm>> -> memref<128xi32, #tpu.memory_space<hbm>>
        %dma_start3A_585 = arith.constant 0 : i32
        %dma_start3A_586 = tpu.memref_slice %arg7[%dma_start3A_574, %dma_start3A_585] : memref<4x128xi32, #tpu.memory_space<vmem>> -> memref<1x128xi32, #tpu.memory_space<vmem>>
        %dma_start3A_587 = tpu.memref_squeeze %dma_start3A_586 : memref<1x128xi32, #tpu.memory_space<vmem>> -> memref<128xi32, #tpu.memory_space<vmem>>
        %dma_start3A_588 = arith.constant 0 : i32
        %dma_start3A_589 = arith.constant 0 : i32
        %dma_start3A_590 = tpu.memref_slice %arg3[%arg0, %arg1, %dma_start3A_588, %dma_start3A_589] : memref<2x16x80x128xi32, #tpu.memory_space<hbm>> -> memref<1x1x80x128xi32, #tpu.memory_space<hbm>>
        %dma_start3A_591 = tpu.memref_squeeze %dma_start3A_590 : memref<1x1x80x128xi32, #tpu.memory_space<hbm>> -> memref<80x128xi32, #tpu.memory_space<hbm>>
        %dma_start3A_592 = arith.constant 0 : i32
        %dma_start3A_593 = tpu.memref_slice %dma_start3A_591[%add3A_573, %dma_start3A_592] : memref<80x128xi32, #tpu.memory_space<hbm>> -> memref<1x128xi32, #tpu.memory_space<hbm>>
        %dma_start3A_594 = tpu.memref_squeeze %dma_start3A_593 : memref<1x128xi32, #tpu.memory_space<hbm>> -> memref<128xi32, #tpu.memory_space<hbm>>
        tpu.enqueue_dma source(%dma_start3A_594 : memref<128xi32, #tpu.memory_space<hbm>>) target(%dma_start3A_587 : memref<128xi32, #tpu.memory_space<vmem>>) target_semaphore(%arg16 : memref<!tpu.dma_semaphore, #tpu.memory_space<semaphore_mem>>)
      } else {
      }
      %dma_wait3A_471 = arith.constant 2 : i32
      %dma_wait3A_472 = arith.constant 0 : i32
      %dma_wait3A_473 = tpu.memref_slice %arg7[%dma_wait3A_471, %dma_wait3A_472] : memref<4x128xi32, #tpu.memory_space<vmem>> -> memref<1x128xi32, #tpu.memory_space<vmem>>
      %dma_wait3A_474 = tpu.memref_squeeze %dma_wait3A_473 : memref<1x128xi32, #tpu.memory_space<vmem>> -> memref<128xi32, #tpu.memory_space<vmem>>
      %dma_wait3A_475 = arith.constant 0 : i32
      %dma_wait3A_476 = arith.constant 0 : i32
      %dma_wait3A_477 = tpu.memref_slice %arg3[%arg0, %arg1, %dma_wait3A_475, %dma_wait3A_476] : memref<2x16x80x128xi32, #tpu.memory_space<hbm>> -> memref<1x1x80x128xi32, #tpu.memory_space<hbm>>
      %dma_wait3A_478 = tpu.memref_squeeze %dma_wait3A_477 : memref<1x1x80x128xi32, #tpu.memory_space<hbm>> -> memref<80x128xi32, #tpu.memory_space<hbm>>
      %dma_wait3A_479 = arith.constant 0 : i32
      %dma_wait3A_480 = tpu.memref_slice %dma_wait3A_478[%add3A_459, %dma_wait3A_479] : memref<80x128xi32, #tpu.memory_space<hbm>> -> memref<1x128xi32, #tpu.memory_space<hbm>>
      %dma_wait3A_481 = tpu.memref_squeeze %dma_wait3A_480 : memref<1x128xi32, #tpu.memory_space<hbm>> -> memref<128xi32, #tpu.memory_space<hbm>>
      %dma_wait3A_482 = arith.constant 0 : i32
      %dma_wait3A_483 = tpu.memref_slice %arg7[%dma_wait3A_471, %dma_wait3A_482] : memref<4x128xi32, #tpu.memory_space<vmem>> -> memref<1x128xi32, #tpu.memory_space<vmem>>
      %dma_wait3A_484 = tpu.memref_squeeze %dma_wait3A_483 : memref<1x128xi32, #tpu.memory_space<vmem>> -> memref<128xi32, #tpu.memory_space<vmem>>
      %dma_wait3A_485 = arith.constant 0 : i32
      %dma_wait3A_486 = arith.constant 0 : i32
      %dma_wait3A_487 = tpu.memref_slice %arg3[%arg0, %arg1, %dma_wait3A_485, %dma_wait3A_486] : memref<2x16x80x128xi32, #tpu.memory_space<hbm>> -> memref<1x1x80x128xi32, #tpu.memory_space<hbm>>
      %dma_wait3A_488 = tpu.memref_squeeze %dma_wait3A_487 : memref<1x1x80x128xi32, #tpu.memory_space<hbm>> -> memref<80x128xi32, #tpu.memory_space<hbm>>
      %dma_wait3A_489 = arith.constant 0 : i32
      %dma_wait3A_490 = tpu.memref_slice %dma_wait3A_488[%add3A_459, %dma_wait3A_489] : memref<80x128xi32, #tpu.memory_space<hbm>> -> memref<1x128xi32, #tpu.memory_space<hbm>>
      %dma_wait3A_491 = tpu.memref_squeeze %dma_wait3A_490 : memref<1x128xi32, #tpu.memory_space<hbm>> -> memref<128xi32, #tpu.memory_space<hbm>>
      tpu.wait_dma2 semaphore(%arg18 : memref<!tpu.dma_semaphore, #tpu.memory_space<semaphore_mem>>) src(%dma_wait3A_491 : memref<128xi32, #tpu.memory_space<hbm>>) dst(%dma_wait3A_484 : memref<128xi32, #tpu.memory_space<vmem>>)
      %dma_start3A_492 = arith.constant 2 : i32
      %dma_start3A_493 = arith.constant 0 : i32
      %dma_start3A_494 = tpu.memref_slice %arg7[%dma_start3A_492, %dma_start3A_493] : memref<4x128xi32, #tpu.memory_space<vmem>> -> memref<1x128xi32, #tpu.memory_space<vmem>>
      %dma_start3A_495 = tpu.memref_squeeze %dma_start3A_494 : memref<1x128xi32, #tpu.memory_space<vmem>> -> memref<128xi32, #tpu.memory_space<vmem>>
      %dma_start3A_496 = arith.constant 0 : i32
      %dma_start3A_497 = arith.constant 0 : i32
      %dma_start3A_498 = tpu.memref_slice %arg2[%dma_start3A_496, %dma_start3A_497] : memref<20000x128xf32, #tpu.memory_space<hbm>> -> memref<20000x128xf32, #tpu.memory_space<hbm>>
      tpu.enqueue_indirect_dma source(%dma_start3A_498 : memref<20000x128xf32, #tpu.memory_space<hbm>>) target(%arg8 : memref<128x128xf32, #tpu.memory_space<vmem>>) offsets(%dma_start3A_495 : memref<128xi32, #tpu.memory_space<vmem>>) semaphore(%arg12 : memref<!tpu.dma_semaphore, #tpu.memory_space<semaphore_mem>>)
      %dma_wait3A_499 = arith.constant 0 : i32
      %dma_wait3A_500 = arith.constant 0 : i32
      %dma_wait3A_501 = tpu.memref_slice %arg7[%dma_wait3A_499, %dma_wait3A_500] : memref<4x128xi32, #tpu.memory_space<vmem>> -> memref<1x128xi32, #tpu.memory_space<vmem>>
      %dma_wait3A_502 = tpu.memref_squeeze %dma_wait3A_501 : memref<1x128xi32, #tpu.memory_space<vmem>> -> memref<128xi32, #tpu.memory_space<vmem>>
      %dma_wait3A_503 = arith.constant 0 : i32
      %dma_wait3A_504 = arith.constant 0 : i32
      %dma_wait3A_505 = tpu.memref_slice %arg2[%dma_wait3A_503, %dma_wait3A_504] : memref<20000x128xf32, #tpu.memory_space<hbm>> -> memref<20000x128xf32, #tpu.memory_space<hbm>>
      tpu.wait_indirect_dma semaphore(%arg13 : memref<!tpu.dma_semaphore, #tpu.memory_space<semaphore_mem>>) src(%dma_wait3A_505 : memref<20000x128xf32, #tpu.memory_space<hbm>>) dst(%arg9 : memref<128x128xf32, #tpu.memory_space<vmem>>)
      %sub3A_506 = arith.constant 1 : i32
      %sub3A_507 = arith.subi %add3A_459, %sub3A_506 : i32
      %dma_start3A_508 = arith.constant 0 : i32
      %dma_start3A_509 = tpu.memref_slice %arg6[%sub3A_507, %dma_start3A_508] : memref<80x128xi32, #tpu.memory_space<vmem>> -> memref<1x128xi32, #tpu.memory_space<vmem>>
      %dma_start3A_510 = tpu.memref_squeeze %dma_start3A_509 : memref<1x128xi32, #tpu.memory_space<vmem>> -> memref<128xi32, #tpu.memory_space<vmem>>
      %dma_start3A_511 = arith.constant 0 : i32
      %dma_start3A_512 = arith.constant 0 : i32
      %dma_start3A_513 = tpu.memref_slice %arg11[%dma_start3A_511, %dma_start3A_512] : memref<10240x128xf32, #tpu.memory_space<vmem_shared>> -> memref<10240x128xf32, #tpu.memory_space<vmem_shared>>
      tpu.enqueue_indirect_dma source(%arg9 : memref<128x128xf32, #tpu.memory_space<vmem>>) target(%dma_start3A_513 : memref<10240x128xf32, #tpu.memory_space<vmem_shared>>) offsets(%dma_start3A_510 : memref<128xi32, #tpu.memory_space<vmem>>) semaphore(%arg15 : memref<!tpu.dma_semaphore, #tpu.memory_space<semaphore_mem>>) {add = true}
      %mul3A_514 = arith.constant 8 : i32
      %mul3A_515 = arith.muli %add3A_134, %mul3A_514 : i32
      %add3A_516 = arith.constant 7 : i32
      %add3A_517 = arith.addi %mul3A_515, %add3A_516 : i32
      %dma_wait3A_518 = arith.constant 0 : i32
      %dma_wait3A_519 = tpu.memref_slice %arg6[%add3A_517, %dma_wait3A_518] : memref<80x128xi32, #tpu.memory_space<vmem>> -> memref<1x128xi32, #tpu.memory_space<vmem>>
      %dma_wait3A_520 = tpu.memref_squeeze %dma_wait3A_519 : memref<1x128xi32, #tpu.memory_space<vmem>> -> memref<128xi32, #tpu.memory_space<vmem>>
      %dma_wait3A_521 = arith.constant 0 : i32
      %dma_wait3A_522 = arith.constant 0 : i32
      %dma_wait3A_523 = tpu.memref_slice %arg11[%dma_wait3A_521, %dma_wait3A_522] : memref<10240x128xf32, #tpu.memory_space<vmem_shared>> -> memref<10240x128xf32, #tpu.memory_space<vmem_shared>>
      tpu.wait_indirect_dma semaphore(%arg15 : memref<!tpu.dma_semaphore, #tpu.memory_space<semaphore_mem>>) src(%arg9 : memref<128x128xf32, #tpu.memory_space<vmem>>) dst(%dma_wait3A_523 : memref<10240x128xf32, #tpu.memory_space<vmem_shared>>)
      %lt3A_524 = arith.constant 78 : i32
      %lt3A_525 = arith.cmpi slt, %add3A_517, %lt3A_524 : i32
      %convert_element_type3A_526 = arith.extui %lt3A_525 : i1 to i32
      %cond3A_527 = arith.constant 0 : i32
      %cond3A_528 = arith.cmpi ne, %convert_element_type3A_526, %cond3A_527 : i32
      scf.if %cond3A_528 {
        %add3A_572 = arith.constant 2 : i32
        %add3A_573 = arith.addi %add3A_517, %add3A_572 : i32
        %dma_start3A_574 = arith.constant 1 : i32
        %dma_start3A_575 = arith.constant 0 : i32
        %dma_start3A_576 = tpu.memref_slice %arg7[%dma_start3A_574, %dma_start3A_575] : memref<4x128xi32, #tpu.memory_space<vmem>> -> memref<1x128xi32, #tpu.memory_space<vmem>>
        %dma_start3A_577 = tpu.memref_squeeze %dma_start3A_576 : memref<1x128xi32, #tpu.memory_space<vmem>> -> memref<128xi32, #tpu.memory_space<vmem>>
        %dma_start3A_578 = arith.constant 0 : i32
        %dma_start3A_579 = arith.constant 0 : i32
        %dma_start3A_580 = tpu.memref_slice %arg3[%arg0, %arg1, %dma_start3A_578, %dma_start3A_579] : memref<2x16x80x128xi32, #tpu.memory_space<hbm>> -> memref<1x1x80x128xi32, #tpu.memory_space<hbm>>
        %dma_start3A_581 = tpu.memref_squeeze %dma_start3A_580 : memref<1x1x80x128xi32, #tpu.memory_space<hbm>> -> memref<80x128xi32, #tpu.memory_space<hbm>>
        %dma_start3A_582 = arith.constant 0 : i32
        %dma_start3A_583 = tpu.memref_slice %dma_start3A_581[%add3A_573, %dma_start3A_582] : memref<80x128xi32, #tpu.memory_space<hbm>> -> memref<1x128xi32, #tpu.memory_space<hbm>>
        %dma_start3A_584 = tpu.memref_squeeze %dma_start3A_583 : memref<1x128xi32, #tpu.memory_space<hbm>> -> memref<128xi32, #tpu.memory_space<hbm>>
        %dma_start3A_585 = arith.constant 0 : i32
        %dma_start3A_586 = tpu.memref_slice %arg7[%dma_start3A_574, %dma_start3A_585] : memref<4x128xi32, #tpu.memory_space<vmem>> -> memref<1x128xi32, #tpu.memory_space<vmem>>
        %dma_start3A_587 = tpu.memref_squeeze %dma_start3A_586 : memref<1x128xi32, #tpu.memory_space<vmem>> -> memref<128xi32, #tpu.memory_space<vmem>>
        %dma_start3A_588 = arith.constant 0 : i32
        %dma_start3A_589 = arith.constant 0 : i32
        %dma_start3A_590 = tpu.memref_slice %arg3[%arg0, %arg1, %dma_start3A_588, %dma_start3A_589] : memref<2x16x80x128xi32, #tpu.memory_space<hbm>> -> memref<1x1x80x128xi32, #tpu.memory_space<hbm>>
        %dma_start3A_591 = tpu.memref_squeeze %dma_start3A_590 : memref<1x1x80x128xi32, #tpu.memory_space<hbm>> -> memref<80x128xi32, #tpu.memory_space<hbm>>
        %dma_start3A_592 = arith.constant 0 : i32
        %dma_start3A_593 = tpu.memref_slice %dma_start3A_591[%add3A_573, %dma_start3A_592] : memref<80x128xi32, #tpu.memory_space<hbm>> -> memref<1x128xi32, #tpu.memory_space<hbm>>
        %dma_start3A_594 = tpu.memref_squeeze %dma_start3A_593 : memref<1x128xi32, #tpu.memory_space<hbm>> -> memref<128xi32, #tpu.memory_space<hbm>>
        tpu.enqueue_dma source(%dma_start3A_594 : memref<128xi32, #tpu.memory_space<hbm>>) target(%dma_start3A_587 : memref<128xi32, #tpu.memory_space<vmem>>) target_semaphore(%arg17 : memref<!tpu.dma_semaphore, #tpu.memory_space<semaphore_mem>>)
      } else {
      }
      %dma_wait3A_529 = arith.constant 3 : i32
      %dma_wait3A_530 = arith.constant 0 : i32
      %dma_wait3A_531 = tpu.memref_slice %arg7[%dma_wait3A_529, %dma_wait3A_530] : memref<4x128xi32, #tpu.memory_space<vmem>> -> memref<1x128xi32, #tpu.memory_space<vmem>>
      %dma_wait3A_532 = tpu.memref_squeeze %dma_wait3A_531 : memref<1x128xi32, #tpu.memory_space<vmem>> -> memref<128xi32, #tpu.memory_space<vmem>>
      %dma_wait3A_533 = arith.constant 0 : i32
      %dma_wait3A_534 = arith.constant 0 : i32
      %dma_wait3A_535 = tpu.memref_slice %arg3[%arg0, %arg1, %dma_wait3A_533, %dma_wait3A_534] : memref<2x16x80x128xi32, #tpu.memory_space<hbm>> -> memref<1x1x80x128xi32, #tpu.memory_space<hbm>>
      %dma_wait3A_536 = tpu.memref_squeeze %dma_wait3A_535 : memref<1x1x80x128xi32, #tpu.memory_space<hbm>> -> memref<80x128xi32, #tpu.memory_space<hbm>>
      %dma_wait3A_537 = arith.constant 0 : i32
      %dma_wait3A_538 = tpu.memref_slice %dma_wait3A_536[%add3A_517, %dma_wait3A_537] : memref<80x128xi32, #tpu.memory_space<hbm>> -> memref<1x128xi32, #tpu.memory_space<hbm>>
      %dma_wait3A_539 = tpu.memref_squeeze %dma_wait3A_538 : memref<1x128xi32, #tpu.memory_space<hbm>> -> memref<128xi32, #tpu.memory_space<hbm>>
      %dma_wait3A_540 = arith.constant 0 : i32
      %dma_wait3A_541 = tpu.memref_slice %arg7[%dma_wait3A_529, %dma_wait3A_540] : memref<4x128xi32, #tpu.memory_space<vmem>> -> memref<1x128xi32, #tpu.memory_space<vmem>>
      %dma_wait3A_542 = tpu.memref_squeeze %dma_wait3A_541 : memref<1x128xi32, #tpu.memory_space<vmem>> -> memref<128xi32, #tpu.memory_space<vmem>>
      %dma_wait3A_543 = arith.constant 0 : i32
      %dma_wait3A_544 = arith.constant 0 : i32
      %dma_wait3A_545 = tpu.memref_slice %arg3[%arg0, %arg1, %dma_wait3A_543, %dma_wait3A_544] : memref<2x16x80x128xi32, #tpu.memory_space<hbm>> -> memref<1x1x80x128xi32, #tpu.memory_space<hbm>>
      %dma_wait3A_546 = tpu.memref_squeeze %dma_wait3A_545 : memref<1x1x80x128xi32, #tpu.memory_space<hbm>> -> memref<80x128xi32, #tpu.memory_space<hbm>>
      %dma_wait3A_547 = arith.constant 0 : i32
      %dma_wait3A_548 = tpu.memref_slice %dma_wait3A_546[%add3A_517, %dma_wait3A_547] : memref<80x128xi32, #tpu.memory_space<hbm>> -> memref<1x128xi32, #tpu.memory_space<hbm>>
      %dma_wait3A_549 = tpu.memref_squeeze %dma_wait3A_548 : memref<1x128xi32, #tpu.memory_space<hbm>> -> memref<128xi32, #tpu.memory_space<hbm>>
      tpu.wait_dma2 semaphore(%arg19 : memref<!tpu.dma_semaphore, #tpu.memory_space<semaphore_mem>>) src(%dma_wait3A_549 : memref<128xi32, #tpu.memory_space<hbm>>) dst(%dma_wait3A_542 : memref<128xi32, #tpu.memory_space<vmem>>)
      %dma_start3A_550 = arith.constant 3 : i32
      %dma_start3A_551 = arith.constant 0 : i32
      %dma_start3A_552 = tpu.memref_slice %arg7[%dma_start3A_550, %dma_start3A_551] : memref<4x128xi32, #tpu.memory_space<vmem>> -> memref<1x128xi32, #tpu.memory_space<vmem>>
      %dma_start3A_553 = tpu.memref_squeeze %dma_start3A_552 : memref<1x128xi32, #tpu.memory_space<vmem>> -> memref<128xi32, #tpu.memory_space<vmem>>
      %dma_start3A_554 = arith.constant 0 : i32
      %dma_start3A_555 = arith.constant 0 : i32
      %dma_start3A_556 = tpu.memref_slice %arg2[%dma_start3A_554, %dma_start3A_555] : memref<20000x128xf32, #tpu.memory_space<hbm>> -> memref<20000x128xf32, #tpu.memory_space<hbm>>
      tpu.enqueue_indirect_dma source(%dma_start3A_556 : memref<20000x128xf32, #tpu.memory_space<hbm>>) target(%arg9 : memref<128x128xf32, #tpu.memory_space<vmem>>) offsets(%dma_start3A_553 : memref<128xi32, #tpu.memory_space<vmem>>) semaphore(%arg13 : memref<!tpu.dma_semaphore, #tpu.memory_space<semaphore_mem>>)
      %dma_wait3A_557 = arith.constant 0 : i32
      %dma_wait3A_558 = arith.constant 0 : i32
      %dma_wait3A_559 = tpu.memref_slice %arg7[%dma_wait3A_557, %dma_wait3A_558] : memref<4x128xi32, #tpu.memory_space<vmem>> -> memref<1x128xi32, #tpu.memory_space<vmem>>
      %dma_wait3A_560 = tpu.memref_squeeze %dma_wait3A_559 : memref<1x128xi32, #tpu.memory_space<vmem>> -> memref<128xi32, #tpu.memory_space<vmem>>
      %dma_wait3A_561 = arith.constant 0 : i32
      %dma_wait3A_562 = arith.constant 0 : i32
      %dma_wait3A_563 = tpu.memref_slice %arg2[%dma_wait3A_561, %dma_wait3A_562] : memref<20000x128xf32, #tpu.memory_space<hbm>> -> memref<20000x128xf32, #tpu.memory_space<hbm>>
      tpu.wait_indirect_dma semaphore(%arg12 : memref<!tpu.dma_semaphore, #tpu.memory_space<semaphore_mem>>) src(%dma_wait3A_563 : memref<20000x128xf32, #tpu.memory_space<hbm>>) dst(%arg8 : memref<128x128xf32, #tpu.memory_space<vmem>>)
      %sub3A_564 = arith.constant 1 : i32
      %sub3A_565 = arith.subi %add3A_517, %sub3A_564 : i32
      %dma_start3A_566 = arith.constant 0 : i32
      %dma_start3A_567 = tpu.memref_slice %arg6[%sub3A_565, %dma_start3A_566] : memref<80x128xi32, #tpu.memory_space<vmem>> -> memref<1x128xi32, #tpu.memory_space<vmem>>
      %dma_start3A_568 = tpu.memref_squeeze %dma_start3A_567 : memref<1x128xi32, #tpu.memory_space<vmem>> -> memref<128xi32, #tpu.memory_space<vmem>>
      %dma_start3A_569 = arith.constant 0 : i32
      %dma_start3A_570 = arith.constant 0 : i32
      %dma_start3A_571 = tpu.memref_slice %arg11[%dma_start3A_569, %dma_start3A_570] : memref<10240x128xf32, #tpu.memory_space<vmem_shared>> -> memref<10240x128xf32, #tpu.memory_space<vmem_shared>>
      tpu.enqueue_indirect_dma source(%arg8 : memref<128x128xf32, #tpu.memory_space<vmem>>) target(%dma_start3A_571 : memref<10240x128xf32, #tpu.memory_space<vmem_shared>>) offsets(%dma_start3A_568 : memref<128xi32, #tpu.memory_space<vmem>>) semaphore(%arg14 : memref<!tpu.dma_semaphore, #tpu.memory_space<semaphore_mem>>) {add = true}
    }
    %scan3A_102 = arith.constant 10 : i32
    %dma_wait3A = arith.constant 0 : i32
    %dma_wait3A_103 = arith.constant 0 : i32
    %dma_wait3A_104 = tpu.memref_slice %arg7[%dma_wait3A, %dma_wait3A_103] : memref<4x128xi32, #tpu.memory_space<vmem>> -> memref<1x128xi32, #tpu.memory_space<vmem>>
    %dma_wait3A_105 = tpu.memref_squeeze %dma_wait3A_104 : memref<1x128xi32, #tpu.memory_space<vmem>> -> memref<128xi32, #tpu.memory_space<vmem>>
    %dma_wait3A_106 = arith.constant 0 : i32
    %dma_wait3A_107 = arith.constant 0 : i32
    %dma_wait3A_108 = tpu.memref_slice %arg2[%dma_wait3A_106, %dma_wait3A_107] : memref<20000x128xf32, #tpu.memory_space<hbm>> -> memref<20000x128xf32, #tpu.memory_space<hbm>>
    tpu.wait_indirect_dma semaphore(%arg13 : memref<!tpu.dma_semaphore, #tpu.memory_space<semaphore_mem>>) src(%dma_wait3A_108 : memref<20000x128xf32, #tpu.memory_space<hbm>>) dst(%arg9 : memref<128x128xf32, #tpu.memory_space<vmem>>)
    %dma_start3A_109 = arith.constant 79 : i32
    %dma_start3A_110 = arith.constant 0 : i32
    %dma_start3A_111 = tpu.memref_slice %arg6[%dma_start3A_109, %dma_start3A_110] : memref<80x128xi32, #tpu.memory_space<vmem>> -> memref<1x128xi32, #tpu.memory_space<vmem>>
    %dma_start3A_112 = tpu.memref_squeeze %dma_start3A_111 : memref<1x128xi32, #tpu.memory_space<vmem>> -> memref<128xi32, #tpu.memory_space<vmem>>
    %dma_start3A_113 = arith.constant 0 : i32
    %dma_start3A_114 = arith.constant 0 : i32
    %dma_start3A_115 = tpu.memref_slice %arg11[%dma_start3A_113, %dma_start3A_114] : memref<10240x128xf32, #tpu.memory_space<vmem_shared>> -> memref<10240x128xf32, #tpu.memory_space<vmem_shared>>
    tpu.enqueue_indirect_dma source(%arg9 : memref<128x128xf32, #tpu.memory_space<vmem>>) target(%dma_start3A_115 : memref<10240x128xf32, #tpu.memory_space<vmem_shared>>) offsets(%dma_start3A_112 : memref<128xi32, #tpu.memory_space<vmem>>) semaphore(%arg15 : memref<!tpu.dma_semaphore, #tpu.memory_space<semaphore_mem>>) {add = true}
    %dma_wait3A_116 = arith.constant 0 : i32
    %dma_wait3A_117 = arith.constant 0 : i32
    %dma_wait3A_118 = tpu.memref_slice %arg6[%dma_wait3A_116, %dma_wait3A_117] : memref<80x128xi32, #tpu.memory_space<vmem>> -> memref<1x128xi32, #tpu.memory_space<vmem>>
    %dma_wait3A_119 = tpu.memref_squeeze %dma_wait3A_118 : memref<1x128xi32, #tpu.memory_space<vmem>> -> memref<128xi32, #tpu.memory_space<vmem>>
    %dma_wait3A_120 = arith.constant 0 : i32
    %dma_wait3A_121 = arith.constant 0 : i32
    %dma_wait3A_122 = tpu.memref_slice %arg11[%dma_wait3A_120, %dma_wait3A_121] : memref<10240x128xf32, #tpu.memory_space<vmem_shared>> -> memref<10240x128xf32, #tpu.memory_space<vmem_shared>>
    tpu.wait_indirect_dma semaphore(%arg14 : memref<!tpu.dma_semaphore, #tpu.memory_space<semaphore_mem>>) src(%arg8 : memref<128x128xf32, #tpu.memory_space<vmem>>) dst(%dma_wait3A_122 : memref<10240x128xf32, #tpu.memory_space<vmem_shared>>)
    %dma_wait3A_123 = arith.constant 0 : i32
    %dma_wait3A_124 = arith.constant 0 : i32
    %dma_wait3A_125 = tpu.memref_slice %arg6[%dma_wait3A_123, %dma_wait3A_124] : memref<80x128xi32, #tpu.memory_space<vmem>> -> memref<1x128xi32, #tpu.memory_space<vmem>>
    %dma_wait3A_126 = tpu.memref_squeeze %dma_wait3A_125 : memref<1x128xi32, #tpu.memory_space<vmem>> -> memref<128xi32, #tpu.memory_space<vmem>>
    %dma_wait3A_127 = arith.constant 0 : i32
    %dma_wait3A_128 = arith.constant 0 : i32
    %dma_wait3A_129 = tpu.memref_slice %arg11[%dma_wait3A_127, %dma_wait3A_128] : memref<10240x128xf32, #tpu.memory_space<vmem_shared>> -> memref<10240x128xf32, #tpu.memory_space<vmem_shared>>
    tpu.wait_indirect_dma semaphore(%arg15 : memref<!tpu.dma_semaphore, #tpu.memory_space<semaphore_mem>>) src(%arg9 : memref<128x128xf32, #tpu.memory_space<vmem>>) dst(%dma_wait3A_129 : memref<10240x128xf32, #tpu.memory_space<vmem_shared>>)
    %barrier3A_130 = arith.constant 0 : index
    tpu.barrier barrier_id(%barrier3A_130)
    "tpu.region"() ({
      %run_scoped3A = tpu.sem_alloc : memref<!tpu.dma_semaphore, #tpu.memory_space<semaphore_mem>>
      %dma_start3A_131 = arith.constant 0 : i32
      %dma_start3A_132 = tpu.memref_slice %arg5[%arg0, %mul3A_0, %dma_start3A_131] : memref<2x10240x128xf32, #tpu.memory_space<hbm>> -> memref<1x640x128xf32, #tpu.memory_space<hbm>>
      %dma_start3A_133 = tpu.memref_squeeze %dma_start3A_132 : memref<1x640x128xf32, #tpu.memory_space<hbm>> -> memref<640x128xf32, #tpu.memory_space<hbm>>
      %dma_start3A_134 = arith.constant 0 : i32
      %dma_start3A_135 = tpu.memref_slice %arg11[%mul3A_0, %dma_start3A_134] : memref<10240x128xf32, #tpu.memory_space<vmem_shared>> -> memref<640x128xf32, #tpu.memory_space<vmem_shared>>
      tpu.enqueue_dma source(%dma_start3A_135 : memref<640x128xf32, #tpu.memory_space<vmem_shared>>) target(%dma_start3A_133 : memref<640x128xf32, #tpu.memory_space<hbm>>) target_semaphore(%run_scoped3A : memref<!tpu.dma_semaphore, #tpu.memory_space<semaphore_mem>>)
      %dma_wait3A_136 = arith.constant 0 : i32
      %dma_wait3A_137 = tpu.memref_slice %arg5[%arg0, %mul3A_0, %dma_wait3A_136] : memref<2x10240x128xf32, #tpu.memory_space<hbm>> -> memref<1x640x128xf32, #tpu.memory_space<hbm>>
      %dma_wait3A_138 = tpu.memref_squeeze %dma_wait3A_137 : memref<1x640x128xf32, #tpu.memory_space<hbm>> -> memref<640x128xf32, #tpu.memory_space<hbm>>
      %dma_wait3A_139 = arith.constant 0 : i32
      %dma_wait3A_140 = tpu.memref_slice %arg11[%mul3A_0, %dma_wait3A_139] : memref<10240x128xf32, #tpu.memory_space<vmem_shared>> -> memref<640x128xf32, #tpu.memory_space<vmem_shared>>
      tpu.wait_dma2 semaphore(%run_scoped3A : memref<!tpu.dma_semaphore, #tpu.memory_space<semaphore_mem>>) src(%dma_wait3A_140 : memref<640x128xf32, #tpu.memory_space<vmem_shared>>) dst(%dma_wait3A_138 : memref<640x128xf32, #tpu.memory_space<hbm>>)
      tpu.yield
    }) : () -> ()
    return
  }
}

module attributes {stable_mosaic.version = 14 : i64} {
  func.func @_tc0_body(%arg0: i32, %arg1: memref<400x256xf32, #tpu.memory_space<vmem>>, %arg2: memref<256x256xf32, #tpu.memory_space<vmem>>, %arg3: memref<256x256xf32, #tpu.memory_space<vmem>>, %arg4: memref<1x256xf32, #tpu.memory_space<vmem>>, %arg5: memref<400x256xf32, #tpu.memory_space<vmem>>, %arg6: memref<400x256xf32, #tpu.memory_space<vmem>>) attributes {dimension_semantics = [#tpu.dimension_semantics<arbitrary>], iteration_bounds = array<i64: 25>, scalar_prefetch = 0 : i64, scratch_operands = 0 : i64, tpu.core_type = #tpu.core_type<tc>, window_params = [{transform_indices = @transform_0, window_bounds = array<i64: 400, 256>}, {pipeline_mode = #tpu.pipeline_mode<synchronous>, transform_indices = @transform_1, window_bounds = array<i64: 256, 256>}, {pipeline_mode = #tpu.pipeline_mode<synchronous>, transform_indices = @transform_2, window_bounds = array<i64: 256, 256>}, {pipeline_mode = #tpu.pipeline_mode<synchronous>, transform_indices = @transform_3, window_bounds = array<i64: 1, 256>}, {transform_indices = @transform_4, window_bounds = array<i64: 400, 256>}, {transform_indices = @transform_5, window_bounds = array<i64: 400, 256>}]} {
    %get3A = arith.constant 0 : index
    %get3A_0 = arith.constant 0 : index
    %get3A_1 = vector.load %arg1[%get3A, %get3A_0] : memref<400x256xf32, #tpu.memory_space<vmem>>, vector<400x256xf32>
    %get3A_2 = arith.constant 0 : index
    %get3A_3 = arith.constant 0 : index
    %get3A_4 = vector.load %arg2[%get3A_2, %get3A_3] : memref<256x256xf32, #tpu.memory_space<vmem>>, vector<256x256xf32>
    %dot_general3A = arith.constant dense<0.000000e+00> : vector<400x256xf32>
    %dot_general3A_5 = tpu.matmul %get3A_1, %get3A_4, %dot_general3A {dimension_numbers = #tpu.dot_dimension_numbers<[1], [0], [0], [1], [0, 0, 1, 1], [], []>, transpose_lhs_hint = false} : vector<400x256xf32>, vector<256x256xf32>, vector<400x256xf32> -> vector<400x256xf32>
    %swap3A = arith.constant 0 : index
    %swap3A_6 = arith.constant 0 : index
    %swap3A_7 = vector.load %arg5[%swap3A, %swap3A_6] : memref<400x256xf32, #tpu.memory_space<vmem>>, vector<400x256xf32>
    tpu.vector_store %arg5[%swap3A, %swap3A_6], %dot_general3A_5 {strides = array<i32>} : memref<400x256xf32, #tpu.memory_space<vmem>>, vector<400x256xf32>,
    %get3A_8 = arith.constant 0 : index
    %get3A_9 = arith.constant 0 : index
    %get3A_10 = vector.load %arg1[%get3A_8, %get3A_9] : memref<400x256xf32, #tpu.memory_space<vmem>>, vector<400x256xf32>
    %get3A_11 = arith.constant 0 : index
    %get3A_12 = arith.constant 0 : index
    %get3A_13 = vector.load %arg3[%get3A_11, %get3A_12] : memref<256x256xf32, #tpu.memory_space<vmem>>, vector<256x256xf32>
    %dot_general3A_14 = arith.constant dense<0.000000e+00> : vector<400x256xf32>
    %dot_general3A_15 = tpu.matmul %get3A_10, %get3A_13, %dot_general3A_14 {dimension_numbers = #tpu.dot_dimension_numbers<[1], [0], [0], [1], [0, 0, 1, 1], [], []>, transpose_lhs_hint = false} : vector<400x256xf32>, vector<256x256xf32>, vector<400x256xf32> -> vector<400x256xf32>
    %get3A_16 = arith.constant 0 : index
    %get3A_17 = arith.constant 0 : index
    %get3A_18 = vector.load %arg4[%get3A_16, %get3A_17] : memref<1x256xf32, #tpu.memory_space<vmem>>, vector<1x256xf32>
    %add3A = vector.broadcast %get3A_18 : vector<1x256xf32> to vector<400x256xf32>
    %add3A_19 = arith.addf %dot_general3A_15, %add3A : vector<400x256xf32>
    %swap3A_20 = arith.constant 0 : index
    %swap3A_21 = arith.constant 0 : index
    %swap3A_22 = vector.load %arg6[%swap3A_20, %swap3A_21] : memref<400x256xf32, #tpu.memory_space<vmem>>, vector<400x256xf32>
    tpu.vector_store %arg6[%swap3A_20, %swap3A_21], %add3A_19 {strides = array<i32>} : memref<400x256xf32, #tpu.memory_space<vmem>>, vector<400x256xf32>,
    return
  }
  func.func @transform_0(%arg0: i32) -> (i32, i32) {
    %c0_i32 = arith.constant 0 : i32
    %c0_i32_0 = arith.constant 0 : i32
    return %arg0, %c0_i32 : i32, i32
  }
  func.func @transform_1(%arg0: i32) -> (i32, i32) {
    %c0_i32 = arith.constant 0 : i32
    %c0_i32_0 = arith.constant 0 : i32
    %c0_i32_1 = arith.constant 0 : i32
    return %c0_i32, %c0_i32_0 : i32, i32
  }
  func.func @transform_2(%arg0: i32) -> (i32, i32) {
    %c0_i32 = arith.constant 0 : i32
    %c0_i32_0 = arith.constant 0 : i32
    %c0_i32_1 = arith.constant 0 : i32
    return %c0_i32, %c0_i32_0 : i32, i32
  }
  func.func @transform_3(%arg0: i32) -> (i32, i32) {
    %c0_i32 = arith.constant 0 : i32
    %c0_i32_0 = arith.constant 0 : i32
    %c0_i32_1 = arith.constant 0 : i32
    return %c0_i32, %c0_i32_0 : i32, i32
  }
  func.func @transform_4(%arg0: i32) -> (i32, i32) {
    %c0_i32 = arith.constant 0 : i32
    %c0_i32_0 = arith.constant 0 : i32
    return %arg0, %c0_i32 : i32, i32
  }
  func.func @transform_5(%arg0: i32) -> (i32, i32) {
    %c0_i32 = arith.constant 0 : i32
    %c0_i32_0 = arith.constant 0 : i32
    return %arg0, %c0_i32 : i32, i32
  }
}

module attributes {stable_mosaic.version = 14 : i64} {
  func.func @_tc1_body(%arg0: i32, %arg1: memref<400x256xf32, #tpu.memory_space<vmem>>, %arg2: memref<2x400x128xf32, #tpu.memory_space<vmem>>, %arg3: memref<2x400x128xf32, #tpu.memory_space<vmem>>, %arg4: memref<1x1x400xf32, #tpu.memory_space<vmem>>) attributes {dimension_semantics = [#tpu.dimension_semantics<arbitrary>], iteration_bounds = array<i64: 25>, scalar_prefetch = 0 : i64, scratch_operands = 0 : i64, tpu.core_type = #tpu.core_type<tc>, window_params = [{transform_indices = @transform_0, window_bounds = array<i64: 400, 256>}, {transform_indices = @transform_1, window_bounds = array<i64: 2, 400, 128>}, {transform_indices = @transform_2, window_bounds = array<i64: 2, 400, 128>}, {transform_indices = @transform_3, window_bounds = array<i64: 1, 1, 400>}]} {
    %get3A = arith.constant 0 : index
    %get3A_0 = arith.constant 0 : index
    %get3A_1 = arith.constant 0 : index
    %get3A_2 = vector.load %arg2[%get3A, %get3A_0, %get3A_1] : memref<2x400x128xf32, #tpu.memory_space<vmem>>, vector<1x400x1xf32>
    %get3A_3 = vector.shape_cast %get3A_2 : vector<1x400x1xf32> to vector<400xf32>
    %get3A_4 = arith.constant 1 : index
    %get3A_5 = arith.constant 0 : index
    %get3A_6 = arith.constant 0 : index
    %get3A_7 = vector.load %arg2[%get3A_4, %get3A_5, %get3A_6] : memref<2x400x128xf32, #tpu.memory_space<vmem>>, vector<1x400x1xf32>
    %get3A_8 = vector.shape_cast %get3A_7 : vector<1x400x1xf32> to vector<400xf32>
    %add3A = arith.addf %get3A_3, %get3A_8 : vector<400xf32>
    %gt3A = arith.constant 0.000000e+00 : f32
    %gt3A_9 = vector.broadcast %gt3A : f32 to vector<400xf32>
    %gt3A_10 = arith.cmpf ogt, %add3A, %gt3A_9 : vector<400xf32>
    %rsqrt3A = math.rsqrt %add3A : vector<400xf32>
    %jit3A = arith.constant 0.000000e+00 : f32
    %broadcast_in_dim3A = vector.broadcast %jit3A : f32 to vector<400xf32>
    %select_n3A = arith.select %gt3A_10, %rsqrt3A, %broadcast_in_dim3A : vector<400xi1>, vector<400xf32>
    %swap3A = arith.constant 0 : index
    %swap3A_11 = arith.constant 0 : index
    %swap3A_12 = arith.constant 0 : index
    %swap3A_13 = vector.load %arg4[%swap3A, %swap3A_11, %swap3A_12] : memref<1x1x400xf32, #tpu.memory_space<vmem>>, vector<1x1x400xf32>
    %swap3A_14 = vector.shape_cast %swap3A_13 : vector<1x1x400xf32> to vector<400xf32>
    %swap3A_15 = vector.shape_cast %select_n3A : vector<400xf32> to vector<1x1x400xf32>
    tpu.vector_store %arg4[%swap3A, %swap3A_11, %swap3A_12], %swap3A_15 {strides = array<i32>} : memref<1x1x400xf32, #tpu.memory_space<vmem>>, vector<1x1x400xf32>,
    %get3A_16 = arith.constant 0 : index
    %get3A_17 = arith.constant 0 : index
    %get3A_18 = vector.load %arg1[%get3A_16, %get3A_17] : memref<400x256xf32, #tpu.memory_space<vmem>>, vector<400x256xf32>
    %broadcast_in_dim3A_19 = vector.shape_cast %select_n3A : vector<400xf32> to vector<400x1xf32>
    %mul3A = vector.broadcast %broadcast_in_dim3A_19 : vector<400x1xf32> to vector<400x256xf32>
    %mul3A_20 = arith.mulf %get3A_18, %mul3A : vector<400x256xf32>
    %slice3A = vector.extract_strided_slice %mul3A_20 {offsets = [0, 0], sizes = [400, 128], strides = [1, 1]} : vector<400x256xf32> to vector<400x128xf32>
    %swap3A_21 = arith.constant 0 : index
    %swap3A_22 = arith.constant 0 : index
    %swap3A_23 = arith.constant 0 : index
    %swap3A_24 = vector.load %arg3[%swap3A_21, %swap3A_22, %swap3A_23] : memref<2x400x128xf32, #tpu.memory_space<vmem>>, vector<1x400x128xf32>
    %swap3A_25 = vector.shape_cast %swap3A_24 : vector<1x400x128xf32> to vector<400x128xf32>
    %swap3A_26 = vector.shape_cast %slice3A : vector<400x128xf32> to vector<1x400x128xf32>
    tpu.vector_store %arg3[%swap3A_21, %swap3A_22, %swap3A_23], %swap3A_26 {strides = array<i32>} : memref<2x400x128xf32, #tpu.memory_space<vmem>>, vector<1x400x128xf32>,
    %slice3A_27 = vector.extract_strided_slice %mul3A_20 {offsets = [0, 128], sizes = [400, 128], strides = [1, 1]} : vector<400x256xf32> to vector<400x128xf32>
    %swap3A_28 = arith.constant 1 : index
    %swap3A_29 = arith.constant 0 : index
    %swap3A_30 = arith.constant 0 : index
    %swap3A_31 = vector.load %arg3[%swap3A_28, %swap3A_29, %swap3A_30] : memref<2x400x128xf32, #tpu.memory_space<vmem>>, vector<1x400x128xf32>
    %swap3A_32 = vector.shape_cast %swap3A_31 : vector<1x400x128xf32> to vector<400x128xf32>
    %swap3A_33 = vector.shape_cast %slice3A_27 : vector<400x128xf32> to vector<1x400x128xf32>
    tpu.vector_store %arg3[%swap3A_28, %swap3A_29, %swap3A_30], %swap3A_33 {strides = array<i32>} : memref<2x400x128xf32, #tpu.memory_space<vmem>>, vector<1x400x128xf32>,
    return
  }
  func.func @transform_0(%arg0: i32) -> (i32, i32) {
    %c0_i32 = arith.constant 0 : i32
    %c0_i32_0 = arith.constant 0 : i32
    return %arg0, %c0_i32 : i32, i32
  }
  func.func @transform_1(%arg0: i32) -> (i32, i32, i32) {
    %c0_i32 = arith.constant 0 : i32
    %c0_i32_0 = arith.constant 0 : i32
    %c0_i32_1 = arith.constant 0 : i32
    return %c0_i32, %arg0, %c0_i32_0 : i32, i32, i32
  }
  func.func @transform_2(%arg0: i32) -> (i32, i32, i32) {
    %c0_i32 = arith.constant 0 : i32
    %c0_i32_0 = arith.constant 0 : i32
    %c0_i32_1 = arith.constant 0 : i32
    return %c0_i32, %arg0, %c0_i32_0 : i32, i32, i32
  }
  func.func @transform_3(%arg0: i32) -> (i32, i32, i32) {
    %c0_i32 = arith.constant 0 : i32
    %c0_i32_0 = arith.constant 0 : i32
    %c0_i32_1 = arith.constant 0 : i32
    return %arg0, %c0_i32, %c0_i32_0 : i32, i32, i32
  }
}

module attributes {stable_mosaic.version = 14 : i64} {
  func.func @_tc2_body(%arg0: i32, %arg1: memref<2x400x128xf32, #tpu.memory_space<vmem>>, %arg2: memref<1x1x400xf32, #tpu.memory_space<vmem>>, %arg3: memref<400x256xf32, #tpu.memory_space<vmem>>, %arg4: memref<256x64xf32, #tpu.memory_space<vmem>>, %arg5: memref<256x64xf32, #tpu.memory_space<vmem>>, %arg6: memref<1x64xf32, #tpu.memory_space<vmem>>, %arg7: memref<400x128xf32, #tpu.memory_space<vmem>>, %arg8: memref<400x64xf32, #tpu.memory_space<vmem>>) attributes {dimension_semantics = [#tpu.dimension_semantics<arbitrary>], iteration_bounds = array<i64: 25>, scalar_prefetch = 0 : i64, scratch_operands = 0 : i64, tpu.core_type = #tpu.core_type<tc>, window_params = [{transform_indices = @transform_0, window_bounds = array<i64: 2, 400, 128>}, {transform_indices = @transform_1, window_bounds = array<i64: 1, 1, 400>}, {transform_indices = @transform_2, window_bounds = array<i64: 400, 256>}, {pipeline_mode = #tpu.pipeline_mode<synchronous>, transform_indices = @transform_3, window_bounds = array<i64: 256, 64>}, {pipeline_mode = #tpu.pipeline_mode<synchronous>, transform_indices = @transform_4, window_bounds = array<i64: 256, 64>}, {pipeline_mode = #tpu.pipeline_mode<synchronous>, transform_indices = @transform_5, window_bounds = array<i64: 1, 64>}, {transform_indices = @transform_6, window_bounds = array<i64: 400, 128>}, {transform_indices = @transform_7, window_bounds = array<i64: 400, 64>}]} {
    %get3A = arith.constant 0 : index
    %get3A_0 = arith.constant 0 : index
    %get3A_1 = arith.constant 0 : index
    %get3A_2 = vector.load %arg2[%get3A, %get3A_0, %get3A_1] : memref<1x1x400xf32, #tpu.memory_space<vmem>>, vector<1x1x400xf32>
    %get3A_3 = vector.shape_cast %get3A_2 : vector<1x1x400xf32> to vector<400xf32>
    %get3A_4 = arith.constant 0 : index
    %get3A_5 = arith.constant 0 : index
    %get3A_6 = arith.constant 0 : index
    %get3A_7 = vector.load %arg1[%get3A_4, %get3A_5, %get3A_6] : memref<2x400x128xf32, #tpu.memory_space<vmem>>, vector<1x400x128xf32>
    %get3A_8 = vector.shape_cast %get3A_7 : vector<1x400x128xf32> to vector<400x128xf32>
    %get3A_9 = arith.constant 1 : index
    %get3A_10 = arith.constant 0 : index
    %get3A_11 = arith.constant 0 : index
    %get3A_12 = vector.load %arg1[%get3A_9, %get3A_10, %get3A_11] : memref<2x400x128xf32, #tpu.memory_space<vmem>>, vector<1x400x128xf32>
    %get3A_13 = vector.shape_cast %get3A_12 : vector<1x400x128xf32> to vector<400x128xf32>
    %concatenate3A = tpu.concatenate %get3A_8, %get3A_13 in 1 : vector<400x128xf32>, vector<400x128xf32> -> vector<400x256xf32>
    %broadcast_in_dim3A = vector.shape_cast %get3A_3 : vector<400xf32> to vector<400x1xf32>
    %mul3A = vector.broadcast %broadcast_in_dim3A : vector<400x1xf32> to vector<400x256xf32>
    %mul3A_14 = arith.mulf %concatenate3A, %mul3A : vector<400x256xf32>
    %get3A_15 = arith.constant 0 : index
    %get3A_16 = arith.constant 0 : index
    %get3A_17 = vector.load %arg3[%get3A_15, %get3A_16] : memref<400x256xf32, #tpu.memory_space<vmem>>, vector<400x256xf32>
    %add3A = arith.addf %mul3A_14, %get3A_17 : vector<400x256xf32>
    %max3A = arith.constant 0.000000e+00 : f32
    %max3A_18 = vector.broadcast %max3A : f32 to vector<400x256xf32>
    %max3A_19 = arith.maximumf %add3A, %max3A_18 : vector<400x256xf32>
    %get3A_20 = arith.constant 0 : index
    %get3A_21 = arith.constant 0 : index
    %get3A_22 = vector.load %arg4[%get3A_20, %get3A_21] : memref<256x64xf32, #tpu.memory_space<vmem>>, vector<256x64xf32>
    %dot_general3A = arith.constant dense<0.000000e+00> : vector<400x64xf32>
    %dot_general3A_23 = tpu.matmul %max3A_19, %get3A_22, %dot_general3A {dimension_numbers = #tpu.dot_dimension_numbers<[1], [0], [0], [1], [0, 0, 1, 1], [], []>, transpose_lhs_hint = false} : vector<400x256xf32>, vector<256x64xf32>, vector<400x64xf32> -> vector<400x64xf32>
    %broadcast_in_dim3A_24 = vector.shape_cast %get3A_3 : vector<400xf32> to vector<400x1xf32>
    %mul3A_25 = vector.broadcast %broadcast_in_dim3A_24 : vector<400x1xf32> to vector<400x64xf32>
    %mul3A_26 = arith.mulf %dot_general3A_23, %mul3A_25 : vector<400x64xf32>
    %broadcast_in_dim3A_27 = arith.constant 0.000000e+00 : f32
    %broadcast_in_dim3A_28 = vector.broadcast %broadcast_in_dim3A_27 : f32 to vector<400x64xf32>
    %concatenate3A_29 = tpu.concatenate %mul3A_26, %broadcast_in_dim3A_28 in 1 : vector<400x64xf32>, vector<400x64xf32> -> vector<400x128xf32>
    %swap3A = arith.constant 0 : index
    %swap3A_30 = arith.constant 0 : index
    %swap3A_31 = vector.load %arg7[%swap3A, %swap3A_30] : memref<400x128xf32, #tpu.memory_space<vmem>>, vector<400x128xf32>
    tpu.vector_store %arg7[%swap3A, %swap3A_30], %concatenate3A_29 {strides = array<i32>} : memref<400x128xf32, #tpu.memory_space<vmem>>, vector<400x128xf32>,
    %get3A_32 = arith.constant 0 : index
    %get3A_33 = arith.constant 0 : index
    %get3A_34 = vector.load %arg5[%get3A_32, %get3A_33] : memref<256x64xf32, #tpu.memory_space<vmem>>, vector<256x64xf32>
    %dot_general3A_35 = arith.constant dense<0.000000e+00> : vector<400x64xf32>
    %dot_general3A_36 = tpu.matmul %max3A_19, %get3A_34, %dot_general3A_35 {dimension_numbers = #tpu.dot_dimension_numbers<[1], [0], [0], [1], [0, 0, 1, 1], [], []>, transpose_lhs_hint = false} : vector<400x256xf32>, vector<256x64xf32>, vector<400x64xf32> -> vector<400x64xf32>
    %get3A_37 = arith.constant 0 : index
    %get3A_38 = arith.constant 0 : index
    %get3A_39 = vector.load %arg6[%get3A_37, %get3A_38] : memref<1x64xf32, #tpu.memory_space<vmem>>, vector<1x64xf32>
    %add3A_40 = vector.broadcast %get3A_39 : vector<1x64xf32> to vector<400x64xf32>
    %add3A_41 = arith.addf %dot_general3A_36, %add3A_40 : vector<400x64xf32>
    %swap3A_42 = arith.constant 0 : index
    %swap3A_43 = arith.constant 0 : index
    %swap3A_44 = vector.load %arg8[%swap3A_42, %swap3A_43] : memref<400x64xf32, #tpu.memory_space<vmem>>, vector<400x64xf32>
    tpu.vector_store %arg8[%swap3A_42, %swap3A_43], %add3A_41 {strides = array<i32>} : memref<400x64xf32, #tpu.memory_space<vmem>>, vector<400x64xf32>,
    return
  }
  func.func @transform_0(%arg0: i32) -> (i32, i32, i32) {
    %c0_i32 = arith.constant 0 : i32
    %c0_i32_0 = arith.constant 0 : i32
    %c0_i32_1 = arith.constant 0 : i32
    return %c0_i32, %arg0, %c0_i32_0 : i32, i32, i32
  }
  func.func @transform_1(%arg0: i32) -> (i32, i32, i32) {
    %c0_i32 = arith.constant 0 : i32
    %c0_i32_0 = arith.constant 0 : i32
    %c0_i32_1 = arith.constant 0 : i32
    return %arg0, %c0_i32, %c0_i32_0 : i32, i32, i32
  }
  func.func @transform_2(%arg0: i32) -> (i32, i32) {
    %c0_i32 = arith.constant 0 : i32
    %c0_i32_0 = arith.constant 0 : i32
    return %arg0, %c0_i32 : i32, i32
  }
  func.func @transform_3(%arg0: i32) -> (i32, i32) {
    %c0_i32 = arith.constant 0 : i32
    %c0_i32_0 = arith.constant 0 : i32
    %c0_i32_1 = arith.constant 0 : i32
    return %c0_i32, %c0_i32_0 : i32, i32
  }
  func.func @transform_4(%arg0: i32) -> (i32, i32) {
    %c0_i32 = arith.constant 0 : i32
    %c0_i32_0 = arith.constant 0 : i32
    %c0_i32_1 = arith.constant 0 : i32
    return %c0_i32, %c0_i32_0 : i32, i32
  }
  func.func @transform_5(%arg0: i32) -> (i32, i32) {
    %c0_i32 = arith.constant 0 : i32
    %c0_i32_0 = arith.constant 0 : i32
    %c0_i32_1 = arith.constant 0 : i32
    return %c0_i32, %c0_i32_0 : i32, i32
  }
  func.func @transform_6(%arg0: i32) -> (i32, i32) {
    %c0_i32 = arith.constant 0 : i32
    %c0_i32_0 = arith.constant 0 : i32
    return %arg0, %c0_i32 : i32, i32
  }
  func.func @transform_7(%arg0: i32) -> (i32, i32) {
    %c0_i32 = arith.constant 0 : i32
    %c0_i32_0 = arith.constant 0 : i32
    return %arg0, %c0_i32 : i32, i32
  }
}

module attributes {stable_mosaic.version = 14 : i64} {
  func.func @_tc3_body(%arg0: i32, %arg1: memref<2x400x128xf32, #tpu.memory_space<vmem>>, %arg2: memref<1x1x400xf32, #tpu.memory_space<vmem>>, %arg3: memref<400x64xf32, #tpu.memory_space<vmem>>, %arg4: memref<1x1x400xi32, #tpu.memory_space<vmem>>, %arg5: memref<64x10xf32, #tpu.memory_space<vmem>>, %arg6: memref<1x10xf32, #tpu.memory_space<vmem>>, %arg7: memref<128x10xf32, #tpu.memory_space<vmem>>, %arg8: memref<128x64xf32, #tpu.memory_space<vmem>>, %arg9: memref<1x128xf32, #tpu.memory_space<vmem>>) attributes {dimension_semantics = [#tpu.dimension_semantics<arbitrary>], iteration_bounds = array<i64: 25>, scalar_prefetch = 0 : i64, scratch_operands = 2 : i64, tpu.core_type = #tpu.core_type<tc>, window_params = [{transform_indices = @transform_0, window_bounds = array<i64: 2, 400, 128>}, {transform_indices = @transform_1, window_bounds = array<i64: 1, 1, 400>}, {transform_indices = @transform_2, window_bounds = array<i64: 400, 64>}, {transform_indices = @transform_3, window_bounds = array<i64: 1, 1, 400>}, {pipeline_mode = #tpu.pipeline_mode<synchronous>, transform_indices = @transform_4, window_bounds = array<i64: 64, 10>}, {pipeline_mode = #tpu.pipeline_mode<synchronous>, transform_indices = @transform_5, window_bounds = array<i64: 1, 10>}, {pipeline_mode = #tpu.pipeline_mode<synchronous>, transform_indices = @transform_6, window_bounds = array<i64: 128, 10>}]} {
    %eq3A = arith.constant 0 : i32
    %eq3A_0 = arith.cmpi eq, %arg0, %eq3A : i32
    %convert_element_type3A = arith.extui %eq3A_0 : i1 to i32
    %cond3A = arith.constant 0 : i32
    %cond3A_1 = arith.cmpi ne, %convert_element_type3A, %cond3A : i32
    scf.if %cond3A_1 {
      %broadcast_in_dim3A_54 = arith.constant 0.000000e+00 : f32
      %broadcast_in_dim3A_55 = vector.broadcast %broadcast_in_dim3A_54 : f32 to vector<128x64xf32>
      %swap3A_56 = arith.constant 0 : index
      %swap3A_57 = arith.constant 0 : index
      %swap3A_58 = vector.load %arg8[%swap3A_56, %swap3A_57] : memref<128x64xf32, #tpu.memory_space<vmem>>, vector<128x64xf32>
      tpu.vector_store %arg8[%swap3A_56, %swap3A_57], %broadcast_in_dim3A_55 {strides = array<i32>} : memref<128x64xf32, #tpu.memory_space<vmem>>, vector<128x64xf32>,
      %broadcast_in_dim3A_59 = arith.constant 0.000000e+00 : f32
      %broadcast_in_dim3A_60 = vector.broadcast %broadcast_in_dim3A_59 : f32 to vector<1x128xf32>
      %swap3A_61 = arith.constant 0 : index
      %swap3A_62 = arith.constant 0 : index
      %swap3A_63 = vector.load %arg9[%swap3A_61, %swap3A_62] : memref<1x128xf32, #tpu.memory_space<vmem>>, vector<1x128xf32>
      tpu.vector_store %arg9[%swap3A_61, %swap3A_62], %broadcast_in_dim3A_60 {strides = array<i32>} : memref<1x128xf32, #tpu.memory_space<vmem>>, vector<1x128xf32>,
    } else {
    }
    %get3A = arith.constant 0 : index
    %get3A_2 = arith.constant 0 : index
    %get3A_3 = arith.constant 0 : index
    %get3A_4 = vector.load %arg2[%get3A, %get3A_2, %get3A_3] : memref<1x1x400xf32, #tpu.memory_space<vmem>>, vector<1x1x400xf32>
    %get3A_5 = vector.shape_cast %get3A_4 : vector<1x1x400xf32> to vector<400xf32>
    %get3A_6 = arith.constant 0 : index
    %get3A_7 = arith.constant 0 : index
    %get3A_8 = arith.constant 0 : index
    %get3A_9 = vector.load %arg1[%get3A_6, %get3A_7, %get3A_8] : memref<2x400x128xf32, #tpu.memory_space<vmem>>, vector<1x400x64xf32>
    %get3A_10 = vector.shape_cast %get3A_9 : vector<1x400x64xf32> to vector<400x64xf32>
    %get3A_11 = arith.constant 1 : index
    %get3A_12 = arith.constant 0 : index
    %get3A_13 = arith.constant 0 : index
    %get3A_14 = vector.load %arg1[%get3A_11, %get3A_12, %get3A_13] : memref<2x400x128xf32, #tpu.memory_space<vmem>>, vector<1x400x64xf32>
    %get3A_15 = vector.shape_cast %get3A_14 : vector<1x400x64xf32> to vector<400x64xf32>
    %add3A = arith.addf %get3A_10, %get3A_15 : vector<400x64xf32>
    %broadcast_in_dim3A = vector.shape_cast %get3A_5 : vector<400xf32> to vector<400x1xf32>
    %mul3A = vector.broadcast %broadcast_in_dim3A : vector<400x1xf32> to vector<400x64xf32>
    %mul3A_16 = arith.mulf %add3A, %mul3A : vector<400x64xf32>
    %get3A_17 = arith.constant 0 : index
    %get3A_18 = arith.constant 0 : index
    %get3A_19 = vector.load %arg3[%get3A_17, %get3A_18] : memref<400x64xf32, #tpu.memory_space<vmem>>, vector<400x64xf32>
    %add3A_20 = arith.addf %mul3A_16, %get3A_19 : vector<400x64xf32>
    %max3A = arith.constant 0.000000e+00 : f32
    %max3A_21 = vector.broadcast %max3A : f32 to vector<400x64xf32>
    %max3A_22 = arith.maximumf %add3A_20, %max3A_21 : vector<400x64xf32>
    %get3A_23 = arith.constant 0 : index
    %get3A_24 = arith.constant 0 : index
    %get3A_25 = arith.constant 0 : index
    %get3A_26 = vector.load %arg4[%get3A_23, %get3A_24, %get3A_25] : memref<1x1x400xi32, #tpu.memory_space<vmem>>, vector<1x1x400xi32>
    %get3A_27 = vector.shape_cast %get3A_26 : vector<1x1x400xi32> to vector<400xi32>
    %broadcast_in_dim3A_28 = vector.shape_cast %get3A_27 : vector<400xi32> to vector<400x1xi32>
    %iota3A = tpu.iota {dimensions = array<i32: 1>} : vector<400x128xi32>
    %eq3A_29 = vector.broadcast %broadcast_in_dim3A_28 : vector<400x1xi32> to vector<400x128xi32>
    %eq3A_30 = arith.cmpi eq, %eq3A_29, %iota3A : vector<400x128xi32>
    %convert_element_type3A_31 = arith.extui %eq3A_30 : vector<400x128xi1> to vector<400x128xi32>
    %convert_element_type3A_32 = arith.sitofp %convert_element_type3A_31 : vector<400x128xi32> to vector<400x128xf32>
    %get3A_33 = arith.constant 0 : index
    %get3A_34 = arith.constant 0 : index
    %get3A_35 = vector.load %arg8[%get3A_33, %get3A_34] : memref<128x64xf32, #tpu.memory_space<vmem>>, vector<128x64xf32>
    %dot_general3A = arith.constant dense<0.000000e+00> : vector<128x64xf32>
    %dot_general3A_36 = tpu.matmul %convert_element_type3A_32, %max3A_22, %dot_general3A {dimension_numbers = #tpu.dot_dimension_numbers<[0], [0], [1], [1], [0, 1, 1, 1], [], []>, transpose_lhs_hint = false} : vector<400x128xf32>, vector<400x64xf32>, vector<128x64xf32> -> vector<128x64xf32>
    %add3A_37 = arith.addf %get3A_35, %dot_general3A_36 : vector<128x64xf32>
    %swap3A = arith.constant 0 : index
    %swap3A_38 = arith.constant 0 : index
    %swap3A_39 = vector.load %arg8[%swap3A, %swap3A_38] : memref<128x64xf32, #tpu.memory_space<vmem>>, vector<128x64xf32>
    tpu.vector_store %arg8[%swap3A, %swap3A_38], %add3A_37 {strides = array<i32>} : memref<128x64xf32, #tpu.memory_space<vmem>>, vector<128x64xf32>,
    %get3A_40 = arith.constant 0 : index
    %get3A_41 = arith.constant 0 : index
    %get3A_42 = vector.load %arg9[%get3A_40, %get3A_41] : memref<1x128xf32, #tpu.memory_space<vmem>>, vector<1x128xf32>
    %reduce_sum3A = arith.constant dense<0.000000e+00> : vector<128xf32>
    %reduce_sum3A_43 = vector.multi_reduction <add>, %convert_element_type3A_32, %reduce_sum3A [0] : vector<400x128xf32> to vector<128xf32>
    %broadcast_in_dim3A_44 = vector.shape_cast %reduce_sum3A_43 : vector<128xf32> to vector<1x128xf32>
    %add3A_45 = arith.addf %get3A_42, %broadcast_in_dim3A_44 : vector<1x128xf32>
    %swap3A_46 = arith.constant 0 : index
    %swap3A_47 = arith.constant 0 : index
    %swap3A_48 = vector.load %arg9[%swap3A_46, %swap3A_47] : memref<1x128xf32, #tpu.memory_space<vmem>>, vector<1x128xf32>
    tpu.vector_store %arg9[%swap3A_46, %swap3A_47], %add3A_45 {strides = array<i32>} : memref<1x128xf32, #tpu.memory_space<vmem>>, vector<1x128xf32>,
    %eq3A_49 = arith.constant 24 : i32
    %eq3A_50 = arith.cmpi eq, %arg0, %eq3A_49 : i32
    %convert_element_type3A_51 = arith.extui %eq3A_50 : i1 to i32
    %cond3A_52 = arith.constant 0 : i32
    %cond3A_53 = arith.cmpi ne, %convert_element_type3A_51, %cond3A_52 : i32
    scf.if %cond3A_53 {
      %get3A_54 = arith.constant 0 : index
      %get3A_55 = arith.constant 0 : index
      %get3A_56 = vector.load %arg8[%get3A_54, %get3A_55] : memref<128x64xf32, #tpu.memory_space<vmem>>, vector<128x64xf32>
      %get3A_57 = arith.constant 0 : index
      %get3A_58 = arith.constant 0 : index
      %get3A_59 = vector.load %arg9[%get3A_57, %get3A_58] : memref<1x128xf32, #tpu.memory_space<vmem>>, vector<1x128xf32>
      %max3A_60 = arith.constant 1.000000e+00 : f32
      %max3A_61 = vector.broadcast %max3A_60 : f32 to vector<1x128xf32>
      %max3A_62 = arith.maximumf %get3A_59, %max3A_61 : vector<1x128xf32>
      %transpose3A = tpu.transpose %max3A_62, [1, 0] : vector<1x128xf32> -> vector<128x1xf32>
      %div3A = vector.broadcast %transpose3A : vector<128x1xf32> to vector<128x64xf32>
      %div3A_63 = arith.divf %get3A_56, %div3A : vector<128x64xf32>
      %get3A_64 = arith.constant 0 : index
      %get3A_65 = arith.constant 0 : index
      %get3A_66 = vector.load %arg5[%get3A_64, %get3A_65] : memref<64x10xf32, #tpu.memory_space<vmem>>, vector<64x10xf32>
      %dot_general3A_67 = arith.constant dense<0.000000e+00> : vector<128x10xf32>
      %dot_general3A_68 = tpu.matmul %div3A_63, %get3A_66, %dot_general3A_67 {dimension_numbers = #tpu.dot_dimension_numbers<[1], [0], [0], [1], [0, 0, 1, 1], [], []>, transpose_lhs_hint = false} : vector<128x64xf32>, vector<64x10xf32>, vector<128x10xf32> -> vector<128x10xf32>
      %get3A_69 = arith.constant 0 : index
      %get3A_70 = arith.constant 0 : index
      %get3A_71 = vector.load %arg6[%get3A_69, %get3A_70] : memref<1x10xf32, #tpu.memory_space<vmem>>, vector<1x10xf32>
      %add3A_72 = vector.broadcast %get3A_71 : vector<1x10xf32> to vector<128x10xf32>
      %add3A_73 = arith.addf %dot_general3A_68, %add3A_72 : vector<128x10xf32>
      %swap3A_74 = arith.constant 0 : index
      %swap3A_75 = arith.constant 0 : index
      %swap3A_76 = vector.load %arg7[%swap3A_74, %swap3A_75] : memref<128x10xf32, #tpu.memory_space<vmem>>, vector<128x10xf32>
      tpu.vector_store %arg7[%swap3A_74, %swap3A_75], %add3A_73 {strides = array<i32>} : memref<128x10xf32, #tpu.memory_space<vmem>>, vector<128x10xf32>,
    } else {
    }
    return
  }
  func.func @transform_0(%arg0: i32) -> (i32, i32, i32) {
    %c0_i32 = arith.constant 0 : i32
    %c0_i32_0 = arith.constant 0 : i32
    %c0_i32_1 = arith.constant 0 : i32
    return %c0_i32, %arg0, %c0_i32_0 : i32, i32, i32
  }
  func.func @transform_1(%arg0: i32) -> (i32, i32, i32) {
    %c0_i32 = arith.constant 0 : i32
    %c0_i32_0 = arith.constant 0 : i32
    %c0_i32_1 = arith.constant 0 : i32
    return %arg0, %c0_i32, %c0_i32_0 : i32, i32, i32
  }
  func.func @transform_2(%arg0: i32) -> (i32, i32) {
    %c0_i32 = arith.constant 0 : i32
    %c0_i32_0 = arith.constant 0 : i32
    return %arg0, %c0_i32 : i32, i32
  }
  func.func @transform_3(%arg0: i32) -> (i32, i32, i32) {
    %c0_i32 = arith.constant 0 : i32
    %c0_i32_0 = arith.constant 0 : i32
    %c0_i32_1 = arith.constant 0 : i32
    return %arg0, %c0_i32, %c0_i32_0 : i32, i32, i32
  }
  func.func @transform_4(%arg0: i32) -> (i32, i32) {
    %c0_i32 = arith.constant 0 : i32
    %c0_i32_0 = arith.constant 0 : i32
    %c0_i32_1 = arith.constant 0 : i32
    return %c0_i32, %c0_i32_0 : i32, i32
  }
  func.func @transform_5(%arg0: i32) -> (i32, i32) {
    %c0_i32 = arith.constant 0 : i32
    %c0_i32_0 = arith.constant 0 : i32
    %c0_i32_1 = arith.constant 0 : i32
    return %c0_i32, %c0_i32_0 : i32, i32
  }
  func.func @transform_6(%arg0: i32) -> (i32, i32) {
    %c0_i32 = arith.constant 0 : i32
    %c0_i32_0 = arith.constant 0 : i32
    %c0_i32_1 = arith.constant 0 : i32
    return %c0_i32, %c0_i32_0 : i32, i32
  }
}

</mosaic_0001>

<sc_bundles>
// kernel: kernel.12.cloned.1.call-start
scs
__scs_entry_jumppad:
0x0: {  	(pc) =	sbr.rel $0x88, $3  }
0x1: {  	(tag) =	ssettag $0x0;
	lr =	simm.s32 $0x1  }
0x2: {  	[smem:$0x3F96] =	sst lr;
	_ =	strace $0xD0000000  }
0x3: {  	_ = 	snop  }
0x4: {  	_ = 	snop  }
0x5: {  	_ = 	snop  }
0x6: {  	_ = 	snop  }
0x7: {  	_ = 	snop  }
__scs_overlays_trampoline_lowered:
0x8: {  	[smem:$0x3FA5] =	sst s0  }
0x9: {  	[smem:$0x3FA6] =	sst s1  }
0xa: {  	[smem:$0x3FA7] =	sst s2  }
0xb: {  	[smem:$0x3FA8] =	sst s3  }
0xc: {  	[smem:$0x3FA9] =	sst s4  }
0xd: {  	[smem:$0x3FAA] =	sst s5  }
0xe: {  	[smem:$0x3FAB] =	sst s6  }
0xf: {  	[smem:$0x3FAC] =	sst s7  }
0x10: {  	[smem:$0x3FAD] =	sst s8  }
0x11: {  	[smem:$0x3FAE] =	sst s9;
	s0 =	simm.s32 @!p0 $0x0  }
0x12: {  	s1 =	sld [smem:$0x3F94];
	s0 =	simm.s32 @p0 $0x1  }
0x13: {  	[smem:$0x3FAF] =	sst s0;
	s0 =	simm.s32 @!p1 $0x0  }
0x14: {  	s2 =	sld [smem:$0x3F93];
	s0 =	simm.s32 @p1 $0x1  }
0x15: {  	[smem:$0x3FB0] =	sst s0;
	s0 =	simm.s32 @!p2 $0x0  }
0x16: {  	s3 =	sld [smem:$0x3FDB];
	s0 =	simm.s32 @p2 $0x1  }
0x17: {  	s4 =	simm.s32 $0x1BF5;
	[smem:$0x3FB2] =	sst s0  }
0x18: {  	s0 =	sld [smem:$0x3F95];
	_ =	swait.ge [sflag:s4], $0x0  }
0x19: {  	s7 =	sld [smem:$0x3F96]  }
0x1a: {  	s8 =	sadd.s32 $0xFFFFE003, lr  }
0x1b: {  	s9 =	sadd.s32 $0xFFFFFEF7, lr;
	s5 =	simm.s32 $0xFFFFFFFF;
	p2 =	slt.u32 s8, $0xFFFFF086  }
0x1c: {  	p1 =	slt.u32 s9, $0xF7A;
	s5 =	simm.s32 @!p2 $0x0  }
0x1d: {  	s5 =	simm.s32 @p1 $0x1;
	p0 =	seq.s32 s7, s2  }
0x1e: {  	s7 =	smul.u32 @!p0 $0xF7A, s2;
	p2 =	seq.s32 @!p0 s5, $0x0  }
0x1f: {  	s9 =	smul.u32 $0xF7A, s1;
	s8 =	simm.s32 @!p0 $0x1BF5;
	p2 =	por !p2, p0  }
0x20: {  	[sflag:s8] =	ssyncset.s32 @!p0 $0xFFFFF086;
	s6 =	sadd.s32 @!p0 s3, s7;
	s7 =	simm.s32 @!p0 $0x108  }
0x21: {  	s3 =	sadd.s32 s3, s9;
	s6 =	sadd.s32 @!p0 $0x88, s6;
	s7 =	simm.s32 @p2 $0x1082  }
0x22: {  	[simem:s7], [sflag:s8] =	dma.local @!p0 [hbm:s6], $0xF7A  }
0x23: {  	s9 =	sor.u32 $0xD0000000, s2;
	s6 =	simm.s32 $0x108;
	_ =	swait.ge @!p0 [sflag:s8], $0x0  }
0x24: {  	s3 =	sadd.s32 $0x88, s3;
	s6 =	simm.s32 @!p1 $0x1082;
	[sflag:s4] =	ssyncset.s32 $0xFFFFF086  }
0x25: {  	[simem:s6], [sflag:s4] =	dma.local [hbm:s3], $0xF7A  }
0x26: {  	[smem:$0x3F96] =	sst s1;
	(tag) =	ssettag s2;
	_ =	strace s9  }
0x27: {  	s1 =	sld [smem:$0x3FA6]  }
0x28: {  	s2 =	sld [smem:$0x3FA7]  }
0x29: {  	s4 =	sld [smem:$0x3FA9]  }
0x2a: {  	p0 =	seq.s32 s5, $0x0;
	s5 =	sld [smem:$0x3FAA]  }
0x2b: {  	s6 =	sld [smem:$0x3FAB]  }
0x2c: {  	s7 =	sld [smem:$0x3FAC]  }
0x2d: {  	s3 =	simm.s32 $0x108;
	s8 =	sld [smem:$0x3FAD]  }
0x2e: {  	s3 =	simm.s32 @!p0 $0x1082;
	s9 =	sld [smem:$0x3FAE]  }
0x2f: {  	lr =	sadd.s32 s0, s3;
	s0 =	sld [smem:$0x3FA5]  }
0x30: {  	s3 =	sld [smem:$0x3FA8]  }
0x31: {  	[smem:$0x3FB1] =	sst s10  }
0x32: {  	s10 =	sld [smem:$0x3FAF];
	_ =	sdelay $0x3  }
0x33: {  	p0 =	seq.s32 s10, $0x1;
	s10 =	sld [smem:$0x3FB1];
	_ =	sdelay $0x3  }
0x34: {  	[smem:$0x3FB1] =	sst s10  }
0x35: {  	s10 =	sld [smem:$0x3FB0];
	_ =	sdelay $0x3  }
0x36: {  	p1 =	seq.s32 s10, $0x1;
	s10 =	sld [smem:$0x3FB1];
	_ =	sdelay $0x3  }
0x37: {  	[smem:$0x3FB1] =	sst s10  }
0x38: {  	s10 =	sld [smem:$0x3FB2]  }
0x39: {  	_ = 	snop;
	(pc) =	sbr.ind lr, $3  }
0x3a: {  	_ = 	snop  }
0x3b: {  	_ = 	snop  }
0x3c: {  	p2 =	seq.s32 s10, $0x1;
	s10 =	sld [smem:$0x3FB1]  }
0x3d: {  	_ =	shalt  }
0x3e: {  	_ =	shalt  }
0x3f: {  	_ =	shalt  }
0x40: {  	_ =	shalt  }
0x41: {  	_ =	shalt  }
0x42: {  	_ =	shalt  }
0x43: {  	_ =	shalt  }
0x44: {  	_ =	shalt  }
0x45: {  	_ =	shalt  }
0x46: {  	_ =	shalt  }
0x47: {  	_ =	shalt  }
0x48: {  	_ =	shalt  }
0x49: {  	_ =	shalt  }
0x4a: {  	_ =	shalt  }
0x4b: {  	_ =	shalt  }
0x4c: {  	_ =	shalt  }
0x4d: {  	_ =	shalt  }
0x4e: {  	_ =	shalt  }
0x4f: {  	_ =	shalt  }
0x50: {  	_ =	shalt  }
0x51: {  	_ =	shalt  }
0x52: {  	_ =	shalt  }
0x53: {  	_ =	shalt  }
0x54: {  	_ =	shalt  }
0x55: {  	_ =	shalt  }
0x56: {  	_ =	shalt  }
0x57: {  	_ =	shalt  }
0x58: {  	_ =	shalt  }
0x59: {  	_ =	shalt  }
0x5a: {  	_ =	shalt  }
0x5b: {  	_ =	shalt  }
0x5c: {  	_ =	shalt  }
0x5d: {  	_ =	shalt  }
0x5e: {  	_ =	shalt  }
0x5f: {  	_ =	shalt  }
0x60: {  	_ =	shalt  }
0x61: {  	_ =	shalt  }
0x62: {  	_ =	shalt  }
0x63: {  	_ =	shalt  }
0x64: {  	_ =	shalt  }
0x65: {  	_ =	shalt  }
0x66: {  	_ =	shalt  }
0x67: {  	_ =	shalt  }
0x68: {  	_ =	shalt  }
0x69: {  	_ =	shalt  }
0x6a: {  	_ =	shalt  }
0x6b: {  	_ =	shalt  }
0x6c: {  	_ =	shalt  }
0x6d: {  	_ =	shalt  }
0x6e: {  	_ =	shalt  }
0x6f: {  	_ =	shalt  }
0x70: {  	_ =	shalt  }
0x71: {  	_ =	shalt  }
0x72: {  	_ =	shalt  }
0x73: {  	_ =	shalt  }
0x74: {  	_ =	shalt  }
0x75: {  	_ =	shalt  }
0x76: {  	_ =	shalt  }
0x77: {  	_ =	shalt  }
0x78: {  	_ =	shalt  }
0x79: {  	_ =	shalt  }
0x7a: {  	_ =	shalt  }
0x7b: {  	_ =	shalt  }
0x7c: {  	_ =	shalt  }
0x7d: {  	_ =	shalt  }
0x7e: {  	_ =	shalt  }
0x7f: {  	_ =	shalt  }
0x80: {  	_ =	shalt  }
0x81: {  	_ =	shalt  }
0x82: {  	_ =	shalt  }
0x83: {  	_ =	shalt  }
0x84: {  	_ =	shalt  }
0x85: {  	_ =	shalt  }
0x86: {  	_ =	shalt  }
0x87: {  	_ =	shalt  }
.Lfunc_end0:
.L_simem_size_0:
called_computation.1_lowered:
.L_overlay_start_0:
0x88: {  	s2 =	sld [smem:$0x3FD9]  }
0x89: {  	s3 =	sld [smem:$0x3FFE];
	_ =	sdelay $0x1  }
0x8a: {  	s1 =	srdreg.scid  }
0x8b: {  	s0 =	sand.u32 $0x1, s1  }
0x8c: {  	s16 =	sshll.u32 s0, $0xA;
	s2 =	sadd.s32 s3, s2  }
0x8d: {  	s2 =	sadd.s32 s2, s16  }
0x8e: {  	[smem:$0x3FBD] =	sst s2  }
0x8f: {  	_ = 	snop  }
0x90: {  	(tm) =	ssettm $0x1  }
0x91: {  	s17 =	sld [smem:$0x3FFB];
	_ =	sdelay $0x3  }
0x92: {  	_ =	strace s17  }
0x93: {  	s2 =	sld [smem:$0x3FFC];
	_ =	sdelay $0x3  }
0x94: {  	_ =	strace s2  }
0x95: {  	s2 =	sld [smem:$0x3FFD];
	_ =	sdelay $0x3  }
0x96: {  	_ =	strace s2  }
0x97: {  	_ =	strace $0x8FFFFFFF  }
0x98: {  	s18 =	sld [smem:$0x3FDB];
	_ =	sdelay $0x1  }
0x99: {  	s19 =	simm.s32 $_scs_section_size  }
0x9a: {  	s4 =	simm.s32 $_size__tile_overlayer_lowered;
	s5 =	simm.s32 $_tile_overlayer_lowered  }
0x9b: {  	s22 =	simm.s32 $0x1BFF;
	s21 =	sshll.u32 s5, $0x1;
	s2 =	sadd.s32 s19, s18  }
0x9c: {  	s6 =	simm.s32 $0x0;
	s20 =	sshll.u32 s4, $0x1;
	s4 =	sadd.s32 s21, s2  }
0x9d: {  	[timem:s6], [sflag:s22] =	dma.local [hbm:s4], s20  }
0x9e: {  	_ =	swait.ge [sflag:s22], s20  }
0x9f: {  	s3 =	ssub.s32 $0x0, s20;
	[sflag:s22] =	ssyncset.done $0x0  }
0xa0: {  	[sflag:s22] =	ssyncadd.s32 s3;
	_ =	sdelay $0x1  }
0xa1: {  	s23 =	simm.s32 $0x1B8B  }
0xa2: {  	_ =	swait.ge [sflag:s23], $0x1  }
0xa3: {  	[sflag:s23] =	ssyncset.done $0x0  }
0xa4: {  	s25 =	simm.s32 $0x1B8E;
	s24 =	sld [smem:$0x3FFE];
	[sflag:s23] =	ssyncadd.s32 $0xFFFFFFFF  }
0xa5: {  	s26 =	simm.s32 $execute0_lowered;
	[smem:$0x3FD2] =	sst s25  }
0xa6: {  	s4 =	sshll.u32 s26, $0x1;
	_ =	strace $0x80000049;
	[dreg:$0x1] =	wrdreg $0xFFFFFFFF  }
0xa7: {  	s28 =	simm.s32 $_size_execute0_lowered;
	s2 =	sadd.s32 s2, s4;
	[dreg:$0x0] =	wrdreg $0x0  }
0xa8: {  	s4 =	sshll.u32 s28, $0x1;
	[dreg:$0x2] =	wrdreg s2  }
0xa9: {  	[dreg:$0x3] =	wrdreg s4  }
0xaa: {  	[dreg:$0x4] =	wrdreg $0xC0  }
0xab: {  	_ =	task [dreg:s6], $0x5FFFF  }
0xac: {  	[dreg:$0x1] =	wrdreg $0xFFFFFFFF  }
0xad: {  	[dreg:$0x0] =	wrdreg $0x60  }
0xae: {  	[dreg:$0x2] =	wrdreg s24  }
0xaf: {  	[dreg:$0x3] =	wrdreg $0xBA000  }
0xb0: {  	[dreg:$0x4] =	wrdreg $0x9  }
0xb1: {  	_ =	task.clear_ibuf [dreg:s6], $0x5FFFF;
	_ =	strace $0x90000049  }
0xb2: {  	s29 =	simm.s32 $0x9;
	_ =	strace $0x8000004B  }
0xb3: {  	_ =	swait.ge [sflag:s29], $0x1  }
0xb4: {  	[sflag:s29] =	ssyncadd.s32 $0xFFFFFFFF  }
0xb5: {  	_ =	strace $0x9000004B  }
0xb6: {  	_ =	sfence  }
0xb7: {  	s30 =	sld [smem:$0x0];
	_ =	sdelay $0x2  }
0xb8: {  	s31 =	sshll.u32 s1, $0xD;
	s1 =	sshrl.u32 s1, $0x2  }
0xb9: {  	s3 =	sand.u32 $0x4000, s31;
	s1 =	sadd.s32 s1, s30  }
0xba: {  	s0 =	sor.u32 s3, s0;
	s1 =	sshll.u32 s1, $0x11  }
0xbb: {  	s0 =	sor.u32 s1, s0  }
0xbc: {  	s0 =	sadd.s32 $0x8F2B, s0  }
0xbd: {  	[sflag:s0] =	ssyncadd.remote.s32 $0x1  }
0xbe: {  	_ =	sfence.sel $0xFFFF  }
0xbf: {  	[dreg:$0x0] =	wrdreg $0xFFFFFFFF;
	(pc) =	sbr.abs _section_cstart, $3  }
0xc0: {  	[dreg:$0x1] =	wrdreg $0xFFFFFFFF  }
0xc1: {  	_ =	task.clear_ibuf [dreg:s6], $0x2FFFF;
	_ =	strace $0x9FFFFFFF  }
0xc2: {  	(tm) =	ssettm $0x7FFFFFFF  }
0xc3: {  	_ =	shalt  }
tec
execute0_lowered:
.L_overlay_start_1:
0x0: {  	(tag) =	ssettag $0x1  }
0x1: {  	s9 =	stileid.u32  }
0x2: {  	s5 =	smul.u32 $0x2800, s9  }
0x3: {  	s1 =	srdreg.scid;
	s8 =	smul.u32 $0x14000, s9  }
0x4: {  	s0 =	rddreg [dreg:$0x0];
	s1 =	sand.u32 $0x1, s1;
	s9 =	smul.u32 $0x50000, s9  }
0x5: {  	s2 =	rddreg [dreg:$0x1];
	s4 =	smul.u32 $0x28000, s1  }
0x6: {  	s3 =	simm.s32 $0x0;
	s7 =	smul.u32 $0x140000, s1;
	s1 =	ssub.s32 $0x2, s1  }
0x7: {  	[smem:$0x7FF] =	sst s3;
	s28 =	sshrl.u32 s1, $0x1;
	s31 =	sshrl.u32 s9, $0x2  }
0x8: {  	_ =	strace $0x8000004A;
	s1 =	ssub.s32 s1, s28;
	s20 =	sadd.s32 s31, s2  }
0x9: {  	s26 =	sadd.s32 s8, s7;
	s8 =	smax.u32 s1, $0x1;
	[dreg:$0x9] =	wrdreg s20  }
0xa: {  	s9 =	sadd.s32 $0x1000, s20;
	[dreg:$0xc] =	wrdreg s8  }
0xb: {  	s11 =	sadd.s32 $0x3000, s20;
	[dreg:$0xd] =	wrdreg s9  }
0xc: {  	s12 =	sadd.s32 $0x4000, s20;
	[dreg:$0xf] =	wrdreg s11  }
0xd: {  	s13 =	sadd.s32 $0x5000, s20;
	[dreg:$0x10] =	wrdreg s12  }
0xe: {  	s14 =	sadd.s32 $0x6000, s20;
	[dreg:$0x11] =	wrdreg s13  }
0xf: {  	s15 =	sadd.s32 $0x7000, s20;
	[dreg:$0x12] =	wrdreg s14  }
0x10: {  	s16 =	sadd.s32 $0x8000, s20;
	[dreg:$0x13] =	wrdreg s15  }
0x11: {  	s17 =	sadd.s32 $0x9000, s20;
	[dreg:$0x14] =	wrdreg s16  }
0x12: {  	s18 =	sadd.s32 $0xA000, s20;
	[dreg:$0x15] =	wrdreg s17  }
0x13: {  	s29 =	simm.s32 $0x2800;
	s19 =	sadd.s32 $0xB000, s20;
	[dreg:$0x16] =	wrdreg s18  }
0x14: {  	s6 =	sadd.s32 s5, s4;
	s21 =	sadd.s32 $0xC000, s20;
	[dreg:$0x17] =	wrdreg s19  }
0x15: {  	s4 =	sadd.s32 $0xCA00, s0;
	s22 =	sadd.s32 $0xD000, s20;
	[dreg:$0x18] =	wrdreg s21  }
0x16: {  	s5 =	sshrl.u32 s5, $0x3;
	s23 =	sadd.s32 $0xE000, s20;
	[dreg:$0x19] =	wrdreg s22  }
0x17: {  	s6 =	sshrl.u32 s6, $0x3;
	s24 =	sadd.s32 $0xF000, s20;
	[dreg:$0x1a] =	wrdreg s23  }
0x18: {  	s10 =	sadd.s32 s5, s0;
	s25 =	sadd.s32 $0x10000, s20;
	[dreg:$0x1b] =	wrdreg s24  }
0x19: {  	s5 =	sshrl.u32 s26, $0x3;
	s26 =	sadd.s32 $0x11000, s20;
	[dreg:$0x1c] =	wrdreg s25  }
0x1a: {  	s28 =	sadd.s32 $0x12000, s20;
	s31 =	sadd.s32 $0x13000, s20;
	[dreg:$0x1d] =	wrdreg s26  }
0x1b: {  	s6 =	sadd.s32 s6, s0;
	s0 =	sadd.s32 s5, s0;
	[dreg:$0x1e] =	wrdreg s28  }
0x1c: {  	s7 =	sadd.s32 $0x2A00, s10;
	s10 =	sadd.s32 $0x2000, s20;
	[dreg:$0x1f] =	wrdreg s31  }
0x1d: {  	s8 =	simm.s32 $0x2980;
	s9 =	simm.s32 $0x6;
	s11 =	simm.s32 $0x6A00  }
0x1e: {  	s12 =	simm.s32 $0x1;
	s13 =	simm.s32 $0x2A00;
	s14 =	simm.s32 $0x3  }
0x1f: {  	s15 =	simm.s32 $0x7;
	s16 =	simm.s32 $0x2;
	s17 =	simm.s32 $0x4  }
0x20: {  	s18 =	simm.s32 $0x8;
	s19 =	simm.s32 $0x5;
	s5 =	simm.s32 $0x0  }
0x21: {  	[dreg:$0xa] =	wrdreg s7;
	s30 =	sadd.s32 $0x5D200, s6;
	s0 =	sadd.s32 $0x67200, s0  }
0x22: {  	[dreg:$0xe] =	wrdreg s10;
	s7 =	simm.s32 $0x9;
	s6 =	simm.s32 $0x2900  }
0x23: {  	v0 =	vimm.f32 $0.0e+00;
	s10 =	simm.s32 $0x80;
	[dreg:$0xb] =	wrdreg s0;
	s0 =	simm.s32 $0x2880  }
.LBB2_1:
0x24: {  	[smem:$0x7FD] =	sst s5;
	s21 =	simm.s32 $0x0;
	s22 =	simm.s32 $0x200  }
.LBB2_2:
0x25: {  	p0 =	sne.s32 s22, $0x3E00;
	[tilespmem:s21+$0xAA70] =	vst v0  }
0x26: {  	[tilespmem:s21+$0xAA00] =	vst v0  }
0x27: {  	[tilespmem:s21+$0xAA10] =	vst v0  }
.Ltmp0:
0x28: {  	[tilespmem:s21+$0xAA20] =	vst v0;
	(pc) =	sbr.rel @p0 .LBB2_2-.Ltmp0, $4  }
0x29: {  	[tilespmem:s21+$0xAA30] =	vst v0  }
0x2a: {  	[tilespmem:s21+$0xAA40] =	vst v0  }
0x2b: {  	[tilespmem:s21+$0xAA50] =	vst v0  }
0x2c: {  	[tilespmem:s21+$0xAA60] =	vst v0;
	s21 =	sshra.s32 s22, $0x2;
	s22 =	sadd.s32 $0x200, s22  }
0x2d: {  	[tilespmem:s21+$0xAA70] =	vst v0  }
0x2e: {  	[tilespmem:s21+$0xAA00] =	vst v0  }
0x2f: {  	[tilespmem:s21+$0xAA10] =	vst v0  }
0x30: {  	[tilespmem:s21+$0xAA20] =	vst v0  }
0x31: {  	[tilespmem:s21+$0xAA30] =	vst v0  }
0x32: {  	[tilespmem:s21+$0xAA40] =	vst v0  }
0x33: {  	[tilespmem:s21+$0xAA50] =	vst v0  }
0x34: {  	[tilespmem:s21+$0xAA60] =	vst v0;
	s5 =	simm.s32 $0xAA00  }
0x35: {  	[spmem:s20] =	stream.linear.scatter [tilespmem:s5], [sflag:$0x9], $0x1000, $0x38;
	[tilespmem:$0x1FA00] =	vst v63  }
0x36: {  	_ =	swait.ge [sflag:s7], $0x1000  }
0x37: {  	[sflag:s7] =	ssyncset.done $0x0  }
0x38: {  	s1 =	rddreg [dreg:$0xd];
	[sflag:s7] =	ssyncadd.s32 $0xFFFFF000  }
0x39: {  	[spmem:s1] =	stream.linear.scatter [tilespmem:s5], [sflag:$0x9], $0x1000, $0x38;
	[tilespmem:$0x1FA00] =	vst v63  }
0x3a: {  	_ =	swait.ge [sflag:s7], $0x1000  }
0x3b: {  	[sflag:s7] =	ssyncset.done $0x0  }
0x3c: {  	s22 =	rddreg [dreg:$0xe];
	[sflag:s7] =	ssyncadd.s32 $0xFFFFF000  }
0x3d: {  	[spmem:s22] =	stream.linear.scatter [tilespmem:s5], [sflag:$0x9], $0x1000, $0x38;
	[tilespmem:$0x1FA00] =	vst v63  }
0x3e: {  	_ =	swait.ge [sflag:s7], $0x1000  }
0x3f: {  	[sflag:s7] =	ssyncset.done $0x0  }
0x40: {  	s23 =	rddreg [dreg:$0xf];
	[sflag:s7] =	ssyncadd.s32 $0xFFFFF000  }
0x41: {  	[spmem:s23] =	stream.linear.scatter [tilespmem:s5], [sflag:$0x9], $0x1000, $0x38;
	[tilespmem:$0x1FA00] =	vst v63  }
0x42: {  	_ =	swait.ge [sflag:s7], $0x1000  }
0x43: {  	[sflag:s7] =	ssyncset.done $0x0  }
0x44: {  	s24 =	rddreg [dreg:$0x10];
	[sflag:s7] =	ssyncadd.s32 $0xFFFFF000  }
0x45: {  	[spmem:s24] =	stream.linear.scatter [tilespmem:s5], [sflag:$0x9], $0x1000, $0x38;
	[tilespmem:$0x1FA00] =	vst v63  }
0x46: {  	_ =	swait.ge [sflag:s7], $0x1000  }
0x47: {  	[sflag:s7] =	ssyncset.done $0x0  }
0x48: {  	s25 =	rddreg [dreg:$0x11];
	[sflag:s7] =	ssyncadd.s32 $0xFFFFF000  }
0x49: {  	[spmem:s25] =	stream.linear.scatter [tilespmem:s5], [sflag:$0x9], $0x1000, $0x38;
	[tilespmem:$0x1FA00] =	vst v63  }
0x4a: {  	_ =	swait.ge [sflag:s7], $0x1000  }
0x4b: {  	[sflag:s7] =	ssyncset.done $0x0  }
0x4c: {  	s26 =	rddreg [dreg:$0x12];
	[sflag:s7] =	ssyncadd.s32 $0xFFFFF000  }
0x4d: {  	[spmem:s26] =	stream.linear.scatter [tilespmem:s5], [sflag:$0x9], $0x1000, $0x38;
	[tilespmem:$0x1FA00] =	vst v63  }
0x4e: {  	_ =	swait.ge [sflag:s7], $0x1000  }
0x4f: {  	[sflag:s7] =	ssyncset.done $0x0  }
0x50: {  	s28 =	rddreg [dreg:$0x13];
	[sflag:s7] =	ssyncadd.s32 $0xFFFFF000  }
0x51: {  	[spmem:s28] =	stream.linear.scatter [tilespmem:s5], [sflag:$0x9], $0x1000, $0x38;
	[tilespmem:$0x1FA00] =	vst v63  }
0x52: {  	_ =	swait.ge [sflag:s7], $0x1000  }
0x53: {  	[sflag:s7] =	ssyncset.done $0x0  }
0x54: {  	s31 =	rddreg [dreg:$0x14];
	[sflag:s7] =	ssyncadd.s32 $0xFFFFF000  }
0x55: {  	[spmem:s31] =	stream.linear.scatter [tilespmem:s5], [sflag:$0x9], $0x1000, $0x38;
	[tilespmem:$0x1FA00] =	vst v63  }
0x56: {  	_ =	swait.ge [sflag:s7], $0x1000  }
0x57: {  	[sflag:s7] =	ssyncset.done $0x0  }
0x58: {  	s20 =	rddreg [dreg:$0x15];
	[sflag:s7] =	ssyncadd.s32 $0xFFFFF000  }
0x59: {  	[spmem:s20] =	stream.linear.scatter [tilespmem:s5], [sflag:$0x9], $0x1000, $0x38;
	[tilespmem:$0x1FA00] =	vst v63  }
0x5a: {  	_ =	swait.ge [sflag:s7], $0x1000  }
0x5b: {  	[sflag:s7] =	ssyncset.done $0x0  }
0x5c: {  	s21 =	rddreg [dreg:$0x16];
	[sflag:s7] =	ssyncadd.s32 $0xFFFFF000  }
0x5d: {  	[spmem:s21] =	stream.linear.scatter [tilespmem:s5], [sflag:$0x9], $0x1000, $0x38;
	[tilespmem:$0x1FA00] =	vst v63  }
0x5e: {  	_ =	swait.ge [sflag:s7], $0x1000  }
0x5f: {  	[sflag:s7] =	ssyncset.done $0x0  }
0x60: {  	s22 =	rddreg [dreg:$0x17];
	[sflag:s7] =	ssyncadd.s32 $0xFFFFF000  }
0x61: {  	[spmem:s22] =	stream.linear.scatter [tilespmem:s5], [sflag:$0x9], $0x1000, $0x38;
	[tilespmem:$0x1FA00] =	vst v63  }
0x62: {  	_ =	swait.ge [sflag:s7], $0x1000  }
0x63: {  	[sflag:s7] =	ssyncset.done $0x0  }
0x64: {  	s23 =	rddreg [dreg:$0x18];
	[sflag:s7] =	ssyncadd.s32 $0xFFFFF000  }
0x65: {  	[spmem:s23] =	stream.linear.scatter [tilespmem:s5], [sflag:$0x9], $0x1000, $0x38;
	[tilespmem:$0x1FA00] =	vst v63  }
0x66: {  	_ =	swait.ge [sflag:s7], $0x1000  }
0x67: {  	[sflag:s7] =	ssyncset.done $0x0  }
0x68: {  	s24 =	rddreg [dreg:$0x19];
	[sflag:s7] =	ssyncadd.s32 $0xFFFFF000  }
0x69: {  	[spmem:s24] =	stream.linear.scatter [tilespmem:s5], [sflag:$0x9], $0x1000, $0x38;
	[tilespmem:$0x1FA00] =	vst v63  }
0x6a: {  	_ =	swait.ge [sflag:s7], $0x1000  }
0x6b: {  	[sflag:s7] =	ssyncset.done $0x0  }
0x6c: {  	s25 =	rddreg [dreg:$0x1a];
	[sflag:s7] =	ssyncadd.s32 $0xFFFFF000  }
0x6d: {  	[spmem:s25] =	stream.linear.scatter [tilespmem:s5], [sflag:$0x9], $0x1000, $0x38;
	[tilespmem:$0x1FA00] =	vst v63  }
0x6e: {  	_ =	swait.ge [sflag:s7], $0x1000  }
0x6f: {  	[sflag:s7] =	ssyncset.done $0x0  }
0x70: {  	s26 =	rddreg [dreg:$0x1b];
	[sflag:s7] =	ssyncadd.s32 $0xFFFFF000  }
0x71: {  	[spmem:s26] =	stream.linear.scatter [tilespmem:s5], [sflag:$0x9], $0x1000, $0x38;
	[tilespmem:$0x1FA00] =	vst v63  }
0x72: {  	_ =	swait.ge [sflag:s7], $0x1000  }
0x73: {  	[sflag:s7] =	ssyncset.done $0x0  }
0x74: {  	s28 =	rddreg [dreg:$0x1c];
	[sflag:s7] =	ssyncadd.s32 $0xFFFFF000  }
0x75: {  	[spmem:s28] =	stream.linear.scatter [tilespmem:s5], [sflag:$0x9], $0x1000, $0x38;
	[tilespmem:$0x1FA00] =	vst v63  }
0x76: {  	_ =	swait.ge [sflag:s7], $0x1000  }
0x77: {  	[sflag:s7] =	ssyncset.done $0x0  }
0x78: {  	s31 =	rddreg [dreg:$0x1d];
	[sflag:s7] =	ssyncadd.s32 $0xFFFFF000  }
0x79: {  	[spmem:s31] =	stream.linear.scatter [tilespmem:s5], [sflag:$0x9], $0x1000, $0x38;
	[tilespmem:$0x1FA00] =	vst v63  }
0x7a: {  	_ =	swait.ge [sflag:s7], $0x1000  }
0x7b: {  	[sflag:s7] =	ssyncset.done $0x0  }
0x7c: {  	s20 =	rddreg [dreg:$0x1e];
	[sflag:s7] =	ssyncadd.s32 $0xFFFFF000  }
0x7d: {  	[spmem:s20] =	stream.linear.scatter [tilespmem:s5], [sflag:$0x9], $0x1000, $0x38;
	[tilespmem:$0x1FA00] =	vst v63  }
0x7e: {  	_ =	swait.ge [sflag:s7], $0x1000  }
0x7f: {  	[sflag:s7] =	ssyncset.done $0x0  }
0x80: {  	s21 =	rddreg [dreg:$0x1f];
	[sflag:s7] =	ssyncadd.s32 $0xFFFFF000  }
0x81: {  	[spmem:s21] =	stream.linear.scatter [tilespmem:s5], [sflag:$0x9], $0x1000, $0x38;
	[tilespmem:$0x1FA00] =	vst v63  }
0x82: {  	_ =	swait.ge [sflag:s7], $0x1000  }
0x83: {  	[sflag:s7] =	ssyncset.done $0x0  }
0x84: {  	s21 =	simm.s32 $0x0;
	s22 =	rddreg [dreg:$0xa];
	[sflag:s7] =	ssyncadd.s32 $0xFFFFF000  }
0x85: {  	[tilespmem:s21], [sflag:$0x9] =	stream.linear.gather [hbm4b:s22+s21], $0x2800, $0x38;
	[tilespmem:$0x1FA00] =	vst v63  }
0x86: {  	_ =	swait.ge [sflag:s7], $0x2800  }
0x87: {  	[sflag:s7] =	ssyncset.done $0x0  }
0x88: {  	[sflag:s7] =	ssyncadd.s32 $0xFFFFD800  }
0x89: {  	s25 =	sadd.s32 $0x40, s30;
	[bflag:$0x0] =	sbarrier.arrive $0xFFFF  }
0x8a: {  	[tilespmem:s29], [sflag:$0x5] =	stream.linear.gather [hbm4b:s30+s21], $0x80, $0x38;
	[tilespmem:$0x1FA00] =	vst v63  }
0x8b: {  	s26 =	sadd.s32 $0x50, s30;
	[dreg:$0x3] =	wrdreg s25  }
0x8c: {  	s28 =	sadd.s32 $0x60, s30;
	[dreg:$0x4] =	wrdreg s26  }
0x8d: {  	p0 =	por $0x0, $0x0;
	s31 =	sadd.s32 $0x70, s30;
	[dreg:$0x5] =	wrdreg s28  }
0x8e: {  	s1 =	sadd.s32 $0x80, s30;
	s22 =	sadd.s32 $0x10, s30;
	[dreg:$0x6] =	wrdreg s31  }
0x8f: {  	[tilespmem:s0], [sflag:$0x6] =	stream.linear.gather [hbm4b:s22+s21], $0x80, $0x38;
	[tilespmem:$0x1FA00] =	vst v63  }
0x90: {  	s23 =	sadd.s32 $0x20, s30;
	s5 =	sadd.s32 $0x90, s30;
	[dreg:$0x7] =	wrdreg s1  }
0x91: {  	[tilespmem:s6], [sflag:$0x7] =	stream.linear.gather [hbm4b:s23+s21], $0x80, $0x38;
	[tilespmem:$0x1FA00] =	vst v63  }
0x92: {  	s24 =	sadd.s32 $0x30, s30;
	[dreg:$0x8] =	wrdreg s5;
	s22 =	simm.s32 @p0 $0x3  }
0x93: {  	[tilespmem:s8], [sflag:$0x8] =	stream.linear.gather [hbm4b:s24+s21], $0x80, $0x38;
	[tilespmem:$0x1FA00] =	vst v63  }
0x94: {  	s23 =	sadd.s32 @p0 $0x0, s30;
	_ =	swait.ge @p0 [sflag:s22], $0x4000  }
0x95: {  	s26 =	simm.s32 @p0 $0x0;
	s25 =	sadd.s32 @p0 $0x20, s23;
	[sflag:s22] =	ssyncset.done @p0 $0x0  }
0x96: {  	s24 =	simm.s32 @p0 $0x2900;
	[sflag:s22] =	ssyncadd.s32 @p0 $0xFFFFC000;
	s22 =	simm.s32 @p0 $0x5  }
0x97: {  	[tilespmem:s24], [sflag:$0x7] =	stream.linear.gather @p0 [hbm4b:s25+s26], $0x80, $0x38;
	[tilespmem:$0x1FA00] =	vst v63  }
0x98: {  	_ =	swait.ge @p0 [sflag:s22], $0x80  }
0x99: {  	s24 =	simm.s32 @p0 $0x2A00;
	[sflag:s22] =	ssyncset.done @p0 $0x0  }
0x9a: {  	s25 =	simm.s32 @p0 $0x80;
	[sflag:s22] =	ssyncadd.s32 @p0 $0xFFFFFF80;
	s22 =	simm.s32 @p0 $0x2800  }
0x9b: {  	[tilespmem:s24], [sflag:$0x1] =	stream.indirect.gather @p0 [hbm4b:s4+s25], $0x80, s22, s25, $0xb8;
	[tilespmem:$0x1FA00] =	vst v63  }
0x9c: {  	s22 =	simm.s32 @p0 $0x2  }
0x9d: {  	_ =	swait.ge @p0 [sflag:s22], $0x4000  }
0x9e: {  	[sflag:s22] =	ssyncset.done @p0 $0x0  }
0x9f: {  	s24 =	simm.s32 @p0 $0xFFFFFF80;
	[sflag:s22] =	ssyncadd.s32 @p0 $0xFFFFC000;
	s22 =	simm.s32 @p0 $0x6A00  }
0xa0: {  	[spmem:s2] =	stream.indirect.scatter.add.f32 @p0 [tilespmem:s22], [sflag:$0x4], $0x80, s24, s25, $0xb8;
	[tilespmem:$0x1FA00] =	vst v63  }
0xa1: {  	s22 =	simm.s32 @p0 $0x4  }
0xa2: {  	_ =	swait.ge @p0 [sflag:s22], $0x4000  }
0xa3: {  	s23 =	sadd.s32 @p0 $0x30, s23;
	[sflag:s22] =	ssyncset.done @p0 $0x0  }
0xa4: {  	s24 =	simm.s32 @p0 $0x2980;
	[sflag:s22] =	ssyncadd.s32 @p0 $0xFFFFC000;
	s22 =	simm.s32 @!p0 $0x5  }
0xa5: {  	[tilespmem:s24], [sflag:$0x8] =	stream.linear.gather @p0 [hbm4b:s23+s26], $0x80, $0x38;
	[tilespmem:$0x1FA00] =	vst v63  }
0xa6: {  	_ =	swait.ge @!p0 [sflag:s22], $0x80  }
0xa7: {  	s25 =	simm.s32 @!p0 $0x2800;
	[sflag:s22] =	ssyncset.done @!p0 $0x0  }
0xa8: {  	s23 =	simm.s32 @!p0 $0x2A00;
	s24 =	simm.s32 @!p0 $0x80;
	[sflag:s22] =	ssyncadd.s32 @!p0 $0xFFFFFF80  }
0xa9: {  	[tilespmem:s23], [sflag:$0x1] =	stream.indirect.gather @!p0 [hbm4b:s4+s24], $0x80, s25, s24, $0xb8;
	[tilespmem:$0x1FA00] =	vst v63  }
0xaa: {  	_ =	swait.ge [sflag:s9], $0x80  }
0xab: {  	[sflag:s9] =	ssyncset.done $0x0  }
0xac: {  	[sflag:s9] =	ssyncadd.s32 $0xFFFFFF80  }
0xad: {  	[tilespmem:s11], [sflag:$0x2] =	stream.indirect.gather [hbm4b:s4+s10], $0x80, s0, s10, $0xb8;
	[tilespmem:$0x1FA00] =	vst v63  }
0xae: {  	s22 =	simm.s32 $0x0;
	_ =	swait.ge [sflag:s12], $0x4000  }
0xaf: {  	s22 =	simm.s32 @!p0 $0x0;
	[sflag:s12] =	ssyncset.done $0x0  }
0xb0: {  	s22 =	sshra.s32 s22, $0x2;
	[sflag:s12] =	ssyncadd.s32 $0xFFFFC000  }
0xb1: {  	[spmem:s2] =	stream.indirect.scatter.add.f32 [tilespmem:s13], [sflag:$0x3], $0x80, s22, s10, $0xb8;
	[tilespmem:$0x1FA00] =	vst v63  }
0xb2: {  	_ =	swait.ge [sflag:s14], $0x4000  }
0xb3: {  	s21 =	simm.s32 @!p0 $0x0;
	s7 =	rddreg [dreg:$0x3];
	[sflag:s14] =	ssyncset.done $0x0  }
0xb4: {  	[sflag:s14] =	ssyncadd.s32 $0xFFFFC000;
	s23 =	sadd.s32 s21, s7  }
0xb5: {  	[tilespmem:s29], [sflag:$0x5] =	stream.linear.gather [hbm4b:s23+s3], $0x80, $0x38;
	[tilespmem:$0x1FA00] =	vst v63  }
0xb6: {  	_ =	swait.ge [sflag:s15], $0x80  }
0xb7: {  	[sflag:s15] =	ssyncset.done $0x0  }
0xb8: {  	[sflag:s15] =	ssyncadd.s32 $0xFFFFFF80  }
0xb9: {  	[tilespmem:s13], [sflag:$0x1] =	stream.indirect.gather [hbm4b:s4+s10], $0x80, s6, s10, $0xb8;
	[tilespmem:$0x1FA00] =	vst v63  }
0xba: {  	_ =	swait.ge [sflag:s16], $0x4000  }
0xbb: {  	[sflag:s16] =	ssyncset.done $0x0  }
0xbc: {  	s20 =	sadd.s32 $0x80, s22;
	[sflag:s16] =	ssyncadd.s32 $0xFFFFC000  }
0xbd: {  	[spmem:s2] =	stream.indirect.scatter.add.f32 [tilespmem:s11], [sflag:$0x4], $0x80, s20, s10, $0xb8;
	[tilespmem:$0x1FA00] =	vst v63  }
0xbe: {  	_ =	swait.ge [sflag:s17], $0x4000  }
0xbf: {  	s24 =	rddreg [dreg:$0x4];
	[sflag:s17] =	ssyncset.done $0x0  }
0xc0: {  	[sflag:s17] =	ssyncadd.s32 $0xFFFFC000;
	s23 =	sadd.s32 s21, s24  }
0xc1: {  	[tilespmem:s0], [sflag:$0x6] =	stream.linear.gather [hbm4b:s23+s3], $0x80, $0x38;
	[tilespmem:$0x1FA00] =	vst v63  }
0xc2: {  	_ =	swait.ge [sflag:s18], $0x80  }
0xc3: {  	[sflag:s18] =	ssyncset.done $0x0  }
0xc4: {  	[sflag:s18] =	ssyncadd.s32 $0xFFFFFF80  }
0xc5: {  	[tilespmem:s11], [sflag:$0x2] =	stream.indirect.gather [hbm4b:s4+s10], $0x80, s8, s10, $0xb8;
	[tilespmem:$0x1FA00] =	vst v63  }
0xc6: {  	_ =	swait.ge [sflag:s12], $0x4000  }
0xc7: {  	[sflag:s12] =	ssyncset.done $0x0  }
0xc8: {  	s25 =	sadd.s32 $0x100, s22;
	[sflag:s12] =	ssyncadd.s32 $0xFFFFC000  }
0xc9: {  	[spmem:s2] =	stream.indirect.scatter.add.f32 [tilespmem:s13], [sflag:$0x3], $0x80, s25, s10, $0xb8;
	[tilespmem:$0x1FA00] =	vst v63  }
0xca: {  	_ =	swait.ge [sflag:s14], $0x4000  }
0xcb: {  	s26 =	rddreg [dreg:$0x5];
	[sflag:s14] =	ssyncset.done $0x0  }
0xcc: {  	[sflag:s14] =	ssyncadd.s32 $0xFFFFC000;
	s23 =	sadd.s32 s21, s26  }
0xcd: {  	[tilespmem:s6], [sflag:$0x7] =	stream.linear.gather [hbm4b:s23+s3], $0x80, $0x38;
	[tilespmem:$0x1FA00] =	vst v63  }
0xce: {  	_ =	swait.ge [sflag:s19], $0x80  }
0xcf: {  	[sflag:s19] =	ssyncset.done $0x0  }
0xd0: {  	[sflag:s19] =	ssyncadd.s32 $0xFFFFFF80  }
0xd1: {  	[tilespmem:s13], [sflag:$0x1] =	stream.indirect.gather [hbm4b:s4+s10], $0x80, s29, s10, $0xb8;
	[tilespmem:$0x1FA00] =	vst v63  }
0xd2: {  	_ =	swait.ge [sflag:s16], $0x4000  }
0xd3: {  	[sflag:s16] =	ssyncset.done $0x0  }
0xd4: {  	s28 =	sadd.s32 $0x180, s22;
	[sflag:s16] =	ssyncadd.s32 $0xFFFFC000  }
0xd5: {  	[spmem:s2] =	stream.indirect.scatter.add.f32 [tilespmem:s11], [sflag:$0x4], $0x80, s28, s10, $0xb8;
	[tilespmem:$0x1FA00] =	vst v63  }
0xd6: {  	_ =	swait.ge [sflag:s17], $0x4000  }
0xd7: {  	s29 =	rddreg [dreg:$0x6];
	[sflag:s17] =	ssyncset.done $0x0  }
0xd8: {  	[sflag:s17] =	ssyncadd.s32 $0xFFFFC000;
	s23 =	sadd.s32 s21, s29  }
0xd9: {  	[tilespmem:s8], [sflag:$0x8] =	stream.linear.gather [hbm4b:s23+s3], $0x80, $0x38;
	[tilespmem:$0x1FA00] =	vst v63  }
0xda: {  	_ =	swait.ge [sflag:s9], $0x80  }
0xdb: {  	[sflag:s9] =	ssyncset.done $0x0  }
0xdc: {  	[sflag:s9] =	ssyncadd.s32 $0xFFFFFF80  }
0xdd: {  	[tilespmem:s11], [sflag:$0x2] =	stream.indirect.gather [hbm4b:s4+s10], $0x80, s0, s10, $0xb8;
	[tilespmem:$0x1FA00] =	vst v63  }
0xde: {  	_ =	swait.ge [sflag:s12], $0x4000  }
0xdf: {  	[sflag:s12] =	ssyncset.done $0x0  }
0xe0: {  	s31 =	sadd.s32 $0x200, s22;
	[sflag:s12] =	ssyncadd.s32 $0xFFFFC000  }
0xe1: {  	[spmem:s2] =	stream.indirect.scatter.add.f32 [tilespmem:s13], [sflag:$0x3], $0x80, s31, s10, $0xb8;
	[tilespmem:$0x1FA00] =	vst v63  }
0xe2: {  	p0 =	por $0x0, $0x0;
	_ =	swait.ge [sflag:s14], $0x4000  }
0xe3: {  	s24 =	simm.s32 @!p0 $0x0;
	s23 =	rddreg [dreg:$0x7];
	[sflag:s14] =	ssyncset.done $0x0  }
0xe4: {  	s25 =	simm.s32 @!p0 $0x2800;
	[sflag:s14] =	ssyncadd.s32 $0xFFFFC000;
	s23 =	sadd.s32 @!p0 s21, s23  }
0xe5: {  	[tilespmem:s25], [sflag:$0x5] =	stream.linear.gather @!p0 [hbm4b:s23+s24], $0x80, $0x38;
	[tilespmem:$0x1FA00] =	vst v63  }
0xe6: {  	_ =	swait.ge [sflag:s15], $0x80  }
0xe7: {  	[sflag:s15] =	ssyncset.done $0x0  }
0xe8: {  	[sflag:s15] =	ssyncadd.s32 $0xFFFFFF80  }
0xe9: {  	[tilespmem:s13], [sflag:$0x1] =	stream.indirect.gather [hbm4b:s4+s10], $0x80, s6, s10, $0xb8;
	[tilespmem:$0x1FA00] =	vst v63  }
0xea: {  	_ =	swait.ge [sflag:s16], $0x4000  }
0xeb: {  	[sflag:s16] =	ssyncset.done $0x0  }
0xec: {  	s22 =	sadd.s32 $0x280, s22;
	[sflag:s16] =	ssyncadd.s32 $0xFFFFC000  }
0xed: {  	[spmem:s2] =	stream.indirect.scatter.add.f32 [tilespmem:s11], [sflag:$0x4], $0x80, s22, s10, $0xb8;
	[tilespmem:$0x1FA00] =	vst v63  }
0xee: {  	_ =	swait.ge [sflag:s17], $0x4000  }
0xef: {  	s22 =	rddreg [dreg:$0x8];
	[sflag:s17] =	ssyncset.done $0x0  }
0xf0: {  	s23 =	simm.s32 @!p0 $0x2880;
	[sflag:s17] =	ssyncadd.s32 $0xFFFFC000;
	s21 =	sadd.s32 @!p0 s21, s22  }
0xf1: {  	[tilespmem:s23], [sflag:$0x6] =	stream.linear.gather @!p0 [hbm4b:s21+s24], $0x80, $0x38;
	[tilespmem:$0x1FA00] =	vst v63  }
0xf2: {  	_ =	swait.ge [sflag:s18], $0x80  }
0xf3: {  	p1 =	por $0x1, $0x1;
	s26 =	simm.s32 $0x80;
	[sflag:s18] =	ssyncset.done $0x0  }
0xf4: {  	s22 =	simm.s32 $0x0;
	s24 =	simm.s32 $0x100;
	[sflag:s18] =	ssyncadd.s32 $0xFFFFFF80  }
0xf5: {  	[tilespmem:s11], [sflag:$0x2] =	stream.indirect.gather [hbm4b:s4+s10], $0x80, s8, s10, $0xb8;
	[tilespmem:$0x1FA00] =	vst v63  }
0xf6: {  	s21 =	simm.s32 $0x1000;
	s23 =	simm.s32 $0xE;
	_ =	swait.ge [sflag:s12], $0x4000  }
.LBB2_4:
0xf7: {  	[sflag:s12] =	ssyncset.done $0x0  }
0xf8: {  	s28 =	simm.s32 @p1 $0x3;
	s22 =	sadd.s32 $0x300, s22;
	[sflag:s12] =	ssyncadd.s32 $0xFFFFC000  }
0xf9: {  	[spmem:s2] =	stream.indirect.scatter.add.f32 [tilespmem:s13], [sflag:$0x3], $0x80, s22, s10, $0xb8;
	[tilespmem:$0x1FA00] =	vst v63  }
0xfa: {  	s5 =	simm.s32 @p1 $0x2900;
	_ =	swait.ge @p1 [sflag:s28], $0x4000  }
0xfb: {  	s1 =	simm.s32 @p1 $0x0;
	s22 =	sadd.s32 @p1 s26, s30;
	[sflag:s28] =	ssyncset.done @p1 $0x0  }
0xfc: {  	s20 =	sadd.s32 @p1 $0x20, s22;
	[sflag:s28] =	ssyncadd.s32 @p1 $0xFFFFC000;
	s28 =	simm.s32 @p1 $0x5  }
0xfd: {  	[tilespmem:s5], [sflag:$0x7] =	stream.linear.gather @p1 [hbm4b:s20+s1], $0x80, $0x38;
	[tilespmem:$0x1FA00] =	vst v63  }
0xfe: {  	_ =	swait.ge @p1 [sflag:s28], $0x80  }
0xff: {  	s31 =	simm.s32 @p1 $0x80;
	s7 =	simm.s32 @p1 $0x2800;
	[sflag:s28] =	ssyncset.done @p1 $0x0  }
0x100: {  	s5 =	simm.s32 @p1 $0x2A00;
	s20 =	simm.s32 @p1 $0x2;
	[sflag:s28] =	ssyncadd.s32 @p1 $0xFFFFFF80  }
0x101: {  	[tilespmem:s5], [sflag:$0x1] =	stream.indirect.gather @p1 [hbm4b:s4+s31], $0x80, s7, s31, $0xb8;
	[tilespmem:$0x1FA00] =	vst v63  }
0x102: {  	_ =	swait.ge @p1 [sflag:s20], $0x4000  }
0x103: {  	s28 =	simm.s32 @p1 $0x6A00;
	s5 =	sshra.s32 @p1 s21, $0x2;
	[sflag:s20] =	ssyncset.done @p1 $0x0  }
0x104: {  	s7 =	simm.s32 @p1 $0x4;
	s5 =	sadd.s32 @p1 $0xFFFFFF80, s5;
	[sflag:s20] =	ssyncadd.s32 @p1 $0xFFFFC000  }
0x105: {  	[spmem:s2] =	stream.indirect.scatter.add.f32 @p1 [tilespmem:s28], [sflag:$0x4], $0x80, s5, s31, $0xb8;
	[tilespmem:$0x1FA00] =	vst v63  }
0x106: {  	_ =	swait.ge @p1 [sflag:s7], $0x4000  }
0x107: {  	s22 =	sadd.s32 @p1 $0x30, s22;
	[sflag:s7] =	ssyncset.done @p1 $0x0  }
0x108: {  	s20 =	simm.s32 @!p1 $0x5;
	s5 =	simm.s32 @p1 $0x2980;
	[sflag:s7] =	ssyncadd.s32 @p1 $0xFFFFC000  }
0x109: {  	[tilespmem:s5], [sflag:$0x8] =	stream.linear.gather @p1 [hbm4b:s22+s1], $0x80, $0x38;
	[tilespmem:$0x1FA00] =	vst v63  }
0x10a: {  	_ =	swait.ge @!p1 [sflag:s20], $0x80  }
0x10b: {  	s7 =	simm.s32 @!p1 $0x80;
	[sflag:s20] =	ssyncset.done @!p1 $0x0  }
0x10c: {  	s5 =	simm.s32 @!p1 $0x2A00;
	s22 =	simm.s32 @!p1 $0x2800;
	[sflag:s20] =	ssyncadd.s32 @!p1 $0xFFFFFF80  }
0x10d: {  	[tilespmem:s5], [sflag:$0x1] =	stream.indirect.gather @!p1 [hbm4b:s4+s7], $0x80, s22, s7, $0xb8;
	[tilespmem:$0x1FA00] =	vst v63  }
0x10e: {  	_ =	swait.ge [sflag:s9], $0x80  }
0x10f: {  	[sflag:s9] =	ssyncset.done $0x0  }
0x110: {  	[sflag:s9] =	ssyncadd.s32 $0xFFFFFF80  }
0x111: {  	[tilespmem:s11], [sflag:$0x2] =	stream.indirect.gather [hbm4b:s4+s10], $0x80, s0, s10, $0xb8;
	[tilespmem:$0x1FA00] =	vst v63  }
0x112: {  	s5 =	smov.u32 s21;
	_ =	swait.ge [sflag:s12], $0x4000  }
0x113: {  	s5 =	simm.s32 @!p1 $0x0;
	[sflag:s12] =	ssyncset.done $0x0  }
0x114: {  	s29 =	smov.u32 s24;
	s28 =	sshra.s32 s5, $0x2;
	[sflag:s12] =	ssyncadd.s32 $0xFFFFC000  }
0x115: {  	[spmem:s2] =	stream.indirect.scatter.add.f32 [tilespmem:s13], [sflag:$0x3], $0x80, s28, s10, $0xb8;
	[tilespmem:$0x1FA00] =	vst v63  }
0x116: {  	s22 =	smov.u32 s26;
	s26 =	smov.u32 s29;
	_ =	swait.ge [sflag:s14], $0x4000  }
0x117: {  	s22 =	simm.s32 @!p1 $0x0;
	s31 =	rddreg [dreg:$0x3];
	[sflag:s14] =	ssyncset.done $0x0  }
0x118: {  	s29 =	simm.s32 $0x2800;
	[sflag:s14] =	ssyncadd.s32 $0xFFFFC000;
	s5 =	sadd.s32 s22, s31  }
0x119: {  	[tilespmem:s29], [sflag:$0x5] =	stream.linear.gather [hbm4b:s5+s3], $0x80, $0x38;
	[tilespmem:$0x1FA00] =	vst v63  }
0x11a: {  	_ =	swait.ge [sflag:s15], $0x80  }
0x11b: {  	[sflag:s15] =	ssyncset.done $0x0  }
0x11c: {  	[sflag:s15] =	ssyncadd.s32 $0xFFFFFF80  }
0x11d: {  	[tilespmem:s13], [sflag:$0x1] =	stream.indirect.gather [hbm4b:s4+s10], $0x80, s6, s10, $0xb8;
	[tilespmem:$0x1FA00] =	vst v63  }
0x11e: {  	_ =	swait.ge [sflag:s16], $0x4000  }
0x11f: {  	[sflag:s16] =	ssyncset.done $0x0  }
0x120: {  	s1 =	sadd.s32 $0x80, s28;
	[sflag:s16] =	ssyncadd.s32 $0xFFFFC000  }
0x121: {  	[spmem:s2] =	stream.indirect.scatter.add.f32 [tilespmem:s11], [sflag:$0x4], $0x80, s1, s10, $0xb8;
	[tilespmem:$0x1FA00] =	vst v63  }
0x122: {  	_ =	swait.ge [sflag:s17], $0x4000  }
0x123: {  	s7 =	rddreg [dreg:$0x4];
	[sflag:s17] =	ssyncset.done $0x0  }
0x124: {  	[sflag:s17] =	ssyncadd.s32 $0xFFFFC000;
	s5 =	sadd.s32 s22, s7  }
0x125: {  	[tilespmem:s0], [sflag:$0x6] =	stream.linear.gather [hbm4b:s5+s3], $0x80, $0x38;
	[tilespmem:$0x1FA00] =	vst v63  }
0x126: {  	_ =	swait.ge [sflag:s18], $0x80  }
0x127: {  	[sflag:s18] =	ssyncset.done $0x0  }
0x128: {  	[sflag:s18] =	ssyncadd.s32 $0xFFFFFF80  }
0x129: {  	[tilespmem:s11], [sflag:$0x2] =	stream.indirect.gather [hbm4b:s4+s10], $0x80, s8, s10, $0xb8;
	[tilespmem:$0x1FA00] =	vst v63  }
0x12a: {  	_ =	swait.ge [sflag:s12], $0x4000  }
0x12b: {  	[sflag:s12] =	ssyncset.done $0x0  }
0x12c: {  	s20 =	sadd.s32 $0x100, s28;
	[sflag:s12] =	ssyncadd.s32 $0xFFFFC000  }
0x12d: {  	[spmem:s2] =	stream.indirect.scatter.add.f32 [tilespmem:s13], [sflag:$0x3], $0x80, s20, s10, $0xb8;
	[tilespmem:$0x1FA00] =	vst v63  }
0x12e: {  	_ =	swait.ge [sflag:s14], $0x4000  }
0x12f: {  	s31 =	rddreg [dreg:$0x5];
	[sflag:s14] =	ssyncset.done $0x0  }
0x130: {  	[sflag:s14] =	ssyncadd.s32 $0xFFFFC000;
	s5 =	sadd.s32 s22, s31  }
0x131: {  	[tilespmem:s6], [sflag:$0x7] =	stream.linear.gather [hbm4b:s5+s3], $0x80, $0x38;
	[tilespmem:$0x1FA00] =	vst v63  }
0x132: {  	_ =	swait.ge [sflag:s19], $0x80  }
0x133: {  	[sflag:s19] =	ssyncset.done $0x0  }
0x134: {  	[sflag:s19] =	ssyncadd.s32 $0xFFFFFF80  }
0x135: {  	[tilespmem:s13], [sflag:$0x1] =	stream.indirect.gather [hbm4b:s4+s10], $0x80, s29, s10, $0xb8;
	[tilespmem:$0x1FA00] =	vst v63  }
0x136: {  	_ =	swait.ge [sflag:s16], $0x4000  }
0x137: {  	[sflag:s16] =	ssyncset.done $0x0  }
0x138: {  	s1 =	sadd.s32 $0x180, s28;
	[sflag:s16] =	ssyncadd.s32 $0xFFFFC000  }
0x139: {  	[spmem:s2] =	stream.indirect.scatter.add.f32 [tilespmem:s11], [sflag:$0x4], $0x80, s1, s10, $0xb8;
	[tilespmem:$0x1FA00] =	vst v63  }
0x13a: {  	_ =	swait.ge [sflag:s17], $0x4000  }
0x13b: {  	s7 =	rddreg [dreg:$0x6];
	[sflag:s17] =	ssyncset.done $0x0  }
0x13c: {  	[sflag:s17] =	ssyncadd.s32 $0xFFFFC000;
	s5 =	sadd.s32 s22, s7  }
0x13d: {  	[tilespmem:s8], [sflag:$0x8] =	stream.linear.gather [hbm4b:s5+s3], $0x80, $0x38;
	[tilespmem:$0x1FA00] =	vst v63  }
0x13e: {  	_ =	swait.ge [sflag:s9], $0x80  }
0x13f: {  	[sflag:s9] =	ssyncset.done $0x0  }
0x140: {  	[sflag:s9] =	ssyncadd.s32 $0xFFFFFF80  }
0x141: {  	[tilespmem:s11], [sflag:$0x2] =	stream.indirect.gather [hbm4b:s4+s10], $0x80, s0, s10, $0xb8;
	[tilespmem:$0x1FA00] =	vst v63  }
0x142: {  	_ =	swait.ge [sflag:s12], $0x4000  }
0x143: {  	[sflag:s12] =	ssyncset.done $0x0  }
0x144: {  	s20 =	sadd.s32 $0x200, s28;
	[sflag:s12] =	ssyncadd.s32 $0xFFFFC000  }
0x145: {  	[spmem:s2] =	stream.indirect.scatter.add.f32 [tilespmem:s13], [sflag:$0x3], $0x80, s20, s10, $0xb8;
	[tilespmem:$0x1FA00] =	vst v63  }
0x146: {  	p1 =	sgt.u32 s23, $0x4D;
	_ =	swait.ge [sflag:s14], $0x4000  }
0x147: {  	s7 =	simm.s32 @!p1 $0x0;
	s5 =	rddreg [dreg:$0x7];
	[sflag:s14] =	ssyncset.done $0x0  }
0x148: {  	s20 =	simm.s32 @!p1 $0x2800;
	[sflag:s14] =	ssyncadd.s32 $0xFFFFC000;
	s5 =	sadd.s32 @!p1 s22, s5  }
0x149: {  	[tilespmem:s20], [sflag:$0x5] =	stream.linear.gather @!p1 [hbm4b:s5+s7], $0x80, $0x38;
	[tilespmem:$0x1FA00] =	vst v63  }
0x14a: {  	_ =	swait.ge [sflag:s15], $0x80  }
0x14b: {  	[sflag:s15] =	ssyncset.done $0x0  }
0x14c: {  	[sflag:s15] =	ssyncadd.s32 $0xFFFFFF80  }
0x14d: {  	[tilespmem:s13], [sflag:$0x1] =	stream.indirect.gather [hbm4b:s4+s10], $0x80, s6, s10, $0xb8;
	[tilespmem:$0x1FA00] =	vst v63  }
0x14e: {  	_ =	swait.ge [sflag:s16], $0x4000  }
0x14f: {  	[sflag:s16] =	ssyncset.done $0x0  }
0x150: {  	s31 =	sadd.s32 $0x280, s28;
	[sflag:s16] =	ssyncadd.s32 $0xFFFFC000  }
0x151: {  	[spmem:s2] =	stream.indirect.scatter.add.f32 [tilespmem:s11], [sflag:$0x4], $0x80, s31, s10, $0xb8;
	[tilespmem:$0x1FA00] =	vst v63  }
0x152: {  	s24 =	sadd.s32 $0x80, s24;
	_ =	swait.ge [sflag:s17], $0x4000  }
0x153: {  	p0 =	sne.s32 s24, $0x500;
	s5 =	rddreg [dreg:$0x8];
	[sflag:s17] =	ssyncset.done $0x0  }
0x154: {  	s20 =	simm.s32 @!p1 $0x2880;
	[sflag:s17] =	ssyncadd.s32 $0xFFFFC000;
	s5 =	sadd.s32 @!p1 s22, s5  }
0x155: {  	[tilespmem:s20], [sflag:$0x6] =	stream.linear.gather @!p1 [hbm4b:s5+s7], $0x80, $0x38;
	[tilespmem:$0x1FA00] =	vst v63  }
.Ltmp1:
0x156: {  	_ =	swait.ge [sflag:s18], $0x80;
	(pc) =	sbr.rel @p0 .LBB2_4-.Ltmp1, $4  }
0x157: {  	s25 =	smov.u32 s21;
	[sflag:s18] =	ssyncset.done $0x0  }
0x158: {  	s21 =	sadd.s32 $0x1000, s21;
	s23 =	sadd.s32 $0x8, s23;
	[sflag:s18] =	ssyncadd.s32 $0xFFFFFF80  }
0x159: {  	[tilespmem:s11], [sflag:$0x2] =	stream.indirect.gather [hbm4b:s4+s10], $0x80, s8, s10, $0xb8;
	[tilespmem:$0x1FA00] =	vst v63  }
0x15a: {  	s22 =	sshra.s32 s25, $0x2;
	p1 =	sne.s32 s26, $0x0;
	_ =	swait.ge [sflag:s12], $0x4000  }
0x15b: {  	[sflag:s12] =	ssyncset.done $0x0  }
0x15c: {  	s5 =	simm.s32 @p1 $0x3;
	s7 =	sadd.s32 $0x300, s22;
	[sflag:s12] =	ssyncadd.s32 $0xFFFFC000  }
0x15d: {  	[spmem:s2] =	stream.indirect.scatter.add.f32 [tilespmem:s13], [sflag:$0x3], $0x80, s7, s10, $0xb8;
	[tilespmem:$0x1FA00] =	vst v63  }
0x15e: {  	s20 =	simm.s32 @p1 $0x2900;
	_ =	swait.ge @p1 [sflag:s5], $0x4000  }
0x15f: {  	s24 =	simm.s32 @p1 $0x0;
	s7 =	sadd.s32 @p1 s26, s30;
	[sflag:s5] =	ssyncset.done @p1 $0x0  }
0x160: {  	s22 =	sadd.s32 @p1 $0x20, s7;
	[sflag:s5] =	ssyncadd.s32 @p1 $0xFFFFC000;
	s5 =	simm.s32 @p1 $0x5  }
0x161: {  	[tilespmem:s20], [sflag:$0x7] =	stream.linear.gather @p1 [hbm4b:s22+s24], $0x80, $0x38;
	[tilespmem:$0x1FA00] =	vst v63  }
0x162: {  	_ =	swait.ge @p1 [sflag:s5], $0x80  }
0x163: {  	s20 =	simm.s32 @p1 $0x2A00;
	[sflag:s5] =	ssyncset.done @p1 $0x0  }
0x164: {  	s22 =	simm.s32 @p1 $0x80;
	[sflag:s5] =	ssyncadd.s32 @p1 $0xFFFFFF80;
	s5 =	simm.s32 @p1 $0x2800  }
0x165: {  	[tilespmem:s20], [sflag:$0x1] =	stream.indirect.gather @p1 [hbm4b:s4+s22], $0x80, s5, s22, $0xb8;
	[tilespmem:$0x1FA00] =	vst v63  }
0x166: {  	s5 =	simm.s32 @p1 $0x2  }
0x167: {  	_ =	swait.ge @p1 [sflag:s5], $0x4000  }
0x168: {  	s20 =	sshra.s32 @p1 s21, $0x2;
	[sflag:s5] =	ssyncset.done @p1 $0x0  }
0x169: {  	s20 =	sadd.s32 @p1 $0xFFFFFF80, s20;
	[sflag:s5] =	ssyncadd.s32 @p1 $0xFFFFC000;
	s5 =	simm.s32 @p1 $0x6A00  }
0x16a: {  	[spmem:s2] =	stream.indirect.scatter.add.f32 @p1 [tilespmem:s5], [sflag:$0x4], $0x80, s20, s22, $0xb8;
	[tilespmem:$0x1FA00] =	vst v63  }
0x16b: {  	s5 =	simm.s32 @p1 $0x4  }
0x16c: {  	_ =	swait.ge @p1 [sflag:s5], $0x4000  }
0x16d: {  	[sflag:s5] =	ssyncset.done @p1 $0x0  }
0x16e: {  	s7 =	sadd.s32 @p1 $0x30, s7;
	[sflag:s5] =	ssyncadd.s32 @p1 $0xFFFFC000;
	s5 =	simm.s32 @p1 $0x2980  }
0x16f: {  	[tilespmem:s5], [sflag:$0x8] =	stream.linear.gather @p1 [hbm4b:s7+s24], $0x80, $0x38;
	[tilespmem:$0x1FA00] =	vst v63  }
0x170: {  	s5 =	simm.s32 @!p1 $0x5  }
0x171: {  	_ =	swait.ge @!p1 [sflag:s5], $0x80  }
0x172: {  	s20 =	simm.s32 @!p1 $0x80;
	[sflag:s5] =	ssyncset.done @!p1 $0x0  }
0x173: {  	s7 =	simm.s32 @!p1 $0x2A00;
	[sflag:s5] =	ssyncadd.s32 @!p1 $0xFFFFFF80;
	s5 =	simm.s32 @!p1 $0x2800  }
0x174: {  	[tilespmem:s7], [sflag:$0x1] =	stream.indirect.gather @!p1 [hbm4b:s4+s20], $0x80, s5, s20, $0xb8;
	[tilespmem:$0x1FA00] =	vst v63  }
0x175: {  	_ =	swait.ge [sflag:s9], $0x80  }
0x176: {  	[sflag:s9] =	ssyncset.done $0x0  }
0x177: {  	[sflag:s9] =	ssyncadd.s32 $0xFFFFFF80  }
0x178: {  	[tilespmem:s11], [sflag:$0x2] =	stream.indirect.gather [hbm4b:s4+s10], $0x80, s0, s10, $0xb8;
	[tilespmem:$0x1FA00] =	vst v63  }
0x179: {  	s5 =	smov.u32 s21;
	_ =	swait.ge [sflag:s12], $0x4000  }
0x17a: {  	s5 =	simm.s32 @!p1 $0x0;
	[sflag:s12] =	ssyncset.done $0x0  }
0x17b: {  	s22 =	sshra.s32 s5, $0x2;
	[sflag:s12] =	ssyncadd.s32 $0xFFFFC000  }
0x17c: {  	[spmem:s2] =	stream.indirect.scatter.add.f32 [tilespmem:s13], [sflag:$0x3], $0x80, s22, s10, $0xb8;
	[tilespmem:$0x1FA00] =	vst v63  }
0x17d: {  	_ =	swait.ge [sflag:s14], $0x4000  }
0x17e: {  	s26 =	simm.s32 @!p1 $0x0;
	s20 =	rddreg [dreg:$0x3];
	[sflag:s14] =	ssyncset.done $0x0  }
0x17f: {  	[sflag:s14] =	ssyncadd.s32 $0xFFFFC000;
	s5 =	sadd.s32 s26, s20  }
0x180: {  	[tilespmem:s29], [sflag:$0x5] =	stream.linear.gather [hbm4b:s5+s3], $0x80, $0x38;
	[tilespmem:$0x1FA00] =	vst v63  }
0x181: {  	_ =	swait.ge [sflag:s15], $0x80  }
0x182: {  	[sflag:s15] =	ssyncset.done $0x0  }
0x183: {  	[sflag:s15] =	ssyncadd.s32 $0xFFFFFF80  }
0x184: {  	[tilespmem:s13], [sflag:$0x1] =	stream.indirect.gather [hbm4b:s4+s10], $0x80, s6, s10, $0xb8;
	[tilespmem:$0x1FA00] =	vst v63  }
0x185: {  	_ =	swait.ge [sflag:s16], $0x4000  }
0x186: {  	[sflag:s16] =	ssyncset.done $0x0  }
0x187: {  	s24 =	sadd.s32 $0x80, s22;
	[sflag:s16] =	ssyncadd.s32 $0xFFFFC000  }
0x188: {  	[spmem:s2] =	stream.indirect.scatter.add.f32 [tilespmem:s11], [sflag:$0x4], $0x80, s24, s10, $0xb8;
	[tilespmem:$0x1FA00] =	vst v63  }
0x189: {  	_ =	swait.ge [sflag:s17], $0x4000  }
0x18a: {  	s25 =	rddreg [dreg:$0x4];
	[sflag:s17] =	ssyncset.done $0x0  }
0x18b: {  	[sflag:s17] =	ssyncadd.s32 $0xFFFFC000;
	s5 =	sadd.s32 s26, s25  }
0x18c: {  	[tilespmem:s0], [sflag:$0x6] =	stream.linear.gather [hbm4b:s5+s3], $0x80, $0x38;
	[tilespmem:$0x1FA00] =	vst v63  }
0x18d: {  	_ =	swait.ge [sflag:s18], $0x80  }
0x18e: {  	[sflag:s18] =	ssyncset.done $0x0  }
0x18f: {  	[sflag:s18] =	ssyncadd.s32 $0xFFFFFF80  }
0x190: {  	[tilespmem:s11], [sflag:$0x2] =	stream.indirect.gather [hbm4b:s4+s10], $0x80, s8, s10, $0xb8;
	[tilespmem:$0x1FA00] =	vst v63  }
0x191: {  	_ =	swait.ge [sflag:s12], $0x4000  }
0x192: {  	[sflag:s12] =	ssyncset.done $0x0  }
0x193: {  	s28 =	sadd.s32 $0x100, s22;
	[sflag:s12] =	ssyncadd.s32 $0xFFFFC000  }
0x194: {  	[spmem:s2] =	stream.indirect.scatter.add.f32 [tilespmem:s13], [sflag:$0x3], $0x80, s28, s10, $0xb8;
	[tilespmem:$0x1FA00] =	vst v63  }
0x195: {  	_ =	swait.ge [sflag:s14], $0x4000  }
0x196: {  	s31 =	rddreg [dreg:$0x5];
	[sflag:s14] =	ssyncset.done $0x0  }
0x197: {  	[sflag:s14] =	ssyncadd.s32 $0xFFFFC000;
	s5 =	sadd.s32 s26, s31  }
0x198: {  	[tilespmem:s6], [sflag:$0x7] =	stream.linear.gather [hbm4b:s5+s3], $0x80, $0x38;
	[tilespmem:$0x1FA00] =	vst v63  }
0x199: {  	_ =	swait.ge [sflag:s19], $0x80  }
0x19a: {  	[sflag:s19] =	ssyncset.done $0x0  }
0x19b: {  	[sflag:s19] =	ssyncadd.s32 $0xFFFFFF80  }
0x19c: {  	[tilespmem:s13], [sflag:$0x1] =	stream.indirect.gather [hbm4b:s4+s10], $0x80, s29, s10, $0xb8;
	[tilespmem:$0x1FA00] =	vst v63  }
0x19d: {  	_ =	swait.ge [sflag:s16], $0x4000  }
0x19e: {  	[sflag:s16] =	ssyncset.done $0x0  }
0x19f: {  	s1 =	sadd.s32 $0x180, s22;
	[sflag:s16] =	ssyncadd.s32 $0xFFFFC000  }
0x1a0: {  	[spmem:s2] =	stream.indirect.scatter.add.f32 [tilespmem:s11], [sflag:$0x4], $0x80, s1, s10, $0xb8;
	[tilespmem:$0x1FA00] =	vst v63  }
0x1a1: {  	_ =	swait.ge [sflag:s17], $0x4000  }
0x1a2: {  	s7 =	rddreg [dreg:$0x6];
	[sflag:s17] =	ssyncset.done $0x0  }
0x1a3: {  	[sflag:s17] =	ssyncadd.s32 $0xFFFFC000;
	s5 =	sadd.s32 s26, s7  }
0x1a4: {  	[tilespmem:s8], [sflag:$0x8] =	stream.linear.gather [hbm4b:s5+s3], $0x80, $0x38;
	[tilespmem:$0x1FA00] =	vst v63  }
0x1a5: {  	_ =	swait.ge [sflag:s9], $0x80  }
0x1a6: {  	[sflag:s9] =	ssyncset.done $0x0  }
0x1a7: {  	[sflag:s9] =	ssyncadd.s32 $0xFFFFFF80  }
0x1a8: {  	[tilespmem:s11], [sflag:$0x2] =	stream.indirect.gather [hbm4b:s4+s10], $0x80, s0, s10, $0xb8;
	[tilespmem:$0x1FA00] =	vst v63  }
0x1a9: {  	_ =	swait.ge [sflag:s12], $0x4000  }
0x1aa: {  	[sflag:s12] =	ssyncset.done $0x0  }
0x1ab: {  	s20 =	sadd.s32 $0x200, s22;
	[sflag:s12] =	ssyncadd.s32 $0xFFFFC000  }
0x1ac: {  	[spmem:s2] =	stream.indirect.scatter.add.f32 [tilespmem:s13], [sflag:$0x3], $0x80, s20, s10, $0xb8;
	[tilespmem:$0x1FA00] =	vst v63  }
0x1ad: {  	p0 =	sgt.u32 s23, $0x4D;
	_ =	swait.ge [sflag:s14], $0x4000  }
0x1ae: {  	s7 =	simm.s32 @!p0 $0x0;
	s5 =	rddreg [dreg:$0x7];
	[sflag:s14] =	ssyncset.done $0x0  }
0x1af: {  	s20 =	simm.s32 @!p0 $0x2800;
	[sflag:s14] =	ssyncadd.s32 $0xFFFFC000;
	s5 =	sadd.s32 @!p0 s26, s5  }
0x1b0: {  	[tilespmem:s20], [sflag:$0x5] =	stream.linear.gather @!p0 [hbm4b:s5+s7], $0x80, $0x38;
	[tilespmem:$0x1FA00] =	vst v63  }
0x1b1: {  	_ =	swait.ge [sflag:s15], $0x80  }
0x1b2: {  	[sflag:s15] =	ssyncset.done $0x0  }
0x1b3: {  	[sflag:s15] =	ssyncadd.s32 $0xFFFFFF80  }
0x1b4: {  	[tilespmem:s13], [sflag:$0x1] =	stream.indirect.gather [hbm4b:s4+s10], $0x80, s6, s10, $0xb8;
	[tilespmem:$0x1FA00] =	vst v63  }
0x1b5: {  	_ =	swait.ge [sflag:s16], $0x4000  }
0x1b6: {  	[sflag:s16] =	ssyncset.done $0x0  }
0x1b7: {  	s22 =	sadd.s32 $0x280, s22;
	[sflag:s16] =	ssyncadd.s32 $0xFFFFC000  }
0x1b8: {  	[spmem:s2] =	stream.indirect.scatter.add.f32 [tilespmem:s11], [sflag:$0x4], $0x80, s22, s10, $0xb8;
	[tilespmem:$0x1FA00] =	vst v63  }
0x1b9: {  	_ =	swait.ge [sflag:s17], $0x4000  }
0x1ba: {  	s5 =	rddreg [dreg:$0x8];
	[sflag:s17] =	ssyncset.done $0x0  }
0x1bb: {  	s20 =	simm.s32 @!p0 $0x2880;
	[sflag:s17] =	ssyncadd.s32 $0xFFFFC000;
	s5 =	sadd.s32 @!p0 s26, s5  }
0x1bc: {  	[tilespmem:s20], [sflag:$0x6] =	stream.linear.gather @!p0 [hbm4b:s5+s7], $0x80, $0x38;
	[tilespmem:$0x1FA00] =	vst v63  }
0x1bd: {  	_ =	swait.ge [sflag:s18], $0x80  }
0x1be: {  	[sflag:s18] =	ssyncset.done $0x0  }
0x1bf: {  	[sflag:s18] =	ssyncadd.s32 $0xFFFFFF80  }
0x1c0: {  	[tilespmem:s11], [sflag:$0x2] =	stream.indirect.gather [hbm4b:s4+s10], $0x80, s8, s10, $0xb8;
	[tilespmem:$0x1FA00] =	vst v63  }
0x1c1: {  	_ =	swait.ge [sflag:s12], $0x4000  }
0x1c2: {  	s23 =	sshra.s32 s21, $0x2;
	[sflag:s12] =	ssyncset.done $0x0  }
0x1c3: {  	s5 =	sadd.s32 $0x300, s23;
	[sflag:s12] =	ssyncadd.s32 $0xFFFFC000  }
0x1c4: {  	[spmem:s2] =	stream.indirect.scatter.add.f32 [tilespmem:s13], [sflag:$0x3], $0x80, s5, s10, $0xb8;
	[tilespmem:$0x1FA00] =	vst v63  }
0x1c5: {  	_ =	swait.ge [sflag:s16], $0x4000  }
0x1c6: {  	[sflag:s16] =	ssyncset.done $0x0  }
0x1c7: {  	s1 =	simm.s32 $0x2780;
	[sflag:s16] =	ssyncadd.s32 $0xFFFFC000  }
0x1c8: {  	[spmem:s2] =	stream.indirect.scatter.add.f32 [tilespmem:s11], [sflag:$0x4], $0x80, s1, s10, $0xb8;
	[tilespmem:$0x1FA00] =	vst v63  }
0x1c9: {  	_ =	swait.ge [sflag:s14], $0x4000  }
0x1ca: {  	[sflag:s14] =	ssyncset.done $0x0  }
0x1cb: {  	[sflag:s14] =	ssyncadd.s32 $0xFFFFC000  }
0x1cc: {  	_ =	swait.ge [sflag:s17], $0x4000  }
0x1cd: {  	[sflag:s17] =	ssyncset.done $0x0  }
0x1ce: {  	[sflag:s17] =	ssyncadd.s32 $0xFFFFC000  }
0x1cf: {  	s24 =	stileid.u32;
	[bflag:$0x0] =	sbarrier.arrive $0xFFFF  }
0x1d0: {  	s7 =	simm.s32 $0x9;
	s5 =	sshll.u32 s24, $0x6;
	s20 =	rddreg [dreg:$0x9]  }
0x1d1: {  	s5 =	sor.u32 $0x1C09, s5;
	s26 =	rddreg [dreg:$0xb];
	s25 =	sshrl.u32 s20, $0x3  }
0x1d2: {  	[hbm:s26], [sflag:s5] =	dma.local [spmem:s25], $0x2800  }
0x1d3: {  	_ =	swait.ge [sflag:s7], $0x2800  }
0x1d4: {  	s28 =	sld [smem:$0x7FD];
	_ =	sdelay $0x2  }
0x1d5: {  	s31 =	rddreg [dreg:$0xc];
	s5 =	sadd.s32 $0x1, s28  }
0x1d6: {  	p0 =	sne.s32 s5, s31  }
.Ltmp2:
0x1d7: {  	_ = 	snop;
	(pc) =	sbr.rel @p0 .LBB2_1-.Ltmp2, $3  }
0x1d8: {  	_ =	sdelay $0x1  }
0x1d9: {  	[sflag:s7] =	ssyncset.done $0x0  }
0x1da: {  	[sflag:s7] =	ssyncadd.s32 $0xFFFFD800  }
0x1db: {  	_ =	sfence.sel $0x180000  }
0x1dc: {  	[bflag:$0x0] =	sbarrier.arrive $0xFFFF  }
0x1dd: {  	_ =	strace $0x9000004A  }
0x1de: {  	s0 =	stileid.u32;
	[bflag:$0x2] =	sbarrier.arrive $0xFFFF  }
0x1df: {  	p0 =	sne.s32 s0, $0x0;
	s0 =	rddreg [dreg:$0x2]  }
0x1e0: {  	s0 =	sadd.s32 @!p0 $0x100000, s0  }
0x1e1: {  	[sflag:s0] =	ssyncadd.tile.s32 @!p0 $0x1;
	_ =	shalt  }
.Lfunc_end2:
_tile_overlayer_lowered:
.L_overlay_start_2:
0x1e2: {  	(tag) =	ssettag $0x2  }
0x1e3: {  	s0 =	rddreg [dreg:$0x0];
	s2 =	stileid.u32  }
0x1e4: {  	s1 =	rddreg [dreg:$0x1];
	p0 =	sne.s32 s2, $0x0  }
0x1e5: {  	s3 =	rddreg [dreg:$0x2];
	[bflag:$0x3] =	sbarrier.arrive $0xFFFF;
	s2 =	simm.s32 @!p0 $0x1C09  }
0x1e6: {  	[timem:s3], [sflag:s2] =	dma.local @!p0 [hbm:s0], s1  }
0x1e7: {  	s0 =	simm.s32 @!p0 $0x9  }
0x1e8: {  	_ =	swait.ge @!p0 [sflag:s0], s1  }
0x1e9: {  	s1 =	ssub.s32 @!p0 $0x0, s1;
	[sflag:s0] =	ssyncset.done @!p0 $0x0  }
0x1ea: {  	[sflag:s0] =	ssyncadd.s32 @!p0 s1  }
0x1eb: {  	[bflag:$0x3] =	sbarrier.arrive $0xFFFF  }
0x1ec: {  	_ =	shalt  }

// kernel: kernel.15.cloned.1.call-start
scs
__scs_entry_jumppad:
0x0: {  	(pc) =	sbr.rel $0x88, $3  }
0x1: {  	(tag) =	ssettag $0x0;
	lr =	simm.s32 $0x1  }
0x2: {  	[smem:$0x3F96] =	sst lr;
	_ =	strace $0xD0000000  }
0x3: {  	_ = 	snop  }
0x4: {  	_ = 	snop  }
0x5: {  	_ = 	snop  }
0x6: {  	_ = 	snop  }
0x7: {  	_ = 	snop  }
__scs_overlays_trampoline_lowered:
0x8: {  	[smem:$0x3FA5] =	sst s0  }
0x9: {  	[smem:$0x3FA6] =	sst s1  }
0xa: {  	[smem:$0x3FA7] =	sst s2  }
0xb: {  	[smem:$0x3FA8] =	sst s3  }
0xc: {  	[smem:$0x3FA9] =	sst s4  }
0xd: {  	[smem:$0x3FAA] =	sst s5  }
0xe: {  	[smem:$0x3FAB] =	sst s6  }
0xf: {  	[smem:$0x3FAC] =	sst s7  }
0x10: {  	[smem:$0x3FAD] =	sst s8  }
0x11: {  	[smem:$0x3FAE] =	sst s9;
	s0 =	simm.s32 @!p0 $0x0  }
0x12: {  	s1 =	sld [smem:$0x3F94];
	s0 =	simm.s32 @p0 $0x1  }
0x13: {  	[smem:$0x3FAF] =	sst s0;
	s0 =	simm.s32 @!p1 $0x0  }
0x14: {  	s2 =	sld [smem:$0x3F93];
	s0 =	simm.s32 @p1 $0x1  }
0x15: {  	[smem:$0x3FB0] =	sst s0;
	s0 =	simm.s32 @!p2 $0x0  }
0x16: {  	s3 =	sld [smem:$0x3FDB];
	s0 =	simm.s32 @p2 $0x1  }
0x17: {  	s4 =	simm.s32 $0x1BF5;
	[smem:$0x3FB2] =	sst s0  }
0x18: {  	s0 =	sld [smem:$0x3F95];
	_ =	swait.ge [sflag:s4], $0x0  }
0x19: {  	s7 =	sld [smem:$0x3F96]  }
0x1a: {  	s8 =	sadd.s32 $0xFFFFE003, lr  }
0x1b: {  	s9 =	sadd.s32 $0xFFFFFEF7, lr;
	s5 =	simm.s32 $0xFFFFFFFF;
	p2 =	slt.u32 s8, $0xFFFFF086  }
0x1c: {  	p1 =	slt.u32 s9, $0xF7A;
	s5 =	simm.s32 @!p2 $0x0  }
0x1d: {  	s5 =	simm.s32 @p1 $0x1;
	p0 =	seq.s32 s7, s2  }
0x1e: {  	s7 =	smul.u32 @!p0 $0xF7A, s2;
	p2 =	seq.s32 @!p0 s5, $0x0  }
0x1f: {  	s9 =	smul.u32 $0xF7A, s1;
	s8 =	simm.s32 @!p0 $0x1BF5;
	p2 =	por !p2, p0  }
0x20: {  	[sflag:s8] =	ssyncset.s32 @!p0 $0xFFFFF086;
	s6 =	sadd.s32 @!p0 s3, s7;
	s7 =	simm.s32 @!p0 $0x108  }
0x21: {  	s3 =	sadd.s32 s3, s9;
	s6 =	sadd.s32 @!p0 $0x88, s6;
	s7 =	simm.s32 @p2 $0x1082  }
0x22: {  	[simem:s7], [sflag:s8] =	dma.local @!p0 [hbm:s6], $0xF7A  }
0x23: {  	s9 =	sor.u32 $0xD0000000, s2;
	s6 =	simm.s32 $0x108;
	_ =	swait.ge @!p0 [sflag:s8], $0x0  }
0x24: {  	s3 =	sadd.s32 $0x88, s3;
	s6 =	simm.s32 @!p1 $0x1082;
	[sflag:s4] =	ssyncset.s32 $0xFFFFF086  }
0x25: {  	[simem:s6], [sflag:s4] =	dma.local [hbm:s3], $0xF7A  }
0x26: {  	[smem:$0x3F96] =	sst s1;
	(tag) =	ssettag s2;
	_ =	strace s9  }
0x27: {  	s1 =	sld [smem:$0x3FA6]  }
0x28: {  	s2 =	sld [smem:$0x3FA7]  }
0x29: {  	s4 =	sld [smem:$0x3FA9]  }
0x2a: {  	p0 =	seq.s32 s5, $0x0;
	s5 =	sld [smem:$0x3FAA]  }
0x2b: {  	s6 =	sld [smem:$0x3FAB]  }
0x2c: {  	s7 =	sld [smem:$0x3FAC]  }
0x2d: {  	s3 =	simm.s32 $0x108;
	s8 =	sld [smem:$0x3FAD]  }
0x2e: {  	s3 =	simm.s32 @!p0 $0x1082;
	s9 =	sld [smem:$0x3FAE]  }
0x2f: {  	lr =	sadd.s32 s0, s3;
	s0 =	sld [smem:$0x3FA5]  }
0x30: {  	s3 =	sld [smem:$0x3FA8]  }
0x31: {  	[smem:$0x3FB1] =	sst s10  }
0x32: {  	s10 =	sld [smem:$0x3FAF];
	_ =	sdelay $0x3  }
0x33: {  	p0 =	seq.s32 s10, $0x1;
	s10 =	sld [smem:$0x3FB1];
	_ =	sdelay $0x3  }
0x34: {  	[smem:$0x3FB1] =	sst s10  }
0x35: {  	s10 =	sld [smem:$0x3FB0];
	_ =	sdelay $0x3  }
0x36: {  	p1 =	seq.s32 s10, $0x1;
	s10 =	sld [smem:$0x3FB1];
	_ =	sdelay $0x3  }
0x37: {  	[smem:$0x3FB1] =	sst s10  }
0x38: {  	s10 =	sld [smem:$0x3FB2]  }
0x39: {  	_ = 	snop;
	(pc) =	sbr.ind lr, $3  }
0x3a: {  	_ = 	snop  }
0x3b: {  	_ = 	snop  }
0x3c: {  	p2 =	seq.s32 s10, $0x1;
	s10 =	sld [smem:$0x3FB1]  }
0x3d: {  	_ =	shalt  }
0x3e: {  	_ =	shalt  }
0x3f: {  	_ =	shalt  }
0x40: {  	_ =	shalt  }
0x41: {  	_ =	shalt  }
0x42: {  	_ =	shalt  }
0x43: {  	_ =	shalt  }
0x44: {  	_ =	shalt  }
0x45: {  	_ =	shalt  }
0x46: {  	_ =	shalt  }
0x47: {  	_ =	shalt  }
0x48: {  	_ =	shalt  }
0x49: {  	_ =	shalt  }
0x4a: {  	_ =	shalt  }
0x4b: {  	_ =	shalt  }
0x4c: {  	_ =	shalt  }
0x4d: {  	_ =	shalt  }
0x4e: {  	_ =	shalt  }
0x4f: {  	_ =	shalt  }
0x50: {  	_ =	shalt  }
0x51: {  	_ =	shalt  }
0x52: {  	_ =	shalt  }
0x53: {  	_ =	shalt  }
0x54: {  	_ =	shalt  }
0x55: {  	_ =	shalt  }
0x56: {  	_ =	shalt  }
0x57: {  	_ =	shalt  }
0x58: {  	_ =	shalt  }
0x59: {  	_ =	shalt  }
0x5a: {  	_ =	shalt  }
0x5b: {  	_ =	shalt  }
0x5c: {  	_ =	shalt  }
0x5d: {  	_ =	shalt  }
0x5e: {  	_ =	shalt  }
0x5f: {  	_ =	shalt  }
0x60: {  	_ =	shalt  }
0x61: {  	_ =	shalt  }
0x62: {  	_ =	shalt  }
0x63: {  	_ =	shalt  }
0x64: {  	_ =	shalt  }
0x65: {  	_ =	shalt  }
0x66: {  	_ =	shalt  }
0x67: {  	_ =	shalt  }
0x68: {  	_ =	shalt  }
0x69: {  	_ =	shalt  }
0x6a: {  	_ =	shalt  }
0x6b: {  	_ =	shalt  }
0x6c: {  	_ =	shalt  }
0x6d: {  	_ =	shalt  }
0x6e: {  	_ =	shalt  }
0x6f: {  	_ =	shalt  }
0x70: {  	_ =	shalt  }
0x71: {  	_ =	shalt  }
0x72: {  	_ =	shalt  }
0x73: {  	_ =	shalt  }
0x74: {  	_ =	shalt  }
0x75: {  	_ =	shalt  }
0x76: {  	_ =	shalt  }
0x77: {  	_ =	shalt  }
0x78: {  	_ =	shalt  }
0x79: {  	_ =	shalt  }
0x7a: {  	_ =	shalt  }
0x7b: {  	_ =	shalt  }
0x7c: {  	_ =	shalt  }
0x7d: {  	_ =	shalt  }
0x7e: {  	_ =	shalt  }
0x7f: {  	_ =	shalt  }
0x80: {  	_ =	shalt  }
0x81: {  	_ =	shalt  }
0x82: {  	_ =	shalt  }
0x83: {  	_ =	shalt  }
0x84: {  	_ =	shalt  }
0x85: {  	_ =	shalt  }
0x86: {  	_ =	shalt  }
0x87: {  	_ =	shalt  }
.Lfunc_end0:
.L_simem_size_0:
called_computation.2_lowered:
.L_overlay_start_0:
0x88: {  	s2 =	sld [smem:$0x3FD9]  }
0x89: {  	s3 =	sld [smem:$0x3FFE];
	_ =	sdelay $0x1  }
0x8a: {  	s1 =	srdreg.scid  }
0x8b: {  	s0 =	sand.u32 $0x1, s1  }
0x8c: {  	s16 =	sshll.u32 s0, $0xA;
	s2 =	sadd.s32 s3, s2  }
0x8d: {  	s2 =	sadd.s32 s2, s16  }
0x8e: {  	[smem:$0x3FBD] =	sst s2  }
0x8f: {  	_ = 	snop  }
0x90: {  	(tm) =	ssettm $0x1  }
0x91: {  	s17 =	sld [smem:$0x3FFB];
	_ =	sdelay $0x3  }
0x92: {  	_ =	strace s17  }
0x93: {  	s2 =	sld [smem:$0x3FFC];
	_ =	sdelay $0x3  }
0x94: {  	_ =	strace s2  }
0x95: {  	s2 =	sld [smem:$0x3FFD];
	_ =	sdelay $0x3  }
0x96: {  	_ =	strace s2  }
0x97: {  	_ =	strace $0x8FFFFFFF  }
0x98: {  	s18 =	sld [smem:$0x3FDB];
	_ =	sdelay $0x1  }
0x99: {  	s19 =	simm.s32 $_scs_section_size  }
0x9a: {  	s4 =	simm.s32 $_size__tile_overlayer_lowered;
	s5 =	simm.s32 $_tile_overlayer_lowered  }
0x9b: {  	s22 =	simm.s32 $0x1BFF;
	s21 =	sshll.u32 s5, $0x1;
	s2 =	sadd.s32 s19, s18  }
0x9c: {  	s6 =	simm.s32 $0x0;
	s20 =	sshll.u32 s4, $0x1;
	s4 =	sadd.s32 s21, s2  }
0x9d: {  	[timem:s6], [sflag:s22] =	dma.local [hbm:s4], s20  }
0x9e: {  	_ =	swait.ge [sflag:s22], s20  }
0x9f: {  	s3 =	ssub.s32 $0x0, s20;
	[sflag:s22] =	ssyncset.done $0x0  }
0xa0: {  	[sflag:s22] =	ssyncadd.s32 s3;
	_ =	sdelay $0x1  }
0xa1: {  	s23 =	simm.s32 $0x1B8B  }
0xa2: {  	_ =	swait.ge [sflag:s23], $0x1  }
0xa3: {  	[sflag:s23] =	ssyncset.done $0x0  }
0xa4: {  	s25 =	simm.s32 $0x1B8E;
	s24 =	sld [smem:$0x3FFE];
	[sflag:s23] =	ssyncadd.s32 $0xFFFFFFFF  }
0xa5: {  	s26 =	simm.s32 $execute0_lowered;
	[smem:$0x3FD2] =	sst s25  }
0xa6: {  	s4 =	sshll.u32 s26, $0x1;
	_ =	strace $0x8000004C;
	[dreg:$0x1] =	wrdreg $0xFFFFFFFF  }
0xa7: {  	s28 =	simm.s32 $_size_execute0_lowered;
	s2 =	sadd.s32 s2, s4;
	[dreg:$0x0] =	wrdreg $0x0  }
0xa8: {  	s4 =	sshll.u32 s28, $0x1;
	[dreg:$0x2] =	wrdreg s2  }
0xa9: {  	[dreg:$0x3] =	wrdreg s4  }
0xaa: {  	[dreg:$0x4] =	wrdreg $0xC0  }
0xab: {  	_ =	task [dreg:s6], $0x5FFFF  }
0xac: {  	[dreg:$0x1] =	wrdreg $0xFFFFFFFF  }
0xad: {  	[dreg:$0x0] =	wrdreg $0x60  }
0xae: {  	[dreg:$0x2] =	wrdreg s24  }
0xaf: {  	[dreg:$0x3] =	wrdreg $0xA6000  }
0xb0: {  	[dreg:$0x4] =	wrdreg $0x9  }
0xb1: {  	_ =	task.clear_ibuf [dreg:s6], $0x5FFFF;
	_ =	strace $0x9000004C  }
0xb2: {  	s29 =	simm.s32 $0x9;
	_ =	strace $0x8000004E  }
0xb3: {  	_ =	swait.ge [sflag:s29], $0x1  }
0xb4: {  	[sflag:s29] =	ssyncadd.s32 $0xFFFFFFFF  }
0xb5: {  	_ =	strace $0x9000004E  }
0xb6: {  	_ =	sfence  }
0xb7: {  	s30 =	sld [smem:$0x0];
	_ =	sdelay $0x2  }
0xb8: {  	s31 =	sshll.u32 s1, $0xD;
	s1 =	sshrl.u32 s1, $0x2  }
0xb9: {  	s3 =	sand.u32 $0x4000, s31;
	s1 =	sadd.s32 s1, s30  }
0xba: {  	s0 =	sor.u32 s3, s0;
	s1 =	sshll.u32 s1, $0x11  }
0xbb: {  	s0 =	sor.u32 s1, s0  }
0xbc: {  	s0 =	sadd.s32 $0x8F2B, s0  }
0xbd: {  	[sflag:s0] =	ssyncadd.remote.s32 $0x1  }
0xbe: {  	_ =	sfence.sel $0xFFFF  }
0xbf: {  	[dreg:$0x0] =	wrdreg $0xFFFFFFFF;
	(pc) =	sbr.abs _section_cstart, $3  }
0xc0: {  	[dreg:$0x1] =	wrdreg $0xFFFFFFFF  }
0xc1: {  	_ =	task.clear_ibuf [dreg:s6], $0x2FFFF;
	_ =	strace $0x9FFFFFFF  }
0xc2: {  	(tm) =	ssettm $0x7FFFFFFF  }
0xc3: {  	_ =	shalt  }
tec
execute0_lowered:
.L_overlay_start_1:
0x0: {  	(tag) =	ssettag $0x1  }
0x1: {  	s8 =	stileid.u32  }
0x2: {  	s5 =	smul.u32 $0x1400, s8  }
0x3: {  	s1 =	srdreg.scid;
	s7 =	smul.u32 $0x14000, s8  }
0x4: {  	s1 =	sand.u32 $0x1, s1;
	s8 =	smul.u32 $0x50000, s8  }
0x5: {  	s0 =	rddreg [dreg:$0x0];
	s4 =	smul.u32 $0x14000, s1  }
0x6: {  	s2 =	rddreg [dreg:$0x1];
	s6 =	smul.u32 $0x140000, s1;
	s1 =	ssub.s32 $0x2, s1  }
0x7: {  	s3 =	simm.s32 $0x0;
	s28 =	sshrl.u32 s1, $0x1;
	s31 =	sshrl.u32 s8, $0x2  }
0x8: {  	[smem:$0x7FF] =	sst s3;
	s1 =	ssub.s32 s1, s28;
	s20 =	sadd.s32 s31, s2  }
0x9: {  	_ =	strace $0x8000004D;
	s8 =	smax.u32 s1, $0x1;
	[dreg:$0x9] =	wrdreg s20  }
0xa: {  	s10 =	sadd.s32 $0x2000, s20;
	[dreg:$0xc] =	wrdreg s8  }
0xb: {  	s11 =	sadd.s32 $0x3000, s20;
	[dreg:$0xe] =	wrdreg s10  }
0xc: {  	s12 =	sadd.s32 $0x4000, s20;
	[dreg:$0xf] =	wrdreg s11  }
0xd: {  	s13 =	sadd.s32 $0x5000, s20;
	[dreg:$0x10] =	wrdreg s12  }
0xe: {  	s14 =	sadd.s32 $0x6000, s20;
	[dreg:$0x11] =	wrdreg s13  }
0xf: {  	s15 =	sadd.s32 $0x7000, s20;
	[dreg:$0x12] =	wrdreg s14  }
0x10: {  	s16 =	sadd.s32 $0x8000, s20;
	[dreg:$0x13] =	wrdreg s15  }
0x11: {  	s29 =	simm.s32 $0x1400;
	s17 =	sadd.s32 $0x9000, s20;
	[dreg:$0x14] =	wrdreg s16  }
0x12: {  	s5 =	sadd.s32 s5, s4;
	s18 =	sadd.s32 $0xA000, s20;
	[dreg:$0x15] =	wrdreg s17  }
0x13: {  	s4 =	sadd.s32 $0xCA00, s0;
	s19 =	sadd.s32 $0xB000, s20;
	[dreg:$0x16] =	wrdreg s18  }
0x14: {  	s26 =	sadd.s32 s7, s6;
	s21 =	sadd.s32 $0xC000, s20;
	[dreg:$0x17] =	wrdreg s19  }
0x15: {  	s6 =	simm.s32 $0x1500;
	s22 =	sadd.s32 $0xD000, s20;
	[dreg:$0x18] =	wrdreg s21  }
0x16: {  	s5 =	sshrl.u32 s5, $0x3;
	s23 =	sadd.s32 $0xE000, s20;
	[dreg:$0x19] =	wrdreg s22  }
0x17: {  	s24 =	sadd.s32 $0xF000, s20;
	s25 =	sadd.s32 $0x10000, s20;
	[dreg:$0x1a] =	wrdreg s23  }
0x18: {  	s28 =	sadd.s32 $0x12000, s20;
	s31 =	sadd.s32 $0x13000, s20;
	[dreg:$0x1b] =	wrdreg s24  }
0x19: {  	s1 =	simm.s32 $0x1480;
	s9 =	sadd.s32 s5, s0;
	[dreg:$0x1c] =	wrdreg s25  }
0x1a: {  	s5 =	sshrl.u32 s26, $0x3;
	s26 =	sadd.s32 $0x11000, s20;
	[dreg:$0x1e] =	wrdreg s28  }
0x1b: {  	[dreg:$0x1f] =	wrdreg s31;
	s8 =	simm.s32 $0x1580;
	s10 =	simm.s32 $0x80  }
0x1c: {  	s11 =	simm.s32 $0x5600;
	s12 =	simm.s32 $0x1;
	s13 =	simm.s32 $0x1600  }
0x1d: {  	s14 =	simm.s32 $0x3;
	s15 =	simm.s32 $0x7;
	s16 =	simm.s32 $0x2  }
0x1e: {  	s17 =	simm.s32 $0x4;
	s18 =	simm.s32 $0x8;
	s19 =	simm.s32 $0x5  }
0x1f: {  	s0 =	sadd.s32 s5, s0;
	s7 =	sadd.s32 $0x2A00, s9;
	[dreg:$0x1d] =	wrdreg s26  }
0x20: {  	s30 =	sadd.s32 $0x7A00, s9;
	s9 =	sadd.s32 $0x1000, s20;
	[dreg:$0xa] =	wrdreg s7  }
0x21: {  	s5 =	simm.s32 $0x0;
	s0 =	sadd.s32 $0x5AE00, s0;
	[dreg:$0xd] =	wrdreg s9  }
0x22: {  	v0 =	vimm.f32 $0.0e+00;
	s7 =	simm.s32 $0x9;
	s9 =	simm.s32 $0x6;
	[dreg:$0xb] =	wrdreg s0  }
.LBB2_1:
0x23: {  	[smem:$0x7FD] =	sst s5;
	s21 =	simm.s32 $0x0;
	s22 =	simm.s32 $0x200  }
.LBB2_2:
0x24: {  	p0 =	sne.s32 s22, $0x3E00;
	[tilespmem:s21+$0x9670] =	vst v0  }
0x25: {  	[tilespmem:s21+$0x9600] =	vst v0  }
0x26: {  	[tilespmem:s21+$0x9610] =	vst v0  }
.Ltmp0:
0x27: {  	[tilespmem:s21+$0x9620] =	vst v0;
	(pc) =	sbr.rel @p0 .LBB2_2-.Ltmp0, $4  }
0x28: {  	[tilespmem:s21+$0x9630] =	vst v0  }
0x29: {  	[tilespmem:s21+$0x9640] =	vst v0  }
0x2a: {  	[tilespmem:s21+$0x9650] =	vst v0  }
0x2b: {  	[tilespmem:s21+$0x9660] =	vst v0;
	s21 =	sshra.s32 s22, $0x2;
	s22 =	sadd.s32 $0x200, s22  }
0x2c: {  	[tilespmem:s21+$0x9670] =	vst v0  }
0x2d: {  	[tilespmem:s21+$0x9600] =	vst v0  }
0x2e: {  	[tilespmem:s21+$0x9610] =	vst v0  }
0x2f: {  	[tilespmem:s21+$0x9620] =	vst v0  }
0x30: {  	[tilespmem:s21+$0x9630] =	vst v0  }
0x31: {  	[tilespmem:s21+$0x9640] =	vst v0  }
0x32: {  	[tilespmem:s21+$0x9650] =	vst v0  }
0x33: {  	[tilespmem:s21+$0x9660] =	vst v0;
	s5 =	simm.s32 $0x9600  }
0x34: {  	[spmem:s20] =	stream.linear.scatter [tilespmem:s5], [sflag:$0x9], $0x1000, $0x38;
	[tilespmem:$0x1E600] =	vst v63  }
0x35: {  	_ =	swait.ge [sflag:s7], $0x1000  }
0x36: {  	[sflag:s7] =	ssyncset.done $0x0  }
0x37: {  	s0 =	rddreg [dreg:$0xd];
	[sflag:s7] =	ssyncadd.s32 $0xFFFFF000  }
0x38: {  	[spmem:s0] =	stream.linear.scatter [tilespmem:s5], [sflag:$0x9], $0x1000, $0x38;
	[tilespmem:$0x1E600] =	vst v63  }
0x39: {  	_ =	swait.ge [sflag:s7], $0x1000  }
0x3a: {  	[sflag:s7] =	ssyncset.done $0x0  }
0x3b: {  	s22 =	rddreg [dreg:$0xe];
	[sflag:s7] =	ssyncadd.s32 $0xFFFFF000  }
0x3c: {  	[spmem:s22] =	stream.linear.scatter [tilespmem:s5], [sflag:$0x9], $0x1000, $0x38;
	[tilespmem:$0x1E600] =	vst v63  }
0x3d: {  	_ =	swait.ge [sflag:s7], $0x1000  }
0x3e: {  	[sflag:s7] =	ssyncset.done $0x0  }
0x3f: {  	s23 =	rddreg [dreg:$0xf];
	[sflag:s7] =	ssyncadd.s32 $0xFFFFF000  }
0x40: {  	[spmem:s23] =	stream.linear.scatter [tilespmem:s5], [sflag:$0x9], $0x1000, $0x38;
	[tilespmem:$0x1E600] =	vst v63  }
0x41: {  	_ =	swait.ge [sflag:s7], $0x1000  }
0x42: {  	[sflag:s7] =	ssyncset.done $0x0  }
0x43: {  	s24 =	rddreg [dreg:$0x10];
	[sflag:s7] =	ssyncadd.s32 $0xFFFFF000  }
0x44: {  	[spmem:s24] =	stream.linear.scatter [tilespmem:s5], [sflag:$0x9], $0x1000, $0x38;
	[tilespmem:$0x1E600] =	vst v63  }
0x45: {  	_ =	swait.ge [sflag:s7], $0x1000  }
0x46: {  	[sflag:s7] =	ssyncset.done $0x0  }
0x47: {  	s25 =	rddreg [dreg:$0x11];
	[sflag:s7] =	ssyncadd.s32 $0xFFFFF000  }
0x48: {  	[spmem:s25] =	stream.linear.scatter [tilespmem:s5], [sflag:$0x9], $0x1000, $0x38;
	[tilespmem:$0x1E600] =	vst v63  }
0x49: {  	_ =	swait.ge [sflag:s7], $0x1000  }
0x4a: {  	[sflag:s7] =	ssyncset.done $0x0  }
0x4b: {  	s26 =	rddreg [dreg:$0x12];
	[sflag:s7] =	ssyncadd.s32 $0xFFFFF000  }
0x4c: {  	[spmem:s26] =	stream.linear.scatter [tilespmem:s5], [sflag:$0x9], $0x1000, $0x38;
	[tilespmem:$0x1E600] =	vst v63  }
0x4d: {  	_ =	swait.ge [sflag:s7], $0x1000  }
0x4e: {  	[sflag:s7] =	ssyncset.done $0x0  }
0x4f: {  	s28 =	rddreg [dreg:$0x13];
	[sflag:s7] =	ssyncadd.s32 $0xFFFFF000  }
0x50: {  	[spmem:s28] =	stream.linear.scatter [tilespmem:s5], [sflag:$0x9], $0x1000, $0x38;
	[tilespmem:$0x1E600] =	vst v63  }
0x51: {  	_ =	swait.ge [sflag:s7], $0x1000  }
0x52: {  	[sflag:s7] =	ssyncset.done $0x0  }
0x53: {  	s31 =	rddreg [dreg:$0x14];
	[sflag:s7] =	ssyncadd.s32 $0xFFFFF000  }
0x54: {  	[spmem:s31] =	stream.linear.scatter [tilespmem:s5], [sflag:$0x9], $0x1000, $0x38;
	[tilespmem:$0x1E600] =	vst v63  }
0x55: {  	_ =	swait.ge [sflag:s7], $0x1000  }
0x56: {  	[sflag:s7] =	ssyncset.done $0x0  }
0x57: {  	s20 =	rddreg [dreg:$0x15];
	[sflag:s7] =	ssyncadd.s32 $0xFFFFF000  }
0x58: {  	[spmem:s20] =	stream.linear.scatter [tilespmem:s5], [sflag:$0x9], $0x1000, $0x38;
	[tilespmem:$0x1E600] =	vst v63  }
0x59: {  	_ =	swait.ge [sflag:s7], $0x1000  }
0x5a: {  	[sflag:s7] =	ssyncset.done $0x0  }
0x5b: {  	s21 =	rddreg [dreg:$0x16];
	[sflag:s7] =	ssyncadd.s32 $0xFFFFF000  }
0x5c: {  	[spmem:s21] =	stream.linear.scatter [tilespmem:s5], [sflag:$0x9], $0x1000, $0x38;
	[tilespmem:$0x1E600] =	vst v63  }
0x5d: {  	_ =	swait.ge [sflag:s7], $0x1000  }
0x5e: {  	[sflag:s7] =	ssyncset.done $0x0  }
0x5f: {  	s22 =	rddreg [dreg:$0x17];
	[sflag:s7] =	ssyncadd.s32 $0xFFFFF000  }
0x60: {  	[spmem:s22] =	stream.linear.scatter [tilespmem:s5], [sflag:$0x9], $0x1000, $0x38;
	[tilespmem:$0x1E600] =	vst v63  }
0x61: {  	_ =	swait.ge [sflag:s7], $0x1000  }
0x62: {  	[sflag:s7] =	ssyncset.done $0x0  }
0x63: {  	s23 =	rddreg [dreg:$0x18];
	[sflag:s7] =	ssyncadd.s32 $0xFFFFF000  }
0x64: {  	[spmem:s23] =	stream.linear.scatter [tilespmem:s5], [sflag:$0x9], $0x1000, $0x38;
	[tilespmem:$0x1E600] =	vst v63  }
0x65: {  	_ =	swait.ge [sflag:s7], $0x1000  }
0x66: {  	[sflag:s7] =	ssyncset.done $0x0  }
0x67: {  	s24 =	rddreg [dreg:$0x19];
	[sflag:s7] =	ssyncadd.s32 $0xFFFFF000  }
0x68: {  	[spmem:s24] =	stream.linear.scatter [tilespmem:s5], [sflag:$0x9], $0x1000, $0x38;
	[tilespmem:$0x1E600] =	vst v63  }
0x69: {  	_ =	swait.ge [sflag:s7], $0x1000  }
0x6a: {  	[sflag:s7] =	ssyncset.done $0x0  }
0x6b: {  	s25 =	rddreg [dreg:$0x1a];
	[sflag:s7] =	ssyncadd.s32 $0xFFFFF000  }
0x6c: {  	[spmem:s25] =	stream.linear.scatter [tilespmem:s5], [sflag:$0x9], $0x1000, $0x38;
	[tilespmem:$0x1E600] =	vst v63  }
0x6d: {  	_ =	swait.ge [sflag:s7], $0x1000  }
0x6e: {  	[sflag:s7] =	ssyncset.done $0x0  }
0x6f: {  	s26 =	rddreg [dreg:$0x1b];
	[sflag:s7] =	ssyncadd.s32 $0xFFFFF000  }
0x70: {  	[spmem:s26] =	stream.linear.scatter [tilespmem:s5], [sflag:$0x9], $0x1000, $0x38;
	[tilespmem:$0x1E600] =	vst v63  }
0x71: {  	_ =	swait.ge [sflag:s7], $0x1000  }
0x72: {  	[sflag:s7] =	ssyncset.done $0x0  }
0x73: {  	s28 =	rddreg [dreg:$0x1c];
	[sflag:s7] =	ssyncadd.s32 $0xFFFFF000  }
0x74: {  	[spmem:s28] =	stream.linear.scatter [tilespmem:s5], [sflag:$0x9], $0x1000, $0x38;
	[tilespmem:$0x1E600] =	vst v63  }
0x75: {  	_ =	swait.ge [sflag:s7], $0x1000  }
0x76: {  	[sflag:s7] =	ssyncset.done $0x0  }
0x77: {  	s31 =	rddreg [dreg:$0x1d];
	[sflag:s7] =	ssyncadd.s32 $0xFFFFF000  }
0x78: {  	[spmem:s31] =	stream.linear.scatter [tilespmem:s5], [sflag:$0x9], $0x1000, $0x38;
	[tilespmem:$0x1E600] =	vst v63  }
0x79: {  	_ =	swait.ge [sflag:s7], $0x1000  }
0x7a: {  	[sflag:s7] =	ssyncset.done $0x0  }
0x7b: {  	s20 =	rddreg [dreg:$0x1e];
	[sflag:s7] =	ssyncadd.s32 $0xFFFFF000  }
0x7c: {  	[spmem:s20] =	stream.linear.scatter [tilespmem:s5], [sflag:$0x9], $0x1000, $0x38;
	[tilespmem:$0x1E600] =	vst v63  }
0x7d: {  	_ =	swait.ge [sflag:s7], $0x1000  }
0x7e: {  	[sflag:s7] =	ssyncset.done $0x0  }
0x7f: {  	s21 =	rddreg [dreg:$0x1f];
	[sflag:s7] =	ssyncadd.s32 $0xFFFFF000  }
0x80: {  	[spmem:s21] =	stream.linear.scatter [tilespmem:s5], [sflag:$0x9], $0x1000, $0x38;
	[tilespmem:$0x1E600] =	vst v63  }
0x81: {  	_ =	swait.ge [sflag:s7], $0x1000  }
0x82: {  	[sflag:s7] =	ssyncset.done $0x0  }
0x83: {  	s21 =	simm.s32 $0x0;
	s22 =	rddreg [dreg:$0xa];
	[sflag:s7] =	ssyncadd.s32 $0xFFFFF000  }
0x84: {  	[tilespmem:s21], [sflag:$0x9] =	stream.linear.gather [hbm4b:s22+s21], $0x1400, $0x38;
	[tilespmem:$0x1E600] =	vst v63  }
0x85: {  	_ =	swait.ge [sflag:s7], $0x1400  }
0x86: {  	[sflag:s7] =	ssyncset.done $0x0  }
0x87: {  	[sflag:s7] =	ssyncadd.s32 $0xFFFFEC00  }
0x88: {  	s25 =	sadd.s32 $0x40, s30;
	[bflag:$0x0] =	sbarrier.arrive $0xFFFF  }
0x89: {  	[tilespmem:s29], [sflag:$0x5] =	stream.linear.gather [hbm4b:s30+s21], $0x80, $0x38;
	[tilespmem:$0x1E600] =	vst v63  }
0x8a: {  	s26 =	sadd.s32 $0x50, s30;
	[dreg:$0x3] =	wrdreg s25  }
0x8b: {  	s28 =	sadd.s32 $0x60, s30;
	[dreg:$0x4] =	wrdreg s26  }
0x8c: {  	p0 =	por $0x0, $0x0;
	s31 =	sadd.s32 $0x70, s30;
	[dreg:$0x5] =	wrdreg s28  }
0x8d: {  	s0 =	sadd.s32 $0x80, s30;
	s22 =	sadd.s32 $0x10, s30;
	[dreg:$0x6] =	wrdreg s31  }
0x8e: {  	[tilespmem:s1], [sflag:$0x6] =	stream.linear.gather [hbm4b:s22+s21], $0x80, $0x38;
	[tilespmem:$0x1E600] =	vst v63  }
0x8f: {  	s23 =	sadd.s32 $0x20, s30;
	s5 =	sadd.s32 $0x90, s30;
	[dreg:$0x7] =	wrdreg s0  }
0x90: {  	[tilespmem:s6], [sflag:$0x7] =	stream.linear.gather [hbm4b:s23+s21], $0x80, $0x38;
	[tilespmem:$0x1E600] =	vst v63  }
0x91: {  	s24 =	sadd.s32 $0x30, s30;
	[dreg:$0x8] =	wrdreg s5;
	s22 =	simm.s32 @p0 $0x3  }
0x92: {  	[tilespmem:s8], [sflag:$0x8] =	stream.linear.gather [hbm4b:s24+s21], $0x80, $0x38;
	[tilespmem:$0x1E600] =	vst v63  }
0x93: {  	s23 =	sadd.s32 @p0 $0x0, s30;
	_ =	swait.ge @p0 [sflag:s22], $0x4000  }
0x94: {  	s26 =	simm.s32 @p0 $0x0;
	s25 =	sadd.s32 @p0 $0x20, s23;
	[sflag:s22] =	ssyncset.done @p0 $0x0  }
0x95: {  	s24 =	simm.s32 @p0 $0x1500;
	[sflag:s22] =	ssyncadd.s32 @p0 $0xFFFFC000;
	s22 =	simm.s32 @p0 $0x5  }
0x96: {  	[tilespmem:s24], [sflag:$0x7] =	stream.linear.gather @p0 [hbm4b:s25+s26], $0x80, $0x38;
	[tilespmem:$0x1E600] =	vst v63  }
0x97: {  	_ =	swait.ge @p0 [sflag:s22], $0x80  }
0x98: {  	s24 =	simm.s32 @p0 $0x1600;
	[sflag:s22] =	ssyncset.done @p0 $0x0  }
0x99: {  	s25 =	simm.s32 @p0 $0x80;
	[sflag:s22] =	ssyncadd.s32 @p0 $0xFFFFFF80;
	s22 =	simm.s32 @p0 $0x1400  }
0x9a: {  	[tilespmem:s24], [sflag:$0x1] =	stream.indirect.gather @p0 [hbm4b:s4+s25], $0x80, s22, s25, $0xb8;
	[tilespmem:$0x1E600] =	vst v63  }
0x9b: {  	s22 =	simm.s32 @p0 $0x2  }
0x9c: {  	_ =	swait.ge @p0 [sflag:s22], $0x4000  }
0x9d: {  	[sflag:s22] =	ssyncset.done @p0 $0x0  }
0x9e: {  	s24 =	simm.s32 @p0 $0xFFFFFF80;
	[sflag:s22] =	ssyncadd.s32 @p0 $0xFFFFC000;
	s22 =	simm.s32 @p0 $0x5600  }
0x9f: {  	[spmem:s2] =	stream.indirect.scatter.add.f32 @p0 [tilespmem:s22], [sflag:$0x4], $0x80, s24, s25, $0xb8;
	[tilespmem:$0x1E600] =	vst v63  }
0xa0: {  	s22 =	simm.s32 @p0 $0x4  }
0xa1: {  	_ =	swait.ge @p0 [sflag:s22], $0x4000  }
0xa2: {  	s23 =	sadd.s32 @p0 $0x30, s23;
	[sflag:s22] =	ssyncset.done @p0 $0x0  }
0xa3: {  	s24 =	simm.s32 @p0 $0x1580;
	[sflag:s22] =	ssyncadd.s32 @p0 $0xFFFFC000;
	s22 =	simm.s32 @!p0 $0x5  }
0xa4: {  	[tilespmem:s24], [sflag:$0x8] =	stream.linear.gather @p0 [hbm4b:s23+s26], $0x80, $0x38;
	[tilespmem:$0x1E600] =	vst v63  }
0xa5: {  	_ =	swait.ge @!p0 [sflag:s22], $0x80  }
0xa6: {  	s25 =	simm.s32 @!p0 $0x1400;
	[sflag:s22] =	ssyncset.done @!p0 $0x0  }
0xa7: {  	s23 =	simm.s32 @!p0 $0x1600;
	s24 =	simm.s32 @!p0 $0x80;
	[sflag:s22] =	ssyncadd.s32 @!p0 $0xFFFFFF80  }
0xa8: {  	[tilespmem:s23], [sflag:$0x1] =	stream.indirect.gather @!p0 [hbm4b:s4+s24], $0x80, s25, s24, $0xb8;
	[tilespmem:$0x1E600] =	vst v63  }
0xa9: {  	_ =	swait.ge [sflag:s9], $0x80  }
0xaa: {  	[sflag:s9] =	ssyncset.done $0x0  }
0xab: {  	[sflag:s9] =	ssyncadd.s32 $0xFFFFFF80  }
0xac: {  	[tilespmem:s11], [sflag:$0x2] =	stream.indirect.gather [hbm4b:s4+s10], $0x80, s1, s10, $0xb8;
	[tilespmem:$0x1E600] =	vst v63  }
0xad: {  	s22 =	simm.s32 $0x0;
	_ =	swait.ge [sflag:s12], $0x4000  }
0xae: {  	s22 =	simm.s32 @!p0 $0x0;
	[sflag:s12] =	ssyncset.done $0x0  }
0xaf: {  	s22 =	sshra.s32 s22, $0x2;
	[sflag:s12] =	ssyncadd.s32 $0xFFFFC000  }
0xb0: {  	[spmem:s2] =	stream.indirect.scatter.add.f32 [tilespmem:s13], [sflag:$0x3], $0x80, s22, s10, $0xb8;
	[tilespmem:$0x1E600] =	vst v63  }
0xb1: {  	_ =	swait.ge [sflag:s14], $0x4000  }
0xb2: {  	s21 =	simm.s32 @!p0 $0x0;
	s7 =	rddreg [dreg:$0x3];
	[sflag:s14] =	ssyncset.done $0x0  }
0xb3: {  	[sflag:s14] =	ssyncadd.s32 $0xFFFFC000;
	s23 =	sadd.s32 s21, s7  }
0xb4: {  	[tilespmem:s29], [sflag:$0x5] =	stream.linear.gather [hbm4b:s23+s3], $0x80, $0x38;
	[tilespmem:$0x1E600] =	vst v63  }
0xb5: {  	_ =	swait.ge [sflag:s15], $0x80  }
0xb6: {  	[sflag:s15] =	ssyncset.done $0x0  }
0xb7: {  	[sflag:s15] =	ssyncadd.s32 $0xFFFFFF80  }
0xb8: {  	[tilespmem:s13], [sflag:$0x1] =	stream.indirect.gather [hbm4b:s4+s10], $0x80, s6, s10, $0xb8;
	[tilespmem:$0x1E600] =	vst v63  }
0xb9: {  	_ =	swait.ge [sflag:s16], $0x4000  }
0xba: {  	[sflag:s16] =	ssyncset.done $0x0  }
0xbb: {  	s20 =	sadd.s32 $0x80, s22;
	[sflag:s16] =	ssyncadd.s32 $0xFFFFC000  }
0xbc: {  	[spmem:s2] =	stream.indirect.scatter.add.f32 [tilespmem:s11], [sflag:$0x4], $0x80, s20, s10, $0xb8;
	[tilespmem:$0x1E600] =	vst v63  }
0xbd: {  	_ =	swait.ge [sflag:s17], $0x4000  }
0xbe: {  	s24 =	rddreg [dreg:$0x4];
	[sflag:s17] =	ssyncset.done $0x0  }
0xbf: {  	[sflag:s17] =	ssyncadd.s32 $0xFFFFC000;
	s23 =	sadd.s32 s21, s24  }
0xc0: {  	[tilespmem:s1], [sflag:$0x6] =	stream.linear.gather [hbm4b:s23+s3], $0x80, $0x38;
	[tilespmem:$0x1E600] =	vst v63  }
0xc1: {  	_ =	swait.ge [sflag:s18], $0x80  }
0xc2: {  	[sflag:s18] =	ssyncset.done $0x0  }
0xc3: {  	[sflag:s18] =	ssyncadd.s32 $0xFFFFFF80  }
0xc4: {  	[tilespmem:s11], [sflag:$0x2] =	stream.indirect.gather [hbm4b:s4+s10], $0x80, s8, s10, $0xb8;
	[tilespmem:$0x1E600] =	vst v63  }
0xc5: {  	_ =	swait.ge [sflag:s12], $0x4000  }
0xc6: {  	[sflag:s12] =	ssyncset.done $0x0  }
0xc7: {  	s25 =	sadd.s32 $0x100, s22;
	[sflag:s12] =	ssyncadd.s32 $0xFFFFC000  }
0xc8: {  	[spmem:s2] =	stream.indirect.scatter.add.f32 [tilespmem:s13], [sflag:$0x3], $0x80, s25, s10, $0xb8;
	[tilespmem:$0x1E600] =	vst v63  }
0xc9: {  	_ =	swait.ge [sflag:s14], $0x4000  }
0xca: {  	s26 =	rddreg [dreg:$0x5];
	[sflag:s14] =	ssyncset.done $0x0  }
0xcb: {  	[sflag:s14] =	ssyncadd.s32 $0xFFFFC000;
	s23 =	sadd.s32 s21, s26  }
0xcc: {  	[tilespmem:s6], [sflag:$0x7] =	stream.linear.gather [hbm4b:s23+s3], $0x80, $0x38;
	[tilespmem:$0x1E600] =	vst v63  }
0xcd: {  	_ =	swait.ge [sflag:s19], $0x80  }
0xce: {  	[sflag:s19] =	ssyncset.done $0x0  }
0xcf: {  	[sflag:s19] =	ssyncadd.s32 $0xFFFFFF80  }
0xd0: {  	[tilespmem:s13], [sflag:$0x1] =	stream.indirect.gather [hbm4b:s4+s10], $0x80, s29, s10, $0xb8;
	[tilespmem:$0x1E600] =	vst v63  }
0xd1: {  	_ =	swait.ge [sflag:s16], $0x4000  }
0xd2: {  	[sflag:s16] =	ssyncset.done $0x0  }
0xd3: {  	s28 =	sadd.s32 $0x180, s22;
	[sflag:s16] =	ssyncadd.s32 $0xFFFFC000  }
0xd4: {  	[spmem:s2] =	stream.indirect.scatter.add.f32 [tilespmem:s11], [sflag:$0x4], $0x80, s28, s10, $0xb8;
	[tilespmem:$0x1E600] =	vst v63  }
0xd5: {  	_ =	swait.ge [sflag:s17], $0x4000  }
0xd6: {  	s29 =	rddreg [dreg:$0x6];
	[sflag:s17] =	ssyncset.done $0x0  }
0xd7: {  	[sflag:s17] =	ssyncadd.s32 $0xFFFFC000;
	s23 =	sadd.s32 s21, s29  }
0xd8: {  	[tilespmem:s8], [sflag:$0x8] =	stream.linear.gather [hbm4b:s23+s3], $0x80, $0x38;
	[tilespmem:$0x1E600] =	vst v63  }
0xd9: {  	_ =	swait.ge [sflag:s9], $0x80  }
0xda: {  	[sflag:s9] =	ssyncset.done $0x0  }
0xdb: {  	[sflag:s9] =	ssyncadd.s32 $0xFFFFFF80  }
0xdc: {  	[tilespmem:s11], [sflag:$0x2] =	stream.indirect.gather [hbm4b:s4+s10], $0x80, s1, s10, $0xb8;
	[tilespmem:$0x1E600] =	vst v63  }
0xdd: {  	_ =	swait.ge [sflag:s12], $0x4000  }
0xde: {  	[sflag:s12] =	ssyncset.done $0x0  }
0xdf: {  	s31 =	sadd.s32 $0x200, s22;
	[sflag:s12] =	ssyncadd.s32 $0xFFFFC000  }
0xe0: {  	[spmem:s2] =	stream.indirect.scatter.add.f32 [tilespmem:s13], [sflag:$0x3], $0x80, s31, s10, $0xb8;
	[tilespmem:$0x1E600] =	vst v63  }
0xe1: {  	p0 =	por $0x0, $0x0;
	_ =	swait.ge [sflag:s14], $0x4000  }
0xe2: {  	s24 =	simm.s32 @!p0 $0x0;
	s23 =	rddreg [dreg:$0x7];
	[sflag:s14] =	ssyncset.done $0x0  }
0xe3: {  	s25 =	simm.s32 @!p0 $0x1400;
	[sflag:s14] =	ssyncadd.s32 $0xFFFFC000;
	s23 =	sadd.s32 @!p0 s21, s23  }
0xe4: {  	[tilespmem:s25], [sflag:$0x5] =	stream.linear.gather @!p0 [hbm4b:s23+s24], $0x80, $0x38;
	[tilespmem:$0x1E600] =	vst v63  }
0xe5: {  	_ =	swait.ge [sflag:s15], $0x80  }
0xe6: {  	[sflag:s15] =	ssyncset.done $0x0  }
0xe7: {  	[sflag:s15] =	ssyncadd.s32 $0xFFFFFF80  }
0xe8: {  	[tilespmem:s13], [sflag:$0x1] =	stream.indirect.gather [hbm4b:s4+s10], $0x80, s6, s10, $0xb8;
	[tilespmem:$0x1E600] =	vst v63  }
0xe9: {  	_ =	swait.ge [sflag:s16], $0x4000  }
0xea: {  	[sflag:s16] =	ssyncset.done $0x0  }
0xeb: {  	s22 =	sadd.s32 $0x280, s22;
	[sflag:s16] =	ssyncadd.s32 $0xFFFFC000  }
0xec: {  	[spmem:s2] =	stream.indirect.scatter.add.f32 [tilespmem:s11], [sflag:$0x4], $0x80, s22, s10, $0xb8;
	[tilespmem:$0x1E600] =	vst v63  }
0xed: {  	_ =	swait.ge [sflag:s17], $0x4000  }
0xee: {  	s22 =	rddreg [dreg:$0x8];
	[sflag:s17] =	ssyncset.done $0x0  }
0xef: {  	s23 =	simm.s32 @!p0 $0x1480;
	[sflag:s17] =	ssyncadd.s32 $0xFFFFC000;
	s21 =	sadd.s32 @!p0 s21, s22  }
0xf0: {  	[tilespmem:s23], [sflag:$0x6] =	stream.linear.gather @!p0 [hbm4b:s21+s24], $0x80, $0x38;
	[tilespmem:$0x1E600] =	vst v63  }
0xf1: {  	_ =	swait.ge [sflag:s18], $0x80  }
0xf2: {  	p1 =	por $0x1, $0x1;
	s26 =	simm.s32 $0x80;
	[sflag:s18] =	ssyncset.done $0x0  }
0xf3: {  	s22 =	simm.s32 $0x0;
	s24 =	simm.s32 $0x100;
	[sflag:s18] =	ssyncadd.s32 $0xFFFFFF80  }
0xf4: {  	[tilespmem:s11], [sflag:$0x2] =	stream.indirect.gather [hbm4b:s4+s10], $0x80, s8, s10, $0xb8;
	[tilespmem:$0x1E600] =	vst v63  }
0xf5: {  	s21 =	simm.s32 $0x1000;
	s23 =	simm.s32 $0xE;
	_ =	swait.ge [sflag:s12], $0x4000  }
.LBB2_4:
0xf6: {  	[sflag:s12] =	ssyncset.done $0x0  }
0xf7: {  	s28 =	simm.s32 @p1 $0x3;
	s22 =	sadd.s32 $0x300, s22;
	[sflag:s12] =	ssyncadd.s32 $0xFFFFC000  }
0xf8: {  	[spmem:s2] =	stream.indirect.scatter.add.f32 [tilespmem:s13], [sflag:$0x3], $0x80, s22, s10, $0xb8;
	[tilespmem:$0x1E600] =	vst v63  }
0xf9: {  	s5 =	simm.s32 @p1 $0x1500;
	_ =	swait.ge @p1 [sflag:s28], $0x4000  }
0xfa: {  	s0 =	simm.s32 @p1 $0x0;
	s22 =	sadd.s32 @p1 s26, s30;
	[sflag:s28] =	ssyncset.done @p1 $0x0  }
0xfb: {  	s20 =	sadd.s32 @p1 $0x20, s22;
	[sflag:s28] =	ssyncadd.s32 @p1 $0xFFFFC000;
	s28 =	simm.s32 @p1 $0x5  }
0xfc: {  	[tilespmem:s5], [sflag:$0x7] =	stream.linear.gather @p1 [hbm4b:s20+s0], $0x80, $0x38;
	[tilespmem:$0x1E600] =	vst v63  }
0xfd: {  	_ =	swait.ge @p1 [sflag:s28], $0x80  }
0xfe: {  	s31 =	simm.s32 @p1 $0x80;
	s7 =	simm.s32 @p1 $0x1400;
	[sflag:s28] =	ssyncset.done @p1 $0x0  }
0xff: {  	s5 =	simm.s32 @p1 $0x1600;
	s20 =	simm.s32 @p1 $0x2;
	[sflag:s28] =	ssyncadd.s32 @p1 $0xFFFFFF80  }
0x100: {  	[tilespmem:s5], [sflag:$0x1] =	stream.indirect.gather @p1 [hbm4b:s4+s31], $0x80, s7, s31, $0xb8;
	[tilespmem:$0x1E600] =	vst v63  }
0x101: {  	_ =	swait.ge @p1 [sflag:s20], $0x4000  }
0x102: {  	s28 =	simm.s32 @p1 $0x5600;
	s5 =	sshra.s32 @p1 s21, $0x2;
	[sflag:s20] =	ssyncset.done @p1 $0x0  }
0x103: {  	s7 =	simm.s32 @p1 $0x4;
	s5 =	sadd.s32 @p1 $0xFFFFFF80, s5;
	[sflag:s20] =	ssyncadd.s32 @p1 $0xFFFFC000  }
0x104: {  	[spmem:s2] =	stream.indirect.scatter.add.f32 @p1 [tilespmem:s28], [sflag:$0x4], $0x80, s5, s31, $0xb8;
	[tilespmem:$0x1E600] =	vst v63  }
0x105: {  	_ =	swait.ge @p1 [sflag:s7], $0x4000  }
0x106: {  	s22 =	sadd.s32 @p1 $0x30, s22;
	[sflag:s7] =	ssyncset.done @p1 $0x0  }
0x107: {  	s20 =	simm.s32 @!p1 $0x5;
	s5 =	simm.s32 @p1 $0x1580;
	[sflag:s7] =	ssyncadd.s32 @p1 $0xFFFFC000  }
0x108: {  	[tilespmem:s5], [sflag:$0x8] =	stream.linear.gather @p1 [hbm4b:s22+s0], $0x80, $0x38;
	[tilespmem:$0x1E600] =	vst v63  }
0x109: {  	_ =	swait.ge @!p1 [sflag:s20], $0x80  }
0x10a: {  	s7 =	simm.s32 @!p1 $0x80;
	[sflag:s20] =	ssyncset.done @!p1 $0x0  }
0x10b: {  	s5 =	simm.s32 @!p1 $0x1600;
	s22 =	simm.s32 @!p1 $0x1400;
	[sflag:s20] =	ssyncadd.s32 @!p1 $0xFFFFFF80  }
0x10c: {  	[tilespmem:s5], [sflag:$0x1] =	stream.indirect.gather @!p1 [hbm4b:s4+s7], $0x80, s22, s7, $0xb8;
	[tilespmem:$0x1E600] =	vst v63  }
0x10d: {  	_ =	swait.ge [sflag:s9], $0x80  }
0x10e: {  	[sflag:s9] =	ssyncset.done $0x0  }
0x10f: {  	[sflag:s9] =	ssyncadd.s32 $0xFFFFFF80  }
0x110: {  	[tilespmem:s11], [sflag:$0x2] =	stream.indirect.gather [hbm4b:s4+s10], $0x80, s1, s10, $0xb8;
	[tilespmem:$0x1E600] =	vst v63  }
0x111: {  	s5 =	smov.u32 s21;
	_ =	swait.ge [sflag:s12], $0x4000  }
0x112: {  	s5 =	simm.s32 @!p1 $0x0;
	[sflag:s12] =	ssyncset.done $0x0  }
0x113: {  	s29 =	smov.u32 s24;
	s28 =	sshra.s32 s5, $0x2;
	[sflag:s12] =	ssyncadd.s32 $0xFFFFC000  }
0x114: {  	[spmem:s2] =	stream.indirect.scatter.add.f32 [tilespmem:s13], [sflag:$0x3], $0x80, s28, s10, $0xb8;
	[tilespmem:$0x1E600] =	vst v63  }
0x115: {  	s22 =	smov.u32 s26;
	s26 =	smov.u32 s29;
	_ =	swait.ge [sflag:s14], $0x4000  }
0x116: {  	s22 =	simm.s32 @!p1 $0x0;
	s31 =	rddreg [dreg:$0x3];
	[sflag:s14] =	ssyncset.done $0x0  }
0x117: {  	s29 =	simm.s32 $0x1400;
	[sflag:s14] =	ssyncadd.s32 $0xFFFFC000;
	s5 =	sadd.s32 s22, s31  }
0x118: {  	[tilespmem:s29], [sflag:$0x5] =	stream.linear.gather [hbm4b:s5+s3], $0x80, $0x38;
	[tilespmem:$0x1E600] =	vst v63  }
0x119: {  	_ =	swait.ge [sflag:s15], $0x80  }
0x11a: {  	[sflag:s15] =	ssyncset.done $0x0  }
0x11b: {  	[sflag:s15] =	ssyncadd.s32 $0xFFFFFF80  }
0x11c: {  	[tilespmem:s13], [sflag:$0x1] =	stream.indirect.gather [hbm4b:s4+s10], $0x80, s6, s10, $0xb8;
	[tilespmem:$0x1E600] =	vst v63  }
0x11d: {  	_ =	swait.ge [sflag:s16], $0x4000  }
0x11e: {  	[sflag:s16] =	ssyncset.done $0x0  }
0x11f: {  	s0 =	sadd.s32 $0x80, s28;
	[sflag:s16] =	ssyncadd.s32 $0xFFFFC000  }
0x120: {  	[spmem:s2] =	stream.indirect.scatter.add.f32 [tilespmem:s11], [sflag:$0x4], $0x80, s0, s10, $0xb8;
	[tilespmem:$0x1E600] =	vst v63  }
0x121: {  	_ =	swait.ge [sflag:s17], $0x4000  }
0x122: {  	s7 =	rddreg [dreg:$0x4];
	[sflag:s17] =	ssyncset.done $0x0  }
0x123: {  	[sflag:s17] =	ssyncadd.s32 $0xFFFFC000;
	s5 =	sadd.s32 s22, s7  }
0x124: {  	[tilespmem:s1], [sflag:$0x6] =	stream.linear.gather [hbm4b:s5+s3], $0x80, $0x38;
	[tilespmem:$0x1E600] =	vst v63  }
0x125: {  	_ =	swait.ge [sflag:s18], $0x80  }
0x126: {  	[sflag:s18] =	ssyncset.done $0x0  }
0x127: {  	[sflag:s18] =	ssyncadd.s32 $0xFFFFFF80  }
0x128: {  	[tilespmem:s11], [sflag:$0x2] =	stream.indirect.gather [hbm4b:s4+s10], $0x80, s8, s10, $0xb8;
	[tilespmem:$0x1E600] =	vst v63  }
0x129: {  	_ =	swait.ge [sflag:s12], $0x4000  }
0x12a: {  	[sflag:s12] =	ssyncset.done $0x0  }
0x12b: {  	s20 =	sadd.s32 $0x100, s28;
	[sflag:s12] =	ssyncadd.s32 $0xFFFFC000  }
0x12c: {  	[spmem:s2] =	stream.indirect.scatter.add.f32 [tilespmem:s13], [sflag:$0x3], $0x80, s20, s10, $0xb8;
	[tilespmem:$0x1E600] =	vst v63  }
0x12d: {  	_ =	swait.ge [sflag:s14], $0x4000  }
0x12e: {  	s31 =	rddreg [dreg:$0x5];
	[sflag:s14] =	ssyncset.done $0x0  }
0x12f: {  	[sflag:s14] =	ssyncadd.s32 $0xFFFFC000;
	s5 =	sadd.s32 s22, s31  }
0x130: {  	[tilespmem:s6], [sflag:$0x7] =	stream.linear.gather [hbm4b:s5+s3], $0x80, $0x38;
	[tilespmem:$0x1E600] =	vst v63  }
0x131: {  	_ =	swait.ge [sflag:s19], $0x80  }
0x132: {  	[sflag:s19] =	ssyncset.done $0x0  }
0x133: {  	[sflag:s19] =	ssyncadd.s32 $0xFFFFFF80  }
0x134: {  	[tilespmem:s13], [sflag:$0x1] =	stream.indirect.gather [hbm4b:s4+s10], $0x80, s29, s10, $0xb8;
	[tilespmem:$0x1E600] =	vst v63  }
0x135: {  	_ =	swait.ge [sflag:s16], $0x4000  }
0x136: {  	[sflag:s16] =	ssyncset.done $0x0  }
0x137: {  	s0 =	sadd.s32 $0x180, s28;
	[sflag:s16] =	ssyncadd.s32 $0xFFFFC000  }
0x138: {  	[spmem:s2] =	stream.indirect.scatter.add.f32 [tilespmem:s11], [sflag:$0x4], $0x80, s0, s10, $0xb8;
	[tilespmem:$0x1E600] =	vst v63  }
0x139: {  	_ =	swait.ge [sflag:s17], $0x4000  }
0x13a: {  	s7 =	rddreg [dreg:$0x6];
	[sflag:s17] =	ssyncset.done $0x0  }
0x13b: {  	[sflag:s17] =	ssyncadd.s32 $0xFFFFC000;
	s5 =	sadd.s32 s22, s7  }
0x13c: {  	[tilespmem:s8], [sflag:$0x8] =	stream.linear.gather [hbm4b:s5+s3], $0x80, $0x38;
	[tilespmem:$0x1E600] =	vst v63  }
0x13d: {  	_ =	swait.ge [sflag:s9], $0x80  }
0x13e: {  	[sflag:s9] =	ssyncset.done $0x0  }
0x13f: {  	[sflag:s9] =	ssyncadd.s32 $0xFFFFFF80  }
0x140: {  	[tilespmem:s11], [sflag:$0x2] =	stream.indirect.gather [hbm4b:s4+s10], $0x80, s1, s10, $0xb8;
	[tilespmem:$0x1E600] =	vst v63  }
0x141: {  	_ =	swait.ge [sflag:s12], $0x4000  }
0x142: {  	[sflag:s12] =	ssyncset.done $0x0  }
0x143: {  	s20 =	sadd.s32 $0x200, s28;
	[sflag:s12] =	ssyncadd.s32 $0xFFFFC000  }
0x144: {  	[spmem:s2] =	stream.indirect.scatter.add.f32 [tilespmem:s13], [sflag:$0x3], $0x80, s20, s10, $0xb8;
	[tilespmem:$0x1E600] =	vst v63  }
0x145: {  	p1 =	sgt.u32 s23, $0x25;
	_ =	swait.ge [sflag:s14], $0x4000  }
0x146: {  	s7 =	simm.s32 @!p1 $0x0;
	s5 =	rddreg [dreg:$0x7];
	[sflag:s14] =	ssyncset.done $0x0  }
0x147: {  	s20 =	simm.s32 @!p1 $0x1400;
	[sflag:s14] =	ssyncadd.s32 $0xFFFFC000;
	s5 =	sadd.s32 @!p1 s22, s5  }
0x148: {  	[tilespmem:s20], [sflag:$0x5] =	stream.linear.gather @!p1 [hbm4b:s5+s7], $0x80, $0x38;
	[tilespmem:$0x1E600] =	vst v63  }
0x149: {  	_ =	swait.ge [sflag:s15], $0x80  }
0x14a: {  	[sflag:s15] =	ssyncset.done $0x0  }
0x14b: {  	[sflag:s15] =	ssyncadd.s32 $0xFFFFFF80  }
0x14c: {  	[tilespmem:s13], [sflag:$0x1] =	stream.indirect.gather [hbm4b:s4+s10], $0x80, s6, s10, $0xb8;
	[tilespmem:$0x1E600] =	vst v63  }
0x14d: {  	_ =	swait.ge [sflag:s16], $0x4000  }
0x14e: {  	[sflag:s16] =	ssyncset.done $0x0  }
0x14f: {  	s31 =	sadd.s32 $0x280, s28;
	[sflag:s16] =	ssyncadd.s32 $0xFFFFC000  }
0x150: {  	[spmem:s2] =	stream.indirect.scatter.add.f32 [tilespmem:s11], [sflag:$0x4], $0x80, s31, s10, $0xb8;
	[tilespmem:$0x1E600] =	vst v63  }
0x151: {  	s24 =	sadd.s32 $0x80, s24;
	_ =	swait.ge [sflag:s17], $0x4000  }
0x152: {  	p0 =	sne.s32 s24, $0x280;
	s5 =	rddreg [dreg:$0x8];
	[sflag:s17] =	ssyncset.done $0x0  }
0x153: {  	s20 =	simm.s32 @!p1 $0x1480;
	[sflag:s17] =	ssyncadd.s32 $0xFFFFC000;
	s5 =	sadd.s32 @!p1 s22, s5  }
0x154: {  	[tilespmem:s20], [sflag:$0x6] =	stream.linear.gather @!p1 [hbm4b:s5+s7], $0x80, $0x38;
	[tilespmem:$0x1E600] =	vst v63  }
.Ltmp1:
0x155: {  	_ =	swait.ge [sflag:s18], $0x80;
	(pc) =	sbr.rel @p0 .LBB2_4-.Ltmp1, $4  }
0x156: {  	s25 =	smov.u32 s21;
	[sflag:s18] =	ssyncset.done $0x0  }
0x157: {  	s21 =	sadd.s32 $0x1000, s21;
	s23 =	sadd.s32 $0x8, s23;
	[sflag:s18] =	ssyncadd.s32 $0xFFFFFF80  }
0x158: {  	[tilespmem:s11], [sflag:$0x2] =	stream.indirect.gather [hbm4b:s4+s10], $0x80, s8, s10, $0xb8;
	[tilespmem:$0x1E600] =	vst v63  }
0x159: {  	s22 =	sshra.s32 s25, $0x2;
	p1 =	sne.s32 s26, $0x0;
	_ =	swait.ge [sflag:s12], $0x4000  }
0x15a: {  	[sflag:s12] =	ssyncset.done $0x0  }
0x15b: {  	s5 =	simm.s32 @p1 $0x3;
	s7 =	sadd.s32 $0x300, s22;
	[sflag:s12] =	ssyncadd.s32 $0xFFFFC000  }
0x15c: {  	[spmem:s2] =	stream.indirect.scatter.add.f32 [tilespmem:s13], [sflag:$0x3], $0x80, s7, s10, $0xb8;
	[tilespmem:$0x1E600] =	vst v63  }
0x15d: {  	s20 =	simm.s32 @p1 $0x1500;
	_ =	swait.ge @p1 [sflag:s5], $0x4000  }
0x15e: {  	s24 =	simm.s32 @p1 $0x0;
	s7 =	sadd.s32 @p1 s26, s30;
	[sflag:s5] =	ssyncset.done @p1 $0x0  }
0x15f: {  	s22 =	sadd.s32 @p1 $0x20, s7;
	[sflag:s5] =	ssyncadd.s32 @p1 $0xFFFFC000;
	s5 =	simm.s32 @p1 $0x5  }
0x160: {  	[tilespmem:s20], [sflag:$0x7] =	stream.linear.gather @p1 [hbm4b:s22+s24], $0x80, $0x38;
	[tilespmem:$0x1E600] =	vst v63  }
0x161: {  	_ =	swait.ge @p1 [sflag:s5], $0x80  }
0x162: {  	s20 =	simm.s32 @p1 $0x1600;
	[sflag:s5] =	ssyncset.done @p1 $0x0  }
0x163: {  	s22 =	simm.s32 @p1 $0x80;
	[sflag:s5] =	ssyncadd.s32 @p1 $0xFFFFFF80;
	s5 =	simm.s32 @p1 $0x1400  }
0x164: {  	[tilespmem:s20], [sflag:$0x1] =	stream.indirect.gather @p1 [hbm4b:s4+s22], $0x80, s5, s22, $0xb8;
	[tilespmem:$0x1E600] =	vst v63  }
0x165: {  	s5 =	simm.s32 @p1 $0x2  }
0x166: {  	_ =	swait.ge @p1 [sflag:s5], $0x4000  }
0x167: {  	s20 =	sshra.s32 @p1 s21, $0x2;
	[sflag:s5] =	ssyncset.done @p1 $0x0  }
0x168: {  	s20 =	sadd.s32 @p1 $0xFFFFFF80, s20;
	[sflag:s5] =	ssyncadd.s32 @p1 $0xFFFFC000;
	s5 =	simm.s32 @p1 $0x5600  }
0x169: {  	[spmem:s2] =	stream.indirect.scatter.add.f32 @p1 [tilespmem:s5], [sflag:$0x4], $0x80, s20, s22, $0xb8;
	[tilespmem:$0x1E600] =	vst v63  }
0x16a: {  	s5 =	simm.s32 @p1 $0x4  }
0x16b: {  	_ =	swait.ge @p1 [sflag:s5], $0x4000  }
0x16c: {  	[sflag:s5] =	ssyncset.done @p1 $0x0  }
0x16d: {  	s7 =	sadd.s32 @p1 $0x30, s7;
	[sflag:s5] =	ssyncadd.s32 @p1 $0xFFFFC000;
	s5 =	simm.s32 @p1 $0x1580  }
0x16e: {  	[tilespmem:s5], [sflag:$0x8] =	stream.linear.gather @p1 [hbm4b:s7+s24], $0x80, $0x38;
	[tilespmem:$0x1E600] =	vst v63  }
0x16f: {  	s5 =	simm.s32 @!p1 $0x5  }
0x170: {  	_ =	swait.ge @!p1 [sflag:s5], $0x80  }
0x171: {  	s20 =	simm.s32 @!p1 $0x80;
	[sflag:s5] =	ssyncset.done @!p1 $0x0  }
0x172: {  	s7 =	simm.s32 @!p1 $0x1600;
	[sflag:s5] =	ssyncadd.s32 @!p1 $0xFFFFFF80;
	s5 =	simm.s32 @!p1 $0x1400  }
0x173: {  	[tilespmem:s7], [sflag:$0x1] =	stream.indirect.gather @!p1 [hbm4b:s4+s20], $0x80, s5, s20, $0xb8;
	[tilespmem:$0x1E600] =	vst v63  }
0x174: {  	_ =	swait.ge [sflag:s9], $0x80  }
0x175: {  	[sflag:s9] =	ssyncset.done $0x0  }
0x176: {  	[sflag:s9] =	ssyncadd.s32 $0xFFFFFF80  }
0x177: {  	[tilespmem:s11], [sflag:$0x2] =	stream.indirect.gather [hbm4b:s4+s10], $0x80, s1, s10, $0xb8;
	[tilespmem:$0x1E600] =	vst v63  }
0x178: {  	s5 =	smov.u32 s21;
	_ =	swait.ge [sflag:s12], $0x4000  }
0x179: {  	s5 =	simm.s32 @!p1 $0x0;
	[sflag:s12] =	ssyncset.done $0x0  }
0x17a: {  	s22 =	sshra.s32 s5, $0x2;
	[sflag:s12] =	ssyncadd.s32 $0xFFFFC000  }
0x17b: {  	[spmem:s2] =	stream.indirect.scatter.add.f32 [tilespmem:s13], [sflag:$0x3], $0x80, s22, s10, $0xb8;
	[tilespmem:$0x1E600] =	vst v63  }
0x17c: {  	_ =	swait.ge [sflag:s14], $0x4000  }
0x17d: {  	s26 =	simm.s32 @!p1 $0x0;
	s20 =	rddreg [dreg:$0x3];
	[sflag:s14] =	ssyncset.done $0x0  }
0x17e: {  	[sflag:s14] =	ssyncadd.s32 $0xFFFFC000;
	s5 =	sadd.s32 s26, s20  }
0x17f: {  	[tilespmem:s29], [sflag:$0x5] =	stream.linear.gather [hbm4b:s5+s3], $0x80, $0x38;
	[tilespmem:$0x1E600] =	vst v63  }
0x180: {  	_ =	swait.ge [sflag:s15], $0x80  }
0x181: {  	[sflag:s15] =	ssyncset.done $0x0  }
0x182: {  	[sflag:s15] =	ssyncadd.s32 $0xFFFFFF80  }
0x183: {  	[tilespmem:s13], [sflag:$0x1] =	stream.indirect.gather [hbm4b:s4+s10], $0x80, s6, s10, $0xb8;
	[tilespmem:$0x1E600] =	vst v63  }
0x184: {  	_ =	swait.ge [sflag:s16], $0x4000  }
0x185: {  	[sflag:s16] =	ssyncset.done $0x0  }
0x186: {  	s24 =	sadd.s32 $0x80, s22;
	[sflag:s16] =	ssyncadd.s32 $0xFFFFC000  }
0x187: {  	[spmem:s2] =	stream.indirect.scatter.add.f32 [tilespmem:s11], [sflag:$0x4], $0x80, s24, s10, $0xb8;
	[tilespmem:$0x1E600] =	vst v63  }
0x188: {  	_ =	swait.ge [sflag:s17], $0x4000  }
0x189: {  	s25 =	rddreg [dreg:$0x4];
	[sflag:s17] =	ssyncset.done $0x0  }
0x18a: {  	[sflag:s17] =	ssyncadd.s32 $0xFFFFC000;
	s5 =	sadd.s32 s26, s25  }
0x18b: {  	[tilespmem:s1], [sflag:$0x6] =	stream.linear.gather [hbm4b:s5+s3], $0x80, $0x38;
	[tilespmem:$0x1E600] =	vst v63  }
0x18c: {  	_ =	swait.ge [sflag:s18], $0x80  }
0x18d: {  	[sflag:s18] =	ssyncset.done $0x0  }
0x18e: {  	[sflag:s18] =	ssyncadd.s32 $0xFFFFFF80  }
0x18f: {  	[tilespmem:s11], [sflag:$0x2] =	stream.indirect.gather [hbm4b:s4+s10], $0x80, s8, s10, $0xb8;
	[tilespmem:$0x1E600] =	vst v63  }
0x190: {  	_ =	swait.ge [sflag:s12], $0x4000  }
0x191: {  	[sflag:s12] =	ssyncset.done $0x0  }
0x192: {  	s28 =	sadd.s32 $0x100, s22;
	[sflag:s12] =	ssyncadd.s32 $0xFFFFC000  }
0x193: {  	[spmem:s2] =	stream.indirect.scatter.add.f32 [tilespmem:s13], [sflag:$0x3], $0x80, s28, s10, $0xb8;
	[tilespmem:$0x1E600] =	vst v63  }
0x194: {  	_ =	swait.ge [sflag:s14], $0x4000  }
0x195: {  	s31 =	rddreg [dreg:$0x5];
	[sflag:s14] =	ssyncset.done $0x0  }
0x196: {  	[sflag:s14] =	ssyncadd.s32 $0xFFFFC000;
	s5 =	sadd.s32 s26, s31  }
0x197: {  	[tilespmem:s6], [sflag:$0x7] =	stream.linear.gather [hbm4b:s5+s3], $0x80, $0x38;
	[tilespmem:$0x1E600] =	vst v63  }
0x198: {  	_ =	swait.ge [sflag:s19], $0x80  }
0x199: {  	[sflag:s19] =	ssyncset.done $0x0  }
0x19a: {  	[sflag:s19] =	ssyncadd.s32 $0xFFFFFF80  }
0x19b: {  	[tilespmem:s13], [sflag:$0x1] =	stream.indirect.gather [hbm4b:s4+s10], $0x80, s29, s10, $0xb8;
	[tilespmem:$0x1E600] =	vst v63  }
0x19c: {  	_ =	swait.ge [sflag:s16], $0x4000  }
0x19d: {  	[sflag:s16] =	ssyncset.done $0x0  }
0x19e: {  	s0 =	sadd.s32 $0x180, s22;
	[sflag:s16] =	ssyncadd.s32 $0xFFFFC000  }
0x19f: {  	[spmem:s2] =	stream.indirect.scatter.add.f32 [tilespmem:s11], [sflag:$0x4], $0x80, s0, s10, $0xb8;
	[tilespmem:$0x1E600] =	vst v63  }
0x1a0: {  	_ =	swait.ge [sflag:s17], $0x4000  }
0x1a1: {  	s7 =	rddreg [dreg:$0x6];
	[sflag:s17] =	ssyncset.done $0x0  }
0x1a2: {  	[sflag:s17] =	ssyncadd.s32 $0xFFFFC000;
	s5 =	sadd.s32 s26, s7  }
0x1a3: {  	[tilespmem:s8], [sflag:$0x8] =	stream.linear.gather [hbm4b:s5+s3], $0x80, $0x38;
	[tilespmem:$0x1E600] =	vst v63  }
0x1a4: {  	_ =	swait.ge [sflag:s9], $0x80  }
0x1a5: {  	[sflag:s9] =	ssyncset.done $0x0  }
0x1a6: {  	[sflag:s9] =	ssyncadd.s32 $0xFFFFFF80  }
0x1a7: {  	[tilespmem:s11], [sflag:$0x2] =	stream.indirect.gather [hbm4b:s4+s10], $0x80, s1, s10, $0xb8;
	[tilespmem:$0x1E600] =	vst v63  }
0x1a8: {  	_ =	swait.ge [sflag:s12], $0x4000  }
0x1a9: {  	[sflag:s12] =	ssyncset.done $0x0  }
0x1aa: {  	s20 =	sadd.s32 $0x200, s22;
	[sflag:s12] =	ssyncadd.s32 $0xFFFFC000  }
0x1ab: {  	[spmem:s2] =	stream.indirect.scatter.add.f32 [tilespmem:s13], [sflag:$0x3], $0x80, s20, s10, $0xb8;
	[tilespmem:$0x1E600] =	vst v63  }
0x1ac: {  	p0 =	sgt.u32 s23, $0x25;
	_ =	swait.ge [sflag:s14], $0x4000  }
0x1ad: {  	s7 =	simm.s32 @!p0 $0x0;
	s5 =	rddreg [dreg:$0x7];
	[sflag:s14] =	ssyncset.done $0x0  }
0x1ae: {  	s20 =	simm.s32 @!p0 $0x1400;
	[sflag:s14] =	ssyncadd.s32 $0xFFFFC000;
	s5 =	sadd.s32 @!p0 s26, s5  }
0x1af: {  	[tilespmem:s20], [sflag:$0x5] =	stream.linear.gather @!p0 [hbm4b:s5+s7], $0x80, $0x38;
	[tilespmem:$0x1E600] =	vst v63  }
0x1b0: {  	_ =	swait.ge [sflag:s15], $0x80  }
0x1b1: {  	[sflag:s15] =	ssyncset.done $0x0  }
0x1b2: {  	[sflag:s15] =	ssyncadd.s32 $0xFFFFFF80  }
0x1b3: {  	[tilespmem:s13], [sflag:$0x1] =	stream.indirect.gather [hbm4b:s4+s10], $0x80, s6, s10, $0xb8;
	[tilespmem:$0x1E600] =	vst v63  }
0x1b4: {  	_ =	swait.ge [sflag:s16], $0x4000  }
0x1b5: {  	[sflag:s16] =	ssyncset.done $0x0  }
0x1b6: {  	s22 =	sadd.s32 $0x280, s22;
	[sflag:s16] =	ssyncadd.s32 $0xFFFFC000  }
0x1b7: {  	[spmem:s2] =	stream.indirect.scatter.add.f32 [tilespmem:s11], [sflag:$0x4], $0x80, s22, s10, $0xb8;
	[tilespmem:$0x1E600] =	vst v63  }
0x1b8: {  	_ =	swait.ge [sflag:s17], $0x4000  }
0x1b9: {  	s5 =	rddreg [dreg:$0x8];
	[sflag:s17] =	ssyncset.done $0x0  }
0x1ba: {  	s20 =	simm.s32 @!p0 $0x1480;
	[sflag:s17] =	ssyncadd.s32 $0xFFFFC000;
	s5 =	sadd.s32 @!p0 s26, s5  }
0x1bb: {  	[tilespmem:s20], [sflag:$0x6] =	stream.linear.gather @!p0 [hbm4b:s5+s7], $0x80, $0x38;
	[tilespmem:$0x1E600] =	vst v63  }
0x1bc: {  	_ =	swait.ge [sflag:s18], $0x80  }
0x1bd: {  	[sflag:s18] =	ssyncset.done $0x0  }
0x1be: {  	[sflag:s18] =	ssyncadd.s32 $0xFFFFFF80  }
0x1bf: {  	[tilespmem:s11], [sflag:$0x2] =	stream.indirect.gather [hbm4b:s4+s10], $0x80, s8, s10, $0xb8;
	[tilespmem:$0x1E600] =	vst v63  }
0x1c0: {  	_ =	swait.ge [sflag:s12], $0x4000  }
0x1c1: {  	s23 =	sshra.s32 s21, $0x2;
	[sflag:s12] =	ssyncset.done $0x0  }
0x1c2: {  	s5 =	sadd.s32 $0x300, s23;
	[sflag:s12] =	ssyncadd.s32 $0xFFFFC000  }
0x1c3: {  	[spmem:s2] =	stream.indirect.scatter.add.f32 [tilespmem:s13], [sflag:$0x3], $0x80, s5, s10, $0xb8;
	[tilespmem:$0x1E600] =	vst v63  }
0x1c4: {  	_ =	swait.ge [sflag:s16], $0x4000  }
0x1c5: {  	[sflag:s16] =	ssyncset.done $0x0  }
0x1c6: {  	s0 =	simm.s32 $0x1380;
	[sflag:s16] =	ssyncadd.s32 $0xFFFFC000  }
0x1c7: {  	[spmem:s2] =	stream.indirect.scatter.add.f32 [tilespmem:s11], [sflag:$0x4], $0x80, s0, s10, $0xb8;
	[tilespmem:$0x1E600] =	vst v63  }
0x1c8: {  	_ =	swait.ge [sflag:s14], $0x4000  }
0x1c9: {  	[sflag:s14] =	ssyncset.done $0x0  }
0x1ca: {  	[sflag:s14] =	ssyncadd.s32 $0xFFFFC000  }
0x1cb: {  	_ =	swait.ge [sflag:s17], $0x4000  }
0x1cc: {  	[sflag:s17] =	ssyncset.done $0x0  }
0x1cd: {  	[sflag:s17] =	ssyncadd.s32 $0xFFFFC000  }
0x1ce: {  	s24 =	stileid.u32;
	[bflag:$0x0] =	sbarrier.arrive $0xFFFF  }
0x1cf: {  	s7 =	simm.s32 $0x9;
	s5 =	sshll.u32 s24, $0x6;
	s20 =	rddreg [dreg:$0x9]  }
0x1d0: {  	s5 =	sor.u32 $0x1C09, s5;
	s26 =	rddreg [dreg:$0xb];
	s25 =	sshrl.u32 s20, $0x3  }
0x1d1: {  	[hbm:s26], [sflag:s5] =	dma.local [spmem:s25], $0x2800  }
0x1d2: {  	_ =	swait.ge [sflag:s7], $0x2800  }
0x1d3: {  	s28 =	sld [smem:$0x7FD];
	_ =	sdelay $0x2  }
0x1d4: {  	s31 =	rddreg [dreg:$0xc];
	s5 =	sadd.s32 $0x1, s28  }
0x1d5: {  	p0 =	sne.s32 s5, s31  }
.Ltmp2:
0x1d6: {  	_ = 	snop;
	(pc) =	sbr.rel @p0 .LBB2_1-.Ltmp2, $3  }
0x1d7: {  	_ =	sdelay $0x1  }
0x1d8: {  	[sflag:s7] =	ssyncset.done $0x0  }
0x1d9: {  	[sflag:s7] =	ssyncadd.s32 $0xFFFFD800  }
0x1da: {  	_ =	sfence.sel $0x180000  }
0x1db: {  	[bflag:$0x0] =	sbarrier.arrive $0xFFFF  }
0x1dc: {  	_ =	strace $0x9000004D  }
0x1dd: {  	s0 =	stileid.u32;
	[bflag:$0x2] =	sbarrier.arrive $0xFFFF  }
0x1de: {  	p0 =	sne.s32 s0, $0x0;
	s0 =	rddreg [dreg:$0x2]  }
0x1df: {  	s0 =	sadd.s32 @!p0 $0x100000, s0  }
0x1e0: {  	[sflag:s0] =	ssyncadd.tile.s32 @!p0 $0x1;
	_ =	shalt  }
.Lfunc_end2:
_tile_overlayer_lowered:
.L_overlay_start_2:
0x1e1: {  	(tag) =	ssettag $0x2  }
0x1e2: {  	s0 =	rddreg [dreg:$0x0];
	s2 =	stileid.u32  }
0x1e3: {  	s1 =	rddreg [dreg:$0x1];
	p0 =	sne.s32 s2, $0x0  }
0x1e4: {  	s3 =	rddreg [dreg:$0x2];
	[bflag:$0x3] =	sbarrier.arrive $0xFFFF;
	s2 =	simm.s32 @!p0 $0x1C09  }
0x1e5: {  	[timem:s3], [sflag:s2] =	dma.local @!p0 [hbm:s0], s1  }
0x1e6: {  	s0 =	simm.s32 @!p0 $0x9  }
0x1e7: {  	_ =	swait.ge @!p0 [sflag:s0], s1  }
0x1e8: {  	s1 =	ssub.s32 @!p0 $0x0, s1;
	[sflag:s0] =	ssyncset.done @!p0 $0x0  }
0x1e9: {  	[sflag:s0] =	ssyncadd.s32 @!p0 s1  }
0x1ea: {  	[bflag:$0x3] =	sbarrier.arrive $0xFFFF  }
0x1eb: {  	_ =	shalt  }

// kernel: kernel.9.cloned.1.call-start
scs
__scs_entry_jumppad:
0x0: {  	(pc) =	sbr.rel $0x88, $3  }
0x1: {  	(tag) =	ssettag $0x0;
	lr =	simm.s32 $0x1  }
0x2: {  	[smem:$0x3F96] =	sst lr;
	_ =	strace $0xD0000000  }
0x3: {  	_ = 	snop  }
0x4: {  	_ = 	snop  }
0x5: {  	_ = 	snop  }
0x6: {  	_ = 	snop  }
0x7: {  	_ = 	snop  }
__scs_overlays_trampoline_lowered:
0x8: {  	[smem:$0x3FA5] =	sst s0  }
0x9: {  	[smem:$0x3FA6] =	sst s1  }
0xa: {  	[smem:$0x3FA7] =	sst s2  }
0xb: {  	[smem:$0x3FA8] =	sst s3  }
0xc: {  	[smem:$0x3FA9] =	sst s4  }
0xd: {  	[smem:$0x3FAA] =	sst s5  }
0xe: {  	[smem:$0x3FAB] =	sst s6  }
0xf: {  	[smem:$0x3FAC] =	sst s7  }
0x10: {  	[smem:$0x3FAD] =	sst s8  }
0x11: {  	[smem:$0x3FAE] =	sst s9;
	s0 =	simm.s32 @!p0 $0x0  }
0x12: {  	s1 =	sld [smem:$0x3F94];
	s0 =	simm.s32 @p0 $0x1  }
0x13: {  	[smem:$0x3FAF] =	sst s0;
	s0 =	simm.s32 @!p1 $0x0  }
0x14: {  	s2 =	sld [smem:$0x3F93];
	s0 =	simm.s32 @p1 $0x1  }
0x15: {  	[smem:$0x3FB0] =	sst s0;
	s0 =	simm.s32 @!p2 $0x0  }
0x16: {  	s3 =	sld [smem:$0x3FDB];
	s0 =	simm.s32 @p2 $0x1  }
0x17: {  	s4 =	simm.s32 $0x1BF5;
	[smem:$0x3FB2] =	sst s0  }
0x18: {  	s0 =	sld [smem:$0x3F95];
	_ =	swait.ge [sflag:s4], $0x0  }
0x19: {  	s7 =	sld [smem:$0x3F96]  }
0x1a: {  	s8 =	sadd.s32 $0xFFFFE003, lr  }
0x1b: {  	s9 =	sadd.s32 $0xFFFFFEF7, lr;
	s5 =	simm.s32 $0xFFFFFFFF;
	p2 =	slt.u32 s8, $0xFFFFF086  }
0x1c: {  	p1 =	slt.u32 s9, $0xF7A;
	s5 =	simm.s32 @!p2 $0x0  }
0x1d: {  	s5 =	simm.s32 @p1 $0x1;
	p0 =	seq.s32 s7, s2  }
0x1e: {  	s7 =	smul.u32 @!p0 $0xF7A, s2;
	p2 =	seq.s32 @!p0 s5, $0x0  }
0x1f: {  	s9 =	smul.u32 $0xF7A, s1;
	s8 =	simm.s32 @!p0 $0x1BF5;
	p2 =	por !p2, p0  }
0x20: {  	[sflag:s8] =	ssyncset.s32 @!p0 $0xFFFFF086;
	s6 =	sadd.s32 @!p0 s3, s7;
	s7 =	simm.s32 @!p0 $0x108  }
0x21: {  	s3 =	sadd.s32 s3, s9;
	s6 =	sadd.s32 @!p0 $0x88, s6;
	s7 =	simm.s32 @p2 $0x1082  }
0x22: {  	[simem:s7], [sflag:s8] =	dma.local @!p0 [hbm:s6], $0xF7A  }
0x23: {  	s9 =	sor.u32 $0xD0000000, s2;
	s6 =	simm.s32 $0x108;
	_ =	swait.ge @!p0 [sflag:s8], $0x0  }
0x24: {  	s3 =	sadd.s32 $0x88, s3;
	s6 =	simm.s32 @!p1 $0x1082;
	[sflag:s4] =	ssyncset.s32 $0xFFFFF086  }
0x25: {  	[simem:s6], [sflag:s4] =	dma.local [hbm:s3], $0xF7A  }
0x26: {  	[smem:$0x3F96] =	sst s1;
	(tag) =	ssettag s2;
	_ =	strace s9  }
0x27: {  	s1 =	sld [smem:$0x3FA6]  }
0x28: {  	s2 =	sld [smem:$0x3FA7]  }
0x29: {  	s4 =	sld [smem:$0x3FA9]  }
0x2a: {  	p0 =	seq.s32 s5, $0x0;
	s5 =	sld [smem:$0x3FAA]  }
0x2b: {  	s6 =	sld [smem:$0x3FAB]  }
0x2c: {  	s7 =	sld [smem:$0x3FAC]  }
0x2d: {  	s3 =	simm.s32 $0x108;
	s8 =	sld [smem:$0x3FAD]  }
0x2e: {  	s3 =	simm.s32 @!p0 $0x1082;
	s9 =	sld [smem:$0x3FAE]  }
0x2f: {  	lr =	sadd.s32 s0, s3;
	s0 =	sld [smem:$0x3FA5]  }
0x30: {  	s3 =	sld [smem:$0x3FA8]  }
0x31: {  	[smem:$0x3FB1] =	sst s10  }
0x32: {  	s10 =	sld [smem:$0x3FAF];
	_ =	sdelay $0x3  }
0x33: {  	p0 =	seq.s32 s10, $0x1;
	s10 =	sld [smem:$0x3FB1];
	_ =	sdelay $0x3  }
0x34: {  	[smem:$0x3FB1] =	sst s10  }
0x35: {  	s10 =	sld [smem:$0x3FB0];
	_ =	sdelay $0x3  }
0x36: {  	p1 =	seq.s32 s10, $0x1;
	s10 =	sld [smem:$0x3FB1];
	_ =	sdelay $0x3  }
0x37: {  	[smem:$0x3FB1] =	sst s10  }
0x38: {  	s10 =	sld [smem:$0x3FB2]  }
0x39: {  	_ = 	snop;
	(pc) =	sbr.ind lr, $3  }
0x3a: {  	_ = 	snop  }
0x3b: {  	_ = 	snop  }
0x3c: {  	p2 =	seq.s32 s10, $0x1;
	s10 =	sld [smem:$0x3FB1]  }
0x3d: {  	_ =	shalt  }
0x3e: {  	_ =	shalt  }
0x3f: {  	_ =	shalt  }
0x40: {  	_ =	shalt  }
0x41: {  	_ =	shalt  }
0x42: {  	_ =	shalt  }
0x43: {  	_ =	shalt  }
0x44: {  	_ =	shalt  }
0x45: {  	_ =	shalt  }
0x46: {  	_ =	shalt  }
0x47: {  	_ =	shalt  }
0x48: {  	_ =	shalt  }
0x49: {  	_ =	shalt  }
0x4a: {  	_ =	shalt  }
0x4b: {  	_ =	shalt  }
0x4c: {  	_ =	shalt  }
0x4d: {  	_ =	shalt  }
0x4e: {  	_ =	shalt  }
0x4f: {  	_ =	shalt  }
0x50: {  	_ =	shalt  }
0x51: {  	_ =	shalt  }
0x52: {  	_ =	shalt  }
0x53: {  	_ =	shalt  }
0x54: {  	_ =	shalt  }
0x55: {  	_ =	shalt  }
0x56: {  	_ =	shalt  }
0x57: {  	_ =	shalt  }
0x58: {  	_ =	shalt  }
0x59: {  	_ =	shalt  }
0x5a: {  	_ =	shalt  }
0x5b: {  	_ =	shalt  }
0x5c: {  	_ =	shalt  }
0x5d: {  	_ =	shalt  }
0x5e: {  	_ =	shalt  }
0x5f: {  	_ =	shalt  }
0x60: {  	_ =	shalt  }
0x61: {  	_ =	shalt  }
0x62: {  	_ =	shalt  }
0x63: {  	_ =	shalt  }
0x64: {  	_ =	shalt  }
0x65: {  	_ =	shalt  }
0x66: {  	_ =	shalt  }
0x67: {  	_ =	shalt  }
0x68: {  	_ =	shalt  }
0x69: {  	_ =	shalt  }
0x6a: {  	_ =	shalt  }
0x6b: {  	_ =	shalt  }
0x6c: {  	_ =	shalt  }
0x6d: {  	_ =	shalt  }
0x6e: {  	_ =	shalt  }
0x6f: {  	_ =	shalt  }
0x70: {  	_ =	shalt  }
0x71: {  	_ =	shalt  }
0x72: {  	_ =	shalt  }
0x73: {  	_ =	shalt  }
0x74: {  	_ =	shalt  }
0x75: {  	_ =	shalt  }
0x76: {  	_ =	shalt  }
0x77: {  	_ =	shalt  }
0x78: {  	_ =	shalt  }
0x79: {  	_ =	shalt  }
0x7a: {  	_ =	shalt  }
0x7b: {  	_ =	shalt  }
0x7c: {  	_ =	shalt  }
0x7d: {  	_ =	shalt  }
0x7e: {  	_ =	shalt  }
0x7f: {  	_ =	shalt  }
0x80: {  	_ =	shalt  }
0x81: {  	_ =	shalt  }
0x82: {  	_ =	shalt  }
0x83: {  	_ =	shalt  }
0x84: {  	_ =	shalt  }
0x85: {  	_ =	shalt  }
0x86: {  	_ =	shalt  }
0x87: {  	_ =	shalt  }
.Lfunc_end0:
.L_simem_size_0:
called_computation_lowered:
.L_overlay_start_0:
0x88: {  	s2 =	sld [smem:$0x3FD9]  }
0x89: {  	s3 =	sld [smem:$0x3FFE];
	_ =	sdelay $0x1  }
0x8a: {  	s1 =	srdreg.scid  }
0x8b: {  	s0 =	sand.u32 $0x1, s1  }
0x8c: {  	s16 =	sshll.u32 s0, $0xA;
	s2 =	sadd.s32 s3, s2  }
0x8d: {  	s2 =	sadd.s32 s2, s16  }
0x8e: {  	[smem:$0x3FBD] =	sst s2  }
0x8f: {  	_ = 	snop  }
0x90: {  	(tm) =	ssettm $0x1  }
0x91: {  	s17 =	sld [smem:$0x3FFB];
	_ =	sdelay $0x3  }
0x92: {  	_ =	strace s17  }
0x93: {  	s2 =	sld [smem:$0x3FFC];
	_ =	sdelay $0x3  }
0x94: {  	_ =	strace s2  }
0x95: {  	s2 =	sld [smem:$0x3FFD];
	_ =	sdelay $0x3  }
0x96: {  	_ =	strace s2  }
0x97: {  	_ =	strace $0x8FFFFFFF  }
0x98: {  	s18 =	sld [smem:$0x3FDB];
	_ =	sdelay $0x1  }
0x99: {  	s19 =	simm.s32 $_scs_section_size  }
0x9a: {  	s4 =	simm.s32 $_size__tile_overlayer_lowered;
	s5 =	simm.s32 $_tile_overlayer_lowered  }
0x9b: {  	s22 =	simm.s32 $0x1BFF;
	s21 =	sshll.u32 s5, $0x1;
	s2 =	sadd.s32 s19, s18  }
0x9c: {  	s6 =	simm.s32 $0x0;
	s20 =	sshll.u32 s4, $0x1;
	s4 =	sadd.s32 s21, s2  }
0x9d: {  	[timem:s6], [sflag:s22] =	dma.local [hbm:s4], s20  }
0x9e: {  	_ =	swait.ge [sflag:s22], s20  }
0x9f: {  	s3 =	ssub.s32 $0x0, s20;
	[sflag:s22] =	ssyncset.done $0x0  }
0xa0: {  	[sflag:s22] =	ssyncadd.s32 s3;
	_ =	sdelay $0x1  }
0xa1: {  	s23 =	simm.s32 $0x1B8B  }
0xa2: {  	_ =	swait.ge [sflag:s23], $0x1  }
0xa3: {  	[sflag:s23] =	ssyncset.done $0x0  }
0xa4: {  	s25 =	simm.s32 $0x1B8E;
	s24 =	sld [smem:$0x3FFE];
	[sflag:s23] =	ssyncadd.s32 $0xFFFFFFFF  }
0xa5: {  	s26 =	simm.s32 $execute0_lowered;
	[smem:$0x3FD2] =	sst s25  }
0xa6: {  	s4 =	sshll.u32 s26, $0x1;
	_ =	strace $0x80000046;
	[dreg:$0x1] =	wrdreg $0xFFFFFFFF  }
0xa7: {  	s28 =	simm.s32 $_size_execute0_lowered;
	s2 =	sadd.s32 s2, s4;
	[dreg:$0x0] =	wrdreg $0x0  }
0xa8: {  	s4 =	sshll.u32 s28, $0x1;
	[dreg:$0x2] =	wrdreg s2  }
0xa9: {  	[dreg:$0x3] =	wrdreg s4  }
0xaa: {  	[dreg:$0x4] =	wrdreg $0xC0  }
0xab: {  	_ =	task [dreg:s6], $0x5FFFF  }
0xac: {  	[dreg:$0x1] =	wrdreg $0xFFFFFFFF  }
0xad: {  	[dreg:$0x0] =	wrdreg $0x60  }
0xae: {  	[dreg:$0x2] =	wrdreg s24  }
0xaf: {  	[dreg:$0x3] =	wrdreg $0x64000  }
0xb0: {  	[dreg:$0x4] =	wrdreg $0x9  }
0xb1: {  	_ =	task.clear_ibuf [dreg:s6], $0x5FFFF;
	_ =	strace $0x90000046  }
0xb2: {  	s29 =	simm.s32 $0x9;
	_ =	strace $0x80000048  }
0xb3: {  	_ =	swait.ge [sflag:s29], $0x1  }
0xb4: {  	[sflag:s29] =	ssyncadd.s32 $0xFFFFFFFF  }
0xb5: {  	_ =	strace $0x90000048  }
0xb6: {  	_ =	sfence  }
0xb7: {  	s30 =	sld [smem:$0x0];
	_ =	sdelay $0x2  }
0xb8: {  	s31 =	sshll.u32 s1, $0xD;
	s1 =	sshrl.u32 s1, $0x2  }
0xb9: {  	s3 =	sand.u32 $0x4000, s31;
	s1 =	sadd.s32 s1, s30  }
0xba: {  	s0 =	sor.u32 s3, s0;
	s1 =	sshll.u32 s1, $0x11  }
0xbb: {  	s0 =	sor.u32 s1, s0  }
0xbc: {  	s0 =	sadd.s32 $0x8F2B, s0  }
0xbd: {  	[sflag:s0] =	ssyncadd.remote.s32 $0x1  }
0xbe: {  	_ =	sfence.sel $0xFFFF  }
0xbf: {  	[dreg:$0x0] =	wrdreg $0xFFFFFFFF;
	(pc) =	sbr.abs _section_cstart, $3  }
0xc0: {  	[dreg:$0x1] =	wrdreg $0xFFFFFFFF  }
0xc1: {  	_ =	task.clear_ibuf [dreg:s6], $0x2FFFF;
	_ =	strace $0x9FFFFFFF  }
0xc2: {  	(tm) =	ssettm $0x7FFFFFFF  }
0xc3: {  	_ =	shalt  }
tec
execute0_lowered:
.L_overlay_start_1:
0x0: {  	(tag) =	ssettag $0x1  }
0x1: {  	s0 =	srdreg.scid;
	s7 =	stileid.u32  }
0x2: {  	s1 =	rddreg [dreg:$0x0];
	s5 =	smul.u32 $0x1400, s7  }
0x3: {  	s2 =	rddreg [dreg:$0x1];
	s3 =	simm.s32 $0x0;
	s6 =	smul.u32 $0x14000, s7  }
0x4: {  	s29 =	simm.s32 $0x5400;
	s0 =	sand.u32 $0x1, s0;
	s23 =	smul.u32 $0x50000, s7  }
0x5: {  	s30 =	simm.s32 $0x1;
	s31 =	simm.s32 $0x1400;
	s4 =	smul.u32 $0x14000, s0  }
0x6: {  	[smem:$0x7FF] =	sst s3;
	s24 =	sadd.s32 $0xCA00, s1;
	s22 =	smul.u32 $0x140000, s0  }
0x7: {  	_ =	strace $0x80000047;
	s0 =	ssub.s32 $0x2, s0;
	[dreg:$0x3] =	wrdreg s24  }
0x8: {  	s25 =	sshrl.u32 s0, $0x1;
	s26 =	sshrl.u32 s23, $0x2;
	s4 =	sadd.s32 s5, s4  }
0x9: {  	s5 =	sadd.s32 s6, s22;
	s0 =	ssub.s32 s0, s25;
	s4 =	sshrl.u32 s4, $0x3  }
0xa: {  	s5 =	sshrl.u32 s5, $0x3;
	s8 =	smax.u32 s0, $0x1;
	s4 =	sadd.s32 s4, s1  }
0xb: {  	s1 =	sadd.s32 s5, s1;
	s5 =	sadd.s32 s26, s2;
	s6 =	sadd.s32 $0x2A00, s4  }
0xc: {  	s7 =	sadd.s32 $0xD200, s1;
	s9 =	sadd.s32 $0x1000, s5;
	s10 =	sadd.s32 $0x2000, s5  }
0xd: {  	s11 =	sadd.s32 $0x3000, s5;
	s12 =	sadd.s32 $0x4000, s5;
	s13 =	sadd.s32 $0x5000, s5  }
0xe: {  	s14 =	sadd.s32 $0x6000, s5;
	s15 =	sadd.s32 $0x7000, s5;
	s16 =	sadd.s32 $0x8000, s5  }
0xf: {  	s17 =	sadd.s32 $0x9000, s5;
	s18 =	sadd.s32 $0xA000, s5;
	s19 =	sadd.s32 $0xB000, s5  }
0x10: {  	s20 =	sadd.s32 $0xC000, s5;
	s21 =	sadd.s32 $0xD000, s5;
	s22 =	sadd.s32 $0xE000, s5  }
0x11: {  	s23 =	sadd.s32 $0xF000, s5;
	s24 =	sadd.s32 $0x10000, s5;
	s25 =	sadd.s32 $0x11000, s5  }
0x12: {  	v0 =	vimm.f32 $0.0e+00;
	s26 =	sadd.s32 $0x12000, s5;
	s28 =	sadd.s32 $0x13000, s5;
	s1 =	simm.s32 $0x80  }
.LBB2_1:
0x13: {  	s0 =	simm.s32 $0x0;
	s4 =	simm.s32 $0x200  }
.LBB2_2:
0x14: {  	p0 =	sne.s32 s4, $0x3E00;
	[tilespmem:s0+$0x5470] =	vst v0  }
0x15: {  	[tilespmem:s0+$0x5400] =	vst v0  }
0x16: {  	[tilespmem:s0+$0x5410] =	vst v0  }
.Ltmp0:
0x17: {  	[tilespmem:s0+$0x5420] =	vst v0;
	(pc) =	sbr.rel @p0 .LBB2_2-.Ltmp0, $4  }
0x18: {  	[tilespmem:s0+$0x5430] =	vst v0  }
0x19: {  	[tilespmem:s0+$0x5440] =	vst v0  }
0x1a: {  	[tilespmem:s0+$0x5450] =	vst v0  }
0x1b: {  	[tilespmem:s0+$0x5460] =	vst v0;
	s0 =	sshra.s32 s4, $0x2;
	s4 =	sadd.s32 $0x200, s4  }
0x1c: {  	[tilespmem:s0+$0x5470] =	vst v0  }
0x1d: {  	[tilespmem:s0+$0x5400] =	vst v0  }
0x1e: {  	[tilespmem:s0+$0x5410] =	vst v0  }
0x1f: {  	[tilespmem:s0+$0x5420] =	vst v0  }
0x20: {  	[tilespmem:s0+$0x5430] =	vst v0  }
0x21: {  	[tilespmem:s0+$0x5440] =	vst v0  }
0x22: {  	[tilespmem:s0+$0x5450] =	vst v0  }
0x23: {  	[tilespmem:s0+$0x5460] =	vst v0  }
0x24: {  	[spmem:s5] =	stream.linear.scatter [tilespmem:s29], [sflag:$0x1], $0x1000, $0x38;
	[tilespmem:$0x1A400] =	vst v63  }
0x25: {  	_ =	swait.ge [sflag:s30], $0x1000  }
0x26: {  	[sflag:s30] =	ssyncset.done $0x0  }
0x27: {  	[sflag:s30] =	ssyncadd.s32 $0xFFFFF000  }
0x28: {  	[spmem:s9] =	stream.linear.scatter [tilespmem:s29], [sflag:$0x1], $0x1000, $0x38;
	[tilespmem:$0x1A400] =	vst v63  }
0x29: {  	_ =	swait.ge [sflag:s30], $0x1000  }
0x2a: {  	[sflag:s30] =	ssyncset.done $0x0  }
0x2b: {  	[sflag:s30] =	ssyncadd.s32 $0xFFFFF000  }
0x2c: {  	[spmem:s10] =	stream.linear.scatter [tilespmem:s29], [sflag:$0x1], $0x1000, $0x38;
	[tilespmem:$0x1A400] =	vst v63  }
0x2d: {  	_ =	swait.ge [sflag:s30], $0x1000  }
0x2e: {  	[sflag:s30] =	ssyncset.done $0x0  }
0x2f: {  	[sflag:s30] =	ssyncadd.s32 $0xFFFFF000  }
0x30: {  	[spmem:s11] =	stream.linear.scatter [tilespmem:s29], [sflag:$0x1], $0x1000, $0x38;
	[tilespmem:$0x1A400] =	vst v63  }
0x31: {  	_ =	swait.ge [sflag:s30], $0x1000  }
0x32: {  	[sflag:s30] =	ssyncset.done $0x0  }
0x33: {  	[sflag:s30] =	ssyncadd.s32 $0xFFFFF000  }
0x34: {  	[spmem:s12] =	stream.linear.scatter [tilespmem:s29], [sflag:$0x1], $0x1000, $0x38;
	[tilespmem:$0x1A400] =	vst v63  }
0x35: {  	_ =	swait.ge [sflag:s30], $0x1000  }
0x36: {  	[sflag:s30] =	ssyncset.done $0x0  }
0x37: {  	[sflag:s30] =	ssyncadd.s32 $0xFFFFF000  }
0x38: {  	[spmem:s13] =	stream.linear.scatter [tilespmem:s29], [sflag:$0x1], $0x1000, $0x38;
	[tilespmem:$0x1A400] =	vst v63  }
0x39: {  	_ =	swait.ge [sflag:s30], $0x1000  }
0x3a: {  	[sflag:s30] =	ssyncset.done $0x0  }
0x3b: {  	[sflag:s30] =	ssyncadd.s32 $0xFFFFF000  }
0x3c: {  	[spmem:s14] =	stream.linear.scatter [tilespmem:s29], [sflag:$0x1], $0x1000, $0x38;
	[tilespmem:$0x1A400] =	vst v63  }
0x3d: {  	_ =	swait.ge [sflag:s30], $0x1000  }
0x3e: {  	[sflag:s30] =	ssyncset.done $0x0  }
0x3f: {  	[sflag:s30] =	ssyncadd.s32 $0xFFFFF000  }
0x40: {  	[spmem:s15] =	stream.linear.scatter [tilespmem:s29], [sflag:$0x1], $0x1000, $0x38;
	[tilespmem:$0x1A400] =	vst v63  }
0x41: {  	_ =	swait.ge [sflag:s30], $0x1000  }
0x42: {  	[sflag:s30] =	ssyncset.done $0x0  }
0x43: {  	[sflag:s30] =	ssyncadd.s32 $0xFFFFF000  }
0x44: {  	[spmem:s16] =	stream.linear.scatter [tilespmem:s29], [sflag:$0x1], $0x1000, $0x38;
	[tilespmem:$0x1A400] =	vst v63  }
0x45: {  	_ =	swait.ge [sflag:s30], $0x1000  }
0x46: {  	[sflag:s30] =	ssyncset.done $0x0  }
0x47: {  	[sflag:s30] =	ssyncadd.s32 $0xFFFFF000  }
0x48: {  	[spmem:s17] =	stream.linear.scatter [tilespmem:s29], [sflag:$0x1], $0x1000, $0x38;
	[tilespmem:$0x1A400] =	vst v63  }
0x49: {  	_ =	swait.ge [sflag:s30], $0x1000  }
0x4a: {  	[sflag:s30] =	ssyncset.done $0x0  }
0x4b: {  	[sflag:s30] =	ssyncadd.s32 $0xFFFFF000  }
0x4c: {  	[spmem:s18] =	stream.linear.scatter [tilespmem:s29], [sflag:$0x1], $0x1000, $0x38;
	[tilespmem:$0x1A400] =	vst v63  }
0x4d: {  	_ =	swait.ge [sflag:s30], $0x1000  }
0x4e: {  	[sflag:s30] =	ssyncset.done $0x0  }
0x4f: {  	[sflag:s30] =	ssyncadd.s32 $0xFFFFF000  }
0x50: {  	[spmem:s19] =	stream.linear.scatter [tilespmem:s29], [sflag:$0x1], $0x1000, $0x38;
	[tilespmem:$0x1A400] =	vst v63  }
0x51: {  	_ =	swait.ge [sflag:s30], $0x1000  }
0x52: {  	[sflag:s30] =	ssyncset.done $0x0  }
0x53: {  	[sflag:s30] =	ssyncadd.s32 $0xFFFFF000  }
0x54: {  	[spmem:s20] =	stream.linear.scatter [tilespmem:s29], [sflag:$0x1], $0x1000, $0x38;
	[tilespmem:$0x1A400] =	vst v63  }
0x55: {  	_ =	swait.ge [sflag:s30], $0x1000  }
0x56: {  	[sflag:s30] =	ssyncset.done $0x0  }
0x57: {  	[sflag:s30] =	ssyncadd.s32 $0xFFFFF000  }
0x58: {  	[spmem:s21] =	stream.linear.scatter [tilespmem:s29], [sflag:$0x1], $0x1000, $0x38;
	[tilespmem:$0x1A400] =	vst v63  }
0x59: {  	_ =	swait.ge [sflag:s30], $0x1000  }
0x5a: {  	[sflag:s30] =	ssyncset.done $0x0  }
0x5b: {  	[sflag:s30] =	ssyncadd.s32 $0xFFFFF000  }
0x5c: {  	[spmem:s22] =	stream.linear.scatter [tilespmem:s29], [sflag:$0x1], $0x1000, $0x38;
	[tilespmem:$0x1A400] =	vst v63  }
0x5d: {  	_ =	swait.ge [sflag:s30], $0x1000  }
0x5e: {  	[sflag:s30] =	ssyncset.done $0x0  }
0x5f: {  	[sflag:s30] =	ssyncadd.s32 $0xFFFFF000  }
0x60: {  	[spmem:s23] =	stream.linear.scatter [tilespmem:s29], [sflag:$0x1], $0x1000, $0x38;
	[tilespmem:$0x1A400] =	vst v63  }
0x61: {  	_ =	swait.ge [sflag:s30], $0x1000  }
0x62: {  	[sflag:s30] =	ssyncset.done $0x0  }
0x63: {  	[sflag:s30] =	ssyncadd.s32 $0xFFFFF000  }
0x64: {  	[spmem:s24] =	stream.linear.scatter [tilespmem:s29], [sflag:$0x1], $0x1000, $0x38;
	[tilespmem:$0x1A400] =	vst v63  }
0x65: {  	_ =	swait.ge [sflag:s30], $0x1000  }
0x66: {  	[sflag:s30] =	ssyncset.done $0x0  }
0x67: {  	[sflag:s30] =	ssyncadd.s32 $0xFFFFF000  }
0x68: {  	[spmem:s25] =	stream.linear.scatter [tilespmem:s29], [sflag:$0x1], $0x1000, $0x38;
	[tilespmem:$0x1A400] =	vst v63  }
0x69: {  	_ =	swait.ge [sflag:s30], $0x1000  }
0x6a: {  	[sflag:s30] =	ssyncset.done $0x0  }
0x6b: {  	[sflag:s30] =	ssyncadd.s32 $0xFFFFF000  }
0x6c: {  	[spmem:s26] =	stream.linear.scatter [tilespmem:s29], [sflag:$0x1], $0x1000, $0x38;
	[tilespmem:$0x1A400] =	vst v63  }
0x6d: {  	_ =	swait.ge [sflag:s30], $0x1000  }
0x6e: {  	[sflag:s30] =	ssyncset.done $0x0  }
0x6f: {  	[sflag:s30] =	ssyncadd.s32 $0xFFFFF000  }
0x70: {  	[spmem:s28] =	stream.linear.scatter [tilespmem:s29], [sflag:$0x1], $0x1000, $0x38;
	[tilespmem:$0x1A400] =	vst v63  }
0x71: {  	_ =	swait.ge [sflag:s30], $0x1000  }
0x72: {  	[sflag:s30] =	ssyncset.done $0x0  }
0x73: {  	s0 =	simm.s32 $0x0;
	s4 =	rddreg [dreg:$0x3];
	[sflag:s30] =	ssyncadd.s32 $0xFFFFF000  }
0x74: {  	[tilespmem:s31], [sflag:$0x1] =	stream.linear.gather [hbm4b:s4+s0], $0x4000, $0x38;
	[tilespmem:$0x1A400] =	vst v63  }
0x75: {  	_ =	swait.ge [sflag:s30], $0x4000  }
0x76: {  	[sflag:s30] =	ssyncset.done $0x0  }
0x77: {  	[sflag:s30] =	ssyncadd.s32 $0xFFFFC000  }
0x78: {  	[tilespmem:s0], [sflag:$0x1] =	stream.linear.gather [hbm4b:s6+s0], $0x1400, $0x38;
	[tilespmem:$0x1A400] =	vst v63  }
0x79: {  	_ =	swait.ge [sflag:s30], $0x1400  }
0x7a: {  	[sflag:s30] =	ssyncset.done $0x0  }
0x7b: {  	[sflag:s30] =	ssyncadd.s32 $0xFFFFEC00  }
0x7c: {  	s4 =	simm.s32 $0x0;
	[bflag:$0x0] =	sbarrier.arrive $0xFFFF  }
0x7d: {  	[spmem:s2] =	stream.indirect.scatter.add.f32 [tilespmem:s31], [sflag:$0x1], $0x80, s4, s1, $0xb8;
	[tilespmem:$0x1A400] =	vst v63  }
0x7e: {  	_ =	swait.ge [sflag:s30], $0x4000  }
0x7f: {  	s0 =	simm.s32 $0x200;
	[sflag:s30] =	ssyncset.done $0x0  }
.LBB2_4:
0x80: {  	s4 =	sshra.s32 s0, $0x2;
	[sflag:s30] =	ssyncadd.s32 $0xFFFFC000;
	p0 =	sne.s32 s0, $0x4E00  }
0x81: {  	[spmem:s2] =	stream.indirect.scatter.add.f32 [tilespmem:s31], [sflag:$0x1], $0x80, s4, s1, $0xb8;
	[tilespmem:$0x1A400] =	vst v63  }
.Ltmp1:
0x82: {  	_ = 	snop;
	(pc) =	sbr.rel @p0 .LBB2_4-.Ltmp1, $4  }
0x83: {  	_ = 	snop  }
0x84: {  	s0 =	sadd.s32 $0x200, s0  }
0x85: {  	_ =	swait.ge [sflag:s30], $0x4000  }
0x86: {  	[sflag:s30] =	ssyncset.done $0x0  }
0x87: {  	[sflag:s30] =	ssyncadd.s32 $0xFFFFC000;
	s0 =	stileid.u32;
	s3 =	sadd.s32 $0x1, s3  }
0x88: {  	s4 =	sshrl.u32 s5, $0x3;
	s0 =	sshll.u32 s0, $0x6;
	p0 =	sne.s32 s3, s8  }
.Ltmp2:
0x89: {  	[bflag:$0x0] =	sbarrier.arrive $0xFFFF;
	s0 =	sor.u32 $0x1C01, s0;
	(pc) =	sbr.rel @p0 .LBB2_1-.Ltmp2, $4  }
0x8a: {  	[hbm:s7], [sflag:s0] =	dma.local [spmem:s4], $0x2800  }
0x8b: {  	_ =	swait.ge [sflag:s30], $0x2800  }
0x8c: {  	[sflag:s30] =	ssyncset.done $0x0  }
0x8d: {  	[sflag:s30] =	ssyncadd.s32 $0xFFFFD800  }
0x8e: {  	_ =	sfence.sel $0x180000  }
0x8f: {  	[bflag:$0x0] =	sbarrier.arrive $0xFFFF  }
0x90: {  	_ =	strace $0x90000047  }
0x91: {  	s0 =	stileid.u32;
	[bflag:$0x2] =	sbarrier.arrive $0xFFFF  }
0x92: {  	p0 =	sne.s32 s0, $0x0;
	s0 =	rddreg [dreg:$0x2]  }
0x93: {  	s0 =	sadd.s32 @!p0 $0x100000, s0  }
0x94: {  	[sflag:s0] =	ssyncadd.tile.s32 @!p0 $0x1;
	_ =	shalt  }
.Lfunc_end2:
_tile_overlayer_lowered:
.L_overlay_start_2:
0x95: {  	(tag) =	ssettag $0x2  }
0x96: {  	s0 =	rddreg [dreg:$0x0];
	s2 =	stileid.u32  }
0x97: {  	s1 =	rddreg [dreg:$0x1];
	p0 =	sne.s32 s2, $0x0  }
0x98: {  	s3 =	rddreg [dreg:$0x2];
	[bflag:$0x3] =	sbarrier.arrive $0xFFFF;
	s2 =	simm.s32 @!p0 $0x1C01  }
0x99: {  	[timem:s3], [sflag:s2] =	dma.local @!p0 [hbm:s0], s1  }
0x9a: {  	s0 =	simm.s32 @!p0 $0x1  }
0x9b: {  	_ =	swait.ge @!p0 [sflag:s0], s1  }
0x9c: {  	s1 =	ssub.s32 @!p0 $0x0, s1;
	[sflag:s0] =	ssyncset.done @!p0 $0x0  }
0x9d: {  	[sflag:s0] =	ssyncadd.s32 @!p0 s1  }
0x9e: {  	[bflag:$0x3] =	sbarrier.arrive $0xFFFF  }
0x9f: {  	_ =	shalt  }

</sc_bundles>
